<compile_context>
chip_gen: v7x
topology: tpu7x:2x2x1
jax: 0.10.2.dev20260603
libtpu: 0.0.44.dev20260713+nightly
codegen_flags: <defaults>
</compile_context>

<pallas_src>
import functools

import jax
import jax.numpy as jnp
from jax import lax
from jax.experimental import pallas as pl
from jax.experimental.pallas import tpu as pltpu
from jax.experimental.pallas import tpu_sc as plsc

_B, _F = 16384, 128
_NW = 32
_RPW = _B // _NW
_CHUNK = 128
_NCH = _RPW // _CHUNK
_LN2 = 0.6931471805599453


def _i32(v):
    return jnp.int32(v)


def _slog1p16(ax, sbit):
    y = ax + 1.0
    yb = lax.bitcast_convert_type(y, jnp.int32)
    e = lax.shift_right_logical(yb, _i32(23)) - _i32(127)
    m = lax.bitcast_convert_type(
        jnp.bitwise_or(jnp.bitwise_and(yb, _i32(0x007FFFFF)), _i32(0x3F800000)),
        jnp.float32,
    )
    big = m > 1.4142135623730951
    m = jnp.where(big, m * 0.5, m)
    ef = (e + jnp.where(big, _i32(1), _i32(0))).astype(jnp.float32)
    t = m - 1.0
    p = -0.125
    p = p * t + 0.14285714285714285
    p = p * t - 0.16666666666666666
    p = p * t + 0.2
    p = p * t - 0.25
    p = p * t + 0.3333333333333333
    p = p * t - 0.5
    p = p * t + 1.0
    lnm = t * p
    lny = ef * _LN2 + lnm
    return lax.bitcast_convert_type(
        jnp.bitwise_or(lax.bitcast_convert_type(lny, jnp.int32), sbit), jnp.float32
    )


def _ssqrt16(ax, sbit):
    a = ax + 1e-35
    r = lax.bitcast_convert_type(
        _i32(0x5F3759DF) - lax.shift_right_logical(lax.bitcast_convert_type(a, jnp.int32), _i32(1)),
        jnp.float32,
    )
    r = r * (1.5 - 0.5 * a * r * r)
    r = r * (1.5 - 0.5 * a * r * r)
    s = a * r
    return lax.bitcast_convert_type(
        jnp.bitwise_or(lax.bitcast_convert_type(s, jnp.int32), sbit), jnp.float32
    )


def _sc_call(X, wT):
    mesh = plsc.VectorSubcoreMesh(core_axis_name="c", subcore_axis_name="s")

    @functools.partial(
        pl.kernel,
        mesh=mesh,
        out_type=jax.ShapeDtypeStruct((_B, _F), jnp.float32),
        scratch_types=[
            pltpu.VMEM((8, _F), jnp.float32),
            pltpu.VMEM((_CHUNK, _F), jnp.float32),
            pltpu.VMEM((_CHUNK, _F), jnp.float32),
        ],
    )
    def body(w_hbm, x_hbm, o_hbm, wv, xv, ov):
        wid = lax.axis_index("s") * 2 + lax.axis_index("c")
        base = wid * _RPW
        pltpu.sync_copy(w_hbm, wv)

        def do_chunk(k, _):
            row0 = base + k * _CHUNK
            pltpu.sync_copy(x_hbm.at[pl.ds(row0, _CHUNK)], xv)
            for c in range(_F // 16):
                sl = pl.ds(c * 16, 16)
                m1 = wv[1, sl] > 0.5
                m2 = wv[2, sl] > 0.5
                m3 = wv[3, sl] > 0.5

                def do_row(r, _):
                    x = xv[r, sl]
                    xb = lax.bitcast_convert_type(x, jnp.int32)
                    sbit = jnp.bitwise_and(xb, _i32(-2147483648))
                    ax = lax.bitcast_convert_type(
                        jnp.bitwise_and(xb, _i32(0x7FFFFFFF)), jnp.float32
                    )
                    out = jnp.where(m1, _slog1p16(ax, sbit), x)
                    out = jnp.where(m2, _ssqrt16(ax, sbit), out)
                    out = jnp.where(m3, x * x, out)
                    ov[r, sl] = out
                    return 0

                lax.fori_loop(0, _CHUNK, do_row, 0, unroll=4)
            pltpu.sync_copy(ov, o_hbm.at[pl.ds(row0, _CHUNK)])
            return 0

        lax.fori_loop(0, _NCH, do_chunk, 0)

    return body(wT, X)


@jax.jit
def kernel(X, tf_prob_logits, tf_prob_sample, is_fit, X_type):
    wT = jnp.zeros((8, _F), jnp.float32).at[0:4, :].set(tf_prob_sample.T)
    return _sc_call(X, wT)

# --- scband reference (transcript-rebuilt; emitter-appended) ---
"""Pipeline reference for scband-transformer-54099408060539 (READ-ONLY COPY).

The authoritative reference and input builder live on the scoring server;
editing this copy changes nothing except your own understanding.
"""

import jax, jax.numpy as jnp
import numpy as np

_EPS = 1e-6

def _tf_identity(x):
    return x

def _tf_log(x):
    return jnp.sign(x) * jnp.log1p(jnp.abs(x))

def _tf_sqrt(x):
    return jnp.sign(x) * jnp.sqrt(jnp.abs(x))

def _tf_square(x):
    return x * x

_TFS = [_tf_identity, _tf_log, _tf_sqrt, _tf_square]


def _transform_stack(x):
    # emulate: for tf in tf_options: tf.transform(X) -> cat along dim 2
    return jnp.stack([tf(x) for tf in _TFS], axis=2)  # [B, F, T]


def setup_inputs(seed: int = 0) -> dict:
    key = jax.random.key(seed)
    kx, kl, kg = jax.random.split(key, 3)
    B, F = 16384, 128
    T = len(_TFS)
    X = jax.random.normal(kx, (B, F), dtype=jnp.float32)
    # learned parameter: tf_prob_logits [out_features, num_tf_options]
    tf_prob_logits = jax.random.normal(kl, (F, T), dtype=jnp.float32)
    # emulate self.sample(temperature): RelaxedOneHotCategorical rsample + straight-through
    temperature = 0.5
    u = jax.random.uniform(kg, (F, T), minval=1e-9, maxval=1.0, dtype=jnp.float32)
    g = -jnp.log(-jnp.log(u))
    soft = jax.nn.softmax((tf_prob_logits + g) / temperature, axis=-1)
    hard = jax.nn.one_hot(jnp.argmax(soft, axis=-1), T, dtype=jnp.float32)
    # numerically, samples + (one_hot - samples) == one_hot
    tf_prob_sample = hard
    return {"X": X, "tf_prob_logits": tf_prob_logits, "tf_prob_sample": tf_prob_sample, "is_fit": 0, "X_type": 0}


def reference(X, tf_prob_logits, tf_prob_sample, is_fit, X_type):
    # forward(X, is_fit, X_type) with max_only=False, require_grad=True
    # torch does X.detach() before the transforms -> stop_gradient here
    Xd = jax.lax.stop_gradient(X)
    X_trans = _transform_stack(Xd)  # [B, F, T]
    # select_X_sample: weight transform stack by sampled one-hot probs
    X_trans_sample = jnp.sum(X_trans * tf_prob_sample[None, :, :], axis=2)  # [B, F]
    # numerical_diff: central finite differences, detached
    f1 = _transform_stack(Xd + _EPS)
    f2 = _transform_stack(Xd - _EPS)
    grads = (f1 - f2) / (2.0 * _EPS)  # [B, F, T]
    X_grad = jax.lax.stop_gradient(
        jnp.sum(grads * jax.lax.stop_gradient(tf_prob_sample)[None, :, :], axis=2)
    )  # [B, F]
    # straight-through: value unchanged, grad wrt X routed through X_grad * X
    st = X_grad * X
    return X_trans_sample + (st - jax.lax.stop_gradient(st))

if __name__ == "__main__":
    import jax
    _d = setup_inputs()
    print(jax.jit(kernel)(*tuple(_d.values())))

</pallas_src>

<mosaic_0001>
#map = affine_map<(d0, d1) -> (0, 0)>
module attributes {stable_mosaic.version = 14 : i64} {
  func.func @body(%arg0: i32, %arg1: i32, %arg2: memref<8x128xf32, #tpu.memory_space<hbm>>, %arg3: memref<16384x128xf32, #tpu.memory_space<hbm>>, %arg4: memref<16384x128xf32, #tpu.memory_space<hbm>>, %arg5: memref<8x128xf32, #tpu.memory_space<vmem>>, %arg6: memref<128x128xf32, #tpu.memory_space<vmem>>, %arg7: memref<128x128xf32, #tpu.memory_space<vmem>>) attributes {dimension_semantics = [#tpu.dimension_semantics<core_parallel>, #tpu.dimension_semantics<subcore_parallel>], iteration_bounds = array<i64: 2, 16>, scalar_prefetch = 0 : i64, scratch_operands = 3 : i64, tpu.core_type = #tpu.core_type<sc_vector_subcore>, window_params = [{transform_indices = #map}, {transform_indices = #map}, {transform_indices = #map}]} {
    %mul3A = arith.constant 2 : i32
    %mul3A_0 = arith.muli %arg1, %mul3A : i32
    %add3A = arith.addi %mul3A_0, %arg0 : i32
    %mul3A_1 = arith.constant 512 : i32
    %mul3A_2 = arith.muli %add3A, %mul3A_1 : i32
    "tpu.region"() ({
      %run_scoped3A = tpu.sem_alloc : memref<!tpu.dma_semaphore, #tpu.memory_space<semaphore_mem>>
      tpu.enqueue_dma source(%arg2 : memref<8x128xf32, #tpu.memory_space<hbm>>) target(%arg5 : memref<8x128xf32, #tpu.memory_space<vmem>>) target_semaphore(%run_scoped3A : memref<!tpu.dma_semaphore, #tpu.memory_space<semaphore_mem>>)
      tpu.wait_dma2 semaphore(%run_scoped3A : memref<!tpu.dma_semaphore, #tpu.memory_space<semaphore_mem>>) src(%arg2 : memref<8x128xf32, #tpu.memory_space<hbm>>) dst(%arg5 : memref<8x128xf32, #tpu.memory_space<vmem>>)
      tpu.yield
    }) : () -> ()
    %scan3A = arith.constant 0 : i32
    %scan3A_3 = arith.constant 0 : i32
    %scan3A_4 = arith.constant 4 : i32
    %scan3A_5 = arith.addi %scan3A_3, %scan3A_4 : i32
    %scan3A_6 = arith.constant 1 : i32
    %scan3A_7 = scf.for %scan3A_9 = %scan3A_3 to %scan3A_5 step %scan3A_6 iter_args(%scan3A_10 = %scan3A) -> (i32)  : i32 {
      %mul3A_11 = arith.constant 128 : i32
      %mul3A_12 = arith.muli %scan3A_9, %mul3A_11 : i32
      %add3A_13 = arith.addi %mul3A_2, %mul3A_12 : i32
      "tpu.region"() ({
        %run_scoped3A = tpu.sem_alloc : memref<!tpu.dma_semaphore, #tpu.memory_space<semaphore_mem>>
        %dma_start3A = arith.constant 0 : i32
        %dma_start3A_261 = tpu.memref_slice %arg3[%add3A_13, %dma_start3A] : memref<16384x128xf32, #tpu.memory_space<hbm>> -> memref<128x128xf32, #tpu.memory_space<hbm>>
        %dma_start3A_262 = arith.constant 0 : i32
        %dma_start3A_263 = tpu.memref_slice %arg3[%add3A_13, %dma_start3A_262] : memref<16384x128xf32, #tpu.memory_space<hbm>> -> memref<128x128xf32, #tpu.memory_space<hbm>>
        tpu.enqueue_dma source(%dma_start3A_263 : memref<128x128xf32, #tpu.memory_space<hbm>>) target(%arg6 : memref<128x128xf32, #tpu.memory_space<vmem>>) target_semaphore(%run_scoped3A : memref<!tpu.dma_semaphore, #tpu.memory_space<semaphore_mem>>)
        %dma_wait3A = arith.constant 0 : i32
        %dma_wait3A_264 = tpu.memref_slice %arg3[%add3A_13, %dma_wait3A] : memref<16384x128xf32, #tpu.memory_space<hbm>> -> memref<128x128xf32, #tpu.memory_space<hbm>>
        %dma_wait3A_265 = arith.constant 0 : i32
        %dma_wait3A_266 = tpu.memref_slice %arg3[%add3A_13, %dma_wait3A_265] : memref<16384x128xf32, #tpu.memory_space<hbm>> -> memref<128x128xf32, #tpu.memory_space<hbm>>
        tpu.wait_dma2 semaphore(%run_scoped3A : memref<!tpu.dma_semaphore, #tpu.memory_space<semaphore_mem>>) src(%dma_wait3A_266 : memref<128x128xf32, #tpu.memory_space<hbm>>) dst(%arg6 : memref<128x128xf32, #tpu.memory_space<vmem>>)
        tpu.yield
      }) : () -> ()
      %get3A = arith.constant 1 : i32
      %get3A_14 = arith.index_cast %get3A : i32 to index
      %get3A_15 = arith.constant 0 : index
      %get3A_16 = tpu.vector_load %arg5[%get3A_14, %get3A_15] {strides = array<i32>} : memref<8x128xf32, #tpu.memory_space<vmem>>, vector<1x16xf32>,
      %get3A_17 = vector.shape_cast %get3A_16 : vector<1x16xf32> to vector<16xf32>
      %gt3A = arith.constant 5.000000e-01 : f32
      %gt3A_18 = vector.broadcast %gt3A : f32 to vector<16xf32>
      %gt3A_19 = arith.cmpf ogt, %get3A_17, %gt3A_18 : vector<16xf32>
      %get3A_20 = arith.constant 2 : i32
      %get3A_21 = arith.index_cast %get3A_20 : i32 to index
      %get3A_22 = arith.constant 0 : index
      %get3A_23 = tpu.vector_load %arg5[%get3A_21, %get3A_22] {strides = array<i32>} : memref<8x128xf32, #tpu.memory_space<vmem>>, vector<1x16xf32>,
      %get3A_24 = vector.shape_cast %get3A_23 : vector<1x16xf32> to vector<16xf32>
      %gt3A_25 = arith.constant 5.000000e-01 : f32
      %gt3A_26 = vector.broadcast %gt3A_25 : f32 to vector<16xf32>
      %gt3A_27 = arith.cmpf ogt, %get3A_24, %gt3A_26 : vector<16xf32>
      %get3A_28 = arith.constant 3 : i32
      %get3A_29 = arith.index_cast %get3A_28 : i32 to index
      %get3A_30 = arith.constant 0 : index
      %get3A_31 = tpu.vector_load %arg5[%get3A_29, %get3A_30] {strides = array<i32>} : memref<8x128xf32, #tpu.memory_space<vmem>>, vector<1x16xf32>,
      %get3A_32 = vector.shape_cast %get3A_31 : vector<1x16xf32> to vector<16xf32>
      %gt3A_33 = arith.constant 5.000000e-01 : f32
      %gt3A_34 = vector.broadcast %gt3A_33 : f32 to vector<16xf32>
      %gt3A_35 = arith.cmpf ogt, %get3A_32, %gt3A_34 : vector<16xf32>
      %scan3A_36 = arith.constant 0 : i32
      %scan3A_37 = arith.constant 0 : i32
      %scan3A_38 = arith.constant 128 : i32
      %scan3A_39 = arith.addi %scan3A_37, %scan3A_38 : i32
      %scan3A_40 = arith.constant 4 : i32
      %scan3A_41 = scf.for %scan3A_261 = %scan3A_37 to %scan3A_39 step %scan3A_40 iter_args(%scan3A_262 = %scan3A_36) -> (i32)  : i32 {
        %get3A_263 = arith.index_cast %scan3A_261 : i32 to index
        %get3A_264 = arith.constant 0 : index
        %get3A_265 = tpu.vector_load %arg6[%get3A_263, %get3A_264] {strides = array<i32>} : memref<128x128xf32, #tpu.memory_space<vmem>>, vector<1x16xf32>,
        %get3A_266 = vector.shape_cast %get3A_265 : vector<1x16xf32> to vector<16xf32>
        %bitcast_convert_type3A = tpu.bitcast %get3A_266 : vector<16xf32> -> vector<16xi32>
        %and3A = arith.constant -2147483648 : i32
        %and3A_267 = vector.broadcast %and3A : i32 to vector<16xi32>
        %and3A_268 = arith.andi %bitcast_convert_type3A, %and3A_267 : vector<16xi32>
        %and3A_269 = arith.constant 2147483647 : i32
        %and3A_270 = vector.broadcast %and3A_269 : i32 to vector<16xi32>
        %and3A_271 = arith.andi %bitcast_convert_type3A, %and3A_270 : vector<16xi32>
        %bitcast_convert_type3A_272 = tpu.bitcast %and3A_271 : vector<16xi32> -> vector<16xf32>
        %add3A_273 = arith.constant 1.000000e+00 : f32
        %add3A_274 = vector.broadcast %add3A_273 : f32 to vector<16xf32>
        %add3A_275 = arith.addf %bitcast_convert_type3A_272, %add3A_274 : vector<16xf32>
        %bitcast_convert_type3A_276 = tpu.bitcast %add3A_275 : vector<16xf32> -> vector<16xi32>
        %shift_right_logical3A = arith.constant 23 : i32
        %shift_right_logical3A_277 = vector.broadcast %shift_right_logical3A : i32 to vector<16xi32>
        %shift_right_logical3A_278 = arith.shrui %bitcast_convert_type3A_276, %shift_right_logical3A_277 : vector<16xi32>
        %sub3A = arith.constant 127 : i32
        %sub3A_279 = vector.broadcast %sub3A : i32 to vector<16xi32>
        %sub3A_280 = arith.subi %shift_right_logical3A_278, %sub3A_279 : vector<16xi32>
        %and3A_281 = arith.constant 8388607 : i32
        %and3A_282 = vector.broadcast %and3A_281 : i32 to vector<16xi32>
        %and3A_283 = arith.andi %bitcast_convert_type3A_276, %and3A_282 : vector<16xi32>
        %or3A = arith.constant 1065353216 : i32
        %or3A_284 = vector.broadcast %or3A : i32 to vector<16xi32>
        %or3A_285 = arith.ori %and3A_283, %or3A_284 : vector<16xi32>
        %bitcast_convert_type3A_286 = tpu.bitcast %or3A_285 : vector<16xi32> -> vector<16xf32>
        %gt3A_287 = arith.constant 1.41421354 : f32
        %gt3A_288 = vector.broadcast %gt3A_287 : f32 to vector<16xf32>
        %gt3A_289 = arith.cmpf ogt, %bitcast_convert_type3A_286, %gt3A_288 : vector<16xf32>
        %mul3A_290 = arith.constant 5.000000e-01 : f32
        %mul3A_291 = vector.broadcast %mul3A_290 : f32 to vector<16xf32>
        %mul3A_292 = arith.mulf %bitcast_convert_type3A_286, %mul3A_291 : vector<16xf32>
        %select_n3A = arith.select %gt3A_289, %mul3A_292, %bitcast_convert_type3A_286 : vector<16xi1>, vector<16xf32>
        %jit3A = arith.constant 1 : i32
        %jit3A_293 = arith.constant 0 : i32
        %broadcast_in_dim3A = vector.broadcast %jit3A : i32 to vector<16xi32>
        %broadcast_in_dim3A_294 = vector.broadcast %jit3A_293 : i32 to vector<16xi32>
        %select_n3A_295 = arith.select %gt3A_289, %broadcast_in_dim3A, %broadcast_in_dim3A_294 : vector<16xi1>, vector<16xi32>
        %add3A_296 = arith.addi %sub3A_280, %select_n3A_295 : vector<16xi32>
        %convert_element_type3A = arith.sitofp %add3A_296 : vector<16xi32> to vector<16xf32>
        %sub3A_297 = arith.constant 1.000000e+00 : f32
        %sub3A_298 = vector.broadcast %sub3A_297 : f32 to vector<16xf32>
        %sub3A_299 = arith.subf %select_n3A, %sub3A_298 : vector<16xf32>
        %mul3A_300 = arith.constant -1.250000e-01 : f32
        %mul3A_301 = vector.broadcast %mul3A_300 : f32 to vector<16xf32>
        %mul3A_302 = arith.mulf %mul3A_301, %sub3A_299 : vector<16xf32>
        %add3A_303 = arith.constant 0.142857149 : f32
        %add3A_304 = vector.broadcast %add3A_303 : f32 to vector<16xf32>
        %add3A_305 = arith.addf %mul3A_302, %add3A_304 : vector<16xf32>
        %mul3A_306 = arith.mulf %add3A_305, %sub3A_299 : vector<16xf32>
        %sub3A_307 = arith.constant 0.166666672 : f32
        %sub3A_308 = vector.broadcast %sub3A_307 : f32 to vector<16xf32>
        %sub3A_309 = arith.subf %mul3A_306, %sub3A_308 : vector<16xf32>
        %mul3A_310 = arith.mulf %sub3A_309, %sub3A_299 : vector<16xf32>
        %add3A_311 = arith.constant 2.000000e-01 : f32
        %add3A_312 = vector.broadcast %add3A_311 : f32 to vector<16xf32>
        %add3A_313 = arith.addf %mul3A_310, %add3A_312 : vector<16xf32>
        %mul3A_314 = arith.mulf %add3A_313, %sub3A_299 : vector<16xf32>
        %sub3A_315 = arith.constant 2.500000e-01 : f32
        %sub3A_316 = vector.broadcast %sub3A_315 : f32 to vector<16xf32>
        %sub3A_317 = arith.subf %mul3A_314, %sub3A_316 : vector<16xf32>
        %mul3A_318 = arith.mulf %sub3A_317, %sub3A_299 : vector<16xf32>
        %add3A_319 = arith.constant 0.333333343 : f32
        %add3A_320 = vector.broadcast %add3A_319 : f32 to vector<16xf32>
        %add3A_321 = arith.addf %mul3A_318, %add3A_320 : vector<16xf32>
        %mul3A_322 = arith.mulf %add3A_321, %sub3A_299 : vector<16xf32>
        %sub3A_323 = arith.constant 5.000000e-01 : f32
        %sub3A_324 = vector.broadcast %sub3A_323 : f32 to vector<16xf32>
        %sub3A_325 = arith.subf %mul3A_322, %sub3A_324 : vector<16xf32>
        %mul3A_326 = arith.mulf %sub3A_325, %sub3A_299 : vector<16xf32>
        %add3A_327 = arith.constant 1.000000e+00 : f32
        %add3A_328 = vector.broadcast %add3A_327 : f32 to vector<16xf32>
        %add3A_329 = arith.addf %mul3A_326, %add3A_328 : vector<16xf32>
        %mul3A_330 = arith.mulf %sub3A_299, %add3A_329 : vector<16xf32>
        %mul3A_331 = arith.constant 0.693147182 : f32
        %mul3A_332 = vector.broadcast %mul3A_331 : f32 to vector<16xf32>
        %mul3A_333 = arith.mulf %convert_element_type3A, %mul3A_332 : vector<16xf32>
        %add3A_334 = arith.addf %mul3A_333, %mul3A_330 : vector<16xf32>
        %bitcast_convert_type3A_335 = tpu.bitcast %add3A_334 : vector<16xf32> -> vector<16xi32>
        %or3A_336 = arith.ori %bitcast_convert_type3A_335, %and3A_268 : vector<16xi32>
        %bitcast_convert_type3A_337 = tpu.bitcast %or3A_336 : vector<16xi32> -> vector<16xf32>
        %select_n3A_338 = arith.select %gt3A_19, %bitcast_convert_type3A_337, %get3A_266 : vector<16xi1>, vector<16xf32>
        %add3A_339 = arith.constant 1.000000e-35 : f32
        %add3A_340 = vector.broadcast %add3A_339 : f32 to vector<16xf32>
        %add3A_341 = arith.addf %bitcast_convert_type3A_272, %add3A_340 : vector<16xf32>
        %bitcast_convert_type3A_342 = tpu.bitcast %add3A_341 : vector<16xf32> -> vector<16xi32>
        %shift_right_logical3A_343 = arith.constant 1 : i32
        %shift_right_logical3A_344 = vector.broadcast %shift_right_logical3A_343 : i32 to vector<16xi32>
        %shift_right_logical3A_345 = arith.shrui %bitcast_convert_type3A_342, %shift_right_logical3A_344 : vector<16xi32>
        %sub3A_346 = arith.constant 1597463007 : i32
        %sub3A_347 = vector.broadcast %sub3A_346 : i32 to vector<16xi32>
        %sub3A_348 = arith.subi %sub3A_347, %shift_right_logical3A_345 : vector<16xi32>
        %bitcast_convert_type3A_349 = tpu.bitcast %sub3A_348 : vector<16xi32> -> vector<16xf32>
        %mul3A_350 = arith.constant 5.000000e-01 : f32
        %mul3A_351 = vector.broadcast %mul3A_350 : f32 to vector<16xf32>
        %mul3A_352 = arith.mulf %mul3A_351, %add3A_341 : vector<16xf32>
        %mul3A_353 = arith.mulf %mul3A_352, %bitcast_convert_type3A_349 : vector<16xf32>
        %mul3A_354 = arith.mulf %mul3A_353, %bitcast_convert_type3A_349 : vector<16xf32>
        %sub3A_355 = arith.constant 1.500000e+00 : f32
        %sub3A_356 = vector.broadcast %sub3A_355 : f32 to vector<16xf32>
        %sub3A_357 = arith.subf %sub3A_356, %mul3A_354 : vector<16xf32>
        %mul3A_358 = arith.mulf %bitcast_convert_type3A_349, %sub3A_357 : vector<16xf32>
        %mul3A_359 = arith.constant 5.000000e-01 : f32
        %mul3A_360 = vector.broadcast %mul3A_359 : f32 to vector<16xf32>
        %mul3A_361 = arith.mulf %mul3A_360, %add3A_341 : vector<16xf32>
        %mul3A_362 = arith.mulf %mul3A_361, %mul3A_358 : vector<16xf32>
        %mul3A_363 = arith.mulf %mul3A_362, %mul3A_358 : vector<16xf32>
        %sub3A_364 = arith.constant 1.500000e+00 : f32
        %sub3A_365 = vector.broadcast %sub3A_364 : f32 to vector<16xf32>
        %sub3A_366 = arith.subf %sub3A_365, %mul3A_363 : vector<16xf32>
        %mul3A_367 = arith.mulf %mul3A_358, %sub3A_366 : vector<16xf32>
        %mul3A_368 = arith.mulf %add3A_341, %mul3A_367 : vector<16xf32>
        %bitcast_convert_type3A_369 = tpu.bitcast %mul3A_368 : vector<16xf32> -> vector<16xi32>
        %or3A_370 = arith.ori %bitcast_convert_type3A_369, %and3A_268 : vector<16xi32>
        %bitcast_convert_type3A_371 = tpu.bitcast %or3A_370 : vector<16xi32> -> vector<16xf32>
        %select_n3A_372 = arith.select %gt3A_27, %bitcast_convert_type3A_371, %select_n3A_338 : vector<16xi1>, vector<16xf32>
        %mul3A_373 = arith.mulf %get3A_266, %get3A_266 : vector<16xf32>
        %select_n3A_374 = arith.select %gt3A_35, %mul3A_373, %select_n3A_372 : vector<16xi1>, vector<16xf32>
        %swap3A = arith.index_cast %scan3A_261 : i32 to index
        %swap3A_375 = arith.constant 0 : index
        %swap3A_376 = tpu.vector_load %arg7[%swap3A, %swap3A_375] {strides = array<i32>} : memref<128x128xf32, #tpu.memory_space<vmem>>, vector<1x16xf32>,
        %swap3A_377 = vector.shape_cast %swap3A_376 : vector<1x16xf32> to vector<16xf32>
        %swap3A_378 = vector.shape_cast %select_n3A_374 : vector<16xf32> to vector<1x16xf32>
        tpu.vector_store %arg7[%swap3A, %swap3A_375], %swap3A_378 {strides = array<i32>} : memref<128x128xf32, #tpu.memory_space<vmem>>, vector<1x16xf32>,
        %scan3A_379 = arith.constant 0 : i32
        %scan3A_380 = arith.constant 1 : i32
        %scan3A_381 = arith.addi %scan3A_261, %scan3A_380 : i32
        %get3A_382 = arith.index_cast %scan3A_381 : i32 to index
        %get3A_383 = arith.constant 0 : index
        %get3A_384 = tpu.vector_load %arg6[%get3A_382, %get3A_383] {strides = array<i32>} : memref<128x128xf32, #tpu.memory_space<vmem>>, vector<1x16xf32>,
        %get3A_385 = vector.shape_cast %get3A_384 : vector<1x16xf32> to vector<16xf32>
        %bitcast_convert_type3A_386 = tpu.bitcast %get3A_385 : vector<16xf32> -> vector<16xi32>
        %and3A_387 = arith.constant -2147483648 : i32
        %and3A_388 = vector.broadcast %and3A_387 : i32 to vector<16xi32>
        %and3A_389 = arith.andi %bitcast_convert_type3A_386, %and3A_388 : vector<16xi32>
        %and3A_390 = arith.constant 2147483647 : i32
        %and3A_391 = vector.broadcast %and3A_390 : i32 to vector<16xi32>
        %and3A_392 = arith.andi %bitcast_convert_type3A_386, %and3A_391 : vector<16xi32>
        %bitcast_convert_type3A_393 = tpu.bitcast %and3A_392 : vector<16xi32> -> vector<16xf32>
        %add3A_394 = arith.constant 1.000000e+00 : f32
        %add3A_395 = vector.broadcast %add3A_394 : f32 to vector<16xf32>
        %add3A_396 = arith.addf %bitcast_convert_type3A_393, %add3A_395 : vector<16xf32>
        %bitcast_convert_type3A_397 = tpu.bitcast %add3A_396 : vector<16xf32> -> vector<16xi32>
        %shift_right_logical3A_398 = arith.constant 23 : i32
        %shift_right_logical3A_399 = vector.broadcast %shift_right_logical3A_398 : i32 to vector<16xi32>
        %shift_right_logical3A_400 = arith.shrui %bitcast_convert_type3A_397, %shift_right_logical3A_399 : vector<16xi32>
        %sub3A_401 = arith.constant 127 : i32
        %sub3A_402 = vector.broadcast %sub3A_401 : i32 to vector<16xi32>
        %sub3A_403 = arith.subi %shift_right_logical3A_400, %sub3A_402 : vector<16xi32>
        %and3A_404 = arith.constant 8388607 : i32
        %and3A_405 = vector.broadcast %and3A_404 : i32 to vector<16xi32>
        %and3A_406 = arith.andi %bitcast_convert_type3A_397, %and3A_405 : vector<16xi32>
        %or3A_407 = arith.constant 1065353216 : i32
        %or3A_408 = vector.broadcast %or3A_407 : i32 to vector<16xi32>
        %or3A_409 = arith.ori %and3A_406, %or3A_408 : vector<16xi32>
        %bitcast_convert_type3A_410 = tpu.bitcast %or3A_409 : vector<16xi32> -> vector<16xf32>
        %gt3A_411 = arith.constant 1.41421354 : f32
        %gt3A_412 = vector.broadcast %gt3A_411 : f32 to vector<16xf32>
        %gt3A_413 = arith.cmpf ogt, %bitcast_convert_type3A_410, %gt3A_412 : vector<16xf32>
        %mul3A_414 = arith.constant 5.000000e-01 : f32
        %mul3A_415 = vector.broadcast %mul3A_414 : f32 to vector<16xf32>
        %mul3A_416 = arith.mulf %bitcast_convert_type3A_410, %mul3A_415 : vector<16xf32>
        %select_n3A_417 = arith.select %gt3A_413, %mul3A_416, %bitcast_convert_type3A_410 : vector<16xi1>, vector<16xf32>
        %jit3A_418 = arith.constant 1 : i32
        %jit3A_419 = arith.constant 0 : i32
        %broadcast_in_dim3A_420 = vector.broadcast %jit3A_418 : i32 to vector<16xi32>
        %broadcast_in_dim3A_421 = vector.broadcast %jit3A_419 : i32 to vector<16xi32>
        %select_n3A_422 = arith.select %gt3A_413, %broadcast_in_dim3A_420, %broadcast_in_dim3A_421 : vector<16xi1>, vector<16xi32>
        %add3A_423 = arith.addi %sub3A_403, %select_n3A_422 : vector<16xi32>
        %convert_element_type3A_424 = arith.sitofp %add3A_423 : vector<16xi32> to vector<16xf32>
        %sub3A_425 = arith.constant 1.000000e+00 : f32
        %sub3A_426 = vector.broadcast %sub3A_425 : f32 to vector<16xf32>
        %sub3A_427 = arith.subf %select_n3A_417, %sub3A_426 : vector<16xf32>
        %mul3A_428 = arith.constant -1.250000e-01 : f32
        %mul3A_429 = vector.broadcast %mul3A_428 : f32 to vector<16xf32>
        %mul3A_430 = arith.mulf %mul3A_429, %sub3A_427 : vector<16xf32>
        %add3A_431 = arith.constant 0.142857149 : f32
        %add3A_432 = vector.broadcast %add3A_431 : f32 to vector<16xf32>
        %add3A_433 = arith.addf %mul3A_430, %add3A_432 : vector<16xf32>
        %mul3A_434 = arith.mulf %add3A_433, %sub3A_427 : vector<16xf32>
        %sub3A_435 = arith.constant 0.166666672 : f32
        %sub3A_436 = vector.broadcast %sub3A_435 : f32 to vector<16xf32>
        %sub3A_437 = arith.subf %mul3A_434, %sub3A_436 : vector<16xf32>
        %mul3A_438 = arith.mulf %sub3A_437, %sub3A_427 : vector<16xf32>
        %add3A_439 = arith.constant 2.000000e-01 : f32
        %add3A_440 = vector.broadcast %add3A_439 : f32 to vector<16xf32>
        %add3A_441 = arith.addf %mul3A_438, %add3A_440 : vector<16xf32>
        %mul3A_442 = arith.mulf %add3A_441, %sub3A_427 : vector<16xf32>
        %sub3A_443 = arith.constant 2.500000e-01 : f32
        %sub3A_444 = vector.broadcast %sub3A_443 : f32 to vector<16xf32>
        %sub3A_445 = arith.subf %mul3A_442, %sub3A_444 : vector<16xf32>
        %mul3A_446 = arith.mulf %sub3A_445, %sub3A_427 : vector<16xf32>
        %add3A_447 = arith.constant 0.333333343 : f32
        %add3A_448 = vector.broadcast %add3A_447 : f32 to vector<16xf32>
        %add3A_449 = arith.addf %mul3A_446, %add3A_448 : vector<16xf32>
        %mul3A_450 = arith.mulf %add3A_449, %sub3A_427 : vector<16xf32>
        %sub3A_451 = arith.constant 5.000000e-01 : f32
        %sub3A_452 = vector.broadcast %sub3A_451 : f32 to vector<16xf32>
        %sub3A_453 = arith.subf %mul3A_450, %sub3A_452 : vector<16xf32>
        %mul3A_454 = arith.mulf %sub3A_453, %sub3A_427 : vector<16xf32>
        %add3A_455 = arith.constant 1.000000e+00 : f32
        %add3A_456 = vector.broadcast %add3A_455 : f32 to vector<16xf32>
        %add3A_457 = arith.addf %mul3A_454, %add3A_456 : vector<16xf32>
        %mul3A_458 = arith.mulf %sub3A_427, %add3A_457 : vector<16xf32>
        %mul3A_459 = arith.constant 0.693147182 : f32
        %mul3A_460 = vector.broadcast %mul3A_459 : f32 to vector<16xf32>
        %mul3A_461 = arith.mulf %convert_element_type3A_424, %mul3A_460 : vector<16xf32>
        %add3A_462 = arith.addf %mul3A_461, %mul3A_458 : vector<16xf32>
        %bitcast_convert_type3A_463 = tpu.bitcast %add3A_462 : vector<16xf32> -> vector<16xi32>
        %or3A_464 = arith.ori %bitcast_convert_type3A_463, %and3A_389 : vector<16xi32>
        %bitcast_convert_type3A_465 = tpu.bitcast %or3A_464 : vector<16xi32> -> vector<16xf32>
        %select_n3A_466 = arith.select %gt3A_19, %bitcast_convert_type3A_465, %get3A_385 : vector<16xi1>, vector<16xf32>
        %add3A_467 = arith.constant 1.000000e-35 : f32
        %add3A_468 = vector.broadcast %add3A_467 : f32 to vector<16xf32>
        %add3A_469 = arith.addf %bitcast_convert_type3A_393, %add3A_468 : vector<16xf32>
        %bitcast_convert_type3A_470 = tpu.bitcast %add3A_469 : vector<16xf32> -> vector<16xi32>
        %shift_right_logical3A_471 = arith.constant 1 : i32
        %shift_right_logical3A_472 = vector.broadcast %shift_right_logical3A_471 : i32 to vector<16xi32>
        %shift_right_logical3A_473 = arith.shrui %bitcast_convert_type3A_470, %shift_right_logical3A_472 : vector<16xi32>
        %sub3A_474 = arith.constant 1597463007 : i32
        %sub3A_475 = vector.broadcast %sub3A_474 : i32 to vector<16xi32>
        %sub3A_476 = arith.subi %sub3A_475, %shift_right_logical3A_473 : vector<16xi32>
        %bitcast_convert_type3A_477 = tpu.bitcast %sub3A_476 : vector<16xi32> -> vector<16xf32>
        %mul3A_478 = arith.constant 5.000000e-01 : f32
        %mul3A_479 = vector.broadcast %mul3A_478 : f32 to vector<16xf32>
        %mul3A_480 = arith.mulf %mul3A_479, %add3A_469 : vector<16xf32>
        %mul3A_481 = arith.mulf %mul3A_480, %bitcast_convert_type3A_477 : vector<16xf32>
        %mul3A_482 = arith.mulf %mul3A_481, %bitcast_convert_type3A_477 : vector<16xf32>
        %sub3A_483 = arith.constant 1.500000e+00 : f32
        %sub3A_484 = vector.broadcast %sub3A_483 : f32 to vector<16xf32>
        %sub3A_485 = arith.subf %sub3A_484, %mul3A_482 : vector<16xf32>
        %mul3A_486 = arith.mulf %bitcast_convert_type3A_477, %sub3A_485 : vector<16xf32>
        %mul3A_487 = arith.constant 5.000000e-01 : f32
        %mul3A_488 = vector.broadcast %mul3A_487 : f32 to vector<16xf32>
        %mul3A_489 = arith.mulf %mul3A_488, %add3A_469 : vector<16xf32>
        %mul3A_490 = arith.mulf %mul3A_489, %mul3A_486 : vector<16xf32>
        %mul3A_491 = arith.mulf %mul3A_490, %mul3A_486 : vector<16xf32>
        %sub3A_492 = arith.constant 1.500000e+00 : f32
        %sub3A_493 = vector.broadcast %sub3A_492 : f32 to vector<16xf32>
        %sub3A_494 = arith.subf %sub3A_493, %mul3A_491 : vector<16xf32>
        %mul3A_495 = arith.mulf %mul3A_486, %sub3A_494 : vector<16xf32>
        %mul3A_496 = arith.mulf %add3A_469, %mul3A_495 : vector<16xf32>
        %bitcast_convert_type3A_497 = tpu.bitcast %mul3A_496 : vector<16xf32> -> vector<16xi32>
        %or3A_498 = arith.ori %bitcast_convert_type3A_497, %and3A_389 : vector<16xi32>
        %bitcast_convert_type3A_499 = tpu.bitcast %or3A_498 : vector<16xi32> -> vector<16xf32>
        %select_n3A_500 = arith.select %gt3A_27, %bitcast_convert_type3A_499, %select_n3A_466 : vector<16xi1>, vector<16xf32>
        %mul3A_501 = arith.mulf %get3A_385, %get3A_385 : vector<16xf32>
        %select_n3A_502 = arith.select %gt3A_35, %mul3A_501, %select_n3A_500 : vector<16xi1>, vector<16xf32>
        %swap3A_503 = arith.index_cast %scan3A_381 : i32 to index
        %swap3A_504 = arith.constant 0 : index
        %swap3A_505 = tpu.vector_load %arg7[%swap3A_503, %swap3A_504] {strides = array<i32>} : memref<128x128xf32, #tpu.memory_space<vmem>>, vector<1x16xf32>,
        %swap3A_506 = vector.shape_cast %swap3A_505 : vector<1x16xf32> to vector<16xf32>
        %swap3A_507 = vector.shape_cast %select_n3A_502 : vector<16xf32> to vector<1x16xf32>
        tpu.vector_store %arg7[%swap3A_503, %swap3A_504], %swap3A_507 {strides = array<i32>} : memref<128x128xf32, #tpu.memory_space<vmem>>, vector<1x16xf32>,
        %scan3A_508 = arith.constant 0 : i32
        %scan3A_509 = arith.constant 2 : i32
        %scan3A_510 = arith.addi %scan3A_261, %scan3A_509 : i32
        %get3A_511 = arith.index_cast %scan3A_510 : i32 to index
        %get3A_512 = arith.constant 0 : index
        %get3A_513 = tpu.vector_load %arg6[%get3A_511, %get3A_512] {strides = array<i32>} : memref<128x128xf32, #tpu.memory_space<vmem>>, vector<1x16xf32>,
        %get3A_514 = vector.shape_cast %get3A_513 : vector<1x16xf32> to vector<16xf32>
        %bitcast_convert_type3A_515 = tpu.bitcast %get3A_514 : vector<16xf32> -> vector<16xi32>
        %and3A_516 = arith.constant -2147483648 : i32
        %and3A_517 = vector.broadcast %and3A_516 : i32 to vector<16xi32>
        %and3A_518 = arith.andi %bitcast_convert_type3A_515, %and3A_517 : vector<16xi32>
        %and3A_519 = arith.constant 2147483647 : i32
        %and3A_520 = vector.broadcast %and3A_519 : i32 to vector<16xi32>
        %and3A_521 = arith.andi %bitcast_convert_type3A_515, %and3A_520 : vector<16xi32>
        %bitcast_convert_type3A_522 = tpu.bitcast %and3A_521 : vector<16xi32> -> vector<16xf32>
        %add3A_523 = arith.constant 1.000000e+00 : f32
        %add3A_524 = vector.broadcast %add3A_523 : f32 to vector<16xf32>
        %add3A_525 = arith.addf %bitcast_convert_type3A_522, %add3A_524 : vector<16xf32>
        %bitcast_convert_type3A_526 = tpu.bitcast %add3A_525 : vector<16xf32> -> vector<16xi32>
        %shift_right_logical3A_527 = arith.constant 23 : i32
        %shift_right_logical3A_528 = vector.broadcast %shift_right_logical3A_527 : i32 to vector<16xi32>
        %shift_right_logical3A_529 = arith.shrui %bitcast_convert_type3A_526, %shift_right_logical3A_528 : vector<16xi32>
        %sub3A_530 = arith.constant 127 : i32
        %sub3A_531 = vector.broadcast %sub3A_530 : i32 to vector<16xi32>
        %sub3A_532 = arith.subi %shift_right_logical3A_529, %sub3A_531 : vector<16xi32>
        %and3A_533 = arith.constant 8388607 : i32
        %and3A_534 = vector.broadcast %and3A_533 : i32 to vector<16xi32>
        %and3A_535 = arith.andi %bitcast_convert_type3A_526, %and3A_534 : vector<16xi32>
        %or3A_536 = arith.constant 1065353216 : i32
        %or3A_537 = vector.broadcast %or3A_536 : i32 to vector<16xi32>
        %or3A_538 = arith.ori %and3A_535, %or3A_537 : vector<16xi32>
        %bitcast_convert_type3A_539 = tpu.bitcast %or3A_538 : vector<16xi32> -> vector<16xf32>
        %gt3A_540 = arith.constant 1.41421354 : f32
        %gt3A_541 = vector.broadcast %gt3A_540 : f32 to vector<16xf32>
        %gt3A_542 = arith.cmpf ogt, %bitcast_convert_type3A_539, %gt3A_541 : vector<16xf32>
        %mul3A_543 = arith.constant 5.000000e-01 : f32
        %mul3A_544 = vector.broadcast %mul3A_543 : f32 to vector<16xf32>
        %mul3A_545 = arith.mulf %bitcast_convert_type3A_539, %mul3A_544 : vector<16xf32>
        %select_n3A_546 = arith.select %gt3A_542, %mul3A_545, %bitcast_convert_type3A_539 : vector<16xi1>, vector<16xf32>
        %jit3A_547 = arith.constant 1 : i32
        %jit3A_548 = arith.constant 0 : i32
        %broadcast_in_dim3A_549 = vector.broadcast %jit3A_547 : i32 to vector<16xi32>
        %broadcast_in_dim3A_550 = vector.broadcast %jit3A_548 : i32 to vector<16xi32>
        %select_n3A_551 = arith.select %gt3A_542, %broadcast_in_dim3A_549, %broadcast_in_dim3A_550 : vector<16xi1>, vector<16xi32>
        %add3A_552 = arith.addi %sub3A_532, %select_n3A_551 : vector<16xi32>
        %convert_element_type3A_553 = arith.sitofp %add3A_552 : vector<16xi32> to vector<16xf32>
        %sub3A_554 = arith.constant 1.000000e+00 : f32
        %sub3A_555 = vector.broadcast %sub3A_554 : f32 to vector<16xf32>
        %sub3A_556 = arith.subf %select_n3A_546, %sub3A_555 : vector<16xf32>
        %mul3A_557 = arith.constant -1.250000e-01 : f32
        %mul3A_558 = vector.broadcast %mul3A_557 : f32 to vector<16xf32>
        %mul3A_559 = arith.mulf %mul3A_558, %sub3A_556 : vector<16xf32>
        %add3A_560 = arith.constant 0.142857149 : f32
        %add3A_561 = vector.broadcast %add3A_560 : f32 to vector<16xf32>
        %add3A_562 = arith.addf %mul3A_559, %add3A_561 : vector<16xf32>
        %mul3A_563 = arith.mulf %add3A_562, %sub3A_556 : vector<16xf32>
        %sub3A_564 = arith.constant 0.166666672 : f32
        %sub3A_565 = vector.broadcast %sub3A_564 : f32 to vector<16xf32>
        %sub3A_566 = arith.subf %mul3A_563, %sub3A_565 : vector<16xf32>
        %mul3A_567 = arith.mulf %sub3A_566, %sub3A_556 : vector<16xf32>
        %add3A_568 = arith.constant 2.000000e-01 : f32
        %add3A_569 = vector.broadcast %add3A_568 : f32 to vector<16xf32>
        %add3A_570 = arith.addf %mul3A_567, %add3A_569 : vector<16xf32>
        %mul3A_571 = arith.mulf %add3A_570, %sub3A_556 : vector<16xf32>
        %sub3A_572 = arith.constant 2.500000e-01 : f32
        %sub3A_573 = vector.broadcast %sub3A_572 : f32 to vector<16xf32>
        %sub3A_574 = arith.subf %mul3A_571, %sub3A_573 : vector<16xf32>
        %mul3A_575 = arith.mulf %sub3A_574, %sub3A_556 : vector<16xf32>
        %add3A_576 = arith.constant 0.333333343 : f32
        %add3A_577 = vector.broadcast %add3A_576 : f32 to vector<16xf32>
        %add3A_578 = arith.addf %mul3A_575, %add3A_577 : vector<16xf32>
        %mul3A_579 = arith.mulf %add3A_578, %sub3A_556 : vector<16xf32>
        %sub3A_580 = arith.constant 5.000000e-01 : f32
        %sub3A_581 = vector.broadcast %sub3A_580 : f32 to vector<16xf32>
        %sub3A_582 = arith.subf %mul3A_579, %sub3A_581 : vector<16xf32>
        %mul3A_583 = arith.mulf %sub3A_582, %sub3A_556 : vector<16xf32>
        %add3A_584 = arith.constant 1.000000e+00 : f32
        %add3A_585 = vector.broadcast %add3A_584 : f32 to vector<16xf32>
        %add3A_586 = arith.addf %mul3A_583, %add3A_585 : vector<16xf32>
        %mul3A_587 = arith.mulf %sub3A_556, %add3A_586 : vector<16xf32>
        %mul3A_588 = arith.constant 0.693147182 : f32
        %mul3A_589 = vector.broadcast %mul3A_588 : f32 to vector<16xf32>
        %mul3A_590 = arith.mulf %convert_element_type3A_553, %mul3A_589 : vector<16xf32>
        %add3A_591 = arith.addf %mul3A_590, %mul3A_587 : vector<16xf32>
        %bitcast_convert_type3A_592 = tpu.bitcast %add3A_591 : vector<16xf32> -> vector<16xi32>
        %or3A_593 = arith.ori %bitcast_convert_type3A_592, %and3A_518 : vector<16xi32>
        %bitcast_convert_type3A_594 = tpu.bitcast %or3A_593 : vector<16xi32> -> vector<16xf32>
        %select_n3A_595 = arith.select %gt3A_19, %bitcast_convert_type3A_594, %get3A_514 : vector<16xi1>, vector<16xf32>
        %add3A_596 = arith.constant 1.000000e-35 : f32
        %add3A_597 = vector.broadcast %add3A_596 : f32 to vector<16xf32>
        %add3A_598 = arith.addf %bitcast_convert_type3A_522, %add3A_597 : vector<16xf32>
        %bitcast_convert_type3A_599 = tpu.bitcast %add3A_598 : vector<16xf32> -> vector<16xi32>
        %shift_right_logical3A_600 = arith.constant 1 : i32
        %shift_right_logical3A_601 = vector.broadcast %shift_right_logical3A_600 : i32 to vector<16xi32>
        %shift_right_logical3A_602 = arith.shrui %bitcast_convert_type3A_599, %shift_right_logical3A_601 : vector<16xi32>
        %sub3A_603 = arith.constant 1597463007 : i32
        %sub3A_604 = vector.broadcast %sub3A_603 : i32 to vector<16xi32>
        %sub3A_605 = arith.subi %sub3A_604, %shift_right_logical3A_602 : vector<16xi32>
        %bitcast_convert_type3A_606 = tpu.bitcast %sub3A_605 : vector<16xi32> -> vector<16xf32>
        %mul3A_607 = arith.constant 5.000000e-01 : f32
        %mul3A_608 = vector.broadcast %mul3A_607 : f32 to vector<16xf32>
        %mul3A_609 = arith.mulf %mul3A_608, %add3A_598 : vector<16xf32>
        %mul3A_610 = arith.mulf %mul3A_609, %bitcast_convert_type3A_606 : vector<16xf32>
        %mul3A_611 = arith.mulf %mul3A_610, %bitcast_convert_type3A_606 : vector<16xf32>
        %sub3A_612 = arith.constant 1.500000e+00 : f32
        %sub3A_613 = vector.broadcast %sub3A_612 : f32 to vector<16xf32>
        %sub3A_614 = arith.subf %sub3A_613, %mul3A_611 : vector<16xf32>
        %mul3A_615 = arith.mulf %bitcast_convert_type3A_606, %sub3A_614 : vector<16xf32>
        %mul3A_616 = arith.constant 5.000000e-01 : f32
        %mul3A_617 = vector.broadcast %mul3A_616 : f32 to vector<16xf32>
        %mul3A_618 = arith.mulf %mul3A_617, %add3A_598 : vector<16xf32>
        %mul3A_619 = arith.mulf %mul3A_618, %mul3A_615 : vector<16xf32>
        %mul3A_620 = arith.mulf %mul3A_619, %mul3A_615 : vector<16xf32>
        %sub3A_621 = arith.constant 1.500000e+00 : f32
        %sub3A_622 = vector.broadcast %sub3A_621 : f32 to vector<16xf32>
        %sub3A_623 = arith.subf %sub3A_622, %mul3A_620 : vector<16xf32>
        %mul3A_624 = arith.mulf %mul3A_615, %sub3A_623 : vector<16xf32>
        %mul3A_625 = arith.mulf %add3A_598, %mul3A_624 : vector<16xf32>
        %bitcast_convert_type3A_626 = tpu.bitcast %mul3A_625 : vector<16xf32> -> vector<16xi32>
        %or3A_627 = arith.ori %bitcast_convert_type3A_626, %and3A_518 : vector<16xi32>
        %bitcast_convert_type3A_628 = tpu.bitcast %or3A_627 : vector<16xi32> -> vector<16xf32>
        %select_n3A_629 = arith.select %gt3A_27, %bitcast_convert_type3A_628, %select_n3A_595 : vector<16xi1>, vector<16xf32>
        %mul3A_630 = arith.mulf %get3A_514, %get3A_514 : vector<16xf32>
        %select_n3A_631 = arith.select %gt3A_35, %mul3A_630, %select_n3A_629 : vector<16xi1>, vector<16xf32>
        %swap3A_632 = arith.index_cast %scan3A_510 : i32 to index
        %swap3A_633 = arith.constant 0 : index
        %swap3A_634 = tpu.vector_load %arg7[%swap3A_632, %swap3A_633] {strides = array<i32>} : memref<128x128xf32, #tpu.memory_space<vmem>>, vector<1x16xf32>,
        %swap3A_635 = vector.shape_cast %swap3A_634 : vector<1x16xf32> to vector<16xf32>
        %swap3A_636 = vector.shape_cast %select_n3A_631 : vector<16xf32> to vector<1x16xf32>
        tpu.vector_store %arg7[%swap3A_632, %swap3A_633], %swap3A_636 {strides = array<i32>} : memref<128x128xf32, #tpu.memory_space<vmem>>, vector<1x16xf32>,
        %scan3A_637 = arith.constant 0 : i32
        %scan3A_638 = arith.constant 3 : i32
        %scan3A_639 = arith.addi %scan3A_261, %scan3A_638 : i32
        %get3A_640 = arith.index_cast %scan3A_639 : i32 to index
        %get3A_641 = arith.constant 0 : index
        %get3A_642 = tpu.vector_load %arg6[%get3A_640, %get3A_641] {strides = array<i32>} : memref<128x128xf32, #tpu.memory_space<vmem>>, vector<1x16xf32>,
        %get3A_643 = vector.shape_cast %get3A_642 : vector<1x16xf32> to vector<16xf32>
        %bitcast_convert_type3A_644 = tpu.bitcast %get3A_643 : vector<16xf32> -> vector<16xi32>
        %and3A_645 = arith.constant -2147483648 : i32
        %and3A_646 = vector.broadcast %and3A_645 : i32 to vector<16xi32>
        %and3A_647 = arith.andi %bitcast_convert_type3A_644, %and3A_646 : vector<16xi32>
        %and3A_648 = arith.constant 2147483647 : i32
        %and3A_649 = vector.broadcast %and3A_648 : i32 to vector<16xi32>
        %and3A_650 = arith.andi %bitcast_convert_type3A_644, %and3A_649 : vector<16xi32>
        %bitcast_convert_type3A_651 = tpu.bitcast %and3A_650 : vector<16xi32> -> vector<16xf32>
        %add3A_652 = arith.constant 1.000000e+00 : f32
        %add3A_653 = vector.broadcast %add3A_652 : f32 to vector<16xf32>
        %add3A_654 = arith.addf %bitcast_convert_type3A_651, %add3A_653 : vector<16xf32>
        %bitcast_convert_type3A_655 = tpu.bitcast %add3A_654 : vector<16xf32> -> vector<16xi32>
        %shift_right_logical3A_656 = arith.constant 23 : i32
        %shift_right_logical3A_657 = vector.broadcast %shift_right_logical3A_656 : i32 to vector<16xi32>
        %shift_right_logical3A_658 = arith.shrui %bitcast_convert_type3A_655, %shift_right_logical3A_657 : vector<16xi32>
        %sub3A_659 = arith.constant 127 : i32
        %sub3A_660 = vector.broadcast %sub3A_659 : i32 to vector<16xi32>
        %sub3A_661 = arith.subi %shift_right_logical3A_658, %sub3A_660 : vector<16xi32>
        %and3A_662 = arith.constant 8388607 : i32
        %and3A_663 = vector.broadcast %and3A_662 : i32 to vector<16xi32>
        %and3A_664 = arith.andi %bitcast_convert_type3A_655, %and3A_663 : vector<16xi32>
        %or3A_665 = arith.constant 1065353216 : i32
        %or3A_666 = vector.broadcast %or3A_665 : i32 to vector<16xi32>
        %or3A_667 = arith.ori %and3A_664, %or3A_666 : vector<16xi32>
        %bitcast_convert_type3A_668 = tpu.bitcast %or3A_667 : vector<16xi32> -> vector<16xf32>
        %gt3A_669 = arith.constant 1.41421354 : f32
        %gt3A_670 = vector.broadcast %gt3A_669 : f32 to vector<16xf32>
        %gt3A_671 = arith.cmpf ogt, %bitcast_convert_type3A_668, %gt3A_670 : vector<16xf32>
        %mul3A_672 = arith.constant 5.000000e-01 : f32
        %mul3A_673 = vector.broadcast %mul3A_672 : f32 to vector<16xf32>
        %mul3A_674 = arith.mulf %bitcast_convert_type3A_668, %mul3A_673 : vector<16xf32>
        %select_n3A_675 = arith.select %gt3A_671, %mul3A_674, %bitcast_convert_type3A_668 : vector<16xi1>, vector<16xf32>
        %jit3A_676 = arith.constant 1 : i32
        %jit3A_677 = arith.constant 0 : i32
        %broadcast_in_dim3A_678 = vector.broadcast %jit3A_676 : i32 to vector<16xi32>
        %broadcast_in_dim3A_679 = vector.broadcast %jit3A_677 : i32 to vector<16xi32>
        %select_n3A_680 = arith.select %gt3A_671, %broadcast_in_dim3A_678, %broadcast_in_dim3A_679 : vector<16xi1>, vector<16xi32>
        %add3A_681 = arith.addi %sub3A_661, %select_n3A_680 : vector<16xi32>
        %convert_element_type3A_682 = arith.sitofp %add3A_681 : vector<16xi32> to vector<16xf32>
        %sub3A_683 = arith.constant 1.000000e+00 : f32
        %sub3A_684 = vector.broadcast %sub3A_683 : f32 to vector<16xf32>
        %sub3A_685 = arith.subf %select_n3A_675, %sub3A_684 : vector<16xf32>
        %mul3A_686 = arith.constant -1.250000e-01 : f32
        %mul3A_687 = vector.broadcast %mul3A_686 : f32 to vector<16xf32>
        %mul3A_688 = arith.mulf %mul3A_687, %sub3A_685 : vector<16xf32>
        %add3A_689 = arith.constant 0.142857149 : f32
        %add3A_690 = vector.broadcast %add3A_689 : f32 to vector<16xf32>
        %add3A_691 = arith.addf %mul3A_688, %add3A_690 : vector<16xf32>
        %mul3A_692 = arith.mulf %add3A_691, %sub3A_685 : vector<16xf32>
        %sub3A_693 = arith.constant 0.166666672 : f32
        %sub3A_694 = vector.broadcast %sub3A_693 : f32 to vector<16xf32>
        %sub3A_695 = arith.subf %mul3A_692, %sub3A_694 : vector<16xf32>
        %mul3A_696 = arith.mulf %sub3A_695, %sub3A_685 : vector<16xf32>
        %add3A_697 = arith.constant 2.000000e-01 : f32
        %add3A_698 = vector.broadcast %add3A_697 : f32 to vector<16xf32>
        %add3A_699 = arith.addf %mul3A_696, %add3A_698 : vector<16xf32>
        %mul3A_700 = arith.mulf %add3A_699, %sub3A_685 : vector<16xf32>
        %sub3A_701 = arith.constant 2.500000e-01 : f32
        %sub3A_702 = vector.broadcast %sub3A_701 : f32 to vector<16xf32>
        %sub3A_703 = arith.subf %mul3A_700, %sub3A_702 : vector<16xf32>
        %mul3A_704 = arith.mulf %sub3A_703, %sub3A_685 : vector<16xf32>
        %add3A_705 = arith.constant 0.333333343 : f32
        %add3A_706 = vector.broadcast %add3A_705 : f32 to vector<16xf32>
        %add3A_707 = arith.addf %mul3A_704, %add3A_706 : vector<16xf32>
        %mul3A_708 = arith.mulf %add3A_707, %sub3A_685 : vector<16xf32>
        %sub3A_709 = arith.constant 5.000000e-01 : f32
        %sub3A_710 = vector.broadcast %sub3A_709 : f32 to vector<16xf32>
        %sub3A_711 = arith.subf %mul3A_708, %sub3A_710 : vector<16xf32>
        %mul3A_712 = arith.mulf %sub3A_711, %sub3A_685 : vector<16xf32>
        %add3A_713 = arith.constant 1.000000e+00 : f32
        %add3A_714 = vector.broadcast %add3A_713 : f32 to vector<16xf32>
        %add3A_715 = arith.addf %mul3A_712, %add3A_714 : vector<16xf32>
        %mul3A_716 = arith.mulf %sub3A_685, %add3A_715 : vector<16xf32>
        %mul3A_717 = arith.constant 0.693147182 : f32
        %mul3A_718 = vector.broadcast %mul3A_717 : f32 to vector<16xf32>
        %mul3A_719 = arith.mulf %convert_element_type3A_682, %mul3A_718 : vector<16xf32>
        %add3A_720 = arith.addf %mul3A_719, %mul3A_716 : vector<16xf32>
        %bitcast_convert_type3A_721 = tpu.bitcast %add3A_720 : vector<16xf32> -> vector<16xi32>
        %or3A_722 = arith.ori %bitcast_convert_type3A_721, %and3A_647 : vector<16xi32>
        %bitcast_convert_type3A_723 = tpu.bitcast %or3A_722 : vector<16xi32> -> vector<16xf32>
        %select_n3A_724 = arith.select %gt3A_19, %bitcast_convert_type3A_723, %get3A_643 : vector<16xi1>, vector<16xf32>
        %add3A_725 = arith.constant 1.000000e-35 : f32
        %add3A_726 = vector.broadcast %add3A_725 : f32 to vector<16xf32>
        %add3A_727 = arith.addf %bitcast_convert_type3A_651, %add3A_726 : vector<16xf32>
        %bitcast_convert_type3A_728 = tpu.bitcast %add3A_727 : vector<16xf32> -> vector<16xi32>
        %shift_right_logical3A_729 = arith.constant 1 : i32
        %shift_right_logical3A_730 = vector.broadcast %shift_right_logical3A_729 : i32 to vector<16xi32>
        %shift_right_logical3A_731 = arith.shrui %bitcast_convert_type3A_728, %shift_right_logical3A_730 : vector<16xi32>
        %sub3A_732 = arith.constant 1597463007 : i32
        %sub3A_733 = vector.broadcast %sub3A_732 : i32 to vector<16xi32>
        %sub3A_734 = arith.subi %sub3A_733, %shift_right_logical3A_731 : vector<16xi32>
        %bitcast_convert_type3A_735 = tpu.bitcast %sub3A_734 : vector<16xi32> -> vector<16xf32>
        %mul3A_736 = arith.constant 5.000000e-01 : f32
        %mul3A_737 = vector.broadcast %mul3A_736 : f32 to vector<16xf32>
        %mul3A_738 = arith.mulf %mul3A_737, %add3A_727 : vector<16xf32>
        %mul3A_739 = arith.mulf %mul3A_738, %bitcast_convert_type3A_735 : vector<16xf32>
        %mul3A_740 = arith.mulf %mul3A_739, %bitcast_convert_type3A_735 : vector<16xf32>
        %sub3A_741 = arith.constant 1.500000e+00 : f32
        %sub3A_742 = vector.broadcast %sub3A_741 : f32 to vector<16xf32>
        %sub3A_743 = arith.subf %sub3A_742, %mul3A_740 : vector<16xf32>
        %mul3A_744 = arith.mulf %bitcast_convert_type3A_735, %sub3A_743 : vector<16xf32>
        %mul3A_745 = arith.constant 5.000000e-01 : f32
        %mul3A_746 = vector.broadcast %mul3A_745 : f32 to vector<16xf32>
        %mul3A_747 = arith.mulf %mul3A_746, %add3A_727 : vector<16xf32>
        %mul3A_748 = arith.mulf %mul3A_747, %mul3A_744 : vector<16xf32>
        %mul3A_749 = arith.mulf %mul3A_748, %mul3A_744 : vector<16xf32>
        %sub3A_750 = arith.constant 1.500000e+00 : f32
        %sub3A_751 = vector.broadcast %sub3A_750 : f32 to vector<16xf32>
        %sub3A_752 = arith.subf %sub3A_751, %mul3A_749 : vector<16xf32>
        %mul3A_753 = arith.mulf %mul3A_744, %sub3A_752 : vector<16xf32>
        %mul3A_754 = arith.mulf %add3A_727, %mul3A_753 : vector<16xf32>
        %bitcast_convert_type3A_755 = tpu.bitcast %mul3A_754 : vector<16xf32> -> vector<16xi32>
        %or3A_756 = arith.ori %bitcast_convert_type3A_755, %and3A_647 : vector<16xi32>
        %bitcast_convert_type3A_757 = tpu.bitcast %or3A_756 : vector<16xi32> -> vector<16xf32>
        %select_n3A_758 = arith.select %gt3A_27, %bitcast_convert_type3A_757, %select_n3A_724 : vector<16xi1>, vector<16xf32>
        %mul3A_759 = arith.mulf %get3A_643, %get3A_643 : vector<16xf32>
        %select_n3A_760 = arith.select %gt3A_35, %mul3A_759, %select_n3A_758 : vector<16xi1>, vector<16xf32>
        %swap3A_761 = arith.index_cast %scan3A_639 : i32 to index
        %swap3A_762 = arith.constant 0 : index
        %swap3A_763 = tpu.vector_load %arg7[%swap3A_761, %swap3A_762] {strides = array<i32>} : memref<128x128xf32, #tpu.memory_space<vmem>>, vector<1x16xf32>,
        %swap3A_764 = vector.shape_cast %swap3A_763 : vector<1x16xf32> to vector<16xf32>
        %swap3A_765 = vector.shape_cast %select_n3A_760 : vector<16xf32> to vector<1x16xf32>
        tpu.vector_store %arg7[%swap3A_761, %swap3A_762], %swap3A_765 {strides = array<i32>} : memref<128x128xf32, #tpu.memory_space<vmem>>, vector<1x16xf32>,
        %scan3A_766 = arith.constant 0 : i32
        scf.yield %scan3A_766 : i32
      }
      %scan3A_42 = arith.constant 128 : i32
      %get3A_43 = arith.constant 1 : i32
      %get3A_44 = arith.index_cast %get3A_43 : i32 to index
      %get3A_45 = arith.constant 16 : index
      %get3A_46 = tpu.vector_load %arg5[%get3A_44, %get3A_45] {strides = array<i32>} : memref<8x128xf32, #tpu.memory_space<vmem>>, vector<1x16xf32>,
      %get3A_47 = vector.shape_cast %get3A_46 : vector<1x16xf32> to vector<16xf32>
      %gt3A_48 = arith.constant 5.000000e-01 : f32
      %gt3A_49 = vector.broadcast %gt3A_48 : f32 to vector<16xf32>
      %gt3A_50 = arith.cmpf ogt, %get3A_47, %gt3A_49 : vector<16xf32>
      %get3A_51 = arith.constant 2 : i32
      %get3A_52 = arith.index_cast %get3A_51 : i32 to index
      %get3A_53 = arith.constant 16 : index
      %get3A_54 = tpu.vector_load %arg5[%get3A_52, %get3A_53] {strides = array<i32>} : memref<8x128xf32, #tpu.memory_space<vmem>>, vector<1x16xf32>,
      %get3A_55 = vector.shape_cast %get3A_54 : vector<1x16xf32> to vector<16xf32>
      %gt3A_56 = arith.constant 5.000000e-01 : f32
      %gt3A_57 = vector.broadcast %gt3A_56 : f32 to vector<16xf32>
      %gt3A_58 = arith.cmpf ogt, %get3A_55, %gt3A_57 : vector<16xf32>
      %get3A_59 = arith.constant 3 : i32
      %get3A_60 = arith.index_cast %get3A_59 : i32 to index
      %get3A_61 = arith.constant 16 : index
      %get3A_62 = tpu.vector_load %arg5[%get3A_60, %get3A_61] {strides = array<i32>} : memref<8x128xf32, #tpu.memory_space<vmem>>, vector<1x16xf32>,
      %get3A_63 = vector.shape_cast %get3A_62 : vector<1x16xf32> to vector<16xf32>
      %gt3A_64 = arith.constant 5.000000e-01 : f32
      %gt3A_65 = vector.broadcast %gt3A_64 : f32 to vector<16xf32>
      %gt3A_66 = arith.cmpf ogt, %get3A_63, %gt3A_65 : vector<16xf32>
      %scan3A_67 = arith.constant 0 : i32
      %scan3A_68 = arith.constant 0 : i32
      %scan3A_69 = arith.constant 128 : i32
      %scan3A_70 = arith.addi %scan3A_68, %scan3A_69 : i32
      %scan3A_71 = arith.constant 4 : i32
      %scan3A_72 = scf.for %scan3A_261 = %scan3A_68 to %scan3A_70 step %scan3A_71 iter_args(%scan3A_262 = %scan3A_67) -> (i32)  : i32 {
        %get3A_263 = arith.index_cast %scan3A_261 : i32 to index
        %get3A_264 = arith.constant 16 : index
        %get3A_265 = tpu.vector_load %arg6[%get3A_263, %get3A_264] {strides = array<i32>} : memref<128x128xf32, #tpu.memory_space<vmem>>, vector<1x16xf32>,
        %get3A_266 = vector.shape_cast %get3A_265 : vector<1x16xf32> to vector<16xf32>
        %bitcast_convert_type3A = tpu.bitcast %get3A_266 : vector<16xf32> -> vector<16xi32>
        %and3A = arith.constant -2147483648 : i32
        %and3A_267 = vector.broadcast %and3A : i32 to vector<16xi32>
        %and3A_268 = arith.andi %bitcast_convert_type3A, %and3A_267 : vector<16xi32>
        %and3A_269 = arith.constant 2147483647 : i32
        %and3A_270 = vector.broadcast %and3A_269 : i32 to vector<16xi32>
        %and3A_271 = arith.andi %bitcast_convert_type3A, %and3A_270 : vector<16xi32>
        %bitcast_convert_type3A_272 = tpu.bitcast %and3A_271 : vector<16xi32> -> vector<16xf32>
        %add3A_273 = arith.constant 1.000000e+00 : f32
        %add3A_274 = vector.broadcast %add3A_273 : f32 to vector<16xf32>
        %add3A_275 = arith.addf %bitcast_convert_type3A_272, %add3A_274 : vector<16xf32>
        %bitcast_convert_type3A_276 = tpu.bitcast %add3A_275 : vector<16xf32> -> vector<16xi32>
        %shift_right_logical3A = arith.constant 23 : i32
        %shift_right_logical3A_277 = vector.broadcast %shift_right_logical3A : i32 to vector<16xi32>
        %shift_right_logical3A_278 = arith.shrui %bitcast_convert_type3A_276, %shift_right_logical3A_277 : vector<16xi32>
        %sub3A = arith.constant 127 : i32
        %sub3A_279 = vector.broadcast %sub3A : i32 to vector<16xi32>
        %sub3A_280 = arith.subi %shift_right_logical3A_278, %sub3A_279 : vector<16xi32>
        %and3A_281 = arith.constant 8388607 : i32
        %and3A_282 = vector.broadcast %and3A_281 : i32 to vector<16xi32>
        %and3A_283 = arith.andi %bitcast_convert_type3A_276, %and3A_282 : vector<16xi32>
        %or3A = arith.constant 1065353216 : i32
        %or3A_284 = vector.broadcast %or3A : i32 to vector<16xi32>
        %or3A_285 = arith.ori %and3A_283, %or3A_284 : vector<16xi32>
        %bitcast_convert_type3A_286 = tpu.bitcast %or3A_285 : vector<16xi32> -> vector<16xf32>
        %gt3A_287 = arith.constant 1.41421354 : f32
        %gt3A_288 = vector.broadcast %gt3A_287 : f32 to vector<16xf32>
        %gt3A_289 = arith.cmpf ogt, %bitcast_convert_type3A_286, %gt3A_288 : vector<16xf32>
        %mul3A_290 = arith.constant 5.000000e-01 : f32
        %mul3A_291 = vector.broadcast %mul3A_290 : f32 to vector<16xf32>
        %mul3A_292 = arith.mulf %bitcast_convert_type3A_286, %mul3A_291 : vector<16xf32>
        %select_n3A = arith.select %gt3A_289, %mul3A_292, %bitcast_convert_type3A_286 : vector<16xi1>, vector<16xf32>
        %jit3A = arith.constant 1 : i32
        %jit3A_293 = arith.constant 0 : i32
        %broadcast_in_dim3A = vector.broadcast %jit3A : i32 to vector<16xi32>
        %broadcast_in_dim3A_294 = vector.broadcast %jit3A_293 : i32 to vector<16xi32>
        %select_n3A_295 = arith.select %gt3A_289, %broadcast_in_dim3A, %broadcast_in_dim3A_294 : vector<16xi1>, vector<16xi32>
        %add3A_296 = arith.addi %sub3A_280, %select_n3A_295 : vector<16xi32>
        %convert_element_type3A = arith.sitofp %add3A_296 : vector<16xi32> to vector<16xf32>
        %sub3A_297 = arith.constant 1.000000e+00 : f32
        %sub3A_298 = vector.broadcast %sub3A_297 : f32 to vector<16xf32>
        %sub3A_299 = arith.subf %select_n3A, %sub3A_298 : vector<16xf32>
        %mul3A_300 = arith.constant -1.250000e-01 : f32
        %mul3A_301 = vector.broadcast %mul3A_300 : f32 to vector<16xf32>
        %mul3A_302 = arith.mulf %mul3A_301, %sub3A_299 : vector<16xf32>
        %add3A_303 = arith.constant 0.142857149 : f32
        %add3A_304 = vector.broadcast %add3A_303 : f32 to vector<16xf32>
        %add3A_305 = arith.addf %mul3A_302, %add3A_304 : vector<16xf32>
        %mul3A_306 = arith.mulf %add3A_305, %sub3A_299 : vector<16xf32>
        %sub3A_307 = arith.constant 0.166666672 : f32
        %sub3A_308 = vector.broadcast %sub3A_307 : f32 to vector<16xf32>
        %sub3A_309 = arith.subf %mul3A_306, %sub3A_308 : vector<16xf32>
        %mul3A_310 = arith.mulf %sub3A_309, %sub3A_299 : vector<16xf32>
        %add3A_311 = arith.constant 2.000000e-01 : f32
        %add3A_312 = vector.broadcast %add3A_311 : f32 to vector<16xf32>
        %add3A_313 = arith.addf %mul3A_310, %add3A_312 : vector<16xf32>
        %mul3A_314 = arith.mulf %add3A_313, %sub3A_299 : vector<16xf32>
        %sub3A_315 = arith.constant 2.500000e-01 : f32
        %sub3A_316 = vector.broadcast %sub3A_315 : f32 to vector<16xf32>
        %sub3A_317 = arith.subf %mul3A_314, %sub3A_316 : vector<16xf32>
        %mul3A_318 = arith.mulf %sub3A_317, %sub3A_299 : vector<16xf32>
        %add3A_319 = arith.constant 0.333333343 : f32
        %add3A_320 = vector.broadcast %add3A_319 : f32 to vector<16xf32>
        %add3A_321 = arith.addf %mul3A_318, %add3A_320 : vector<16xf32>
        %mul3A_322 = arith.mulf %add3A_321, %sub3A_299 : vector<16xf32>
        %sub3A_323 = arith.constant 5.000000e-01 : f32
        %sub3A_324 = vector.broadcast %sub3A_323 : f32 to vector<16xf32>
        %sub3A_325 = arith.subf %mul3A_322, %sub3A_324 : vector<16xf32>
        %mul3A_326 = arith.mulf %sub3A_325, %sub3A_299 : vector<16xf32>
        %add3A_327 = arith.constant 1.000000e+00 : f32
        %add3A_328 = vector.broadcast %add3A_327 : f32 to vector<16xf32>
        %add3A_329 = arith.addf %mul3A_326, %add3A_328 : vector<16xf32>
        %mul3A_330 = arith.mulf %sub3A_299, %add3A_329 : vector<16xf32>
        %mul3A_331 = arith.constant 0.693147182 : f32
        %mul3A_332 = vector.broadcast %mul3A_331 : f32 to vector<16xf32>
        %mul3A_333 = arith.mulf %convert_element_type3A, %mul3A_332 : vector<16xf32>
        %add3A_334 = arith.addf %mul3A_333, %mul3A_330 : vector<16xf32>
        %bitcast_convert_type3A_335 = tpu.bitcast %add3A_334 : vector<16xf32> -> vector<16xi32>
        %or3A_336 = arith.ori %bitcast_convert_type3A_335, %and3A_268 : vector<16xi32>
        %bitcast_convert_type3A_337 = tpu.bitcast %or3A_336 : vector<16xi32> -> vector<16xf32>
        %select_n3A_338 = arith.select %gt3A_50, %bitcast_convert_type3A_337, %get3A_266 : vector<16xi1>, vector<16xf32>
        %add3A_339 = arith.constant 1.000000e-35 : f32
        %add3A_340 = vector.broadcast %add3A_339 : f32 to vector<16xf32>
        %add3A_341 = arith.addf %bitcast_convert_type3A_272, %add3A_340 : vector<16xf32>
        %bitcast_convert_type3A_342 = tpu.bitcast %add3A_341 : vector<16xf32> -> vector<16xi32>
        %shift_right_logical3A_343 = arith.constant 1 : i32
        %shift_right_logical3A_344 = vector.broadcast %shift_right_logical3A_343 : i32 to vector<16xi32>
        %shift_right_logical3A_345 = arith.shrui %bitcast_convert_type3A_342, %shift_right_logical3A_344 : vector<16xi32>
        %sub3A_346 = arith.constant 1597463007 : i32
        %sub3A_347 = vector.broadcast %sub3A_346 : i32 to vector<16xi32>
        %sub3A_348 = arith.subi %sub3A_347, %shift_right_logical3A_345 : vector<16xi32>
        %bitcast_convert_type3A_349 = tpu.bitcast %sub3A_348 : vector<16xi32> -> vector<16xf32>
        %mul3A_350 = arith.constant 5.000000e-01 : f32
        %mul3A_351 = vector.broadcast %mul3A_350 : f32 to vector<16xf32>
        %mul3A_352 = arith.mulf %mul3A_351, %add3A_341 : vector<16xf32>
        %mul3A_353 = arith.mulf %mul3A_352, %bitcast_convert_type3A_349 : vector<16xf32>
        %mul3A_354 = arith.mulf %mul3A_353, %bitcast_convert_type3A_349 : vector<16xf32>
        %sub3A_355 = arith.constant 1.500000e+00 : f32
        %sub3A_356 = vector.broadcast %sub3A_355 : f32 to vector<16xf32>
        %sub3A_357 = arith.subf %sub3A_356, %mul3A_354 : vector<16xf32>
        %mul3A_358 = arith.mulf %bitcast_convert_type3A_349, %sub3A_357 : vector<16xf32>
        %mul3A_359 = arith.constant 5.000000e-01 : f32
        %mul3A_360 = vector.broadcast %mul3A_359 : f32 to vector<16xf32>
        %mul3A_361 = arith.mulf %mul3A_360, %add3A_341 : vector<16xf32>
        %mul3A_362 = arith.mulf %mul3A_361, %mul3A_358 : vector<16xf32>
        %mul3A_363 = arith.mulf %mul3A_362, %mul3A_358 : vector<16xf32>
        %sub3A_364 = arith.constant 1.500000e+00 : f32
        %sub3A_365 = vector.broadcast %sub3A_364 : f32 to vector<16xf32>
        %sub3A_366 = arith.subf %sub3A_365, %mul3A_363 : vector<16xf32>
        %mul3A_367 = arith.mulf %mul3A_358, %sub3A_366 : vector<16xf32>
        %mul3A_368 = arith.mulf %add3A_341, %mul3A_367 : vector<16xf32>
        %bitcast_convert_type3A_369 = tpu.bitcast %mul3A_368 : vector<16xf32> -> vector<16xi32>
        %or3A_370 = arith.ori %bitcast_convert_type3A_369, %and3A_268 : vector<16xi32>
        %bitcast_convert_type3A_371 = tpu.bitcast %or3A_370 : vector<16xi32> -> vector<16xf32>
        %select_n3A_372 = arith.select %gt3A_58, %bitcast_convert_type3A_371, %select_n3A_338 : vector<16xi1>, vector<16xf32>
        %mul3A_373 = arith.mulf %get3A_266, %get3A_266 : vector<16xf32>
        %select_n3A_374 = arith.select %gt3A_66, %mul3A_373, %select_n3A_372 : vector<16xi1>, vector<16xf32>
        %swap3A = arith.index_cast %scan3A_261 : i32 to index
        %swap3A_375 = arith.constant 16 : index
        %swap3A_376 = tpu.vector_load %arg7[%swap3A, %swap3A_375] {strides = array<i32>} : memref<128x128xf32, #tpu.memory_space<vmem>>, vector<1x16xf32>,
        %swap3A_377 = vector.shape_cast %swap3A_376 : vector<1x16xf32> to vector<16xf32>
        %swap3A_378 = vector.shape_cast %select_n3A_374 : vector<16xf32> to vector<1x16xf32>
        tpu.vector_store %arg7[%swap3A, %swap3A_375], %swap3A_378 {strides = array<i32>} : memref<128x128xf32, #tpu.memory_space<vmem>>, vector<1x16xf32>,
        %scan3A_379 = arith.constant 0 : i32
        %scan3A_380 = arith.constant 1 : i32
        %scan3A_381 = arith.addi %scan3A_261, %scan3A_380 : i32
        %get3A_382 = arith.index_cast %scan3A_381 : i32 to index
        %get3A_383 = arith.constant 16 : index
        %get3A_384 = tpu.vector_load %arg6[%get3A_382, %get3A_383] {strides = array<i32>} : memref<128x128xf32, #tpu.memory_space<vmem>>, vector<1x16xf32>,
        %get3A_385 = vector.shape_cast %get3A_384 : vector<1x16xf32> to vector<16xf32>
        %bitcast_convert_type3A_386 = tpu.bitcast %get3A_385 : vector<16xf32> -> vector<16xi32>
        %and3A_387 = arith.constant -2147483648 : i32
        %and3A_388 = vector.broadcast %and3A_387 : i32 to vector<16xi32>
        %and3A_389 = arith.andi %bitcast_convert_type3A_386, %and3A_388 : vector<16xi32>
        %and3A_390 = arith.constant 2147483647 : i32
        %and3A_391 = vector.broadcast %and3A_390 : i32 to vector<16xi32>
        %and3A_392 = arith.andi %bitcast_convert_type3A_386, %and3A_391 : vector<16xi32>
        %bitcast_convert_type3A_393 = tpu.bitcast %and3A_392 : vector<16xi32> -> vector<16xf32>
        %add3A_394 = arith.constant 1.000000e+00 : f32
        %add3A_395 = vector.broadcast %add3A_394 : f32 to vector<16xf32>
        %add3A_396 = arith.addf %bitcast_convert_type3A_393, %add3A_395 : vector<16xf32>
        %bitcast_convert_type3A_397 = tpu.bitcast %add3A_396 : vector<16xf32> -> vector<16xi32>
        %shift_right_logical3A_398 = arith.constant 23 : i32
        %shift_right_logical3A_399 = vector.broadcast %shift_right_logical3A_398 : i32 to vector<16xi32>
        %shift_right_logical3A_400 = arith.shrui %bitcast_convert_type3A_397, %shift_right_logical3A_399 : vector<16xi32>
        %sub3A_401 = arith.constant 127 : i32
        %sub3A_402 = vector.broadcast %sub3A_401 : i32 to vector<16xi32>
        %sub3A_403 = arith.subi %shift_right_logical3A_400, %sub3A_402 : vector<16xi32>
        %and3A_404 = arith.constant 8388607 : i32
        %and3A_405 = vector.broadcast %and3A_404 : i32 to vector<16xi32>
        %and3A_406 = arith.andi %bitcast_convert_type3A_397, %and3A_405 : vector<16xi32>
        %or3A_407 = arith.constant 1065353216 : i32
        %or3A_408 = vector.broadcast %or3A_407 : i32 to vector<16xi32>
        %or3A_409 = arith.ori %and3A_406, %or3A_408 : vector<16xi32>
        %bitcast_convert_type3A_410 = tpu.bitcast %or3A_409 : vector<16xi32> -> vector<16xf32>
        %gt3A_411 = arith.constant 1.41421354 : f32
        %gt3A_412 = vector.broadcast %gt3A_411 : f32 to vector<16xf32>
        %gt3A_413 = arith.cmpf ogt, %bitcast_convert_type3A_410, %gt3A_412 : vector<16xf32>
        %mul3A_414 = arith.constant 5.000000e-01 : f32
        %mul3A_415 = vector.broadcast %mul3A_414 : f32 to vector<16xf32>
        %mul3A_416 = arith.mulf %bitcast_convert_type3A_410, %mul3A_415 : vector<16xf32>
        %select_n3A_417 = arith.select %gt3A_413, %mul3A_416, %bitcast_convert_type3A_410 : vector<16xi1>, vector<16xf32>
        %jit3A_418 = arith.constant 1 : i32
        %jit3A_419 = arith.constant 0 : i32
        %broadcast_in_dim3A_420 = vector.broadcast %jit3A_418 : i32 to vector<16xi32>
        %broadcast_in_dim3A_421 = vector.broadcast %jit3A_419 : i32 to vector<16xi32>
        %select_n3A_422 = arith.select %gt3A_413, %broadcast_in_dim3A_420, %broadcast_in_dim3A_421 : vector<16xi1>, vector<16xi32>
        %add3A_423 = arith.addi %sub3A_403, %select_n3A_422 : vector<16xi32>
        %convert_element_type3A_424 = arith.sitofp %add3A_423 : vector<16xi32> to vector<16xf32>
        %sub3A_425 = arith.constant 1.000000e+00 : f32
        %sub3A_426 = vector.broadcast %sub3A_425 : f32 to vector<16xf32>
        %sub3A_427 = arith.subf %select_n3A_417, %sub3A_426 : vector<16xf32>
        %mul3A_428 = arith.constant -1.250000e-01 : f32
        %mul3A_429 = vector.broadcast %mul3A_428 : f32 to vector<16xf32>
        %mul3A_430 = arith.mulf %mul3A_429, %sub3A_427 : vector<16xf32>
        %add3A_431 = arith.constant 0.142857149 : f32
        %add3A_432 = vector.broadcast %add3A_431 : f32 to vector<16xf32>
        %add3A_433 = arith.addf %mul3A_430, %add3A_432 : vector<16xf32>
        %mul3A_434 = arith.mulf %add3A_433, %sub3A_427 : vector<16xf32>
        %sub3A_435 = arith.constant 0.166666672 : f32
        %sub3A_436 = vector.broadcast %sub3A_435 : f32 to vector<16xf32>
        %sub3A_437 = arith.subf %mul3A_434, %sub3A_436 : vector<16xf32>
        %mul3A_438 = arith.mulf %sub3A_437, %sub3A_427 : vector<16xf32>
        %add3A_439 = arith.constant 2.000000e-01 : f32
        %add3A_440 = vector.broadcast %add3A_439 : f32 to vector<16xf32>
        %add3A_441 = arith.addf %mul3A_438, %add3A_440 : vector<16xf32>
        %mul3A_442 = arith.mulf %add3A_441, %sub3A_427 : vector<16xf32>
        %sub3A_443 = arith.constant 2.500000e-01 : f32
        %sub3A_444 = vector.broadcast %sub3A_443 : f32 to vector<16xf32>
        %sub3A_445 = arith.subf %mul3A_442, %sub3A_444 : vector<16xf32>
        %mul3A_446 = arith.mulf %sub3A_445, %sub3A_427 : vector<16xf32>
        %add3A_447 = arith.constant 0.333333343 : f32
        %add3A_448 = vector.broadcast %add3A_447 : f32 to vector<16xf32>
        %add3A_449 = arith.addf %mul3A_446, %add3A_448 : vector<16xf32>
        %mul3A_450 = arith.mulf %add3A_449, %sub3A_427 : vector<16xf32>
        %sub3A_451 = arith.constant 5.000000e-01 : f32
        %sub3A_452 = vector.broadcast %sub3A_451 : f32 to vector<16xf32>
        %sub3A_453 = arith.subf %mul3A_450, %sub3A_452 : vector<16xf32>
        %mul3A_454 = arith.mulf %sub3A_453, %sub3A_427 : vector<16xf32>
        %add3A_455 = arith.constant 1.000000e+00 : f32
        %add3A_456 = vector.broadcast %add3A_455 : f32 to vector<16xf32>
        %add3A_457 = arith.addf %mul3A_454, %add3A_456 : vector<16xf32>
        %mul3A_458 = arith.mulf %sub3A_427, %add3A_457 : vector<16xf32>
        %mul3A_459 = arith.constant 0.693147182 : f32
        %mul3A_460 = vector.broadcast %mul3A_459 : f32 to vector<16xf32>
        %mul3A_461 = arith.mulf %convert_element_type3A_424, %mul3A_460 : vector<16xf32>
        %add3A_462 = arith.addf %mul3A_461, %mul3A_458 : vector<16xf32>
        %bitcast_convert_type3A_463 = tpu.bitcast %add3A_462 : vector<16xf32> -> vector<16xi32>
        %or3A_464 = arith.ori %bitcast_convert_type3A_463, %and3A_389 : vector<16xi32>
        %bitcast_convert_type3A_465 = tpu.bitcast %or3A_464 : vector<16xi32> -> vector<16xf32>
        %select_n3A_466 = arith.select %gt3A_50, %bitcast_convert_type3A_465, %get3A_385 : vector<16xi1>, vector<16xf32>
        %add3A_467 = arith.constant 1.000000e-35 : f32
        %add3A_468 = vector.broadcast %add3A_467 : f32 to vector<16xf32>
        %add3A_469 = arith.addf %bitcast_convert_type3A_393, %add3A_468 : vector<16xf32>
        %bitcast_convert_type3A_470 = tpu.bitcast %add3A_469 : vector<16xf32> -> vector<16xi32>
        %shift_right_logical3A_471 = arith.constant 1 : i32
        %shift_right_logical3A_472 = vector.broadcast %shift_right_logical3A_471 : i32 to vector<16xi32>
        %shift_right_logical3A_473 = arith.shrui %bitcast_convert_type3A_470, %shift_right_logical3A_472 : vector<16xi32>
        %sub3A_474 = arith.constant 1597463007 : i32
        %sub3A_475 = vector.broadcast %sub3A_474 : i32 to vector<16xi32>
        %sub3A_476 = arith.subi %sub3A_475, %shift_right_logical3A_473 : vector<16xi32>
        %bitcast_convert_type3A_477 = tpu.bitcast %sub3A_476 : vector<16xi32> -> vector<16xf32>
        %mul3A_478 = arith.constant 5.000000e-01 : f32
        %mul3A_479 = vector.broadcast %mul3A_478 : f32 to vector<16xf32>
        %mul3A_480 = arith.mulf %mul3A_479, %add3A_469 : vector<16xf32>
        %mul3A_481 = arith.mulf %mul3A_480, %bitcast_convert_type3A_477 : vector<16xf32>
        %mul3A_482 = arith.mulf %mul3A_481, %bitcast_convert_type3A_477 : vector<16xf32>
        %sub3A_483 = arith.constant 1.500000e+00 : f32
        %sub3A_484 = vector.broadcast %sub3A_483 : f32 to vector<16xf32>
        %sub3A_485 = arith.subf %sub3A_484, %mul3A_482 : vector<16xf32>
        %mul3A_486 = arith.mulf %bitcast_convert_type3A_477, %sub3A_485 : vector<16xf32>
        %mul3A_487 = arith.constant 5.000000e-01 : f32
        %mul3A_488 = vector.broadcast %mul3A_487 : f32 to vector<16xf32>
        %mul3A_489 = arith.mulf %mul3A_488, %add3A_469 : vector<16xf32>
        %mul3A_490 = arith.mulf %mul3A_489, %mul3A_486 : vector<16xf32>
        %mul3A_491 = arith.mulf %mul3A_490, %mul3A_486 : vector<16xf32>
        %sub3A_492 = arith.constant 1.500000e+00 : f32
        %sub3A_493 = vector.broadcast %sub3A_492 : f32 to vector<16xf32>
        %sub3A_494 = arith.subf %sub3A_493, %mul3A_491 : vector<16xf32>
        %mul3A_495 = arith.mulf %mul3A_486, %sub3A_494 : vector<16xf32>
        %mul3A_496 = arith.mulf %add3A_469, %mul3A_495 : vector<16xf32>
        %bitcast_convert_type3A_497 = tpu.bitcast %mul3A_496 : vector<16xf32> -> vector<16xi32>
        %or3A_498 = arith.ori %bitcast_convert_type3A_497, %and3A_389 : vector<16xi32>
        %bitcast_convert_type3A_499 = tpu.bitcast %or3A_498 : vector<16xi32> -> vector<16xf32>
        %select_n3A_500 = arith.select %gt3A_58, %bitcast_convert_type3A_499, %select_n3A_466 : vector<16xi1>, vector<16xf32>
        %mul3A_501 = arith.mulf %get3A_385, %get3A_385 : vector<16xf32>
        %select_n3A_502 = arith.select %gt3A_66, %mul3A_501, %select_n3A_500 : vector<16xi1>, vector<16xf32>
        %swap3A_503 = arith.index_cast %scan3A_381 : i32 to index
        %swap3A_504 = arith.constant 16 : index
        %swap3A_505 = tpu.vector_load %arg7[%swap3A_503, %swap3A_504] {strides = array<i32>} : memref<128x128xf32, #tpu.memory_space<vmem>>, vector<1x16xf32>,
        %swap3A_506 = vector.shape_cast %swap3A_505 : vector<1x16xf32> to vector<16xf32>
        %swap3A_507 = vector.shape_cast %select_n3A_502 : vector<16xf32> to vector<1x16xf32>
        tpu.vector_store %arg7[%swap3A_503, %swap3A_504], %swap3A_507 {strides = array<i32>} : memref<128x128xf32, #tpu.memory_space<vmem>>, vector<1x16xf32>,
        %scan3A_508 = arith.constant 0 : i32
        %scan3A_509 = arith.constant 2 : i32
        %scan3A_510 = arith.addi %scan3A_261, %scan3A_509 : i32
        %get3A_511 = arith.index_cast %scan3A_510 : i32 to index
        %get3A_512 = arith.constant 16 : index
        %get3A_513 = tpu.vector_load %arg6[%get3A_511, %get3A_512] {strides = array<i32>} : memref<128x128xf32, #tpu.memory_space<vmem>>, vector<1x16xf32>,
        %get3A_514 = vector.shape_cast %get3A_513 : vector<1x16xf32> to vector<16xf32>
        %bitcast_convert_type3A_515 = tpu.bitcast %get3A_514 : vector<16xf32> -> vector<16xi32>
        %and3A_516 = arith.constant -2147483648 : i32
        %and3A_517 = vector.broadcast %and3A_516 : i32 to vector<16xi32>
        %and3A_518 = arith.andi %bitcast_convert_type3A_515, %and3A_517 : vector<16xi32>
        %and3A_519 = arith.constant 2147483647 : i32
        %and3A_520 = vector.broadcast %and3A_519 : i32 to vector<16xi32>
        %and3A_521 = arith.andi %bitcast_convert_type3A_515, %and3A_520 : vector<16xi32>
        %bitcast_convert_type3A_522 = tpu.bitcast %and3A_521 : vector<16xi32> -> vector<16xf32>
        %add3A_523 = arith.constant 1.000000e+00 : f32
        %add3A_524 = vector.broadcast %add3A_523 : f32 to vector<16xf32>
        %add3A_525 = arith.addf %bitcast_convert_type3A_522, %add3A_524 : vector<16xf32>
        %bitcast_convert_type3A_526 = tpu.bitcast %add3A_525 : vector<16xf32> -> vector<16xi32>
        %shift_right_logical3A_527 = arith.constant 23 : i32
        %shift_right_logical3A_528 = vector.broadcast %shift_right_logical3A_527 : i32 to vector<16xi32>
        %shift_right_logical3A_529 = arith.shrui %bitcast_convert_type3A_526, %shift_right_logical3A_528 : vector<16xi32>
        %sub3A_530 = arith.constant 127 : i32
        %sub3A_531 = vector.broadcast %sub3A_530 : i32 to vector<16xi32>
        %sub3A_532 = arith.subi %shift_right_logical3A_529, %sub3A_531 : vector<16xi32>
        %and3A_533 = arith.constant 8388607 : i32
        %and3A_534 = vector.broadcast %and3A_533 : i32 to vector<16xi32>
        %and3A_535 = arith.andi %bitcast_convert_type3A_526, %and3A_534 : vector<16xi32>
        %or3A_536 = arith.constant 1065353216 : i32
        %or3A_537 = vector.broadcast %or3A_536 : i32 to vector<16xi32>
        %or3A_538 = arith.ori %and3A_535, %or3A_537 : vector<16xi32>
        %bitcast_convert_type3A_539 = tpu.bitcast %or3A_538 : vector<16xi32> -> vector<16xf32>
        %gt3A_540 = arith.constant 1.41421354 : f32
        %gt3A_541 = vector.broadcast %gt3A_540 : f32 to vector<16xf32>
        %gt3A_542 = arith.cmpf ogt, %bitcast_convert_type3A_539, %gt3A_541 : vector<16xf32>
        %mul3A_543 = arith.constant 5.000000e-01 : f32
        %mul3A_544 = vector.broadcast %mul3A_543 : f32 to vector<16xf32>
        %mul3A_545 = arith.mulf %bitcast_convert_type3A_539, %mul3A_544 : vector<16xf32>
        %select_n3A_546 = arith.select %gt3A_542, %mul3A_545, %bitcast_convert_type3A_539 : vector<16xi1>, vector<16xf32>
        %jit3A_547 = arith.constant 1 : i32
        %jit3A_548 = arith.constant 0 : i32
        %broadcast_in_dim3A_549 = vector.broadcast %jit3A_547 : i32 to vector<16xi32>
        %broadcast_in_dim3A_550 = vector.broadcast %jit3A_548 : i32 to vector<16xi32>
        %select_n3A_551 = arith.select %gt3A_542, %broadcast_in_dim3A_549, %broadcast_in_dim3A_550 : vector<16xi1>, vector<16xi32>
        %add3A_552 = arith.addi %sub3A_532, %select_n3A_551 : vector<16xi32>
        %convert_element_type3A_553 = arith.sitofp %add3A_552 : vector<16xi32> to vector<16xf32>
        %sub3A_554 = arith.constant 1.000000e+00 : f32
        %sub3A_555 = vector.broadcast %sub3A_554 : f32 to vector<16xf32>
        %sub3A_556 = arith.subf %select_n3A_546, %sub3A_555 : vector<16xf32>
        %mul3A_557 = arith.constant -1.250000e-01 : f32
        %mul3A_558 = vector.broadcast %mul3A_557 : f32 to vector<16xf32>
        %mul3A_559 = arith.mulf %mul3A_558, %sub3A_556 : vector<16xf32>
        %add3A_560 = arith.constant 0.142857149 : f32
        %add3A_561 = vector.broadcast %add3A_560 : f32 to vector<16xf32>
        %add3A_562 = arith.addf %mul3A_559, %add3A_561 : vector<16xf32>
        %mul3A_563 = arith.mulf %add3A_562, %sub3A_556 : vector<16xf32>
        %sub3A_564 = arith.constant 0.166666672 : f32
        %sub3A_565 = vector.broadcast %sub3A_564 : f32 to vector<16xf32>
        %sub3A_566 = arith.subf %mul3A_563, %sub3A_565 : vector<16xf32>
        %mul3A_567 = arith.mulf %sub3A_566, %sub3A_556 : vector<16xf32>
        %add3A_568 = arith.constant 2.000000e-01 : f32
        %add3A_569 = vector.broadcast %add3A_568 : f32 to vector<16xf32>
        %add3A_570 = arith.addf %mul3A_567, %add3A_569 : vector<16xf32>
        %mul3A_571 = arith.mulf %add3A_570, %sub3A_556 : vector<16xf32>
        %sub3A_572 = arith.constant 2.500000e-01 : f32
        %sub3A_573 = vector.broadcast %sub3A_572 : f32 to vector<16xf32>
        %sub3A_574 = arith.subf %mul3A_571, %sub3A_573 : vector<16xf32>
        %mul3A_575 = arith.mulf %sub3A_574, %sub3A_556 : vector<16xf32>
        %add3A_576 = arith.constant 0.333333343 : f32
        %add3A_577 = vector.broadcast %add3A_576 : f32 to vector<16xf32>
        %add3A_578 = arith.addf %mul3A_575, %add3A_577 : vector<16xf32>
        %mul3A_579 = arith.mulf %add3A_578, %sub3A_556 : vector<16xf32>
        %sub3A_580 = arith.constant 5.000000e-01 : f32
        %sub3A_581 = vector.broadcast %sub3A_580 : f32 to vector<16xf32>
        %sub3A_582 = arith.subf %mul3A_579, %sub3A_581 : vector<16xf32>
        %mul3A_583 = arith.mulf %sub3A_582, %sub3A_556 : vector<16xf32>
        %add3A_584 = arith.constant 1.000000e+00 : f32
        %add3A_585 = vector.broadcast %add3A_584 : f32 to vector<16xf32>
        %add3A_586 = arith.addf %mul3A_583, %add3A_585 : vector<16xf32>
        %mul3A_587 = arith.mulf %sub3A_556, %add3A_586 : vector<16xf32>
        %mul3A_588 = arith.constant 0.693147182 : f32
        %mul3A_589 = vector.broadcast %mul3A_588 : f32 to vector<16xf32>
        %mul3A_590 = arith.mulf %convert_element_type3A_553, %mul3A_589 : vector<16xf32>
        %add3A_591 = arith.addf %mul3A_590, %mul3A_587 : vector<16xf32>
        %bitcast_convert_type3A_592 = tpu.bitcast %add3A_591 : vector<16xf32> -> vector<16xi32>
        %or3A_593 = arith.ori %bitcast_convert_type3A_592, %and3A_518 : vector<16xi32>
        %bitcast_convert_type3A_594 = tpu.bitcast %or3A_593 : vector<16xi32> -> vector<16xf32>
        %select_n3A_595 = arith.select %gt3A_50, %bitcast_convert_type3A_594, %get3A_514 : vector<16xi1>, vector<16xf32>
        %add3A_596 = arith.constant 1.000000e-35 : f32
        %add3A_597 = vector.broadcast %add3A_596 : f32 to vector<16xf32>
        %add3A_598 = arith.addf %bitcast_convert_type3A_522, %add3A_597 : vector<16xf32>
        %bitcast_convert_type3A_599 = tpu.bitcast %add3A_598 : vector<16xf32> -> vector<16xi32>
        %shift_right_logical3A_600 = arith.constant 1 : i32
        %shift_right_logical3A_601 = vector.broadcast %shift_right_logical3A_600 : i32 to vector<16xi32>
        %shift_right_logical3A_602 = arith.shrui %bitcast_convert_type3A_599, %shift_right_logical3A_601 : vector<16xi32>
        %sub3A_603 = arith.constant 1597463007 : i32
        %sub3A_604 = vector.broadcast %sub3A_603 : i32 to vector<16xi32>
        %sub3A_605 = arith.subi %sub3A_604, %shift_right_logical3A_602 : vector<16xi32>
        %bitcast_convert_type3A_606 = tpu.bitcast %sub3A_605 : vector<16xi32> -> vector<16xf32>
        %mul3A_607 = arith.constant 5.000000e-01 : f32
        %mul3A_608 = vector.broadcast %mul3A_607 : f32 to vector<16xf32>
        %mul3A_609 = arith.mulf %mul3A_608, %add3A_598 : vector<16xf32>
        %mul3A_610 = arith.mulf %mul3A_609, %bitcast_convert_type3A_606 : vector<16xf32>
        %mul3A_611 = arith.mulf %mul3A_610, %bitcast_convert_type3A_606 : vector<16xf32>
        %sub3A_612 = arith.constant 1.500000e+00 : f32
        %sub3A_613 = vector.broadcast %sub3A_612 : f32 to vector<16xf32>
        %sub3A_614 = arith.subf %sub3A_613, %mul3A_611 : vector<16xf32>
        %mul3A_615 = arith.mulf %bitcast_convert_type3A_606, %sub3A_614 : vector<16xf32>
        %mul3A_616 = arith.constant 5.000000e-01 : f32
        %mul3A_617 = vector.broadcast %mul3A_616 : f32 to vector<16xf32>
        %mul3A_618 = arith.mulf %mul3A_617, %add3A_598 : vector<16xf32>
        %mul3A_619 = arith.mulf %mul3A_618, %mul3A_615 : vector<16xf32>
        %mul3A_620 = arith.mulf %mul3A_619, %mul3A_615 : vector<16xf32>
        %sub3A_621 = arith.constant 1.500000e+00 : f32
        %sub3A_622 = vector.broadcast %sub3A_621 : f32 to vector<16xf32>
        %sub3A_623 = arith.subf %sub3A_622, %mul3A_620 : vector<16xf32>
        %mul3A_624 = arith.mulf %mul3A_615, %sub3A_623 : vector<16xf32>
        %mul3A_625 = arith.mulf %add3A_598, %mul3A_624 : vector<16xf32>
        %bitcast_convert_type3A_626 = tpu.bitcast %mul3A_625 : vector<16xf32> -> vector<16xi32>
        %or3A_627 = arith.ori %bitcast_convert_type3A_626, %and3A_518 : vector<16xi32>
        %bitcast_convert_type3A_628 = tpu.bitcast %or3A_627 : vector<16xi32> -> vector<16xf32>
        %select_n3A_629 = arith.select %gt3A_58, %bitcast_convert_type3A_628, %select_n3A_595 : vector<16xi1>, vector<16xf32>
        %mul3A_630 = arith.mulf %get3A_514, %get3A_514 : vector<16xf32>
        %select_n3A_631 = arith.select %gt3A_66, %mul3A_630, %select_n3A_629 : vector<16xi1>, vector<16xf32>
        %swap3A_632 = arith.index_cast %scan3A_510 : i32 to index
        %swap3A_633 = arith.constant 16 : index
        %swap3A_634 = tpu.vector_load %arg7[%swap3A_632, %swap3A_633] {strides = array<i32>} : memref<128x128xf32, #tpu.memory_space<vmem>>, vector<1x16xf32>,
        %swap3A_635 = vector.shape_cast %swap3A_634 : vector<1x16xf32> to vector<16xf32>
        %swap3A_636 = vector.shape_cast %select_n3A_631 : vector<16xf32> to vector<1x16xf32>
        tpu.vector_store %arg7[%swap3A_632, %swap3A_633], %swap3A_636 {strides = array<i32>} : memref<128x128xf32, #tpu.memory_space<vmem>>, vector<1x16xf32>,
        %scan3A_637 = arith.constant 0 : i32
        %scan3A_638 = arith.constant 3 : i32
        %scan3A_639 = arith.addi %scan3A_261, %scan3A_638 : i32
        %get3A_640 = arith.index_cast %scan3A_639 : i32 to index
        %get3A_641 = arith.constant 16 : index
        %get3A_642 = tpu.vector_load %arg6[%get3A_640, %get3A_641] {strides = array<i32>} : memref<128x128xf32, #tpu.memory_space<vmem>>, vector<1x16xf32>,
        %get3A_643 = vector.shape_cast %get3A_642 : vector<1x16xf32> to vector<16xf32>
        %bitcast_convert_type3A_644 = tpu.bitcast %get3A_643 : vector<16xf32> -> vector<16xi32>
        %and3A_645 = arith.constant -2147483648 : i32
        %and3A_646 = vector.broadcast %and3A_645 : i32 to vector<16xi32>
        %and3A_647 = arith.andi %bitcast_convert_type3A_644, %and3A_646 : vector<16xi32>
        %and3A_648 = arith.constant 2147483647 : i32
        %and3A_649 = vector.broadcast %and3A_648 : i32 to vector<16xi32>
        %and3A_650 = arith.andi %bitcast_convert_type3A_644, %and3A_649 : vector<16xi32>
        %bitcast_convert_type3A_651 = tpu.bitcast %and3A_650 : vector<16xi32> -> vector<16xf32>
        %add3A_652 = arith.constant 1.000000e+00 : f32
        %add3A_653 = vector.broadcast %add3A_652 : f32 to vector<16xf32>
        %add3A_654 = arith.addf %bitcast_convert_type3A_651, %add3A_653 : vector<16xf32>
        %bitcast_convert_type3A_655 = tpu.bitcast %add3A_654 : vector<16xf32> -> vector<16xi32>
        %shift_right_logical3A_656 = arith.constant 23 : i32
        %shift_right_logical3A_657 = vector.broadcast %shift_right_logical3A_656 : i32 to vector<16xi32>
        %shift_right_logical3A_658 = arith.shrui %bitcast_convert_type3A_655, %shift_right_logical3A_657 : vector<16xi32>
        %sub3A_659 = arith.constant 127 : i32
        %sub3A_660 = vector.broadcast %sub3A_659 : i32 to vector<16xi32>
        %sub3A_661 = arith.subi %shift_right_logical3A_658, %sub3A_660 : vector<16xi32>
        %and3A_662 = arith.constant 8388607 : i32
        %and3A_663 = vector.broadcast %and3A_662 : i32 to vector<16xi32>
        %and3A_664 = arith.andi %bitcast_convert_type3A_655, %and3A_663 : vector<16xi32>
        %or3A_665 = arith.constant 1065353216 : i32
        %or3A_666 = vector.broadcast %or3A_665 : i32 to vector<16xi32>
        %or3A_667 = arith.ori %and3A_664, %or3A_666 : vector<16xi32>
        %bitcast_convert_type3A_668 = tpu.bitcast %or3A_667 : vector<16xi32> -> vector<16xf32>
        %gt3A_669 = arith.constant 1.41421354 : f32
        %gt3A_670 = vector.broadcast %gt3A_669 : f32 to vector<16xf32>
        %gt3A_671 = arith.cmpf ogt, %bitcast_convert_type3A_668, %gt3A_670 : vector<16xf32>
        %mul3A_672 = arith.constant 5.000000e-01 : f32
        %mul3A_673 = vector.broadcast %mul3A_672 : f32 to vector<16xf32>
        %mul3A_674 = arith.mulf %bitcast_convert_type3A_668, %mul3A_673 : vector<16xf32>
        %select_n3A_675 = arith.select %gt3A_671, %mul3A_674, %bitcast_convert_type3A_668 : vector<16xi1>, vector<16xf32>
        %jit3A_676 = arith.constant 1 : i32
        %jit3A_677 = arith.constant 0 : i32
        %broadcast_in_dim3A_678 = vector.broadcast %jit3A_676 : i32 to vector<16xi32>
        %broadcast_in_dim3A_679 = vector.broadcast %jit3A_677 : i32 to vector<16xi32>
        %select_n3A_680 = arith.select %gt3A_671, %broadcast_in_dim3A_678, %broadcast_in_dim3A_679 : vector<16xi1>, vector<16xi32>
        %add3A_681 = arith.addi %sub3A_661, %select_n3A_680 : vector<16xi32>
        %convert_element_type3A_682 = arith.sitofp %add3A_681 : vector<16xi32> to vector<16xf32>
        %sub3A_683 = arith.constant 1.000000e+00 : f32
        %sub3A_684 = vector.broadcast %sub3A_683 : f32 to vector<16xf32>
        %sub3A_685 = arith.subf %select_n3A_675, %sub3A_684 : vector<16xf32>
        %mul3A_686 = arith.constant -1.250000e-01 : f32
        %mul3A_687 = vector.broadcast %mul3A_686 : f32 to vector<16xf32>
        %mul3A_688 = arith.mulf %mul3A_687, %sub3A_685 : vector<16xf32>
        %add3A_689 = arith.constant 0.142857149 : f32
        %add3A_690 = vector.broadcast %add3A_689 : f32 to vector<16xf32>
        %add3A_691 = arith.addf %mul3A_688, %add3A_690 : vector<16xf32>
        %mul3A_692 = arith.mulf %add3A_691, %sub3A_685 : vector<16xf32>
        %sub3A_693 = arith.constant 0.166666672 : f32
        %sub3A_694 = vector.broadcast %sub3A_693 : f32 to vector<16xf32>
        %sub3A_695 = arith.subf %mul3A_692, %sub3A_694 : vector<16xf32>
        %mul3A_696 = arith.mulf %sub3A_695, %sub3A_685 : vector<16xf32>
        %add3A_697 = arith.constant 2.000000e-01 : f32
        %add3A_698 = vector.broadcast %add3A_697 : f32 to vector<16xf32>
        %add3A_699 = arith.addf %mul3A_696, %add3A_698 : vector<16xf32>
        %mul3A_700 = arith.mulf %add3A_699, %sub3A_685 : vector<16xf32>
        %sub3A_701 = arith.constant 2.500000e-01 : f32
        %sub3A_702 = vector.broadcast %sub3A_701 : f32 to vector<16xf32>
        %sub3A_703 = arith.subf %mul3A_700, %sub3A_702 : vector<16xf32>
        %mul3A_704 = arith.mulf %sub3A_703, %sub3A_685 : vector<16xf32>
        %add3A_705 = arith.constant 0.333333343 : f32
        %add3A_706 = vector.broadcast %add3A_705 : f32 to vector<16xf32>
        %add3A_707 = arith.addf %mul3A_704, %add3A_706 : vector<16xf32>
        %mul3A_708 = arith.mulf %add3A_707, %sub3A_685 : vector<16xf32>
        %sub3A_709 = arith.constant 5.000000e-01 : f32
        %sub3A_710 = vector.broadcast %sub3A_709 : f32 to vector<16xf32>
        %sub3A_711 = arith.subf %mul3A_708, %sub3A_710 : vector<16xf32>
        %mul3A_712 = arith.mulf %sub3A_711, %sub3A_685 : vector<16xf32>
        %add3A_713 = arith.constant 1.000000e+00 : f32
        %add3A_714 = vector.broadcast %add3A_713 : f32 to vector<16xf32>
        %add3A_715 = arith.addf %mul3A_712, %add3A_714 : vector<16xf32>
        %mul3A_716 = arith.mulf %sub3A_685, %add3A_715 : vector<16xf32>
        %mul3A_717 = arith.constant 0.693147182 : f32
        %mul3A_718 = vector.broadcast %mul3A_717 : f32 to vector<16xf32>
        %mul3A_719 = arith.mulf %convert_element_type3A_682, %mul3A_718 : vector<16xf32>
        %add3A_720 = arith.addf %mul3A_719, %mul3A_716 : vector<16xf32>
        %bitcast_convert_type3A_721 = tpu.bitcast %add3A_720 : vector<16xf32> -> vector<16xi32>
        %or3A_722 = arith.ori %bitcast_convert_type3A_721, %and3A_647 : vector<16xi32>
        %bitcast_convert_type3A_723 = tpu.bitcast %or3A_722 : vector<16xi32> -> vector<16xf32>
        %select_n3A_724 = arith.select %gt3A_50, %bitcast_convert_type3A_723, %get3A_643 : vector<16xi1>, vector<16xf32>
        %add3A_725 = arith.constant 1.000000e-35 : f32
        %add3A_726 = vector.broadcast %add3A_725 : f32 to vector<16xf32>
        %add3A_727 = arith.addf %bitcast_convert_type3A_651, %add3A_726 : vector<16xf32>
        %bitcast_convert_type3A_728 = tpu.bitcast %add3A_727 : vector<16xf32> -> vector<16xi32>
        %shift_right_logical3A_729 = arith.constant 1 : i32
        %shift_right_logical3A_730 = vector.broadcast %shift_right_logical3A_729 : i32 to vector<16xi32>
        %shift_right_logical3A_731 = arith.shrui %bitcast_convert_type3A_728, %shift_right_logical3A_730 : vector<16xi32>
        %sub3A_732 = arith.constant 1597463007 : i32
        %sub3A_733 = vector.broadcast %sub3A_732 : i32 to vector<16xi32>
        %sub3A_734 = arith.subi %sub3A_733, %shift_right_logical3A_731 : vector<16xi32>
        %bitcast_convert_type3A_735 = tpu.bitcast %sub3A_734 : vector<16xi32> -> vector<16xf32>
        %mul3A_736 = arith.constant 5.000000e-01 : f32
        %mul3A_737 = vector.broadcast %mul3A_736 : f32 to vector<16xf32>
        %mul3A_738 = arith.mulf %mul3A_737, %add3A_727 : vector<16xf32>
        %mul3A_739 = arith.mulf %mul3A_738, %bitcast_convert_type3A_735 : vector<16xf32>
        %mul3A_740 = arith.mulf %mul3A_739, %bitcast_convert_type3A_735 : vector<16xf32>
        %sub3A_741 = arith.constant 1.500000e+00 : f32
        %sub3A_742 = vector.broadcast %sub3A_741 : f32 to vector<16xf32>
        %sub3A_743 = arith.subf %sub3A_742, %mul3A_740 : vector<16xf32>
        %mul3A_744 = arith.mulf %bitcast_convert_type3A_735, %sub3A_743 : vector<16xf32>
        %mul3A_745 = arith.constant 5.000000e-01 : f32
        %mul3A_746 = vector.broadcast %mul3A_745 : f32 to vector<16xf32>
        %mul3A_747 = arith.mulf %mul3A_746, %add3A_727 : vector<16xf32>
        %mul3A_748 = arith.mulf %mul3A_747, %mul3A_744 : vector<16xf32>
        %mul3A_749 = arith.mulf %mul3A_748, %mul3A_744 : vector<16xf32>
        %sub3A_750 = arith.constant 1.500000e+00 : f32
        %sub3A_751 = vector.broadcast %sub3A_750 : f32 to vector<16xf32>
        %sub3A_752 = arith.subf %sub3A_751, %mul3A_749 : vector<16xf32>
        %mul3A_753 = arith.mulf %mul3A_744, %sub3A_752 : vector<16xf32>
        %mul3A_754 = arith.mulf %add3A_727, %mul3A_753 : vector<16xf32>
        %bitcast_convert_type3A_755 = tpu.bitcast %mul3A_754 : vector<16xf32> -> vector<16xi32>
        %or3A_756 = arith.ori %bitcast_convert_type3A_755, %and3A_647 : vector<16xi32>
        %bitcast_convert_type3A_757 = tpu.bitcast %or3A_756 : vector<16xi32> -> vector<16xf32>
        %select_n3A_758 = arith.select %gt3A_58, %bitcast_convert_type3A_757, %select_n3A_724 : vector<16xi1>, vector<16xf32>
        %mul3A_759 = arith.mulf %get3A_643, %get3A_643 : vector<16xf32>
        %select_n3A_760 = arith.select %gt3A_66, %mul3A_759, %select_n3A_758 : vector<16xi1>, vector<16xf32>
        %swap3A_761 = arith.index_cast %scan3A_639 : i32 to index
        %swap3A_762 = arith.constant 16 : index
        %swap3A_763 = tpu.vector_load %arg7[%swap3A_761, %swap3A_762] {strides = array<i32>} : memref<128x128xf32, #tpu.memory_space<vmem>>, vector<1x16xf32>,
        %swap3A_764 = vector.shape_cast %swap3A_763 : vector<1x16xf32> to vector<16xf32>
        %swap3A_765 = vector.shape_cast %select_n3A_760 : vector<16xf32> to vector<1x16xf32>
        tpu.vector_store %arg7[%swap3A_761, %swap3A_762], %swap3A_765 {strides = array<i32>} : memref<128x128xf32, #tpu.memory_space<vmem>>, vector<1x16xf32>,
        %scan3A_766 = arith.constant 0 : i32
        scf.yield %scan3A_766 : i32
      }
      %scan3A_73 = arith.constant 128 : i32
      %get3A_74 = arith.constant 1 : i32
      %get3A_75 = arith.index_cast %get3A_74 : i32 to index
      %get3A_76 = arith.constant 32 : index
      %get3A_77 = tpu.vector_load %arg5[%get3A_75, %get3A_76] {strides = array<i32>} : memref<8x128xf32, #tpu.memory_space<vmem>>, vector<1x16xf32>,
      %get3A_78 = vector.shape_cast %get3A_77 : vector<1x16xf32> to vector<16xf32>
      %gt3A_79 = arith.constant 5.000000e-01 : f32
      %gt3A_80 = vector.broadcast %gt3A_79 : f32 to vector<16xf32>
      %gt3A_81 = arith.cmpf ogt, %get3A_78, %gt3A_80 : vector<16xf32>
      %get3A_82 = arith.constant 2 : i32
      %get3A_83 = arith.index_cast %get3A_82 : i32 to index
      %get3A_84 = arith.constant 32 : index
      %get3A_85 = tpu.vector_load %arg5[%get3A_83, %get3A_84] {strides = array<i32>} : memref<8x128xf32, #tpu.memory_space<vmem>>, vector<1x16xf32>,
      %get3A_86 = vector.shape_cast %get3A_85 : vector<1x16xf32> to vector<16xf32>
      %gt3A_87 = arith.constant 5.000000e-01 : f32
      %gt3A_88 = vector.broadcast %gt3A_87 : f32 to vector<16xf32>
      %gt3A_89 = arith.cmpf ogt, %get3A_86, %gt3A_88 : vector<16xf32>
      %get3A_90 = arith.constant 3 : i32
      %get3A_91 = arith.index_cast %get3A_90 : i32 to index
      %get3A_92 = arith.constant 32 : index
      %get3A_93 = tpu.vector_load %arg5[%get3A_91, %get3A_92] {strides = array<i32>} : memref<8x128xf32, #tpu.memory_space<vmem>>, vector<1x16xf32>,
      %get3A_94 = vector.shape_cast %get3A_93 : vector<1x16xf32> to vector<16xf32>
      %gt3A_95 = arith.constant 5.000000e-01 : f32
      %gt3A_96 = vector.broadcast %gt3A_95 : f32 to vector<16xf32>
      %gt3A_97 = arith.cmpf ogt, %get3A_94, %gt3A_96 : vector<16xf32>
      %scan3A_98 = arith.constant 0 : i32
      %scan3A_99 = arith.constant 0 : i32
      %scan3A_100 = arith.constant 128 : i32
      %scan3A_101 = arith.addi %scan3A_99, %scan3A_100 : i32
      %scan3A_102 = arith.constant 4 : i32
      %scan3A_103 = scf.for %scan3A_261 = %scan3A_99 to %scan3A_101 step %scan3A_102 iter_args(%scan3A_262 = %scan3A_98) -> (i32)  : i32 {
        %get3A_263 = arith.index_cast %scan3A_261 : i32 to index
        %get3A_264 = arith.constant 32 : index
        %get3A_265 = tpu.vector_load %arg6[%get3A_263, %get3A_264] {strides = array<i32>} : memref<128x128xf32, #tpu.memory_space<vmem>>, vector<1x16xf32>,
        %get3A_266 = vector.shape_cast %get3A_265 : vector<1x16xf32> to vector<16xf32>
        %bitcast_convert_type3A = tpu.bitcast %get3A_266 : vector<16xf32> -> vector<16xi32>
        %and3A = arith.constant -2147483648 : i32
        %and3A_267 = vector.broadcast %and3A : i32 to vector<16xi32>
        %and3A_268 = arith.andi %bitcast_convert_type3A, %and3A_267 : vector<16xi32>
        %and3A_269 = arith.constant 2147483647 : i32
        %and3A_270 = vector.broadcast %and3A_269 : i32 to vector<16xi32>
        %and3A_271 = arith.andi %bitcast_convert_type3A, %and3A_270 : vector<16xi32>
        %bitcast_convert_type3A_272 = tpu.bitcast %and3A_271 : vector<16xi32> -> vector<16xf32>
        %add3A_273 = arith.constant 1.000000e+00 : f32
        %add3A_274 = vector.broadcast %add3A_273 : f32 to vector<16xf32>
        %add3A_275 = arith.addf %bitcast_convert_type3A_272, %add3A_274 : vector<16xf32>
        %bitcast_convert_type3A_276 = tpu.bitcast %add3A_275 : vector<16xf32> -> vector<16xi32>
        %shift_right_logical3A = arith.constant 23 : i32
        %shift_right_logical3A_277 = vector.broadcast %shift_right_logical3A : i32 to vector<16xi32>
        %shift_right_logical3A_278 = arith.shrui %bitcast_convert_type3A_276, %shift_right_logical3A_277 : vector<16xi32>
        %sub3A = arith.constant 127 : i32
        %sub3A_279 = vector.broadcast %sub3A : i32 to vector<16xi32>
        %sub3A_280 = arith.subi %shift_right_logical3A_278, %sub3A_279 : vector<16xi32>
        %and3A_281 = arith.constant 8388607 : i32
        %and3A_282 = vector.broadcast %and3A_281 : i32 to vector<16xi32>
        %and3A_283 = arith.andi %bitcast_convert_type3A_276, %and3A_282 : vector<16xi32>
        %or3A = arith.constant 1065353216 : i32
        %or3A_284 = vector.broadcast %or3A : i32 to vector<16xi32>
        %or3A_285 = arith.ori %and3A_283, %or3A_284 : vector<16xi32>
        %bitcast_convert_type3A_286 = tpu.bitcast %or3A_285 : vector<16xi32> -> vector<16xf32>
        %gt3A_287 = arith.constant 1.41421354 : f32
        %gt3A_288 = vector.broadcast %gt3A_287 : f32 to vector<16xf32>
        %gt3A_289 = arith.cmpf ogt, %bitcast_convert_type3A_286, %gt3A_288 : vector<16xf32>
        %mul3A_290 = arith.constant 5.000000e-01 : f32
        %mul3A_291 = vector.broadcast %mul3A_290 : f32 to vector<16xf32>
        %mul3A_292 = arith.mulf %bitcast_convert_type3A_286, %mul3A_291 : vector<16xf32>
        %select_n3A = arith.select %gt3A_289, %mul3A_292, %bitcast_convert_type3A_286 : vector<16xi1>, vector<16xf32>
        %jit3A = arith.constant 1 : i32
        %jit3A_293 = arith.constant 0 : i32
        %broadcast_in_dim3A = vector.broadcast %jit3A : i32 to vector<16xi32>
        %broadcast_in_dim3A_294 = vector.broadcast %jit3A_293 : i32 to vector<16xi32>
        %select_n3A_295 = arith.select %gt3A_289, %broadcast_in_dim3A, %broadcast_in_dim3A_294 : vector<16xi1>, vector<16xi32>
        %add3A_296 = arith.addi %sub3A_280, %select_n3A_295 : vector<16xi32>
        %convert_element_type3A = arith.sitofp %add3A_296 : vector<16xi32> to vector<16xf32>
        %sub3A_297 = arith.constant 1.000000e+00 : f32
        %sub3A_298 = vector.broadcast %sub3A_297 : f32 to vector<16xf32>
        %sub3A_299 = arith.subf %select_n3A, %sub3A_298 : vector<16xf32>
        %mul3A_300 = arith.constant -1.250000e-01 : f32
        %mul3A_301 = vector.broadcast %mul3A_300 : f32 to vector<16xf32>
        %mul3A_302 = arith.mulf %mul3A_301, %sub3A_299 : vector<16xf32>
        %add3A_303 = arith.constant 0.142857149 : f32
        %add3A_304 = vector.broadcast %add3A_303 : f32 to vector<16xf32>
        %add3A_305 = arith.addf %mul3A_302, %add3A_304 : vector<16xf32>
        %mul3A_306 = arith.mulf %add3A_305, %sub3A_299 : vector<16xf32>
        %sub3A_307 = arith.constant 0.166666672 : f32
        %sub3A_308 = vector.broadcast %sub3A_307 : f32 to vector<16xf32>
        %sub3A_309 = arith.subf %mul3A_306, %sub3A_308 : vector<16xf32>
        %mul3A_310 = arith.mulf %sub3A_309, %sub3A_299 : vector<16xf32>
        %add3A_311 = arith.constant 2.000000e-01 : f32
        %add3A_312 = vector.broadcast %add3A_311 : f32 to vector<16xf32>
        %add3A_313 = arith.addf %mul3A_310, %add3A_312 : vector<16xf32>
        %mul3A_314 = arith.mulf %add3A_313, %sub3A_299 : vector<16xf32>
        %sub3A_315 = arith.constant 2.500000e-01 : f32
        %sub3A_316 = vector.broadcast %sub3A_315 : f32 to vector<16xf32>
        %sub3A_317 = arith.subf %mul3A_314, %sub3A_316 : vector<16xf32>
        %mul3A_318 = arith.mulf %sub3A_317, %sub3A_299 : vector<16xf32>
        %add3A_319 = arith.constant 0.333333343 : f32
        %add3A_320 = vector.broadcast %add3A_319 : f32 to vector<16xf32>
        %add3A_321 = arith.addf %mul3A_318, %add3A_320 : vector<16xf32>
        %mul3A_322 = arith.mulf %add3A_321, %sub3A_299 : vector<16xf32>
        %sub3A_323 = arith.constant 5.000000e-01 : f32
        %sub3A_324 = vector.broadcast %sub3A_323 : f32 to vector<16xf32>
        %sub3A_325 = arith.subf %mul3A_322, %sub3A_324 : vector<16xf32>
        %mul3A_326 = arith.mulf %sub3A_325, %sub3A_299 : vector<16xf32>
        %add3A_327 = arith.constant 1.000000e+00 : f32
        %add3A_328 = vector.broadcast %add3A_327 : f32 to vector<16xf32>
        %add3A_329 = arith.addf %mul3A_326, %add3A_328 : vector<16xf32>
        %mul3A_330 = arith.mulf %sub3A_299, %add3A_329 : vector<16xf32>
        %mul3A_331 = arith.constant 0.693147182 : f32
        %mul3A_332 = vector.broadcast %mul3A_331 : f32 to vector<16xf32>
        %mul3A_333 = arith.mulf %convert_element_type3A, %mul3A_332 : vector<16xf32>
        %add3A_334 = arith.addf %mul3A_333, %mul3A_330 : vector<16xf32>
        %bitcast_convert_type3A_335 = tpu.bitcast %add3A_334 : vector<16xf32> -> vector<16xi32>
        %or3A_336 = arith.ori %bitcast_convert_type3A_335, %and3A_268 : vector<16xi32>
        %bitcast_convert_type3A_337 = tpu.bitcast %or3A_336 : vector<16xi32> -> vector<16xf32>
        %select_n3A_338 = arith.select %gt3A_81, %bitcast_convert_type3A_337, %get3A_266 : vector<16xi1>, vector<16xf32>
        %add3A_339 = arith.constant 1.000000e-35 : f32
        %add3A_340 = vector.broadcast %add3A_339 : f32 to vector<16xf32>
        %add3A_341 = arith.addf %bitcast_convert_type3A_272, %add3A_340 : vector<16xf32>
        %bitcast_convert_type3A_342 = tpu.bitcast %add3A_341 : vector<16xf32> -> vector<16xi32>
        %shift_right_logical3A_343 = arith.constant 1 : i32
        %shift_right_logical3A_344 = vector.broadcast %shift_right_logical3A_343 : i32 to vector<16xi32>
        %shift_right_logical3A_345 = arith.shrui %bitcast_convert_type3A_342, %shift_right_logical3A_344 : vector<16xi32>
        %sub3A_346 = arith.constant 1597463007 : i32
        %sub3A_347 = vector.broadcast %sub3A_346 : i32 to vector<16xi32>
        %sub3A_348 = arith.subi %sub3A_347, %shift_right_logical3A_345 : vector<16xi32>
        %bitcast_convert_type3A_349 = tpu.bitcast %sub3A_348 : vector<16xi32> -> vector<16xf32>
        %mul3A_350 = arith.constant 5.000000e-01 : f32
        %mul3A_351 = vector.broadcast %mul3A_350 : f32 to vector<16xf32>
        %mul3A_352 = arith.mulf %mul3A_351, %add3A_341 : vector<16xf32>
        %mul3A_353 = arith.mulf %mul3A_352, %bitcast_convert_type3A_349 : vector<16xf32>
        %mul3A_354 = arith.mulf %mul3A_353, %bitcast_convert_type3A_349 : vector<16xf32>
        %sub3A_355 = arith.constant 1.500000e+00 : f32
        %sub3A_356 = vector.broadcast %sub3A_355 : f32 to vector<16xf32>
        %sub3A_357 = arith.subf %sub3A_356, %mul3A_354 : vector<16xf32>
        %mul3A_358 = arith.mulf %bitcast_convert_type3A_349, %sub3A_357 : vector<16xf32>
        %mul3A_359 = arith.constant 5.000000e-01 : f32
        %mul3A_360 = vector.broadcast %mul3A_359 : f32 to vector<16xf32>
        %mul3A_361 = arith.mulf %mul3A_360, %add3A_341 : vector<16xf32>
        %mul3A_362 = arith.mulf %mul3A_361, %mul3A_358 : vector<16xf32>
        %mul3A_363 = arith.mulf %mul3A_362, %mul3A_358 : vector<16xf32>
        %sub3A_364 = arith.constant 1.500000e+00 : f32
        %sub3A_365 = vector.broadcast %sub3A_364 : f32 to vector<16xf32>
        %sub3A_366 = arith.subf %sub3A_365, %mul3A_363 : vector<16xf32>
        %mul3A_367 = arith.mulf %mul3A_358, %sub3A_366 : vector<16xf32>
        %mul3A_368 = arith.mulf %add3A_341, %mul3A_367 : vector<16xf32>
        %bitcast_convert_type3A_369 = tpu.bitcast %mul3A_368 : vector<16xf32> -> vector<16xi32>
        %or3A_370 = arith.ori %bitcast_convert_type3A_369, %and3A_268 : vector<16xi32>
        %bitcast_convert_type3A_371 = tpu.bitcast %or3A_370 : vector<16xi32> -> vector<16xf32>
        %select_n3A_372 = arith.select %gt3A_89, %bitcast_convert_type3A_371, %select_n3A_338 : vector<16xi1>, vector<16xf32>
        %mul3A_373 = arith.mulf %get3A_266, %get3A_266 : vector<16xf32>
        %select_n3A_374 = arith.select %gt3A_97, %mul3A_373, %select_n3A_372 : vector<16xi1>, vector<16xf32>
        %swap3A = arith.index_cast %scan3A_261 : i32 to index
        %swap3A_375 = arith.constant 32 : index
        %swap3A_376 = tpu.vector_load %arg7[%swap3A, %swap3A_375] {strides = array<i32>} : memref<128x128xf32, #tpu.memory_space<vmem>>, vector<1x16xf32>,
        %swap3A_377 = vector.shape_cast %swap3A_376 : vector<1x16xf32> to vector<16xf32>
        %swap3A_378 = vector.shape_cast %select_n3A_374 : vector<16xf32> to vector<1x16xf32>
        tpu.vector_store %arg7[%swap3A, %swap3A_375], %swap3A_378 {strides = array<i32>} : memref<128x128xf32, #tpu.memory_space<vmem>>, vector<1x16xf32>,
        %scan3A_379 = arith.constant 0 : i32
        %scan3A_380 = arith.constant 1 : i32
        %scan3A_381 = arith.addi %scan3A_261, %scan3A_380 : i32
        %get3A_382 = arith.index_cast %scan3A_381 : i32 to index
        %get3A_383 = arith.constant 32 : index
        %get3A_384 = tpu.vector_load %arg6[%get3A_382, %get3A_383] {strides = array<i32>} : memref<128x128xf32, #tpu.memory_space<vmem>>, vector<1x16xf32>,
        %get3A_385 = vector.shape_cast %get3A_384 : vector<1x16xf32> to vector<16xf32>
        %bitcast_convert_type3A_386 = tpu.bitcast %get3A_385 : vector<16xf32> -> vector<16xi32>
        %and3A_387 = arith.constant -2147483648 : i32
        %and3A_388 = vector.broadcast %and3A_387 : i32 to vector<16xi32>
        %and3A_389 = arith.andi %bitcast_convert_type3A_386, %and3A_388 : vector<16xi32>
        %and3A_390 = arith.constant 2147483647 : i32
        %and3A_391 = vector.broadcast %and3A_390 : i32 to vector<16xi32>
        %and3A_392 = arith.andi %bitcast_convert_type3A_386, %and3A_391 : vector<16xi32>
        %bitcast_convert_type3A_393 = tpu.bitcast %and3A_392 : vector<16xi32> -> vector<16xf32>
        %add3A_394 = arith.constant 1.000000e+00 : f32
        %add3A_395 = vector.broadcast %add3A_394 : f32 to vector<16xf32>
        %add3A_396 = arith.addf %bitcast_convert_type3A_393, %add3A_395 : vector<16xf32>
        %bitcast_convert_type3A_397 = tpu.bitcast %add3A_396 : vector<16xf32> -> vector<16xi32>
        %shift_right_logical3A_398 = arith.constant 23 : i32
        %shift_right_logical3A_399 = vector.broadcast %shift_right_logical3A_398 : i32 to vector<16xi32>
        %shift_right_logical3A_400 = arith.shrui %bitcast_convert_type3A_397, %shift_right_logical3A_399 : vector<16xi32>
        %sub3A_401 = arith.constant 127 : i32
        %sub3A_402 = vector.broadcast %sub3A_401 : i32 to vector<16xi32>
        %sub3A_403 = arith.subi %shift_right_logical3A_400, %sub3A_402 : vector<16xi32>
        %and3A_404 = arith.constant 8388607 : i32
        %and3A_405 = vector.broadcast %and3A_404 : i32 to vector<16xi32>
        %and3A_406 = arith.andi %bitcast_convert_type3A_397, %and3A_405 : vector<16xi32>
        %or3A_407 = arith.constant 1065353216 : i32
        %or3A_408 = vector.broadcast %or3A_407 : i32 to vector<16xi32>
        %or3A_409 = arith.ori %and3A_406, %or3A_408 : vector<16xi32>
        %bitcast_convert_type3A_410 = tpu.bitcast %or3A_409 : vector<16xi32> -> vector<16xf32>
        %gt3A_411 = arith.constant 1.41421354 : f32
        %gt3A_412 = vector.broadcast %gt3A_411 : f32 to vector<16xf32>
        %gt3A_413 = arith.cmpf ogt, %bitcast_convert_type3A_410, %gt3A_412 : vector<16xf32>
        %mul3A_414 = arith.constant 5.000000e-01 : f32
        %mul3A_415 = vector.broadcast %mul3A_414 : f32 to vector<16xf32>
        %mul3A_416 = arith.mulf %bitcast_convert_type3A_410, %mul3A_415 : vector<16xf32>
        %select_n3A_417 = arith.select %gt3A_413, %mul3A_416, %bitcast_convert_type3A_410 : vector<16xi1>, vector<16xf32>
        %jit3A_418 = arith.constant 1 : i32
        %jit3A_419 = arith.constant 0 : i32
        %broadcast_in_dim3A_420 = vector.broadcast %jit3A_418 : i32 to vector<16xi32>
        %broadcast_in_dim3A_421 = vector.broadcast %jit3A_419 : i32 to vector<16xi32>
        %select_n3A_422 = arith.select %gt3A_413, %broadcast_in_dim3A_420, %broadcast_in_dim3A_421 : vector<16xi1>, vector<16xi32>
        %add3A_423 = arith.addi %sub3A_403, %select_n3A_422 : vector<16xi32>
        %convert_element_type3A_424 = arith.sitofp %add3A_423 : vector<16xi32> to vector<16xf32>
        %sub3A_425 = arith.constant 1.000000e+00 : f32
        %sub3A_426 = vector.broadcast %sub3A_425 : f32 to vector<16xf32>
        %sub3A_427 = arith.subf %select_n3A_417, %sub3A_426 : vector<16xf32>
        %mul3A_428 = arith.constant -1.250000e-01 : f32
        %mul3A_429 = vector.broadcast %mul3A_428 : f32 to vector<16xf32>
        %mul3A_430 = arith.mulf %mul3A_429, %sub3A_427 : vector<16xf32>
        %add3A_431 = arith.constant 0.142857149 : f32
        %add3A_432 = vector.broadcast %add3A_431 : f32 to vector<16xf32>
        %add3A_433 = arith.addf %mul3A_430, %add3A_432 : vector<16xf32>
        %mul3A_434 = arith.mulf %add3A_433, %sub3A_427 : vector<16xf32>
        %sub3A_435 = arith.constant 0.166666672 : f32
        %sub3A_436 = vector.broadcast %sub3A_435 : f32 to vector<16xf32>
        %sub3A_437 = arith.subf %mul3A_434, %sub3A_436 : vector<16xf32>
        %mul3A_438 = arith.mulf %sub3A_437, %sub3A_427 : vector<16xf32>
        %add3A_439 = arith.constant 2.000000e-01 : f32
        %add3A_440 = vector.broadcast %add3A_439 : f32 to vector<16xf32>
        %add3A_441 = arith.addf %mul3A_438, %add3A_440 : vector<16xf32>
        %mul3A_442 = arith.mulf %add3A_441, %sub3A_427 : vector<16xf32>
        %sub3A_443 = arith.constant 2.500000e-01 : f32
        %sub3A_444 = vector.broadcast %sub3A_443 : f32 to vector<16xf32>
        %sub3A_445 = arith.subf %mul3A_442, %sub3A_444 : vector<16xf32>
        %mul3A_446 = arith.mulf %sub3A_445, %sub3A_427 : vector<16xf32>
        %add3A_447 = arith.constant 0.333333343 : f32
        %add3A_448 = vector.broadcast %add3A_447 : f32 to vector<16xf32>
        %add3A_449 = arith.addf %mul3A_446, %add3A_448 : vector<16xf32>
        %mul3A_450 = arith.mulf %add3A_449, %sub3A_427 : vector<16xf32>
        %sub3A_451 = arith.constant 5.000000e-01 : f32
        %sub3A_452 = vector.broadcast %sub3A_451 : f32 to vector<16xf32>
        %sub3A_453 = arith.subf %mul3A_450, %sub3A_452 : vector<16xf32>
        %mul3A_454 = arith.mulf %sub3A_453, %sub3A_427 : vector<16xf32>
        %add3A_455 = arith.constant 1.000000e+00 : f32
        %add3A_456 = vector.broadcast %add3A_455 : f32 to vector<16xf32>
        %add3A_457 = arith.addf %mul3A_454, %add3A_456 : vector<16xf32>
        %mul3A_458 = arith.mulf %sub3A_427, %add3A_457 : vector<16xf32>
        %mul3A_459 = arith.constant 0.693147182 : f32
        %mul3A_460 = vector.broadcast %mul3A_459 : f32 to vector<16xf32>
        %mul3A_461 = arith.mulf %convert_element_type3A_424, %mul3A_460 : vector<16xf32>
        %add3A_462 = arith.addf %mul3A_461, %mul3A_458 : vector<16xf32>
        %bitcast_convert_type3A_463 = tpu.bitcast %add3A_462 : vector<16xf32> -> vector<16xi32>
        %or3A_464 = arith.ori %bitcast_convert_type3A_463, %and3A_389 : vector<16xi32>
        %bitcast_convert_type3A_465 = tpu.bitcast %or3A_464 : vector<16xi32> -> vector<16xf32>
        %select_n3A_466 = arith.select %gt3A_81, %bitcast_convert_type3A_465, %get3A_385 : vector<16xi1>, vector<16xf32>
        %add3A_467 = arith.constant 1.000000e-35 : f32
        %add3A_468 = vector.broadcast %add3A_467 : f32 to vector<16xf32>
        %add3A_469 = arith.addf %bitcast_convert_type3A_393, %add3A_468 : vector<16xf32>
        %bitcast_convert_type3A_470 = tpu.bitcast %add3A_469 : vector<16xf32> -> vector<16xi32>
        %shift_right_logical3A_471 = arith.constant 1 : i32
        %shift_right_logical3A_472 = vector.broadcast %shift_right_logical3A_471 : i32 to vector<16xi32>
        %shift_right_logical3A_473 = arith.shrui %bitcast_convert_type3A_470, %shift_right_logical3A_472 : vector<16xi32>
        %sub3A_474 = arith.constant 1597463007 : i32
        %sub3A_475 = vector.broadcast %sub3A_474 : i32 to vector<16xi32>
        %sub3A_476 = arith.subi %sub3A_475, %shift_right_logical3A_473 : vector<16xi32>
        %bitcast_convert_type3A_477 = tpu.bitcast %sub3A_476 : vector<16xi32> -> vector<16xf32>
        %mul3A_478 = arith.constant 5.000000e-01 : f32
        %mul3A_479 = vector.broadcast %mul3A_478 : f32 to vector<16xf32>
        %mul3A_480 = arith.mulf %mul3A_479, %add3A_469 : vector<16xf32>
        %mul3A_481 = arith.mulf %mul3A_480, %bitcast_convert_type3A_477 : vector<16xf32>
        %mul3A_482 = arith.mulf %mul3A_481, %bitcast_convert_type3A_477 : vector<16xf32>
        %sub3A_483 = arith.constant 1.500000e+00 : f32
        %sub3A_484 = vector.broadcast %sub3A_483 : f32 to vector<16xf32>
        %sub3A_485 = arith.subf %sub3A_484, %mul3A_482 : vector<16xf32>
        %mul3A_486 = arith.mulf %bitcast_convert_type3A_477, %sub3A_485 : vector<16xf32>
        %mul3A_487 = arith.constant 5.000000e-01 : f32
        %mul3A_488 = vector.broadcast %mul3A_487 : f32 to vector<16xf32>
        %mul3A_489 = arith.mulf %mul3A_488, %add3A_469 : vector<16xf32>
        %mul3A_490 = arith.mulf %mul3A_489, %mul3A_486 : vector<16xf32>
        %mul3A_491 = arith.mulf %mul3A_490, %mul3A_486 : vector<16xf32>
        %sub3A_492 = arith.constant 1.500000e+00 : f32
        %sub3A_493 = vector.broadcast %sub3A_492 : f32 to vector<16xf32>
        %sub3A_494 = arith.subf %sub3A_493, %mul3A_491 : vector<16xf32>
        %mul3A_495 = arith.mulf %mul3A_486, %sub3A_494 : vector<16xf32>
        %mul3A_496 = arith.mulf %add3A_469, %mul3A_495 : vector<16xf32>
        %bitcast_convert_type3A_497 = tpu.bitcast %mul3A_496 : vector<16xf32> -> vector<16xi32>
        %or3A_498 = arith.ori %bitcast_convert_type3A_497, %and3A_389 : vector<16xi32>
        %bitcast_convert_type3A_499 = tpu.bitcast %or3A_498 : vector<16xi32> -> vector<16xf32>
        %select_n3A_500 = arith.select %gt3A_89, %bitcast_convert_type3A_499, %select_n3A_466 : vector<16xi1>, vector<16xf32>
        %mul3A_501 = arith.mulf %get3A_385, %get3A_385 : vector<16xf32>
        %select_n3A_502 = arith.select %gt3A_97, %mul3A_501, %select_n3A_500 : vector<16xi1>, vector<16xf32>
        %swap3A_503 = arith.index_cast %scan3A_381 : i32 to index
        %swap3A_504 = arith.constant 32 : index
        %swap3A_505 = tpu.vector_load %arg7[%swap3A_503, %swap3A_504] {strides = array<i32>} : memref<128x128xf32, #tpu.memory_space<vmem>>, vector<1x16xf32>,
        %swap3A_506 = vector.shape_cast %swap3A_505 : vector<1x16xf32> to vector<16xf32>
        %swap3A_507 = vector.shape_cast %select_n3A_502 : vector<16xf32> to vector<1x16xf32>
        tpu.vector_store %arg7[%swap3A_503, %swap3A_504], %swap3A_507 {strides = array<i32>} : memref<128x128xf32, #tpu.memory_space<vmem>>, vector<1x16xf32>,
        %scan3A_508 = arith.constant 0 : i32
        %scan3A_509 = arith.constant 2 : i32
        %scan3A_510 = arith.addi %scan3A_261, %scan3A_509 : i32
        %get3A_511 = arith.index_cast %scan3A_510 : i32 to index
        %get3A_512 = arith.constant 32 : index
        %get3A_513 = tpu.vector_load %arg6[%get3A_511, %get3A_512] {strides = array<i32>} : memref<128x128xf32, #tpu.memory_space<vmem>>, vector<1x16xf32>,
        %get3A_514 = vector.shape_cast %get3A_513 : vector<1x16xf32> to vector<16xf32>
        %bitcast_convert_type3A_515 = tpu.bitcast %get3A_514 : vector<16xf32> -> vector<16xi32>
        %and3A_516 = arith.constant -2147483648 : i32
        %and3A_517 = vector.broadcast %and3A_516 : i32 to vector<16xi32>
        %and3A_518 = arith.andi %bitcast_convert_type3A_515, %and3A_517 : vector<16xi32>
        %and3A_519 = arith.constant 2147483647 : i32
        %and3A_520 = vector.broadcast %and3A_519 : i32 to vector<16xi32>
        %and3A_521 = arith.andi %bitcast_convert_type3A_515, %and3A_520 : vector<16xi32>
        %bitcast_convert_type3A_522 = tpu.bitcast %and3A_521 : vector<16xi32> -> vector<16xf32>
        %add3A_523 = arith.constant 1.000000e+00 : f32
        %add3A_524 = vector.broadcast %add3A_523 : f32 to vector<16xf32>
        %add3A_525 = arith.addf %bitcast_convert_type3A_522, %add3A_524 : vector<16xf32>
        %bitcast_convert_type3A_526 = tpu.bitcast %add3A_525 : vector<16xf32> -> vector<16xi32>
        %shift_right_logical3A_527 = arith.constant 23 : i32
        %shift_right_logical3A_528 = vector.broadcast %shift_right_logical3A_527 : i32 to vector<16xi32>
        %shift_right_logical3A_529 = arith.shrui %bitcast_convert_type3A_526, %shift_right_logical3A_528 : vector<16xi32>
        %sub3A_530 = arith.constant 127 : i32
        %sub3A_531 = vector.broadcast %sub3A_530 : i32 to vector<16xi32>
        %sub3A_532 = arith.subi %shift_right_logical3A_529, %sub3A_531 : vector<16xi32>
        %and3A_533 = arith.constant 8388607 : i32
        %and3A_534 = vector.broadcast %and3A_533 : i32 to vector<16xi32>
        %and3A_535 = arith.andi %bitcast_convert_type3A_526, %and3A_534 : vector<16xi32>
        %or3A_536 = arith.constant 1065353216 : i32
        %or3A_537 = vector.broadcast %or3A_536 : i32 to vector<16xi32>
        %or3A_538 = arith.ori %and3A_535, %or3A_537 : vector<16xi32>
        %bitcast_convert_type3A_539 = tpu.bitcast %or3A_538 : vector<16xi32> -> vector<16xf32>
        %gt3A_540 = arith.constant 1.41421354 : f32
        %gt3A_541 = vector.broadcast %gt3A_540 : f32 to vector<16xf32>
        %gt3A_542 = arith.cmpf ogt, %bitcast_convert_type3A_539, %gt3A_541 : vector<16xf32>
        %mul3A_543 = arith.constant 5.000000e-01 : f32
        %mul3A_544 = vector.broadcast %mul3A_543 : f32 to vector<16xf32>
        %mul3A_545 = arith.mulf %bitcast_convert_type3A_539, %mul3A_544 : vector<16xf32>
        %select_n3A_546 = arith.select %gt3A_542, %mul3A_545, %bitcast_convert_type3A_539 : vector<16xi1>, vector<16xf32>
        %jit3A_547 = arith.constant 1 : i32
        %jit3A_548 = arith.constant 0 : i32
        %broadcast_in_dim3A_549 = vector.broadcast %jit3A_547 : i32 to vector<16xi32>
        %broadcast_in_dim3A_550 = vector.broadcast %jit3A_548 : i32 to vector<16xi32>
        %select_n3A_551 = arith.select %gt3A_542, %broadcast_in_dim3A_549, %broadcast_in_dim3A_550 : vector<16xi1>, vector<16xi32>
        %add3A_552 = arith.addi %sub3A_532, %select_n3A_551 : vector<16xi32>
        %convert_element_type3A_553 = arith.sitofp %add3A_552 : vector<16xi32> to vector<16xf32>
        %sub3A_554 = arith.constant 1.000000e+00 : f32
        %sub3A_555 = vector.broadcast %sub3A_554 : f32 to vector<16xf32>
        %sub3A_556 = arith.subf %select_n3A_546, %sub3A_555 : vector<16xf32>
        %mul3A_557 = arith.constant -1.250000e-01 : f32
        %mul3A_558 = vector.broadcast %mul3A_557 : f32 to vector<16xf32>
        %mul3A_559 = arith.mulf %mul3A_558, %sub3A_556 : vector<16xf32>
        %add3A_560 = arith.constant 0.142857149 : f32
        %add3A_561 = vector.broadcast %add3A_560 : f32 to vector<16xf32>
        %add3A_562 = arith.addf %mul3A_559, %add3A_561 : vector<16xf32>
        %mul3A_563 = arith.mulf %add3A_562, %sub3A_556 : vector<16xf32>
        %sub3A_564 = arith.constant 0.166666672 : f32
        %sub3A_565 = vector.broadcast %sub3A_564 : f32 to vector<16xf32>
        %sub3A_566 = arith.subf %mul3A_563, %sub3A_565 : vector<16xf32>
        %mul3A_567 = arith.mulf %sub3A_566, %sub3A_556 : vector<16xf32>
        %add3A_568 = arith.constant 2.000000e-01 : f32
        %add3A_569 = vector.broadcast %add3A_568 : f32 to vector<16xf32>
        %add3A_570 = arith.addf %mul3A_567, %add3A_569 : vector<16xf32>
        %mul3A_571 = arith.mulf %add3A_570, %sub3A_556 : vector<16xf32>
        %sub3A_572 = arith.constant 2.500000e-01 : f32
        %sub3A_573 = vector.broadcast %sub3A_572 : f32 to vector<16xf32>
        %sub3A_574 = arith.subf %mul3A_571, %sub3A_573 : vector<16xf32>
        %mul3A_575 = arith.mulf %sub3A_574, %sub3A_556 : vector<16xf32>
        %add3A_576 = arith.constant 0.333333343 : f32
        %add3A_577 = vector.broadcast %add3A_576 : f32 to vector<16xf32>
        %add3A_578 = arith.addf %mul3A_575, %add3A_577 : vector<16xf32>
        %mul3A_579 = arith.mulf %add3A_578, %sub3A_556 : vector<16xf32>
        %sub3A_580 = arith.constant 5.000000e-01 : f32
        %sub3A_581 = vector.broadcast %sub3A_580 : f32 to vector<16xf32>
        %sub3A_582 = arith.subf %mul3A_579, %sub3A_581 : vector<16xf32>
        %mul3A_583 = arith.mulf %sub3A_582, %sub3A_556 : vector<16xf32>
        %add3A_584 = arith.constant 1.000000e+00 : f32
        %add3A_585 = vector.broadcast %add3A_584 : f32 to vector<16xf32>
        %add3A_586 = arith.addf %mul3A_583, %add3A_585 : vector<16xf32>
        %mul3A_587 = arith.mulf %sub3A_556, %add3A_586 : vector<16xf32>
        %mul3A_588 = arith.constant 0.693147182 : f32
        %mul3A_589 = vector.broadcast %mul3A_588 : f32 to vector<16xf32>
        %mul3A_590 = arith.mulf %convert_element_type3A_553, %mul3A_589 : vector<16xf32>
        %add3A_591 = arith.addf %mul3A_590, %mul3A_587 : vector<16xf32>
        %bitcast_convert_type3A_592 = tpu.bitcast %add3A_591 : vector<16xf32> -> vector<16xi32>
        %or3A_593 = arith.ori %bitcast_convert_type3A_592, %and3A_518 : vector<16xi32>
        %bitcast_convert_type3A_594 = tpu.bitcast %or3A_593 : vector<16xi32> -> vector<16xf32>
        %select_n3A_595 = arith.select %gt3A_81, %bitcast_convert_type3A_594, %get3A_514 : vector<16xi1>, vector<16xf32>
        %add3A_596 = arith.constant 1.000000e-35 : f32
        %add3A_597 = vector.broadcast %add3A_596 : f32 to vector<16xf32>
        %add3A_598 = arith.addf %bitcast_convert_type3A_522, %add3A_597 : vector<16xf32>
        %bitcast_convert_type3A_599 = tpu.bitcast %add3A_598 : vector<16xf32> -> vector<16xi32>
        %shift_right_logical3A_600 = arith.constant 1 : i32
        %shift_right_logical3A_601 = vector.broadcast %shift_right_logical3A_600 : i32 to vector<16xi32>
        %shift_right_logical3A_602 = arith.shrui %bitcast_convert_type3A_599, %shift_right_logical3A_601 : vector<16xi32>
        %sub3A_603 = arith.constant 1597463007 : i32
        %sub3A_604 = vector.broadcast %sub3A_603 : i32 to vector<16xi32>
        %sub3A_605 = arith.subi %sub3A_604, %shift_right_logical3A_602 : vector<16xi32>
        %bitcast_convert_type3A_606 = tpu.bitcast %sub3A_605 : vector<16xi32> -> vector<16xf32>
        %mul3A_607 = arith.constant 5.000000e-01 : f32
        %mul3A_608 = vector.broadcast %mul3A_607 : f32 to vector<16xf32>
        %mul3A_609 = arith.mulf %mul3A_608, %add3A_598 : vector<16xf32>
        %mul3A_610 = arith.mulf %mul3A_609, %bitcast_convert_type3A_606 : vector<16xf32>
        %mul3A_611 = arith.mulf %mul3A_610, %bitcast_convert_type3A_606 : vector<16xf32>
        %sub3A_612 = arith.constant 1.500000e+00 : f32
        %sub3A_613 = vector.broadcast %sub3A_612 : f32 to vector<16xf32>
        %sub3A_614 = arith.subf %sub3A_613, %mul3A_611 : vector<16xf32>
        %mul3A_615 = arith.mulf %bitcast_convert_type3A_606, %sub3A_614 : vector<16xf32>
        %mul3A_616 = arith.constant 5.000000e-01 : f32
        %mul3A_617 = vector.broadcast %mul3A_616 : f32 to vector<16xf32>
        %mul3A_618 = arith.mulf %mul3A_617, %add3A_598 : vector<16xf32>
        %mul3A_619 = arith.mulf %mul3A_618, %mul3A_615 : vector<16xf32>
        %mul3A_620 = arith.mulf %mul3A_619, %mul3A_615 : vector<16xf32>
        %sub3A_621 = arith.constant 1.500000e+00 : f32
        %sub3A_622 = vector.broadcast %sub3A_621 : f32 to vector<16xf32>
        %sub3A_623 = arith.subf %sub3A_622, %mul3A_620 : vector<16xf32>
        %mul3A_624 = arith.mulf %mul3A_615, %sub3A_623 : vector<16xf32>
        %mul3A_625 = arith.mulf %add3A_598, %mul3A_624 : vector<16xf32>
        %bitcast_convert_type3A_626 = tpu.bitcast %mul3A_625 : vector<16xf32> -> vector<16xi32>
        %or3A_627 = arith.ori %bitcast_convert_type3A_626, %and3A_518 : vector<16xi32>
        %bitcast_convert_type3A_628 = tpu.bitcast %or3A_627 : vector<16xi32> -> vector<16xf32>
        %select_n3A_629 = arith.select %gt3A_89, %bitcast_convert_type3A_628, %select_n3A_595 : vector<16xi1>, vector<16xf32>
        %mul3A_630 = arith.mulf %get3A_514, %get3A_514 : vector<16xf32>
        %select_n3A_631 = arith.select %gt3A_97, %mul3A_630, %select_n3A_629 : vector<16xi1>, vector<16xf32>
        %swap3A_632 = arith.index_cast %scan3A_510 : i32 to index
        %swap3A_633 = arith.constant 32 : index
        %swap3A_634 = tpu.vector_load %arg7[%swap3A_632, %swap3A_633] {strides = array<i32>} : memref<128x128xf32, #tpu.memory_space<vmem>>, vector<1x16xf32>,
        %swap3A_635 = vector.shape_cast %swap3A_634 : vector<1x16xf32> to vector<16xf32>
        %swap3A_636 = vector.shape_cast %select_n3A_631 : vector<16xf32> to vector<1x16xf32>
        tpu.vector_store %arg7[%swap3A_632, %swap3A_633], %swap3A_636 {strides = array<i32>} : memref<128x128xf32, #tpu.memory_space<vmem>>, vector<1x16xf32>,
        %scan3A_637 = arith.constant 0 : i32
        %scan3A_638 = arith.constant 3 : i32
        %scan3A_639 = arith.addi %scan3A_261, %scan3A_638 : i32
        %get3A_640 = arith.index_cast %scan3A_639 : i32 to index
        %get3A_641 = arith.constant 32 : index
        %get3A_642 = tpu.vector_load %arg6[%get3A_640, %get3A_641] {strides = array<i32>} : memref<128x128xf32, #tpu.memory_space<vmem>>, vector<1x16xf32>,
        %get3A_643 = vector.shape_cast %get3A_642 : vector<1x16xf32> to vector<16xf32>
        %bitcast_convert_type3A_644 = tpu.bitcast %get3A_643 : vector<16xf32> -> vector<16xi32>
        %and3A_645 = arith.constant -2147483648 : i32
        %and3A_646 = vector.broadcast %and3A_645 : i32 to vector<16xi32>
        %and3A_647 = arith.andi %bitcast_convert_type3A_644, %and3A_646 : vector<16xi32>
        %and3A_648 = arith.constant 2147483647 : i32
        %and3A_649 = vector.broadcast %and3A_648 : i32 to vector<16xi32>
        %and3A_650 = arith.andi %bitcast_convert_type3A_644, %and3A_649 : vector<16xi32>
        %bitcast_convert_type3A_651 = tpu.bitcast %and3A_650 : vector<16xi32> -> vector<16xf32>
        %add3A_652 = arith.constant 1.000000e+00 : f32
        %add3A_653 = vector.broadcast %add3A_652 : f32 to vector<16xf32>
        %add3A_654 = arith.addf %bitcast_convert_type3A_651, %add3A_653 : vector<16xf32>
        %bitcast_convert_type3A_655 = tpu.bitcast %add3A_654 : vector<16xf32> -> vector<16xi32>
        %shift_right_logical3A_656 = arith.constant 23 : i32
        %shift_right_logical3A_657 = vector.broadcast %shift_right_logical3A_656 : i32 to vector<16xi32>
        %shift_right_logical3A_658 = arith.shrui %bitcast_convert_type3A_655, %shift_right_logical3A_657 : vector<16xi32>
        %sub3A_659 = arith.constant 127 : i32
        %sub3A_660 = vector.broadcast %sub3A_659 : i32 to vector<16xi32>
        %sub3A_661 = arith.subi %shift_right_logical3A_658, %sub3A_660 : vector<16xi32>
        %and3A_662 = arith.constant 8388607 : i32
        %and3A_663 = vector.broadcast %and3A_662 : i32 to vector<16xi32>
        %and3A_664 = arith.andi %bitcast_convert_type3A_655, %and3A_663 : vector<16xi32>
        %or3A_665 = arith.constant 1065353216 : i32
        %or3A_666 = vector.broadcast %or3A_665 : i32 to vector<16xi32>
        %or3A_667 = arith.ori %and3A_664, %or3A_666 : vector<16xi32>
        %bitcast_convert_type3A_668 = tpu.bitcast %or3A_667 : vector<16xi32> -> vector<16xf32>
        %gt3A_669 = arith.constant 1.41421354 : f32
        %gt3A_670 = vector.broadcast %gt3A_669 : f32 to vector<16xf32>
        %gt3A_671 = arith.cmpf ogt, %bitcast_convert_type3A_668, %gt3A_670 : vector<16xf32>
        %mul3A_672 = arith.constant 5.000000e-01 : f32
        %mul3A_673 = vector.broadcast %mul3A_672 : f32 to vector<16xf32>
        %mul3A_674 = arith.mulf %bitcast_convert_type3A_668, %mul3A_673 : vector<16xf32>
        %select_n3A_675 = arith.select %gt3A_671, %mul3A_674, %bitcast_convert_type3A_668 : vector<16xi1>, vector<16xf32>
        %jit3A_676 = arith.constant 1 : i32
        %jit3A_677 = arith.constant 0 : i32
        %broadcast_in_dim3A_678 = vector.broadcast %jit3A_676 : i32 to vector<16xi32>
        %broadcast_in_dim3A_679 = vector.broadcast %jit3A_677 : i32 to vector<16xi32>
        %select_n3A_680 = arith.select %gt3A_671, %broadcast_in_dim3A_678, %broadcast_in_dim3A_679 : vector<16xi1>, vector<16xi32>
        %add3A_681 = arith.addi %sub3A_661, %select_n3A_680 : vector<16xi32>
        %convert_element_type3A_682 = arith.sitofp %add3A_681 : vector<16xi32> to vector<16xf32>
        %sub3A_683 = arith.constant 1.000000e+00 : f32
        %sub3A_684 = vector.broadcast %sub3A_683 : f32 to vector<16xf32>
        %sub3A_685 = arith.subf %select_n3A_675, %sub3A_684 : vector<16xf32>
        %mul3A_686 = arith.constant -1.250000e-01 : f32
        %mul3A_687 = vector.broadcast %mul3A_686 : f32 to vector<16xf32>
        %mul3A_688 = arith.mulf %mul3A_687, %sub3A_685 : vector<16xf32>
        %add3A_689 = arith.constant 0.142857149 : f32
        %add3A_690 = vector.broadcast %add3A_689 : f32 to vector<16xf32>
        %add3A_691 = arith.addf %mul3A_688, %add3A_690 : vector<16xf32>
        %mul3A_692 = arith.mulf %add3A_691, %sub3A_685 : vector<16xf32>
        %sub3A_693 = arith.constant 0.166666672 : f32
        %sub3A_694 = vector.broadcast %sub3A_693 : f32 to vector<16xf32>
        %sub3A_695 = arith.subf %mul3A_692, %sub3A_694 : vector<16xf32>
        %mul3A_696 = arith.mulf %sub3A_695, %sub3A_685 : vector<16xf32>
        %add3A_697 = arith.constant 2.000000e-01 : f32
        %add3A_698 = vector.broadcast %add3A_697 : f32 to vector<16xf32>
        %add3A_699 = arith.addf %mul3A_696, %add3A_698 : vector<16xf32>
        %mul3A_700 = arith.mulf %add3A_699, %sub3A_685 : vector<16xf32>
        %sub3A_701 = arith.constant 2.500000e-01 : f32
        %sub3A_702 = vector.broadcast %sub3A_701 : f32 to vector<16xf32>
        %sub3A_703 = arith.subf %mul3A_700, %sub3A_702 : vector<16xf32>
        %mul3A_704 = arith.mulf %sub3A_703, %sub3A_685 : vector<16xf32>
        %add3A_705 = arith.constant 0.333333343 : f32
        %add3A_706 = vector.broadcast %add3A_705 : f32 to vector<16xf32>
        %add3A_707 = arith.addf %mul3A_704, %add3A_706 : vector<16xf32>
        %mul3A_708 = arith.mulf %add3A_707, %sub3A_685 : vector<16xf32>
        %sub3A_709 = arith.constant 5.000000e-01 : f32
        %sub3A_710 = vector.broadcast %sub3A_709 : f32 to vector<16xf32>
        %sub3A_711 = arith.subf %mul3A_708, %sub3A_710 : vector<16xf32>
        %mul3A_712 = arith.mulf %sub3A_711, %sub3A_685 : vector<16xf32>
        %add3A_713 = arith.constant 1.000000e+00 : f32
        %add3A_714 = vector.broadcast %add3A_713 : f32 to vector<16xf32>
        %add3A_715 = arith.addf %mul3A_712, %add3A_714 : vector<16xf32>
        %mul3A_716 = arith.mulf %sub3A_685, %add3A_715 : vector<16xf32>
        %mul3A_717 = arith.constant 0.693147182 : f32
        %mul3A_718 = vector.broadcast %mul3A_717 : f32 to vector<16xf32>
        %mul3A_719 = arith.mulf %convert_element_type3A_682, %mul3A_718 : vector<16xf32>
        %add3A_720 = arith.addf %mul3A_719, %mul3A_716 : vector<16xf32>
        %bitcast_convert_type3A_721 = tpu.bitcast %add3A_720 : vector<16xf32> -> vector<16xi32>
        %or3A_722 = arith.ori %bitcast_convert_type3A_721, %and3A_647 : vector<16xi32>
        %bitcast_convert_type3A_723 = tpu.bitcast %or3A_722 : vector<16xi32> -> vector<16xf32>
        %select_n3A_724 = arith.select %gt3A_81, %bitcast_convert_type3A_723, %get3A_643 : vector<16xi1>, vector<16xf32>
        %add3A_725 = arith.constant 1.000000e-35 : f32
        %add3A_726 = vector.broadcast %add3A_725 : f32 to vector<16xf32>
        %add3A_727 = arith.addf %bitcast_convert_type3A_651, %add3A_726 : vector<16xf32>
        %bitcast_convert_type3A_728 = tpu.bitcast %add3A_727 : vector<16xf32> -> vector<16xi32>
        %shift_right_logical3A_729 = arith.constant 1 : i32
        %shift_right_logical3A_730 = vector.broadcast %shift_right_logical3A_729 : i32 to vector<16xi32>
        %shift_right_logical3A_731 = arith.shrui %bitcast_convert_type3A_728, %shift_right_logical3A_730 : vector<16xi32>
        %sub3A_732 = arith.constant 1597463007 : i32
        %sub3A_733 = vector.broadcast %sub3A_732 : i32 to vector<16xi32>
        %sub3A_734 = arith.subi %sub3A_733, %shift_right_logical3A_731 : vector<16xi32>
        %bitcast_convert_type3A_735 = tpu.bitcast %sub3A_734 : vector<16xi32> -> vector<16xf32>
        %mul3A_736 = arith.constant 5.000000e-01 : f32
        %mul3A_737 = vector.broadcast %mul3A_736 : f32 to vector<16xf32>
        %mul3A_738 = arith.mulf %mul3A_737, %add3A_727 : vector<16xf32>
        %mul3A_739 = arith.mulf %mul3A_738, %bitcast_convert_type3A_735 : vector<16xf32>
        %mul3A_740 = arith.mulf %mul3A_739, %bitcast_convert_type3A_735 : vector<16xf32>
        %sub3A_741 = arith.constant 1.500000e+00 : f32
        %sub3A_742 = vector.broadcast %sub3A_741 : f32 to vector<16xf32>
        %sub3A_743 = arith.subf %sub3A_742, %mul3A_740 : vector<16xf32>
        %mul3A_744 = arith.mulf %bitcast_convert_type3A_735, %sub3A_743 : vector<16xf32>
        %mul3A_745 = arith.constant 5.000000e-01 : f32
        %mul3A_746 = vector.broadcast %mul3A_745 : f32 to vector<16xf32>
        %mul3A_747 = arith.mulf %mul3A_746, %add3A_727 : vector<16xf32>
        %mul3A_748 = arith.mulf %mul3A_747, %mul3A_744 : vector<16xf32>
        %mul3A_749 = arith.mulf %mul3A_748, %mul3A_744 : vector<16xf32>
        %sub3A_750 = arith.constant 1.500000e+00 : f32
        %sub3A_751 = vector.broadcast %sub3A_750 : f32 to vector<16xf32>
        %sub3A_752 = arith.subf %sub3A_751, %mul3A_749 : vector<16xf32>
        %mul3A_753 = arith.mulf %mul3A_744, %sub3A_752 : vector<16xf32>
        %mul3A_754 = arith.mulf %add3A_727, %mul3A_753 : vector<16xf32>
        %bitcast_convert_type3A_755 = tpu.bitcast %mul3A_754 : vector<16xf32> -> vector<16xi32>
        %or3A_756 = arith.ori %bitcast_convert_type3A_755, %and3A_647 : vector<16xi32>
        %bitcast_convert_type3A_757 = tpu.bitcast %or3A_756 : vector<16xi32> -> vector<16xf32>
        %select_n3A_758 = arith.select %gt3A_89, %bitcast_convert_type3A_757, %select_n3A_724 : vector<16xi1>, vector<16xf32>
        %mul3A_759 = arith.mulf %get3A_643, %get3A_643 : vector<16xf32>
        %select_n3A_760 = arith.select %gt3A_97, %mul3A_759, %select_n3A_758 : vector<16xi1>, vector<16xf32>
        %swap3A_761 = arith.index_cast %scan3A_639 : i32 to index
        %swap3A_762 = arith.constant 32 : index
        %swap3A_763 = tpu.vector_load %arg7[%swap3A_761, %swap3A_762] {strides = array<i32>} : memref<128x128xf32, #tpu.memory_space<vmem>>, vector<1x16xf32>,
        %swap3A_764 = vector.shape_cast %swap3A_763 : vector<1x16xf32> to vector<16xf32>
        %swap3A_765 = vector.shape_cast %select_n3A_760 : vector<16xf32> to vector<1x16xf32>
        tpu.vector_store %arg7[%swap3A_761, %swap3A_762], %swap3A_765 {strides = array<i32>} : memref<128x128xf32, #tpu.memory_space<vmem>>, vector<1x16xf32>,
        %scan3A_766 = arith.constant 0 : i32
        scf.yield %scan3A_766 : i32
      }
      %scan3A_104 = arith.constant 128 : i32
      %get3A_105 = arith.constant 1 : i32
      %get3A_106 = arith.index_cast %get3A_105 : i32 to index
      %get3A_107 = arith.constant 48 : index
      %get3A_108 = tpu.vector_load %arg5[%get3A_106, %get3A_107] {strides = array<i32>} : memref<8x128xf32, #tpu.memory_space<vmem>>, vector<1x16xf32>,
      %get3A_109 = vector.shape_cast %get3A_108 : vector<1x16xf32> to vector<16xf32>
      %gt3A_110 = arith.constant 5.000000e-01 : f32
      %gt3A_111 = vector.broadcast %gt3A_110 : f32 to vector<16xf32>
      %gt3A_112 = arith.cmpf ogt, %get3A_109, %gt3A_111 : vector<16xf32>
      %get3A_113 = arith.constant 2 : i32
      %get3A_114 = arith.index_cast %get3A_113 : i32 to index
      %get3A_115 = arith.constant 48 : index
      %get3A_116 = tpu.vector_load %arg5[%get3A_114, %get3A_115] {strides = array<i32>} : memref<8x128xf32, #tpu.memory_space<vmem>>, vector<1x16xf32>,
      %get3A_117 = vector.shape_cast %get3A_116 : vector<1x16xf32> to vector<16xf32>
      %gt3A_118 = arith.constant 5.000000e-01 : f32
      %gt3A_119 = vector.broadcast %gt3A_118 : f32 to vector<16xf32>
      %gt3A_120 = arith.cmpf ogt, %get3A_117, %gt3A_119 : vector<16xf32>
      %get3A_121 = arith.constant 3 : i32
      %get3A_122 = arith.index_cast %get3A_121 : i32 to index
      %get3A_123 = arith.constant 48 : index
      %get3A_124 = tpu.vector_load %arg5[%get3A_122, %get3A_123] {strides = array<i32>} : memref<8x128xf32, #tpu.memory_space<vmem>>, vector<1x16xf32>,
      %get3A_125 = vector.shape_cast %get3A_124 : vector<1x16xf32> to vector<16xf32>
      %gt3A_126 = arith.constant 5.000000e-01 : f32
      %gt3A_127 = vector.broadcast %gt3A_126 : f32 to vector<16xf32>
      %gt3A_128 = arith.cmpf ogt, %get3A_125, %gt3A_127 : vector<16xf32>
      %scan3A_129 = arith.constant 0 : i32
      %scan3A_130 = arith.constant 0 : i32
      %scan3A_131 = arith.constant 128 : i32
      %scan3A_132 = arith.addi %scan3A_130, %scan3A_131 : i32
      %scan3A_133 = arith.constant 4 : i32
      %scan3A_134 = scf.for %scan3A_261 = %scan3A_130 to %scan3A_132 step %scan3A_133 iter_args(%scan3A_262 = %scan3A_129) -> (i32)  : i32 {
        %get3A_263 = arith.index_cast %scan3A_261 : i32 to index
        %get3A_264 = arith.constant 48 : index
        %get3A_265 = tpu.vector_load %arg6[%get3A_263, %get3A_264] {strides = array<i32>} : memref<128x128xf32, #tpu.memory_space<vmem>>, vector<1x16xf32>,
        %get3A_266 = vector.shape_cast %get3A_265 : vector<1x16xf32> to vector<16xf32>
        %bitcast_convert_type3A = tpu.bitcast %get3A_266 : vector<16xf32> -> vector<16xi32>
        %and3A = arith.constant -2147483648 : i32
        %and3A_267 = vector.broadcast %and3A : i32 to vector<16xi32>
        %and3A_268 = arith.andi %bitcast_convert_type3A, %and3A_267 : vector<16xi32>
        %and3A_269 = arith.constant 2147483647 : i32
        %and3A_270 = vector.broadcast %and3A_269 : i32 to vector<16xi32>
        %and3A_271 = arith.andi %bitcast_convert_type3A, %and3A_270 : vector<16xi32>
        %bitcast_convert_type3A_272 = tpu.bitcast %and3A_271 : vector<16xi32> -> vector<16xf32>
        %add3A_273 = arith.constant 1.000000e+00 : f32
        %add3A_274 = vector.broadcast %add3A_273 : f32 to vector<16xf32>
        %add3A_275 = arith.addf %bitcast_convert_type3A_272, %add3A_274 : vector<16xf32>
        %bitcast_convert_type3A_276 = tpu.bitcast %add3A_275 : vector<16xf32> -> vector<16xi32>
        %shift_right_logical3A = arith.constant 23 : i32
        %shift_right_logical3A_277 = vector.broadcast %shift_right_logical3A : i32 to vector<16xi32>
        %shift_right_logical3A_278 = arith.shrui %bitcast_convert_type3A_276, %shift_right_logical3A_277 : vector<16xi32>
        %sub3A = arith.constant 127 : i32
        %sub3A_279 = vector.broadcast %sub3A : i32 to vector<16xi32>
        %sub3A_280 = arith.subi %shift_right_logical3A_278, %sub3A_279 : vector<16xi32>
        %and3A_281 = arith.constant 8388607 : i32
        %and3A_282 = vector.broadcast %and3A_281 : i32 to vector<16xi32>
        %and3A_283 = arith.andi %bitcast_convert_type3A_276, %and3A_282 : vector<16xi32>
        %or3A = arith.constant 1065353216 : i32
        %or3A_284 = vector.broadcast %or3A : i32 to vector<16xi32>
        %or3A_285 = arith.ori %and3A_283, %or3A_284 : vector<16xi32>
        %bitcast_convert_type3A_286 = tpu.bitcast %or3A_285 : vector<16xi32> -> vector<16xf32>
        %gt3A_287 = arith.constant 1.41421354 : f32
        %gt3A_288 = vector.broadcast %gt3A_287 : f32 to vector<16xf32>
        %gt3A_289 = arith.cmpf ogt, %bitcast_convert_type3A_286, %gt3A_288 : vector<16xf32>
        %mul3A_290 = arith.constant 5.000000e-01 : f32
        %mul3A_291 = vector.broadcast %mul3A_290 : f32 to vector<16xf32>
        %mul3A_292 = arith.mulf %bitcast_convert_type3A_286, %mul3A_291 : vector<16xf32>
        %select_n3A = arith.select %gt3A_289, %mul3A_292, %bitcast_convert_type3A_286 : vector<16xi1>, vector<16xf32>
        %jit3A = arith.constant 1 : i32
        %jit3A_293 = arith.constant 0 : i32
        %broadcast_in_dim3A = vector.broadcast %jit3A : i32 to vector<16xi32>
        %broadcast_in_dim3A_294 = vector.broadcast %jit3A_293 : i32 to vector<16xi32>
        %select_n3A_295 = arith.select %gt3A_289, %broadcast_in_dim3A, %broadcast_in_dim3A_294 : vector<16xi1>, vector<16xi32>
        %add3A_296 = arith.addi %sub3A_280, %select_n3A_295 : vector<16xi32>
        %convert_element_type3A = arith.sitofp %add3A_296 : vector<16xi32> to vector<16xf32>
        %sub3A_297 = arith.constant 1.000000e+00 : f32
        %sub3A_298 = vector.broadcast %sub3A_297 : f32 to vector<16xf32>
        %sub3A_299 = arith.subf %select_n3A, %sub3A_298 : vector<16xf32>
        %mul3A_300 = arith.constant -1.250000e-01 : f32
        %mul3A_301 = vector.broadcast %mul3A_300 : f32 to vector<16xf32>
        %mul3A_302 = arith.mulf %mul3A_301, %sub3A_299 : vector<16xf32>
        %add3A_303 = arith.constant 0.142857149 : f32
        %add3A_304 = vector.broadcast %add3A_303 : f32 to vector<16xf32>
        %add3A_305 = arith.addf %mul3A_302, %add3A_304 : vector<16xf32>
        %mul3A_306 = arith.mulf %add3A_305, %sub3A_299 : vector<16xf32>
        %sub3A_307 = arith.constant 0.166666672 : f32
        %sub3A_308 = vector.broadcast %sub3A_307 : f32 to vector<16xf32>
        %sub3A_309 = arith.subf %mul3A_306, %sub3A_308 : vector<16xf32>
        %mul3A_310 = arith.mulf %sub3A_309, %sub3A_299 : vector<16xf32>
        %add3A_311 = arith.constant 2.000000e-01 : f32
        %add3A_312 = vector.broadcast %add3A_311 : f32 to vector<16xf32>
        %add3A_313 = arith.addf %mul3A_310, %add3A_312 : vector<16xf32>
        %mul3A_314 = arith.mulf %add3A_313, %sub3A_299 : vector<16xf32>
        %sub3A_315 = arith.constant 2.500000e-01 : f32
        %sub3A_316 = vector.broadcast %sub3A_315 : f32 to vector<16xf32>
        %sub3A_317 = arith.subf %mul3A_314, %sub3A_316 : vector<16xf32>
        %mul3A_318 = arith.mulf %sub3A_317, %sub3A_299 : vector<16xf32>
        %add3A_319 = arith.constant 0.333333343 : f32
        %add3A_320 = vector.broadcast %add3A_319 : f32 to vector<16xf32>
        %add3A_321 = arith.addf %mul3A_318, %add3A_320 : vector<16xf32>
        %mul3A_322 = arith.mulf %add3A_321, %sub3A_299 : vector<16xf32>
        %sub3A_323 = arith.constant 5.000000e-01 : f32
        %sub3A_324 = vector.broadcast %sub3A_323 : f32 to vector<16xf32>
        %sub3A_325 = arith.subf %mul3A_322, %sub3A_324 : vector<16xf32>
        %mul3A_326 = arith.mulf %sub3A_325, %sub3A_299 : vector<16xf32>
        %add3A_327 = arith.constant 1.000000e+00 : f32
        %add3A_328 = vector.broadcast %add3A_327 : f32 to vector<16xf32>
        %add3A_329 = arith.addf %mul3A_326, %add3A_328 : vector<16xf32>
        %mul3A_330 = arith.mulf %sub3A_299, %add3A_329 : vector<16xf32>
        %mul3A_331 = arith.constant 0.693147182 : f32
        %mul3A_332 = vector.broadcast %mul3A_331 : f32 to vector<16xf32>
        %mul3A_333 = arith.mulf %convert_element_type3A, %mul3A_332 : vector<16xf32>
        %add3A_334 = arith.addf %mul3A_333, %mul3A_330 : vector<16xf32>
        %bitcast_convert_type3A_335 = tpu.bitcast %add3A_334 : vector<16xf32> -> vector<16xi32>
        %or3A_336 = arith.ori %bitcast_convert_type3A_335, %and3A_268 : vector<16xi32>
        %bitcast_convert_type3A_337 = tpu.bitcast %or3A_336 : vector<16xi32> -> vector<16xf32>
        %select_n3A_338 = arith.select %gt3A_112, %bitcast_convert_type3A_337, %get3A_266 : vector<16xi1>, vector<16xf32>
        %add3A_339 = arith.constant 1.000000e-35 : f32
        %add3A_340 = vector.broadcast %add3A_339 : f32 to vector<16xf32>
        %add3A_341 = arith.addf %bitcast_convert_type3A_272, %add3A_340 : vector<16xf32>
        %bitcast_convert_type3A_342 = tpu.bitcast %add3A_341 : vector<16xf32> -> vector<16xi32>
        %shift_right_logical3A_343 = arith.constant 1 : i32
        %shift_right_logical3A_344 = vector.broadcast %shift_right_logical3A_343 : i32 to vector<16xi32>
        %shift_right_logical3A_345 = arith.shrui %bitcast_convert_type3A_342, %shift_right_logical3A_344 : vector<16xi32>
        %sub3A_346 = arith.constant 1597463007 : i32
        %sub3A_347 = vector.broadcast %sub3A_346 : i32 to vector<16xi32>
        %sub3A_348 = arith.subi %sub3A_347, %shift_right_logical3A_345 : vector<16xi32>
        %bitcast_convert_type3A_349 = tpu.bitcast %sub3A_348 : vector<16xi32> -> vector<16xf32>
        %mul3A_350 = arith.constant 5.000000e-01 : f32
        %mul3A_351 = vector.broadcast %mul3A_350 : f32 to vector<16xf32>
        %mul3A_352 = arith.mulf %mul3A_351, %add3A_341 : vector<16xf32>
        %mul3A_353 = arith.mulf %mul3A_352, %bitcast_convert_type3A_349 : vector<16xf32>
        %mul3A_354 = arith.mulf %mul3A_353, %bitcast_convert_type3A_349 : vector<16xf32>
        %sub3A_355 = arith.constant 1.500000e+00 : f32
        %sub3A_356 = vector.broadcast %sub3A_355 : f32 to vector<16xf32>
        %sub3A_357 = arith.subf %sub3A_356, %mul3A_354 : vector<16xf32>
        %mul3A_358 = arith.mulf %bitcast_convert_type3A_349, %sub3A_357 : vector<16xf32>
        %mul3A_359 = arith.constant 5.000000e-01 : f32
        %mul3A_360 = vector.broadcast %mul3A_359 : f32 to vector<16xf32>
        %mul3A_361 = arith.mulf %mul3A_360, %add3A_341 : vector<16xf32>
        %mul3A_362 = arith.mulf %mul3A_361, %mul3A_358 : vector<16xf32>
        %mul3A_363 = arith.mulf %mul3A_362, %mul3A_358 : vector<16xf32>
        %sub3A_364 = arith.constant 1.500000e+00 : f32
        %sub3A_365 = vector.broadcast %sub3A_364 : f32 to vector<16xf32>
        %sub3A_366 = arith.subf %sub3A_365, %mul3A_363 : vector<16xf32>
        %mul3A_367 = arith.mulf %mul3A_358, %sub3A_366 : vector<16xf32>
        %mul3A_368 = arith.mulf %add3A_341, %mul3A_367 : vector<16xf32>
        %bitcast_convert_type3A_369 = tpu.bitcast %mul3A_368 : vector<16xf32> -> vector<16xi32>
        %or3A_370 = arith.ori %bitcast_convert_type3A_369, %and3A_268 : vector<16xi32>
        %bitcast_convert_type3A_371 = tpu.bitcast %or3A_370 : vector<16xi32> -> vector<16xf32>
        %select_n3A_372 = arith.select %gt3A_120, %bitcast_convert_type3A_371, %select_n3A_338 : vector<16xi1>, vector<16xf32>
        %mul3A_373 = arith.mulf %get3A_266, %get3A_266 : vector<16xf32>
        %select_n3A_374 = arith.select %gt3A_128, %mul3A_373, %select_n3A_372 : vector<16xi1>, vector<16xf32>
        %swap3A = arith.index_cast %scan3A_261 : i32 to index
        %swap3A_375 = arith.constant 48 : index
        %swap3A_376 = tpu.vector_load %arg7[%swap3A, %swap3A_375] {strides = array<i32>} : memref<128x128xf32, #tpu.memory_space<vmem>>, vector<1x16xf32>,
        %swap3A_377 = vector.shape_cast %swap3A_376 : vector<1x16xf32> to vector<16xf32>
        %swap3A_378 = vector.shape_cast %select_n3A_374 : vector<16xf32> to vector<1x16xf32>
        tpu.vector_store %arg7[%swap3A, %swap3A_375], %swap3A_378 {strides = array<i32>} : memref<128x128xf32, #tpu.memory_space<vmem>>, vector<1x16xf32>,
        %scan3A_379 = arith.constant 0 : i32
        %scan3A_380 = arith.constant 1 : i32
        %scan3A_381 = arith.addi %scan3A_261, %scan3A_380 : i32
        %get3A_382 = arith.index_cast %scan3A_381 : i32 to index
        %get3A_383 = arith.constant 48 : index
        %get3A_384 = tpu.vector_load %arg6[%get3A_382, %get3A_383] {strides = array<i32>} : memref<128x128xf32, #tpu.memory_space<vmem>>, vector<1x16xf32>,
        %get3A_385 = vector.shape_cast %get3A_384 : vector<1x16xf32> to vector<16xf32>
        %bitcast_convert_type3A_386 = tpu.bitcast %get3A_385 : vector<16xf32> -> vector<16xi32>
        %and3A_387 = arith.constant -2147483648 : i32
        %and3A_388 = vector.broadcast %and3A_387 : i32 to vector<16xi32>
        %and3A_389 = arith.andi %bitcast_convert_type3A_386, %and3A_388 : vector<16xi32>
        %and3A_390 = arith.constant 2147483647 : i32
        %and3A_391 = vector.broadcast %and3A_390 : i32 to vector<16xi32>
        %and3A_392 = arith.andi %bitcast_convert_type3A_386, %and3A_391 : vector<16xi32>
        %bitcast_convert_type3A_393 = tpu.bitcast %and3A_392 : vector<16xi32> -> vector<16xf32>
        %add3A_394 = arith.constant 1.000000e+00 : f32
        %add3A_395 = vector.broadcast %add3A_394 : f32 to vector<16xf32>
        %add3A_396 = arith.addf %bitcast_convert_type3A_393, %add3A_395 : vector<16xf32>
        %bitcast_convert_type3A_397 = tpu.bitcast %add3A_396 : vector<16xf32> -> vector<16xi32>
        %shift_right_logical3A_398 = arith.constant 23 : i32
        %shift_right_logical3A_399 = vector.broadcast %shift_right_logical3A_398 : i32 to vector<16xi32>
        %shift_right_logical3A_400 = arith.shrui %bitcast_convert_type3A_397, %shift_right_logical3A_399 : vector<16xi32>
        %sub3A_401 = arith.constant 127 : i32
        %sub3A_402 = vector.broadcast %sub3A_401 : i32 to vector<16xi32>
        %sub3A_403 = arith.subi %shift_right_logical3A_400, %sub3A_402 : vector<16xi32>
        %and3A_404 = arith.constant 8388607 : i32
        %and3A_405 = vector.broadcast %and3A_404 : i32 to vector<16xi32>
        %and3A_406 = arith.andi %bitcast_convert_type3A_397, %and3A_405 : vector<16xi32>
        %or3A_407 = arith.constant 1065353216 : i32
        %or3A_408 = vector.broadcast %or3A_407 : i32 to vector<16xi32>
        %or3A_409 = arith.ori %and3A_406, %or3A_408 : vector<16xi32>
        %bitcast_convert_type3A_410 = tpu.bitcast %or3A_409 : vector<16xi32> -> vector<16xf32>
        %gt3A_411 = arith.constant 1.41421354 : f32
        %gt3A_412 = vector.broadcast %gt3A_411 : f32 to vector<16xf32>
        %gt3A_413 = arith.cmpf ogt, %bitcast_convert_type3A_410, %gt3A_412 : vector<16xf32>
        %mul3A_414 = arith.constant 5.000000e-01 : f32
        %mul3A_415 = vector.broadcast %mul3A_414 : f32 to vector<16xf32>
        %mul3A_416 = arith.mulf %bitcast_convert_type3A_410, %mul3A_415 : vector<16xf32>
        %select_n3A_417 = arith.select %gt3A_413, %mul3A_416, %bitcast_convert_type3A_410 : vector<16xi1>, vector<16xf32>
        %jit3A_418 = arith.constant 1 : i32
        %jit3A_419 = arith.constant 0 : i32
        %broadcast_in_dim3A_420 = vector.broadcast %jit3A_418 : i32 to vector<16xi32>
        %broadcast_in_dim3A_421 = vector.broadcast %jit3A_419 : i32 to vector<16xi32>
        %select_n3A_422 = arith.select %gt3A_413, %broadcast_in_dim3A_420, %broadcast_in_dim3A_421 : vector<16xi1>, vector<16xi32>
        %add3A_423 = arith.addi %sub3A_403, %select_n3A_422 : vector<16xi32>
        %convert_element_type3A_424 = arith.sitofp %add3A_423 : vector<16xi32> to vector<16xf32>
        %sub3A_425 = arith.constant 1.000000e+00 : f32
        %sub3A_426 = vector.broadcast %sub3A_425 : f32 to vector<16xf32>
        %sub3A_427 = arith.subf %select_n3A_417, %sub3A_426 : vector<16xf32>
        %mul3A_428 = arith.constant -1.250000e-01 : f32
        %mul3A_429 = vector.broadcast %mul3A_428 : f32 to vector<16xf32>
        %mul3A_430 = arith.mulf %mul3A_429, %sub3A_427 : vector<16xf32>
        %add3A_431 = arith.constant 0.142857149 : f32
        %add3A_432 = vector.broadcast %add3A_431 : f32 to vector<16xf32>
        %add3A_433 = arith.addf %mul3A_430, %add3A_432 : vector<16xf32>
        %mul3A_434 = arith.mulf %add3A_433, %sub3A_427 : vector<16xf32>
        %sub3A_435 = arith.constant 0.166666672 : f32
        %sub3A_436 = vector.broadcast %sub3A_435 : f32 to vector<16xf32>
        %sub3A_437 = arith.subf %mul3A_434, %sub3A_436 : vector<16xf32>
        %mul3A_438 = arith.mulf %sub3A_437, %sub3A_427 : vector<16xf32>
        %add3A_439 = arith.constant 2.000000e-01 : f32
        %add3A_440 = vector.broadcast %add3A_439 : f32 to vector<16xf32>
        %add3A_441 = arith.addf %mul3A_438, %add3A_440 : vector<16xf32>
        %mul3A_442 = arith.mulf %add3A_441, %sub3A_427 : vector<16xf32>
        %sub3A_443 = arith.constant 2.500000e-01 : f32
        %sub3A_444 = vector.broadcast %sub3A_443 : f32 to vector<16xf32>
        %sub3A_445 = arith.subf %mul3A_442, %sub3A_444 : vector<16xf32>
        %mul3A_446 = arith.mulf %sub3A_445, %sub3A_427 : vector<16xf32>
        %add3A_447 = arith.constant 0.333333343 : f32
        %add3A_448 = vector.broadcast %add3A_447 : f32 to vector<16xf32>
        %add3A_449 = arith.addf %mul3A_446, %add3A_448 : vector<16xf32>
        %mul3A_450 = arith.mulf %add3A_449, %sub3A_427 : vector<16xf32>
        %sub3A_451 = arith.constant 5.000000e-01 : f32
        %sub3A_452 = vector.broadcast %sub3A_451 : f32 to vector<16xf32>
        %sub3A_453 = arith.subf %mul3A_450, %sub3A_452 : vector<16xf32>
        %mul3A_454 = arith.mulf %sub3A_453, %sub3A_427 : vector<16xf32>
        %add3A_455 = arith.constant 1.000000e+00 : f32
        %add3A_456 = vector.broadcast %add3A_455 : f32 to vector<16xf32>
        %add3A_457 = arith.addf %mul3A_454, %add3A_456 : vector<16xf32>
        %mul3A_458 = arith.mulf %sub3A_427, %add3A_457 : vector<16xf32>
        %mul3A_459 = arith.constant 0.693147182 : f32
        %mul3A_460 = vector.broadcast %mul3A_459 : f32 to vector<16xf32>
        %mul3A_461 = arith.mulf %convert_element_type3A_424, %mul3A_460 : vector<16xf32>
        %add3A_462 = arith.addf %mul3A_461, %mul3A_458 : vector<16xf32>
        %bitcast_convert_type3A_463 = tpu.bitcast %add3A_462 : vector<16xf32> -> vector<16xi32>
        %or3A_464 = arith.ori %bitcast_convert_type3A_463, %and3A_389 : vector<16xi32>
        %bitcast_convert_type3A_465 = tpu.bitcast %or3A_464 : vector<16xi32> -> vector<16xf32>
        %select_n3A_466 = arith.select %gt3A_112, %bitcast_convert_type3A_465, %get3A_385 : vector<16xi1>, vector<16xf32>
        %add3A_467 = arith.constant 1.000000e-35 : f32
        %add3A_468 = vector.broadcast %add3A_467 : f32 to vector<16xf32>
        %add3A_469 = arith.addf %bitcast_convert_type3A_393, %add3A_468 : vector<16xf32>
        %bitcast_convert_type3A_470 = tpu.bitcast %add3A_469 : vector<16xf32> -> vector<16xi32>
        %shift_right_logical3A_471 = arith.constant 1 : i32
        %shift_right_logical3A_472 = vector.broadcast %shift_right_logical3A_471 : i32 to vector<16xi32>
        %shift_right_logical3A_473 = arith.shrui %bitcast_convert_type3A_470, %shift_right_logical3A_472 : vector<16xi32>
        %sub3A_474 = arith.constant 1597463007 : i32
        %sub3A_475 = vector.broadcast %sub3A_474 : i32 to vector<16xi32>
        %sub3A_476 = arith.subi %sub3A_475, %shift_right_logical3A_473 : vector<16xi32>
        %bitcast_convert_type3A_477 = tpu.bitcast %sub3A_476 : vector<16xi32> -> vector<16xf32>
        %mul3A_478 = arith.constant 5.000000e-01 : f32
        %mul3A_479 = vector.broadcast %mul3A_478 : f32 to vector<16xf32>
        %mul3A_480 = arith.mulf %mul3A_479, %add3A_469 : vector<16xf32>
        %mul3A_481 = arith.mulf %mul3A_480, %bitcast_convert_type3A_477 : vector<16xf32>
        %mul3A_482 = arith.mulf %mul3A_481, %bitcast_convert_type3A_477 : vector<16xf32>
        %sub3A_483 = arith.constant 1.500000e+00 : f32
        %sub3A_484 = vector.broadcast %sub3A_483 : f32 to vector<16xf32>
        %sub3A_485 = arith.subf %sub3A_484, %mul3A_482 : vector<16xf32>
        %mul3A_486 = arith.mulf %bitcast_convert_type3A_477, %sub3A_485 : vector<16xf32>
        %mul3A_487 = arith.constant 5.000000e-01 : f32
        %mul3A_488 = vector.broadcast %mul3A_487 : f32 to vector<16xf32>
        %mul3A_489 = arith.mulf %mul3A_488, %add3A_469 : vector<16xf32>
        %mul3A_490 = arith.mulf %mul3A_489, %mul3A_486 : vector<16xf32>
        %mul3A_491 = arith.mulf %mul3A_490, %mul3A_486 : vector<16xf32>
        %sub3A_492 = arith.constant 1.500000e+00 : f32
        %sub3A_493 = vector.broadcast %sub3A_492 : f32 to vector<16xf32>
        %sub3A_494 = arith.subf %sub3A_493, %mul3A_491 : vector<16xf32>
        %mul3A_495 = arith.mulf %mul3A_486, %sub3A_494 : vector<16xf32>
        %mul3A_496 = arith.mulf %add3A_469, %mul3A_495 : vector<16xf32>
        %bitcast_convert_type3A_497 = tpu.bitcast %mul3A_496 : vector<16xf32> -> vector<16xi32>
        %or3A_498 = arith.ori %bitcast_convert_type3A_497, %and3A_389 : vector<16xi32>
        %bitcast_convert_type3A_499 = tpu.bitcast %or3A_498 : vector<16xi32> -> vector<16xf32>
        %select_n3A_500 = arith.select %gt3A_120, %bitcast_convert_type3A_499, %select_n3A_466 : vector<16xi1>, vector<16xf32>
        %mul3A_501 = arith.mulf %get3A_385, %get3A_385 : vector<16xf32>
        %select_n3A_502 = arith.select %gt3A_128, %mul3A_501, %select_n3A_500 : vector<16xi1>, vector<16xf32>
        %swap3A_503 = arith.index_cast %scan3A_381 : i32 to index
        %swap3A_504 = arith.constant 48 : index
        %swap3A_505 = tpu.vector_load %arg7[%swap3A_503, %swap3A_504] {strides = array<i32>} : memref<128x128xf32, #tpu.memory_space<vmem>>, vector<1x16xf32>,
        %swap3A_506 = vector.shape_cast %swap3A_505 : vector<1x16xf32> to vector<16xf32>
        %swap3A_507 = vector.shape_cast %select_n3A_502 : vector<16xf32> to vector<1x16xf32>
        tpu.vector_store %arg7[%swap3A_503, %swap3A_504], %swap3A_507 {strides = array<i32>} : memref<128x128xf32, #tpu.memory_space<vmem>>, vector<1x16xf32>,
        %scan3A_508 = arith.constant 0 : i32
        %scan3A_509 = arith.constant 2 : i32
        %scan3A_510 = arith.addi %scan3A_261, %scan3A_509 : i32
        %get3A_511 = arith.index_cast %scan3A_510 : i32 to index
        %get3A_512 = arith.constant 48 : index
        %get3A_513 = tpu.vector_load %arg6[%get3A_511, %get3A_512] {strides = array<i32>} : memref<128x128xf32, #tpu.memory_space<vmem>>, vector<1x16xf32>,
        %get3A_514 = vector.shape_cast %get3A_513 : vector<1x16xf32> to vector<16xf32>
        %bitcast_convert_type3A_515 = tpu.bitcast %get3A_514 : vector<16xf32> -> vector<16xi32>
        %and3A_516 = arith.constant -2147483648 : i32
        %and3A_517 = vector.broadcast %and3A_516 : i32 to vector<16xi32>
        %and3A_518 = arith.andi %bitcast_convert_type3A_515, %and3A_517 : vector<16xi32>
        %and3A_519 = arith.constant 2147483647 : i32
        %and3A_520 = vector.broadcast %and3A_519 : i32 to vector<16xi32>
        %and3A_521 = arith.andi %bitcast_convert_type3A_515, %and3A_520 : vector<16xi32>
        %bitcast_convert_type3A_522 = tpu.bitcast %and3A_521 : vector<16xi32> -> vector<16xf32>
        %add3A_523 = arith.constant 1.000000e+00 : f32
        %add3A_524 = vector.broadcast %add3A_523 : f32 to vector<16xf32>
        %add3A_525 = arith.addf %bitcast_convert_type3A_522, %add3A_524 : vector<16xf32>
        %bitcast_convert_type3A_526 = tpu.bitcast %add3A_525 : vector<16xf32> -> vector<16xi32>
        %shift_right_logical3A_527 = arith.constant 23 : i32
        %shift_right_logical3A_528 = vector.broadcast %shift_right_logical3A_527 : i32 to vector<16xi32>
        %shift_right_logical3A_529 = arith.shrui %bitcast_convert_type3A_526, %shift_right_logical3A_528 : vector<16xi32>
        %sub3A_530 = arith.constant 127 : i32
        %sub3A_531 = vector.broadcast %sub3A_530 : i32 to vector<16xi32>
        %sub3A_532 = arith.subi %shift_right_logical3A_529, %sub3A_531 : vector<16xi32>
        %and3A_533 = arith.constant 8388607 : i32
        %and3A_534 = vector.broadcast %and3A_533 : i32 to vector<16xi32>
        %and3A_535 = arith.andi %bitcast_convert_type3A_526, %and3A_534 : vector<16xi32>
        %or3A_536 = arith.constant 1065353216 : i32
        %or3A_537 = vector.broadcast %or3A_536 : i32 to vector<16xi32>
        %or3A_538 = arith.ori %and3A_535, %or3A_537 : vector<16xi32>
        %bitcast_convert_type3A_539 = tpu.bitcast %or3A_538 : vector<16xi32> -> vector<16xf32>
        %gt3A_540 = arith.constant 1.41421354 : f32
        %gt3A_541 = vector.broadcast %gt3A_540 : f32 to vector<16xf32>
        %gt3A_542 = arith.cmpf ogt, %bitcast_convert_type3A_539, %gt3A_541 : vector<16xf32>
        %mul3A_543 = arith.constant 5.000000e-01 : f32
        %mul3A_544 = vector.broadcast %mul3A_543 : f32 to vector<16xf32>
        %mul3A_545 = arith.mulf %bitcast_convert_type3A_539, %mul3A_544 : vector<16xf32>
        %select_n3A_546 = arith.select %gt3A_542, %mul3A_545, %bitcast_convert_type3A_539 : vector<16xi1>, vector<16xf32>
        %jit3A_547 = arith.constant 1 : i32
        %jit3A_548 = arith.constant 0 : i32
        %broadcast_in_dim3A_549 = vector.broadcast %jit3A_547 : i32 to vector<16xi32>
        %broadcast_in_dim3A_550 = vector.broadcast %jit3A_548 : i32 to vector<16xi32>
        %select_n3A_551 = arith.select %gt3A_542, %broadcast_in_dim3A_549, %broadcast_in_dim3A_550 : vector<16xi1>, vector<16xi32>
        %add3A_552 = arith.addi %sub3A_532, %select_n3A_551 : vector<16xi32>
        %convert_element_type3A_553 = arith.sitofp %add3A_552 : vector<16xi32> to vector<16xf32>
        %sub3A_554 = arith.constant 1.000000e+00 : f32
        %sub3A_555 = vector.broadcast %sub3A_554 : f32 to vector<16xf32>
        %sub3A_556 = arith.subf %select_n3A_546, %sub3A_555 : vector<16xf32>
        %mul3A_557 = arith.constant -1.250000e-01 : f32
        %mul3A_558 = vector.broadcast %mul3A_557 : f32 to vector<16xf32>
        %mul3A_559 = arith.mulf %mul3A_558, %sub3A_556 : vector<16xf32>
        %add3A_560 = arith.constant 0.142857149 : f32
        %add3A_561 = vector.broadcast %add3A_560 : f32 to vector<16xf32>
        %add3A_562 = arith.addf %mul3A_559, %add3A_561 : vector<16xf32>
        %mul3A_563 = arith.mulf %add3A_562, %sub3A_556 : vector<16xf32>
        %sub3A_564 = arith.constant 0.166666672 : f32
        %sub3A_565 = vector.broadcast %sub3A_564 : f32 to vector<16xf32>
        %sub3A_566 = arith.subf %mul3A_563, %sub3A_565 : vector<16xf32>
        %mul3A_567 = arith.mulf %sub3A_566, %sub3A_556 : vector<16xf32>
        %add3A_568 = arith.constant 2.000000e-01 : f32
        %add3A_569 = vector.broadcast %add3A_568 : f32 to vector<16xf32>
        %add3A_570 = arith.addf %mul3A_567, %add3A_569 : vector<16xf32>
        %mul3A_571 = arith.mulf %add3A_570, %sub3A_556 : vector<16xf32>
        %sub3A_572 = arith.constant 2.500000e-01 : f32
        %sub3A_573 = vector.broadcast %sub3A_572 : f32 to vector<16xf32>
        %sub3A_574 = arith.subf %mul3A_571, %sub3A_573 : vector<16xf32>
        %mul3A_575 = arith.mulf %sub3A_574, %sub3A_556 : vector<16xf32>
        %add3A_576 = arith.constant 0.333333343 : f32
        %add3A_577 = vector.broadcast %add3A_576 : f32 to vector<16xf32>
        %add3A_578 = arith.addf %mul3A_575, %add3A_577 : vector<16xf32>
        %mul3A_579 = arith.mulf %add3A_578, %sub3A_556 : vector<16xf32>
        %sub3A_580 = arith.constant 5.000000e-01 : f32
        %sub3A_581 = vector.broadcast %sub3A_580 : f32 to vector<16xf32>
        %sub3A_582 = arith.subf %mul3A_579, %sub3A_581 : vector<16xf32>
        %mul3A_583 = arith.mulf %sub3A_582, %sub3A_556 : vector<16xf32>
        %add3A_584 = arith.constant 1.000000e+00 : f32
        %add3A_585 = vector.broadcast %add3A_584 : f32 to vector<16xf32>
        %add3A_586 = arith.addf %mul3A_583, %add3A_585 : vector<16xf32>
        %mul3A_587 = arith.mulf %sub3A_556, %add3A_586 : vector<16xf32>
        %mul3A_588 = arith.constant 0.693147182 : f32
        %mul3A_589 = vector.broadcast %mul3A_588 : f32 to vector<16xf32>
        %mul3A_590 = arith.mulf %convert_element_type3A_553, %mul3A_589 : vector<16xf32>
        %add3A_591 = arith.addf %mul3A_590, %mul3A_587 : vector<16xf32>
        %bitcast_convert_type3A_592 = tpu.bitcast %add3A_591 : vector<16xf32> -> vector<16xi32>
        %or3A_593 = arith.ori %bitcast_convert_type3A_592, %and3A_518 : vector<16xi32>
        %bitcast_convert_type3A_594 = tpu.bitcast %or3A_593 : vector<16xi32> -> vector<16xf32>
        %select_n3A_595 = arith.select %gt3A_112, %bitcast_convert_type3A_594, %get3A_514 : vector<16xi1>, vector<16xf32>
        %add3A_596 = arith.constant 1.000000e-35 : f32
        %add3A_597 = vector.broadcast %add3A_596 : f32 to vector<16xf32>
        %add3A_598 = arith.addf %bitcast_convert_type3A_522, %add3A_597 : vector<16xf32>
        %bitcast_convert_type3A_599 = tpu.bitcast %add3A_598 : vector<16xf32> -> vector<16xi32>
        %shift_right_logical3A_600 = arith.constant 1 : i32
        %shift_right_logical3A_601 = vector.broadcast %shift_right_logical3A_600 : i32 to vector<16xi32>
        %shift_right_logical3A_602 = arith.shrui %bitcast_convert_type3A_599, %shift_right_logical3A_601 : vector<16xi32>
        %sub3A_603 = arith.constant 1597463007 : i32
        %sub3A_604 = vector.broadcast %sub3A_603 : i32 to vector<16xi32>
        %sub3A_605 = arith.subi %sub3A_604, %shift_right_logical3A_602 : vector<16xi32>
        %bitcast_convert_type3A_606 = tpu.bitcast %sub3A_605 : vector<16xi32> -> vector<16xf32>
        %mul3A_607 = arith.constant 5.000000e-01 : f32
        %mul3A_608 = vector.broadcast %mul3A_607 : f32 to vector<16xf32>
        %mul3A_609 = arith.mulf %mul3A_608, %add3A_598 : vector<16xf32>
        %mul3A_610 = arith.mulf %mul3A_609, %bitcast_convert_type3A_606 : vector<16xf32>
        %mul3A_611 = arith.mulf %mul3A_610, %bitcast_convert_type3A_606 : vector<16xf32>
        %sub3A_612 = arith.constant 1.500000e+00 : f32
        %sub3A_613 = vector.broadcast %sub3A_612 : f32 to vector<16xf32>
        %sub3A_614 = arith.subf %sub3A_613, %mul3A_611 : vector<16xf32>
        %mul3A_615 = arith.mulf %bitcast_convert_type3A_606, %sub3A_614 : vector<16xf32>
        %mul3A_616 = arith.constant 5.000000e-01 : f32
        %mul3A_617 = vector.broadcast %mul3A_616 : f32 to vector<16xf32>
        %mul3A_618 = arith.mulf %mul3A_617, %add3A_598 : vector<16xf32>
        %mul3A_619 = arith.mulf %mul3A_618, %mul3A_615 : vector<16xf32>
        %mul3A_620 = arith.mulf %mul3A_619, %mul3A_615 : vector<16xf32>
        %sub3A_621 = arith.constant 1.500000e+00 : f32
        %sub3A_622 = vector.broadcast %sub3A_621 : f32 to vector<16xf32>
        %sub3A_623 = arith.subf %sub3A_622, %mul3A_620 : vector<16xf32>
        %mul3A_624 = arith.mulf %mul3A_615, %sub3A_623 : vector<16xf32>
        %mul3A_625 = arith.mulf %add3A_598, %mul3A_624 : vector<16xf32>
        %bitcast_convert_type3A_626 = tpu.bitcast %mul3A_625 : vector<16xf32> -> vector<16xi32>
        %or3A_627 = arith.ori %bitcast_convert_type3A_626, %and3A_518 : vector<16xi32>
        %bitcast_convert_type3A_628 = tpu.bitcast %or3A_627 : vector<16xi32> -> vector<16xf32>
        %select_n3A_629 = arith.select %gt3A_120, %bitcast_convert_type3A_628, %select_n3A_595 : vector<16xi1>, vector<16xf32>
        %mul3A_630 = arith.mulf %get3A_514, %get3A_514 : vector<16xf32>
        %select_n3A_631 = arith.select %gt3A_128, %mul3A_630, %select_n3A_629 : vector<16xi1>, vector<16xf32>
        %swap3A_632 = arith.index_cast %scan3A_510 : i32 to index
        %swap3A_633 = arith.constant 48 : index
        %swap3A_634 = tpu.vector_load %arg7[%swap3A_632, %swap3A_633] {strides = array<i32>} : memref<128x128xf32, #tpu.memory_space<vmem>>, vector<1x16xf32>,
        %swap3A_635 = vector.shape_cast %swap3A_634 : vector<1x16xf32> to vector<16xf32>
        %swap3A_636 = vector.shape_cast %select_n3A_631 : vector<16xf32> to vector<1x16xf32>
        tpu.vector_store %arg7[%swap3A_632, %swap3A_633], %swap3A_636 {strides = array<i32>} : memref<128x128xf32, #tpu.memory_space<vmem>>, vector<1x16xf32>,
        %scan3A_637 = arith.constant 0 : i32
        %scan3A_638 = arith.constant 3 : i32
        %scan3A_639 = arith.addi %scan3A_261, %scan3A_638 : i32
        %get3A_640 = arith.index_cast %scan3A_639 : i32 to index
        %get3A_641 = arith.constant 48 : index
        %get3A_642 = tpu.vector_load %arg6[%get3A_640, %get3A_641] {strides = array<i32>} : memref<128x128xf32, #tpu.memory_space<vmem>>, vector<1x16xf32>,
        %get3A_643 = vector.shape_cast %get3A_642 : vector<1x16xf32> to vector<16xf32>
        %bitcast_convert_type3A_644 = tpu.bitcast %get3A_643 : vector<16xf32> -> vector<16xi32>
        %and3A_645 = arith.constant -2147483648 : i32
        %and3A_646 = vector.broadcast %and3A_645 : i32 to vector<16xi32>
        %and3A_647 = arith.andi %bitcast_convert_type3A_644, %and3A_646 : vector<16xi32>
        %and3A_648 = arith.constant 2147483647 : i32
        %and3A_649 = vector.broadcast %and3A_648 : i32 to vector<16xi32>
        %and3A_650 = arith.andi %bitcast_convert_type3A_644, %and3A_649 : vector<16xi32>
        %bitcast_convert_type3A_651 = tpu.bitcast %and3A_650 : vector<16xi32> -> vector<16xf32>
        %add3A_652 = arith.constant 1.000000e+00 : f32
        %add3A_653 = vector.broadcast %add3A_652 : f32 to vector<16xf32>
        %add3A_654 = arith.addf %bitcast_convert_type3A_651, %add3A_653 : vector<16xf32>
        %bitcast_convert_type3A_655 = tpu.bitcast %add3A_654 : vector<16xf32> -> vector<16xi32>
        %shift_right_logical3A_656 = arith.constant 23 : i32
        %shift_right_logical3A_657 = vector.broadcast %shift_right_logical3A_656 : i32 to vector<16xi32>
        %shift_right_logical3A_658 = arith.shrui %bitcast_convert_type3A_655, %shift_right_logical3A_657 : vector<16xi32>
        %sub3A_659 = arith.constant 127 : i32
        %sub3A_660 = vector.broadcast %sub3A_659 : i32 to vector<16xi32>
        %sub3A_661 = arith.subi %shift_right_logical3A_658, %sub3A_660 : vector<16xi32>
        %and3A_662 = arith.constant 8388607 : i32
        %and3A_663 = vector.broadcast %and3A_662 : i32 to vector<16xi32>
        %and3A_664 = arith.andi %bitcast_convert_type3A_655, %and3A_663 : vector<16xi32>
        %or3A_665 = arith.constant 1065353216 : i32
        %or3A_666 = vector.broadcast %or3A_665 : i32 to vector<16xi32>
        %or3A_667 = arith.ori %and3A_664, %or3A_666 : vector<16xi32>
        %bitcast_convert_type3A_668 = tpu.bitcast %or3A_667 : vector<16xi32> -> vector<16xf32>
        %gt3A_669 = arith.constant 1.41421354 : f32
        %gt3A_670 = vector.broadcast %gt3A_669 : f32 to vector<16xf32>
        %gt3A_671 = arith.cmpf ogt, %bitcast_convert_type3A_668, %gt3A_670 : vector<16xf32>
        %mul3A_672 = arith.constant 5.000000e-01 : f32
        %mul3A_673 = vector.broadcast %mul3A_672 : f32 to vector<16xf32>
        %mul3A_674 = arith.mulf %bitcast_convert_type3A_668, %mul3A_673 : vector<16xf32>
        %select_n3A_675 = arith.select %gt3A_671, %mul3A_674, %bitcast_convert_type3A_668 : vector<16xi1>, vector<16xf32>
        %jit3A_676 = arith.constant 1 : i32
        %jit3A_677 = arith.constant 0 : i32
        %broadcast_in_dim3A_678 = vector.broadcast %jit3A_676 : i32 to vector<16xi32>
        %broadcast_in_dim3A_679 = vector.broadcast %jit3A_677 : i32 to vector<16xi32>
        %select_n3A_680 = arith.select %gt3A_671, %broadcast_in_dim3A_678, %broadcast_in_dim3A_679 : vector<16xi1>, vector<16xi32>
        %add3A_681 = arith.addi %sub3A_661, %select_n3A_680 : vector<16xi32>
        %convert_element_type3A_682 = arith.sitofp %add3A_681 : vector<16xi32> to vector<16xf32>
        %sub3A_683 = arith.constant 1.000000e+00 : f32
        %sub3A_684 = vector.broadcast %sub3A_683 : f32 to vector<16xf32>
        %sub3A_685 = arith.subf %select_n3A_675, %sub3A_684 : vector<16xf32>
        %mul3A_686 = arith.constant -1.250000e-01 : f32
        %mul3A_687 = vector.broadcast %mul3A_686 : f32 to vector<16xf32>
        %mul3A_688 = arith.mulf %mul3A_687, %sub3A_685 : vector<16xf32>
        %add3A_689 = arith.constant 0.142857149 : f32
        %add3A_690 = vector.broadcast %add3A_689 : f32 to vector<16xf32>
        %add3A_691 = arith.addf %mul3A_688, %add3A_690 : vector<16xf32>
        %mul3A_692 = arith.mulf %add3A_691, %sub3A_685 : vector<16xf32>
        %sub3A_693 = arith.constant 0.166666672 : f32
        %sub3A_694 = vector.broadcast %sub3A_693 : f32 to vector<16xf32>
        %sub3A_695 = arith.subf %mul3A_692, %sub3A_694 : vector<16xf32>
        %mul3A_696 = arith.mulf %sub3A_695, %sub3A_685 : vector<16xf32>
        %add3A_697 = arith.constant 2.000000e-01 : f32
        %add3A_698 = vector.broadcast %add3A_697 : f32 to vector<16xf32>
        %add3A_699 = arith.addf %mul3A_696, %add3A_698 : vector<16xf32>
        %mul3A_700 = arith.mulf %add3A_699, %sub3A_685 : vector<16xf32>
        %sub3A_701 = arith.constant 2.500000e-01 : f32
        %sub3A_702 = vector.broadcast %sub3A_701 : f32 to vector<16xf32>
        %sub3A_703 = arith.subf %mul3A_700, %sub3A_702 : vector<16xf32>
        %mul3A_704 = arith.mulf %sub3A_703, %sub3A_685 : vector<16xf32>
        %add3A_705 = arith.constant 0.333333343 : f32
        %add3A_706 = vector.broadcast %add3A_705 : f32 to vector<16xf32>
        %add3A_707 = arith.addf %mul3A_704, %add3A_706 : vector<16xf32>
        %mul3A_708 = arith.mulf %add3A_707, %sub3A_685 : vector<16xf32>
        %sub3A_709 = arith.constant 5.000000e-01 : f32
        %sub3A_710 = vector.broadcast %sub3A_709 : f32 to vector<16xf32>
        %sub3A_711 = arith.subf %mul3A_708, %sub3A_710 : vector<16xf32>
        %mul3A_712 = arith.mulf %sub3A_711, %sub3A_685 : vector<16xf32>
        %add3A_713 = arith.constant 1.000000e+00 : f32
        %add3A_714 = vector.broadcast %add3A_713 : f32 to vector<16xf32>
        %add3A_715 = arith.addf %mul3A_712, %add3A_714 : vector<16xf32>
        %mul3A_716 = arith.mulf %sub3A_685, %add3A_715 : vector<16xf32>
        %mul3A_717 = arith.constant 0.693147182 : f32
        %mul3A_718 = vector.broadcast %mul3A_717 : f32 to vector<16xf32>
        %mul3A_719 = arith.mulf %convert_element_type3A_682, %mul3A_718 : vector<16xf32>
        %add3A_720 = arith.addf %mul3A_719, %mul3A_716 : vector<16xf32>
        %bitcast_convert_type3A_721 = tpu.bitcast %add3A_720 : vector<16xf32> -> vector<16xi32>
        %or3A_722 = arith.ori %bitcast_convert_type3A_721, %and3A_647 : vector<16xi32>
        %bitcast_convert_type3A_723 = tpu.bitcast %or3A_722 : vector<16xi32> -> vector<16xf32>
        %select_n3A_724 = arith.select %gt3A_112, %bitcast_convert_type3A_723, %get3A_643 : vector<16xi1>, vector<16xf32>
        %add3A_725 = arith.constant 1.000000e-35 : f32
        %add3A_726 = vector.broadcast %add3A_725 : f32 to vector<16xf32>
        %add3A_727 = arith.addf %bitcast_convert_type3A_651, %add3A_726 : vector<16xf32>
        %bitcast_convert_type3A_728 = tpu.bitcast %add3A_727 : vector<16xf32> -> vector<16xi32>
        %shift_right_logical3A_729 = arith.constant 1 : i32
        %shift_right_logical3A_730 = vector.broadcast %shift_right_logical3A_729 : i32 to vector<16xi32>
        %shift_right_logical3A_731 = arith.shrui %bitcast_convert_type3A_728, %shift_right_logical3A_730 : vector<16xi32>
        %sub3A_732 = arith.constant 1597463007 : i32
        %sub3A_733 = vector.broadcast %sub3A_732 : i32 to vector<16xi32>
        %sub3A_734 = arith.subi %sub3A_733, %shift_right_logical3A_731 : vector<16xi32>
        %bitcast_convert_type3A_735 = tpu.bitcast %sub3A_734 : vector<16xi32> -> vector<16xf32>
        %mul3A_736 = arith.constant 5.000000e-01 : f32
        %mul3A_737 = vector.broadcast %mul3A_736 : f32 to vector<16xf32>
        %mul3A_738 = arith.mulf %mul3A_737, %add3A_727 : vector<16xf32>
        %mul3A_739 = arith.mulf %mul3A_738, %bitcast_convert_type3A_735 : vector<16xf32>
        %mul3A_740 = arith.mulf %mul3A_739, %bitcast_convert_type3A_735 : vector<16xf32>
        %sub3A_741 = arith.constant 1.500000e+00 : f32
        %sub3A_742 = vector.broadcast %sub3A_741 : f32 to vector<16xf32>
        %sub3A_743 = arith.subf %sub3A_742, %mul3A_740 : vector<16xf32>
        %mul3A_744 = arith.mulf %bitcast_convert_type3A_735, %sub3A_743 : vector<16xf32>
        %mul3A_745 = arith.constant 5.000000e-01 : f32
        %mul3A_746 = vector.broadcast %mul3A_745 : f32 to vector<16xf32>
        %mul3A_747 = arith.mulf %mul3A_746, %add3A_727 : vector<16xf32>
        %mul3A_748 = arith.mulf %mul3A_747, %mul3A_744 : vector<16xf32>
        %mul3A_749 = arith.mulf %mul3A_748, %mul3A_744 : vector<16xf32>
        %sub3A_750 = arith.constant 1.500000e+00 : f32
        %sub3A_751 = vector.broadcast %sub3A_750 : f32 to vector<16xf32>
        %sub3A_752 = arith.subf %sub3A_751, %mul3A_749 : vector<16xf32>
        %mul3A_753 = arith.mulf %mul3A_744, %sub3A_752 : vector<16xf32>
        %mul3A_754 = arith.mulf %add3A_727, %mul3A_753 : vector<16xf32>
        %bitcast_convert_type3A_755 = tpu.bitcast %mul3A_754 : vector<16xf32> -> vector<16xi32>
        %or3A_756 = arith.ori %bitcast_convert_type3A_755, %and3A_647 : vector<16xi32>
        %bitcast_convert_type3A_757 = tpu.bitcast %or3A_756 : vector<16xi32> -> vector<16xf32>
        %select_n3A_758 = arith.select %gt3A_120, %bitcast_convert_type3A_757, %select_n3A_724 : vector<16xi1>, vector<16xf32>
        %mul3A_759 = arith.mulf %get3A_643, %get3A_643 : vector<16xf32>
        %select_n3A_760 = arith.select %gt3A_128, %mul3A_759, %select_n3A_758 : vector<16xi1>, vector<16xf32>
        %swap3A_761 = arith.index_cast %scan3A_639 : i32 to index
        %swap3A_762 = arith.constant 48 : index
        %swap3A_763 = tpu.vector_load %arg7[%swap3A_761, %swap3A_762] {strides = array<i32>} : memref<128x128xf32, #tpu.memory_space<vmem>>, vector<1x16xf32>,
        %swap3A_764 = vector.shape_cast %swap3A_763 : vector<1x16xf32> to vector<16xf32>
        %swap3A_765 = vector.shape_cast %select_n3A_760 : vector<16xf32> to vector<1x16xf32>
        tpu.vector_store %arg7[%swap3A_761, %swap3A_762], %swap3A_765 {strides = array<i32>} : memref<128x128xf32, #tpu.memory_space<vmem>>, vector<1x16xf32>,
        %scan3A_766 = arith.constant 0 : i32
        scf.yield %scan3A_766 : i32
      }
      %scan3A_135 = arith.constant 128 : i32
      %get3A_136 = arith.constant 1 : i32
      %get3A_137 = arith.index_cast %get3A_136 : i32 to index
      %get3A_138 = arith.constant 64 : index
      %get3A_139 = tpu.vector_load %arg5[%get3A_137, %get3A_138] {strides = array<i32>} : memref<8x128xf32, #tpu.memory_space<vmem>>, vector<1x16xf32>,
      %get3A_140 = vector.shape_cast %get3A_139 : vector<1x16xf32> to vector<16xf32>
      %gt3A_141 = arith.constant 5.000000e-01 : f32
      %gt3A_142 = vector.broadcast %gt3A_141 : f32 to vector<16xf32>
      %gt3A_143 = arith.cmpf ogt, %get3A_140, %gt3A_142 : vector<16xf32>
      %get3A_144 = arith.constant 2 : i32
      %get3A_145 = arith.index_cast %get3A_144 : i32 to index
      %get3A_146 = arith.constant 64 : index
      %get3A_147 = tpu.vector_load %arg5[%get3A_145, %get3A_146] {strides = array<i32>} : memref<8x128xf32, #tpu.memory_space<vmem>>, vector<1x16xf32>,
      %get3A_148 = vector.shape_cast %get3A_147 : vector<1x16xf32> to vector<16xf32>
      %gt3A_149 = arith.constant 5.000000e-01 : f32
      %gt3A_150 = vector.broadcast %gt3A_149 : f32 to vector<16xf32>
      %gt3A_151 = arith.cmpf ogt, %get3A_148, %gt3A_150 : vector<16xf32>
      %get3A_152 = arith.constant 3 : i32
      %get3A_153 = arith.index_cast %get3A_152 : i32 to index
      %get3A_154 = arith.constant 64 : index
      %get3A_155 = tpu.vector_load %arg5[%get3A_153, %get3A_154] {strides = array<i32>} : memref<8x128xf32, #tpu.memory_space<vmem>>, vector<1x16xf32>,
      %get3A_156 = vector.shape_cast %get3A_155 : vector<1x16xf32> to vector<16xf32>
      %gt3A_157 = arith.constant 5.000000e-01 : f32
      %gt3A_158 = vector.broadcast %gt3A_157 : f32 to vector<16xf32>
      %gt3A_159 = arith.cmpf ogt, %get3A_156, %gt3A_158 : vector<16xf32>
      %scan3A_160 = arith.constant 0 : i32
      %scan3A_161 = arith.constant 0 : i32
      %scan3A_162 = arith.constant 128 : i32
      %scan3A_163 = arith.addi %scan3A_161, %scan3A_162 : i32
      %scan3A_164 = arith.constant 4 : i32
      %scan3A_165 = scf.for %scan3A_261 = %scan3A_161 to %scan3A_163 step %scan3A_164 iter_args(%scan3A_262 = %scan3A_160) -> (i32)  : i32 {
        %get3A_263 = arith.index_cast %scan3A_261 : i32 to index
        %get3A_264 = arith.constant 64 : index
        %get3A_265 = tpu.vector_load %arg6[%get3A_263, %get3A_264] {strides = array<i32>} : memref<128x128xf32, #tpu.memory_space<vmem>>, vector<1x16xf32>,
        %get3A_266 = vector.shape_cast %get3A_265 : vector<1x16xf32> to vector<16xf32>
        %bitcast_convert_type3A = tpu.bitcast %get3A_266 : vector<16xf32> -> vector<16xi32>
        %and3A = arith.constant -2147483648 : i32
        %and3A_267 = vector.broadcast %and3A : i32 to vector<16xi32>
        %and3A_268 = arith.andi %bitcast_convert_type3A, %and3A_267 : vector<16xi32>
        %and3A_269 = arith.constant 2147483647 : i32
        %and3A_270 = vector.broadcast %and3A_269 : i32 to vector<16xi32>
        %and3A_271 = arith.andi %bitcast_convert_type3A, %and3A_270 : vector<16xi32>
        %bitcast_convert_type3A_272 = tpu.bitcast %and3A_271 : vector<16xi32> -> vector<16xf32>
        %add3A_273 = arith.constant 1.000000e+00 : f32
        %add3A_274 = vector.broadcast %add3A_273 : f32 to vector<16xf32>
        %add3A_275 = arith.addf %bitcast_convert_type3A_272, %add3A_274 : vector<16xf32>
        %bitcast_convert_type3A_276 = tpu.bitcast %add3A_275 : vector<16xf32> -> vector<16xi32>
        %shift_right_logical3A = arith.constant 23 : i32
        %shift_right_logical3A_277 = vector.broadcast %shift_right_logical3A : i32 to vector<16xi32>
        %shift_right_logical3A_278 = arith.shrui %bitcast_convert_type3A_276, %shift_right_logical3A_277 : vector<16xi32>
        %sub3A = arith.constant 127 : i32
        %sub3A_279 = vector.broadcast %sub3A : i32 to vector<16xi32>
        %sub3A_280 = arith.subi %shift_right_logical3A_278, %sub3A_279 : vector<16xi32>
        %and3A_281 = arith.constant 8388607 : i32
        %and3A_282 = vector.broadcast %and3A_281 : i32 to vector<16xi32>
        %and3A_283 = arith.andi %bitcast_convert_type3A_276, %and3A_282 : vector<16xi32>
        %or3A = arith.constant 1065353216 : i32
        %or3A_284 = vector.broadcast %or3A : i32 to vector<16xi32>
        %or3A_285 = arith.ori %and3A_283, %or3A_284 : vector<16xi32>
        %bitcast_convert_type3A_286 = tpu.bitcast %or3A_285 : vector<16xi32> -> vector<16xf32>
        %gt3A_287 = arith.constant 1.41421354 : f32
        %gt3A_288 = vector.broadcast %gt3A_287 : f32 to vector<16xf32>
        %gt3A_289 = arith.cmpf ogt, %bitcast_convert_type3A_286, %gt3A_288 : vector<16xf32>
        %mul3A_290 = arith.constant 5.000000e-01 : f32
        %mul3A_291 = vector.broadcast %mul3A_290 : f32 to vector<16xf32>
        %mul3A_292 = arith.mulf %bitcast_convert_type3A_286, %mul3A_291 : vector<16xf32>
        %select_n3A = arith.select %gt3A_289, %mul3A_292, %bitcast_convert_type3A_286 : vector<16xi1>, vector<16xf32>
        %jit3A = arith.constant 1 : i32
        %jit3A_293 = arith.constant 0 : i32
        %broadcast_in_dim3A = vector.broadcast %jit3A : i32 to vector<16xi32>
        %broadcast_in_dim3A_294 = vector.broadcast %jit3A_293 : i32 to vector<16xi32>
        %select_n3A_295 = arith.select %gt3A_289, %broadcast_in_dim3A, %broadcast_in_dim3A_294 : vector<16xi1>, vector<16xi32>
        %add3A_296 = arith.addi %sub3A_280, %select_n3A_295 : vector<16xi32>
        %convert_element_type3A = arith.sitofp %add3A_296 : vector<16xi32> to vector<16xf32>
        %sub3A_297 = arith.constant 1.000000e+00 : f32
        %sub3A_298 = vector.broadcast %sub3A_297 : f32 to vector<16xf32>
        %sub3A_299 = arith.subf %select_n3A, %sub3A_298 : vector<16xf32>
        %mul3A_300 = arith.constant -1.250000e-01 : f32
        %mul3A_301 = vector.broadcast %mul3A_300 : f32 to vector<16xf32>
        %mul3A_302 = arith.mulf %mul3A_301, %sub3A_299 : vector<16xf32>
        %add3A_303 = arith.constant 0.142857149 : f32
        %add3A_304 = vector.broadcast %add3A_303 : f32 to vector<16xf32>
        %add3A_305 = arith.addf %mul3A_302, %add3A_304 : vector<16xf32>
        %mul3A_306 = arith.mulf %add3A_305, %sub3A_299 : vector<16xf32>
        %sub3A_307 = arith.constant 0.166666672 : f32
        %sub3A_308 = vector.broadcast %sub3A_307 : f32 to vector<16xf32>
        %sub3A_309 = arith.subf %mul3A_306, %sub3A_308 : vector<16xf32>
        %mul3A_310 = arith.mulf %sub3A_309, %sub3A_299 : vector<16xf32>
        %add3A_311 = arith.constant 2.000000e-01 : f32
        %add3A_312 = vector.broadcast %add3A_311 : f32 to vector<16xf32>
        %add3A_313 = arith.addf %mul3A_310, %add3A_312 : vector<16xf32>
        %mul3A_314 = arith.mulf %add3A_313, %sub3A_299 : vector<16xf32>
        %sub3A_315 = arith.constant 2.500000e-01 : f32
        %sub3A_316 = vector.broadcast %sub3A_315 : f32 to vector<16xf32>
        %sub3A_317 = arith.subf %mul3A_314, %sub3A_316 : vector<16xf32>
        %mul3A_318 = arith.mulf %sub3A_317, %sub3A_299 : vector<16xf32>
        %add3A_319 = arith.constant 0.333333343 : f32
        %add3A_320 = vector.broadcast %add3A_319 : f32 to vector<16xf32>
        %add3A_321 = arith.addf %mul3A_318, %add3A_320 : vector<16xf32>
        %mul3A_322 = arith.mulf %add3A_321, %sub3A_299 : vector<16xf32>
        %sub3A_323 = arith.constant 5.000000e-01 : f32
        %sub3A_324 = vector.broadcast %sub3A_323 : f32 to vector<16xf32>
        %sub3A_325 = arith.subf %mul3A_322, %sub3A_324 : vector<16xf32>
        %mul3A_326 = arith.mulf %sub3A_325, %sub3A_299 : vector<16xf32>
        %add3A_327 = arith.constant 1.000000e+00 : f32
        %add3A_328 = vector.broadcast %add3A_327 : f32 to vector<16xf32>
        %add3A_329 = arith.addf %mul3A_326, %add3A_328 : vector<16xf32>
        %mul3A_330 = arith.mulf %sub3A_299, %add3A_329 : vector<16xf32>
        %mul3A_331 = arith.constant 0.693147182 : f32
        %mul3A_332 = vector.broadcast %mul3A_331 : f32 to vector<16xf32>
        %mul3A_333 = arith.mulf %convert_element_type3A, %mul3A_332 : vector<16xf32>
        %add3A_334 = arith.addf %mul3A_333, %mul3A_330 : vector<16xf32>
        %bitcast_convert_type3A_335 = tpu.bitcast %add3A_334 : vector<16xf32> -> vector<16xi32>
        %or3A_336 = arith.ori %bitcast_convert_type3A_335, %and3A_268 : vector<16xi32>
        %bitcast_convert_type3A_337 = tpu.bitcast %or3A_336 : vector<16xi32> -> vector<16xf32>
        %select_n3A_338 = arith.select %gt3A_143, %bitcast_convert_type3A_337, %get3A_266 : vector<16xi1>, vector<16xf32>
        %add3A_339 = arith.constant 1.000000e-35 : f32
        %add3A_340 = vector.broadcast %add3A_339 : f32 to vector<16xf32>
        %add3A_341 = arith.addf %bitcast_convert_type3A_272, %add3A_340 : vector<16xf32>
        %bitcast_convert_type3A_342 = tpu.bitcast %add3A_341 : vector<16xf32> -> vector<16xi32>
        %shift_right_logical3A_343 = arith.constant 1 : i32
        %shift_right_logical3A_344 = vector.broadcast %shift_right_logical3A_343 : i32 to vector<16xi32>
        %shift_right_logical3A_345 = arith.shrui %bitcast_convert_type3A_342, %shift_right_logical3A_344 : vector<16xi32>
        %sub3A_346 = arith.constant 1597463007 : i32
        %sub3A_347 = vector.broadcast %sub3A_346 : i32 to vector<16xi32>
        %sub3A_348 = arith.subi %sub3A_347, %shift_right_logical3A_345 : vector<16xi32>
        %bitcast_convert_type3A_349 = tpu.bitcast %sub3A_348 : vector<16xi32> -> vector<16xf32>
        %mul3A_350 = arith.constant 5.000000e-01 : f32
        %mul3A_351 = vector.broadcast %mul3A_350 : f32 to vector<16xf32>
        %mul3A_352 = arith.mulf %mul3A_351, %add3A_341 : vector<16xf32>
        %mul3A_353 = arith.mulf %mul3A_352, %bitcast_convert_type3A_349 : vector<16xf32>
        %mul3A_354 = arith.mulf %mul3A_353, %bitcast_convert_type3A_349 : vector<16xf32>
        %sub3A_355 = arith.constant 1.500000e+00 : f32
        %sub3A_356 = vector.broadcast %sub3A_355 : f32 to vector<16xf32>
        %sub3A_357 = arith.subf %sub3A_356, %mul3A_354 : vector<16xf32>
        %mul3A_358 = arith.mulf %bitcast_convert_type3A_349, %sub3A_357 : vector<16xf32>
        %mul3A_359 = arith.constant 5.000000e-01 : f32
        %mul3A_360 = vector.broadcast %mul3A_359 : f32 to vector<16xf32>
        %mul3A_361 = arith.mulf %mul3A_360, %add3A_341 : vector<16xf32>
        %mul3A_362 = arith.mulf %mul3A_361, %mul3A_358 : vector<16xf32>
        %mul3A_363 = arith.mulf %mul3A_362, %mul3A_358 : vector<16xf32>
        %sub3A_364 = arith.constant 1.500000e+00 : f32
        %sub3A_365 = vector.broadcast %sub3A_364 : f32 to vector<16xf32>
        %sub3A_366 = arith.subf %sub3A_365, %mul3A_363 : vector<16xf32>
        %mul3A_367 = arith.mulf %mul3A_358, %sub3A_366 : vector<16xf32>
        %mul3A_368 = arith.mulf %add3A_341, %mul3A_367 : vector<16xf32>
        %bitcast_convert_type3A_369 = tpu.bitcast %mul3A_368 : vector<16xf32> -> vector<16xi32>
        %or3A_370 = arith.ori %bitcast_convert_type3A_369, %and3A_268 : vector<16xi32>
        %bitcast_convert_type3A_371 = tpu.bitcast %or3A_370 : vector<16xi32> -> vector<16xf32>
        %select_n3A_372 = arith.select %gt3A_151, %bitcast_convert_type3A_371, %select_n3A_338 : vector<16xi1>, vector<16xf32>
        %mul3A_373 = arith.mulf %get3A_266, %get3A_266 : vector<16xf32>
        %select_n3A_374 = arith.select %gt3A_159, %mul3A_373, %select_n3A_372 : vector<16xi1>, vector<16xf32>
        %swap3A = arith.index_cast %scan3A_261 : i32 to index
        %swap3A_375 = arith.constant 64 : index
        %swap3A_376 = tpu.vector_load %arg7[%swap3A, %swap3A_375] {strides = array<i32>} : memref<128x128xf32, #tpu.memory_space<vmem>>, vector<1x16xf32>,
        %swap3A_377 = vector.shape_cast %swap3A_376 : vector<1x16xf32> to vector<16xf32>
        %swap3A_378 = vector.shape_cast %select_n3A_374 : vector<16xf32> to vector<1x16xf32>
        tpu.vector_store %arg7[%swap3A, %swap3A_375], %swap3A_378 {strides = array<i32>} : memref<128x128xf32, #tpu.memory_space<vmem>>, vector<1x16xf32>,
        %scan3A_379 = arith.constant 0 : i32
        %scan3A_380 = arith.constant 1 : i32
        %scan3A_381 = arith.addi %scan3A_261, %scan3A_380 : i32
        %get3A_382 = arith.index_cast %scan3A_381 : i32 to index
        %get3A_383 = arith.constant 64 : index
        %get3A_384 = tpu.vector_load %arg6[%get3A_382, %get3A_383] {strides = array<i32>} : memref<128x128xf32, #tpu.memory_space<vmem>>, vector<1x16xf32>,
        %get3A_385 = vector.shape_cast %get3A_384 : vector<1x16xf32> to vector<16xf32>
        %bitcast_convert_type3A_386 = tpu.bitcast %get3A_385 : vector<16xf32> -> vector<16xi32>
        %and3A_387 = arith.constant -2147483648 : i32
        %and3A_388 = vector.broadcast %and3A_387 : i32 to vector<16xi32>
        %and3A_389 = arith.andi %bitcast_convert_type3A_386, %and3A_388 : vector<16xi32>
        %and3A_390 = arith.constant 2147483647 : i32
        %and3A_391 = vector.broadcast %and3A_390 : i32 to vector<16xi32>
        %and3A_392 = arith.andi %bitcast_convert_type3A_386, %and3A_391 : vector<16xi32>
        %bitcast_convert_type3A_393 = tpu.bitcast %and3A_392 : vector<16xi32> -> vector<16xf32>
        %add3A_394 = arith.constant 1.000000e+00 : f32
        %add3A_395 = vector.broadcast %add3A_394 : f32 to vector<16xf32>
        %add3A_396 = arith.addf %bitcast_convert_type3A_393, %add3A_395 : vector<16xf32>
        %bitcast_convert_type3A_397 = tpu.bitcast %add3A_396 : vector<16xf32> -> vector<16xi32>
        %shift_right_logical3A_398 = arith.constant 23 : i32
        %shift_right_logical3A_399 = vector.broadcast %shift_right_logical3A_398 : i32 to vector<16xi32>
        %shift_right_logical3A_400 = arith.shrui %bitcast_convert_type3A_397, %shift_right_logical3A_399 : vector<16xi32>
        %sub3A_401 = arith.constant 127 : i32
        %sub3A_402 = vector.broadcast %sub3A_401 : i32 to vector<16xi32>
        %sub3A_403 = arith.subi %shift_right_logical3A_400, %sub3A_402 : vector<16xi32>
        %and3A_404 = arith.constant 8388607 : i32
        %and3A_405 = vector.broadcast %and3A_404 : i32 to vector<16xi32>
        %and3A_406 = arith.andi %bitcast_convert_type3A_397, %and3A_405 : vector<16xi32>
        %or3A_407 = arith.constant 1065353216 : i32
        %or3A_408 = vector.broadcast %or3A_407 : i32 to vector<16xi32>
        %or3A_409 = arith.ori %and3A_406, %or3A_408 : vector<16xi32>
        %bitcast_convert_type3A_410 = tpu.bitcast %or3A_409 : vector<16xi32> -> vector<16xf32>
        %gt3A_411 = arith.constant 1.41421354 : f32
        %gt3A_412 = vector.broadcast %gt3A_411 : f32 to vector<16xf32>
        %gt3A_413 = arith.cmpf ogt, %bitcast_convert_type3A_410, %gt3A_412 : vector<16xf32>
        %mul3A_414 = arith.constant 5.000000e-01 : f32
        %mul3A_415 = vector.broadcast %mul3A_414 : f32 to vector<16xf32>
        %mul3A_416 = arith.mulf %bitcast_convert_type3A_410, %mul3A_415 : vector<16xf32>
        %select_n3A_417 = arith.select %gt3A_413, %mul3A_416, %bitcast_convert_type3A_410 : vector<16xi1>, vector<16xf32>
        %jit3A_418 = arith.constant 1 : i32
        %jit3A_419 = arith.constant 0 : i32
        %broadcast_in_dim3A_420 = vector.broadcast %jit3A_418 : i32 to vector<16xi32>
        %broadcast_in_dim3A_421 = vector.broadcast %jit3A_419 : i32 to vector<16xi32>
        %select_n3A_422 = arith.select %gt3A_413, %broadcast_in_dim3A_420, %broadcast_in_dim3A_421 : vector<16xi1>, vector<16xi32>
        %add3A_423 = arith.addi %sub3A_403, %select_n3A_422 : vector<16xi32>
        %convert_element_type3A_424 = arith.sitofp %add3A_423 : vector<16xi32> to vector<16xf32>
        %sub3A_425 = arith.constant 1.000000e+00 : f32
        %sub3A_426 = vector.broadcast %sub3A_425 : f32 to vector<16xf32>
        %sub3A_427 = arith.subf %select_n3A_417, %sub3A_426 : vector<16xf32>
        %mul3A_428 = arith.constant -1.250000e-01 : f32
        %mul3A_429 = vector.broadcast %mul3A_428 : f32 to vector<16xf32>
        %mul3A_430 = arith.mulf %mul3A_429, %sub3A_427 : vector<16xf32>
        %add3A_431 = arith.constant 0.142857149 : f32
        %add3A_432 = vector.broadcast %add3A_431 : f32 to vector<16xf32>
        %add3A_433 = arith.addf %mul3A_430, %add3A_432 : vector<16xf32>
        %mul3A_434 = arith.mulf %add3A_433, %sub3A_427 : vector<16xf32>
        %sub3A_435 = arith.constant 0.166666672 : f32
        %sub3A_436 = vector.broadcast %sub3A_435 : f32 to vector<16xf32>
        %sub3A_437 = arith.subf %mul3A_434, %sub3A_436 : vector<16xf32>
        %mul3A_438 = arith.mulf %sub3A_437, %sub3A_427 : vector<16xf32>
        %add3A_439 = arith.constant 2.000000e-01 : f32
        %add3A_440 = vector.broadcast %add3A_439 : f32 to vector<16xf32>
        %add3A_441 = arith.addf %mul3A_438, %add3A_440 : vector<16xf32>
        %mul3A_442 = arith.mulf %add3A_441, %sub3A_427 : vector<16xf32>
        %sub3A_443 = arith.constant 2.500000e-01 : f32
        %sub3A_444 = vector.broadcast %sub3A_443 : f32 to vector<16xf32>
        %sub3A_445 = arith.subf %mul3A_442, %sub3A_444 : vector<16xf32>
        %mul3A_446 = arith.mulf %sub3A_445, %sub3A_427 : vector<16xf32>
        %add3A_447 = arith.constant 0.333333343 : f32
        %add3A_448 = vector.broadcast %add3A_447 : f32 to vector<16xf32>
        %add3A_449 = arith.addf %mul3A_446, %add3A_448 : vector<16xf32>
        %mul3A_450 = arith.mulf %add3A_449, %sub3A_427 : vector<16xf32>
        %sub3A_451 = arith.constant 5.000000e-01 : f32
        %sub3A_452 = vector.broadcast %sub3A_451 : f32 to vector<16xf32>
        %sub3A_453 = arith.subf %mul3A_450, %sub3A_452 : vector<16xf32>
        %mul3A_454 = arith.mulf %sub3A_453, %sub3A_427 : vector<16xf32>
        %add3A_455 = arith.constant 1.000000e+00 : f32
        %add3A_456 = vector.broadcast %add3A_455 : f32 to vector<16xf32>
        %add3A_457 = arith.addf %mul3A_454, %add3A_456 : vector<16xf32>
        %mul3A_458 = arith.mulf %sub3A_427, %add3A_457 : vector<16xf32>
        %mul3A_459 = arith.constant 0.693147182 : f32
        %mul3A_460 = vector.broadcast %mul3A_459 : f32 to vector<16xf32>
        %mul3A_461 = arith.mulf %convert_element_type3A_424, %mul3A_460 : vector<16xf32>
        %add3A_462 = arith.addf %mul3A_461, %mul3A_458 : vector<16xf32>
        %bitcast_convert_type3A_463 = tpu.bitcast %add3A_462 : vector<16xf32> -> vector<16xi32>
        %or3A_464 = arith.ori %bitcast_convert_type3A_463, %and3A_389 : vector<16xi32>
        %bitcast_convert_type3A_465 = tpu.bitcast %or3A_464 : vector<16xi32> -> vector<16xf32>
        %select_n3A_466 = arith.select %gt3A_143, %bitcast_convert_type3A_465, %get3A_385 : vector<16xi1>, vector<16xf32>
        %add3A_467 = arith.constant 1.000000e-35 : f32
        %add3A_468 = vector.broadcast %add3A_467 : f32 to vector<16xf32>
        %add3A_469 = arith.addf %bitcast_convert_type3A_393, %add3A_468 : vector<16xf32>
        %bitcast_convert_type3A_470 = tpu.bitcast %add3A_469 : vector<16xf32> -> vector<16xi32>
        %shift_right_logical3A_471 = arith.constant 1 : i32
        %shift_right_logical3A_472 = vector.broadcast %shift_right_logical3A_471 : i32 to vector<16xi32>
        %shift_right_logical3A_473 = arith.shrui %bitcast_convert_type3A_470, %shift_right_logical3A_472 : vector<16xi32>
        %sub3A_474 = arith.constant 1597463007 : i32
        %sub3A_475 = vector.broadcast %sub3A_474 : i32 to vector<16xi32>
        %sub3A_476 = arith.subi %sub3A_475, %shift_right_logical3A_473 : vector<16xi32>
        %bitcast_convert_type3A_477 = tpu.bitcast %sub3A_476 : vector<16xi32> -> vector<16xf32>
        %mul3A_478 = arith.constant 5.000000e-01 : f32
        %mul3A_479 = vector.broadcast %mul3A_478 : f32 to vector<16xf32>
        %mul3A_480 = arith.mulf %mul3A_479, %add3A_469 : vector<16xf32>
        %mul3A_481 = arith.mulf %mul3A_480, %bitcast_convert_type3A_477 : vector<16xf32>
        %mul3A_482 = arith.mulf %mul3A_481, %bitcast_convert_type3A_477 : vector<16xf32>
        %sub3A_483 = arith.constant 1.500000e+00 : f32
        %sub3A_484 = vector.broadcast %sub3A_483 : f32 to vector<16xf32>
        %sub3A_485 = arith.subf %sub3A_484, %mul3A_482 : vector<16xf32>
        %mul3A_486 = arith.mulf %bitcast_convert_type3A_477, %sub3A_485 : vector<16xf32>
        %mul3A_487 = arith.constant 5.000000e-01 : f32
        %mul3A_488 = vector.broadcast %mul3A_487 : f32 to vector<16xf32>
        %mul3A_489 = arith.mulf %mul3A_488, %add3A_469 : vector<16xf32>
        %mul3A_490 = arith.mulf %mul3A_489, %mul3A_486 : vector<16xf32>
        %mul3A_491 = arith.mulf %mul3A_490, %mul3A_486 : vector<16xf32>
        %sub3A_492 = arith.constant 1.500000e+00 : f32
        %sub3A_493 = vector.broadcast %sub3A_492 : f32 to vector<16xf32>
        %sub3A_494 = arith.subf %sub3A_493, %mul3A_491 : vector<16xf32>
        %mul3A_495 = arith.mulf %mul3A_486, %sub3A_494 : vector<16xf32>
        %mul3A_496 = arith.mulf %add3A_469, %mul3A_495 : vector<16xf32>
        %bitcast_convert_type3A_497 = tpu.bitcast %mul3A_496 : vector<16xf32> -> vector<16xi32>
        %or3A_498 = arith.ori %bitcast_convert_type3A_497, %and3A_389 : vector<16xi32>
        %bitcast_convert_type3A_499 = tpu.bitcast %or3A_498 : vector<16xi32> -> vector<16xf32>
        %select_n3A_500 = arith.select %gt3A_151, %bitcast_convert_type3A_499, %select_n3A_466 : vector<16xi1>, vector<16xf32>
        %mul3A_501 = arith.mulf %get3A_385, %get3A_385 : vector<16xf32>
        %select_n3A_502 = arith.select %gt3A_159, %mul3A_501, %select_n3A_500 : vector<16xi1>, vector<16xf32>
        %swap3A_503 = arith.index_cast %scan3A_381 : i32 to index
        %swap3A_504 = arith.constant 64 : index
        %swap3A_505 = tpu.vector_load %arg7[%swap3A_503, %swap3A_504] {strides = array<i32>} : memref<128x128xf32, #tpu.memory_space<vmem>>, vector<1x16xf32>,
        %swap3A_506 = vector.shape_cast %swap3A_505 : vector<1x16xf32> to vector<16xf32>
        %swap3A_507 = vector.shape_cast %select_n3A_502 : vector<16xf32> to vector<1x16xf32>
        tpu.vector_store %arg7[%swap3A_503, %swap3A_504], %swap3A_507 {strides = array<i32>} : memref<128x128xf32, #tpu.memory_space<vmem>>, vector<1x16xf32>,
        %scan3A_508 = arith.constant 0 : i32
        %scan3A_509 = arith.constant 2 : i32
        %scan3A_510 = arith.addi %scan3A_261, %scan3A_509 : i32
        %get3A_511 = arith.index_cast %scan3A_510 : i32 to index
        %get3A_512 = arith.constant 64 : index
        %get3A_513 = tpu.vector_load %arg6[%get3A_511, %get3A_512] {strides = array<i32>} : memref<128x128xf32, #tpu.memory_space<vmem>>, vector<1x16xf32>,
        %get3A_514 = vector.shape_cast %get3A_513 : vector<1x16xf32> to vector<16xf32>
        %bitcast_convert_type3A_515 = tpu.bitcast %get3A_514 : vector<16xf32> -> vector<16xi32>
        %and3A_516 = arith.constant -2147483648 : i32
        %and3A_517 = vector.broadcast %and3A_516 : i32 to vector<16xi32>
        %and3A_518 = arith.andi %bitcast_convert_type3A_515, %and3A_517 : vector<16xi32>
        %and3A_519 = arith.constant 2147483647 : i32
        %and3A_520 = vector.broadcast %and3A_519 : i32 to vector<16xi32>
        %and3A_521 = arith.andi %bitcast_convert_type3A_515, %and3A_520 : vector<16xi32>
        %bitcast_convert_type3A_522 = tpu.bitcast %and3A_521 : vector<16xi32> -> vector<16xf32>
        %add3A_523 = arith.constant 1.000000e+00 : f32
        %add3A_524 = vector.broadcast %add3A_523 : f32 to vector<16xf32>
        %add3A_525 = arith.addf %bitcast_convert_type3A_522, %add3A_524 : vector<16xf32>
        %bitcast_convert_type3A_526 = tpu.bitcast %add3A_525 : vector<16xf32> -> vector<16xi32>
        %shift_right_logical3A_527 = arith.constant 23 : i32
        %shift_right_logical3A_528 = vector.broadcast %shift_right_logical3A_527 : i32 to vector<16xi32>
        %shift_right_logical3A_529 = arith.shrui %bitcast_convert_type3A_526, %shift_right_logical3A_528 : vector<16xi32>
        %sub3A_530 = arith.constant 127 : i32
        %sub3A_531 = vector.broadcast %sub3A_530 : i32 to vector<16xi32>
        %sub3A_532 = arith.subi %shift_right_logical3A_529, %sub3A_531 : vector<16xi32>
        %and3A_533 = arith.constant 8388607 : i32
        %and3A_534 = vector.broadcast %and3A_533 : i32 to vector<16xi32>
        %and3A_535 = arith.andi %bitcast_convert_type3A_526, %and3A_534 : vector<16xi32>
        %or3A_536 = arith.constant 1065353216 : i32
        %or3A_537 = vector.broadcast %or3A_536 : i32 to vector<16xi32>
        %or3A_538 = arith.ori %and3A_535, %or3A_537 : vector<16xi32>
        %bitcast_convert_type3A_539 = tpu.bitcast %or3A_538 : vector<16xi32> -> vector<16xf32>
        %gt3A_540 = arith.constant 1.41421354 : f32
        %gt3A_541 = vector.broadcast %gt3A_540 : f32 to vector<16xf32>
        %gt3A_542 = arith.cmpf ogt, %bitcast_convert_type3A_539, %gt3A_541 : vector<16xf32>
        %mul3A_543 = arith.constant 5.000000e-01 : f32
        %mul3A_544 = vector.broadcast %mul3A_543 : f32 to vector<16xf32>
        %mul3A_545 = arith.mulf %bitcast_convert_type3A_539, %mul3A_544 : vector<16xf32>
        %select_n3A_546 = arith.select %gt3A_542, %mul3A_545, %bitcast_convert_type3A_539 : vector<16xi1>, vector<16xf32>
        %jit3A_547 = arith.constant 1 : i32
        %jit3A_548 = arith.constant 0 : i32
        %broadcast_in_dim3A_549 = vector.broadcast %jit3A_547 : i32 to vector<16xi32>
        %broadcast_in_dim3A_550 = vector.broadcast %jit3A_548 : i32 to vector<16xi32>
        %select_n3A_551 = arith.select %gt3A_542, %broadcast_in_dim3A_549, %broadcast_in_dim3A_550 : vector<16xi1>, vector<16xi32>
        %add3A_552 = arith.addi %sub3A_532, %select_n3A_551 : vector<16xi32>
        %convert_element_type3A_553 = arith.sitofp %add3A_552 : vector<16xi32> to vector<16xf32>
        %sub3A_554 = arith.constant 1.000000e+00 : f32
        %sub3A_555 = vector.broadcast %sub3A_554 : f32 to vector<16xf32>
        %sub3A_556 = arith.subf %select_n3A_546, %sub3A_555 : vector<16xf32>
        %mul3A_557 = arith.constant -1.250000e-01 : f32
        %mul3A_558 = vector.broadcast %mul3A_557 : f32 to vector<16xf32>
        %mul3A_559 = arith.mulf %mul3A_558, %sub3A_556 : vector<16xf32>
        %add3A_560 = arith.constant 0.142857149 : f32
        %add3A_561 = vector.broadcast %add3A_560 : f32 to vector<16xf32>
        %add3A_562 = arith.addf %mul3A_559, %add3A_561 : vector<16xf32>
        %mul3A_563 = arith.mulf %add3A_562, %sub3A_556 : vector<16xf32>
        %sub3A_564 = arith.constant 0.166666672 : f32
        %sub3A_565 = vector.broadcast %sub3A_564 : f32 to vector<16xf32>
        %sub3A_566 = arith.subf %mul3A_563, %sub3A_565 : vector<16xf32>
        %mul3A_567 = arith.mulf %sub3A_566, %sub3A_556 : vector<16xf32>
        %add3A_568 = arith.constant 2.000000e-01 : f32
        %add3A_569 = vector.broadcast %add3A_568 : f32 to vector<16xf32>
        %add3A_570 = arith.addf %mul3A_567, %add3A_569 : vector<16xf32>
        %mul3A_571 = arith.mulf %add3A_570, %sub3A_556 : vector<16xf32>
        %sub3A_572 = arith.constant 2.500000e-01 : f32
        %sub3A_573 = vector.broadcast %sub3A_572 : f32 to vector<16xf32>
        %sub3A_574 = arith.subf %mul3A_571, %sub3A_573 : vector<16xf32>
        %mul3A_575 = arith.mulf %sub3A_574, %sub3A_556 : vector<16xf32>
        %add3A_576 = arith.constant 0.333333343 : f32
        %add3A_577 = vector.broadcast %add3A_576 : f32 to vector<16xf32>
        %add3A_578 = arith.addf %mul3A_575, %add3A_577 : vector<16xf32>
        %mul3A_579 = arith.mulf %add3A_578, %sub3A_556 : vector<16xf32>
        %sub3A_580 = arith.constant 5.000000e-01 : f32
        %sub3A_581 = vector.broadcast %sub3A_580 : f32 to vector<16xf32>
        %sub3A_582 = arith.subf %mul3A_579, %sub3A_581 : vector<16xf32>
        %mul3A_583 = arith.mulf %sub3A_582, %sub3A_556 : vector<16xf32>
        %add3A_584 = arith.constant 1.000000e+00 : f32
        %add3A_585 = vector.broadcast %add3A_584 : f32 to vector<16xf32>
        %add3A_586 = arith.addf %mul3A_583, %add3A_585 : vector<16xf32>
        %mul3A_587 = arith.mulf %sub3A_556, %add3A_586 : vector<16xf32>
        %mul3A_588 = arith.constant 0.693147182 : f32
        %mul3A_589 = vector.broadcast %mul3A_588 : f32 to vector<16xf32>
        %mul3A_590 = arith.mulf %convert_element_type3A_553, %mul3A_589 : vector<16xf32>
        %add3A_591 = arith.addf %mul3A_590, %mul3A_587 : vector<16xf32>
        %bitcast_convert_type3A_592 = tpu.bitcast %add3A_591 : vector<16xf32> -> vector<16xi32>
        %or3A_593 = arith.ori %bitcast_convert_type3A_592, %and3A_518 : vector<16xi32>
        %bitcast_convert_type3A_594 = tpu.bitcast %or3A_593 : vector<16xi32> -> vector<16xf32>
        %select_n3A_595 = arith.select %gt3A_143, %bitcast_convert_type3A_594, %get3A_514 : vector<16xi1>, vector<16xf32>
        %add3A_596 = arith.constant 1.000000e-35 : f32
        %add3A_597 = vector.broadcast %add3A_596 : f32 to vector<16xf32>
        %add3A_598 = arith.addf %bitcast_convert_type3A_522, %add3A_597 : vector<16xf32>
        %bitcast_convert_type3A_599 = tpu.bitcast %add3A_598 : vector<16xf32> -> vector<16xi32>
        %shift_right_logical3A_600 = arith.constant 1 : i32
        %shift_right_logical3A_601 = vector.broadcast %shift_right_logical3A_600 : i32 to vector<16xi32>
        %shift_right_logical3A_602 = arith.shrui %bitcast_convert_type3A_599, %shift_right_logical3A_601 : vector<16xi32>
        %sub3A_603 = arith.constant 1597463007 : i32
        %sub3A_604 = vector.broadcast %sub3A_603 : i32 to vector<16xi32>
        %sub3A_605 = arith.subi %sub3A_604, %shift_right_logical3A_602 : vector<16xi32>
        %bitcast_convert_type3A_606 = tpu.bitcast %sub3A_605 : vector<16xi32> -> vector<16xf32>
        %mul3A_607 = arith.constant 5.000000e-01 : f32
        %mul3A_608 = vector.broadcast %mul3A_607 : f32 to vector<16xf32>
        %mul3A_609 = arith.mulf %mul3A_608, %add3A_598 : vector<16xf32>
        %mul3A_610 = arith.mulf %mul3A_609, %bitcast_convert_type3A_606 : vector<16xf32>
        %mul3A_611 = arith.mulf %mul3A_610, %bitcast_convert_type3A_606 : vector<16xf32>
        %sub3A_612 = arith.constant 1.500000e+00 : f32
        %sub3A_613 = vector.broadcast %sub3A_612 : f32 to vector<16xf32>
        %sub3A_614 = arith.subf %sub3A_613, %mul3A_611 : vector<16xf32>
        %mul3A_615 = arith.mulf %bitcast_convert_type3A_606, %sub3A_614 : vector<16xf32>
        %mul3A_616 = arith.constant 5.000000e-01 : f32
        %mul3A_617 = vector.broadcast %mul3A_616 : f32 to vector<16xf32>
        %mul3A_618 = arith.mulf %mul3A_617, %add3A_598 : vector<16xf32>
        %mul3A_619 = arith.mulf %mul3A_618, %mul3A_615 : vector<16xf32>
        %mul3A_620 = arith.mulf %mul3A_619, %mul3A_615 : vector<16xf32>
        %sub3A_621 = arith.constant 1.500000e+00 : f32
        %sub3A_622 = vector.broadcast %sub3A_621 : f32 to vector<16xf32>
        %sub3A_623 = arith.subf %sub3A_622, %mul3A_620 : vector<16xf32>
        %mul3A_624 = arith.mulf %mul3A_615, %sub3A_623 : vector<16xf32>
        %mul3A_625 = arith.mulf %add3A_598, %mul3A_624 : vector<16xf32>
        %bitcast_convert_type3A_626 = tpu.bitcast %mul3A_625 : vector<16xf32> -> vector<16xi32>
        %or3A_627 = arith.ori %bitcast_convert_type3A_626, %and3A_518 : vector<16xi32>
        %bitcast_convert_type3A_628 = tpu.bitcast %or3A_627 : vector<16xi32> -> vector<16xf32>
        %select_n3A_629 = arith.select %gt3A_151, %bitcast_convert_type3A_628, %select_n3A_595 : vector<16xi1>, vector<16xf32>
        %mul3A_630 = arith.mulf %get3A_514, %get3A_514 : vector<16xf32>
        %select_n3A_631 = arith.select %gt3A_159, %mul3A_630, %select_n3A_629 : vector<16xi1>, vector<16xf32>
        %swap3A_632 = arith.index_cast %scan3A_510 : i32 to index
        %swap3A_633 = arith.constant 64 : index
        %swap3A_634 = tpu.vector_load %arg7[%swap3A_632, %swap3A_633] {strides = array<i32>} : memref<128x128xf32, #tpu.memory_space<vmem>>, vector<1x16xf32>,
        %swap3A_635 = vector.shape_cast %swap3A_634 : vector<1x16xf32> to vector<16xf32>
        %swap3A_636 = vector.shape_cast %select_n3A_631 : vector<16xf32> to vector<1x16xf32>
        tpu.vector_store %arg7[%swap3A_632, %swap3A_633], %swap3A_636 {strides = array<i32>} : memref<128x128xf32, #tpu.memory_space<vmem>>, vector<1x16xf32>,
        %scan3A_637 = arith.constant 0 : i32
        %scan3A_638 = arith.constant 3 : i32
        %scan3A_639 = arith.addi %scan3A_261, %scan3A_638 : i32
        %get3A_640 = arith.index_cast %scan3A_639 : i32 to index
        %get3A_641 = arith.constant 64 : index
        %get3A_642 = tpu.vector_load %arg6[%get3A_640, %get3A_641] {strides = array<i32>} : memref<128x128xf32, #tpu.memory_space<vmem>>, vector<1x16xf32>,
        %get3A_643 = vector.shape_cast %get3A_642 : vector<1x16xf32> to vector<16xf32>
        %bitcast_convert_type3A_644 = tpu.bitcast %get3A_643 : vector<16xf32> -> vector<16xi32>
        %and3A_645 = arith.constant -2147483648 : i32
        %and3A_646 = vector.broadcast %and3A_645 : i32 to vector<16xi32>
        %and3A_647 = arith.andi %bitcast_convert_type3A_644, %and3A_646 : vector<16xi32>
        %and3A_648 = arith.constant 2147483647 : i32
        %and3A_649 = vector.broadcast %and3A_648 : i32 to vector<16xi32>
        %and3A_650 = arith.andi %bitcast_convert_type3A_644, %and3A_649 : vector<16xi32>
        %bitcast_convert_type3A_651 = tpu.bitcast %and3A_650 : vector<16xi32> -> vector<16xf32>
        %add3A_652 = arith.constant 1.000000e+00 : f32
        %add3A_653 = vector.broadcast %add3A_652 : f32 to vector<16xf32>
        %add3A_654 = arith.addf %bitcast_convert_type3A_651, %add3A_653 : vector<16xf32>
        %bitcast_convert_type3A_655 = tpu.bitcast %add3A_654 : vector<16xf32> -> vector<16xi32>
        %shift_right_logical3A_656 = arith.constant 23 : i32
        %shift_right_logical3A_657 = vector.broadcast %shift_right_logical3A_656 : i32 to vector<16xi32>
        %shift_right_logical3A_658 = arith.shrui %bitcast_convert_type3A_655, %shift_right_logical3A_657 : vector<16xi32>
        %sub3A_659 = arith.constant 127 : i32
        %sub3A_660 = vector.broadcast %sub3A_659 : i32 to vector<16xi32>
        %sub3A_661 = arith.subi %shift_right_logical3A_658, %sub3A_660 : vector<16xi32>
        %and3A_662 = arith.constant 8388607 : i32
        %and3A_663 = vector.broadcast %and3A_662 : i32 to vector<16xi32>
        %and3A_664 = arith.andi %bitcast_convert_type3A_655, %and3A_663 : vector<16xi32>
        %or3A_665 = arith.constant 1065353216 : i32
        %or3A_666 = vector.broadcast %or3A_665 : i32 to vector<16xi32>
        %or3A_667 = arith.ori %and3A_664, %or3A_666 : vector<16xi32>
        %bitcast_convert_type3A_668 = tpu.bitcast %or3A_667 : vector<16xi32> -> vector<16xf32>
        %gt3A_669 = arith.constant 1.41421354 : f32
        %gt3A_670 = vector.broadcast %gt3A_669 : f32 to vector<16xf32>
        %gt3A_671 = arith.cmpf ogt, %bitcast_convert_type3A_668, %gt3A_670 : vector<16xf32>
        %mul3A_672 = arith.constant 5.000000e-01 : f32
        %mul3A_673 = vector.broadcast %mul3A_672 : f32 to vector<16xf32>
        %mul3A_674 = arith.mulf %bitcast_convert_type3A_668, %mul3A_673 : vector<16xf32>
        %select_n3A_675 = arith.select %gt3A_671, %mul3A_674, %bitcast_convert_type3A_668 : vector<16xi1>, vector<16xf32>
        %jit3A_676 = arith.constant 1 : i32
        %jit3A_677 = arith.constant 0 : i32
        %broadcast_in_dim3A_678 = vector.broadcast %jit3A_676 : i32 to vector<16xi32>
        %broadcast_in_dim3A_679 = vector.broadcast %jit3A_677 : i32 to vector<16xi32>
        %select_n3A_680 = arith.select %gt3A_671, %broadcast_in_dim3A_678, %broadcast_in_dim3A_679 : vector<16xi1>, vector<16xi32>
        %add3A_681 = arith.addi %sub3A_661, %select_n3A_680 : vector<16xi32>
        %convert_element_type3A_682 = arith.sitofp %add3A_681 : vector<16xi32> to vector<16xf32>
        %sub3A_683 = arith.constant 1.000000e+00 : f32
        %sub3A_684 = vector.broadcast %sub3A_683 : f32 to vector<16xf32>
        %sub3A_685 = arith.subf %select_n3A_675, %sub3A_684 : vector<16xf32>
        %mul3A_686 = arith.constant -1.250000e-01 : f32
        %mul3A_687 = vector.broadcast %mul3A_686 : f32 to vector<16xf32>
        %mul3A_688 = arith.mulf %mul3A_687, %sub3A_685 : vector<16xf32>
        %add3A_689 = arith.constant 0.142857149 : f32
        %add3A_690 = vector.broadcast %add3A_689 : f32 to vector<16xf32>
        %add3A_691 = arith.addf %mul3A_688, %add3A_690 : vector<16xf32>
        %mul3A_692 = arith.mulf %add3A_691, %sub3A_685 : vector<16xf32>
        %sub3A_693 = arith.constant 0.166666672 : f32
        %sub3A_694 = vector.broadcast %sub3A_693 : f32 to vector<16xf32>
        %sub3A_695 = arith.subf %mul3A_692, %sub3A_694 : vector<16xf32>
        %mul3A_696 = arith.mulf %sub3A_695, %sub3A_685 : vector<16xf32>
        %add3A_697 = arith.constant 2.000000e-01 : f32
        %add3A_698 = vector.broadcast %add3A_697 : f32 to vector<16xf32>
        %add3A_699 = arith.addf %mul3A_696, %add3A_698 : vector<16xf32>
        %mul3A_700 = arith.mulf %add3A_699, %sub3A_685 : vector<16xf32>
        %sub3A_701 = arith.constant 2.500000e-01 : f32
        %sub3A_702 = vector.broadcast %sub3A_701 : f32 to vector<16xf32>
        %sub3A_703 = arith.subf %mul3A_700, %sub3A_702 : vector<16xf32>
        %mul3A_704 = arith.mulf %sub3A_703, %sub3A_685 : vector<16xf32>
        %add3A_705 = arith.constant 0.333333343 : f32
        %add3A_706 = vector.broadcast %add3A_705 : f32 to vector<16xf32>
        %add3A_707 = arith.addf %mul3A_704, %add3A_706 : vector<16xf32>
        %mul3A_708 = arith.mulf %add3A_707, %sub3A_685 : vector<16xf32>
        %sub3A_709 = arith.constant 5.000000e-01 : f32
        %sub3A_710 = vector.broadcast %sub3A_709 : f32 to vector<16xf32>
        %sub3A_711 = arith.subf %mul3A_708, %sub3A_710 : vector<16xf32>
        %mul3A_712 = arith.mulf %sub3A_711, %sub3A_685 : vector<16xf32>
        %add3A_713 = arith.constant 1.000000e+00 : f32
        %add3A_714 = vector.broadcast %add3A_713 : f32 to vector<16xf32>
        %add3A_715 = arith.addf %mul3A_712, %add3A_714 : vector<16xf32>
        %mul3A_716 = arith.mulf %sub3A_685, %add3A_715 : vector<16xf32>
        %mul3A_717 = arith.constant 0.693147182 : f32
        %mul3A_718 = vector.broadcast %mul3A_717 : f32 to vector<16xf32>
        %mul3A_719 = arith.mulf %convert_element_type3A_682, %mul3A_718 : vector<16xf32>
        %add3A_720 = arith.addf %mul3A_719, %mul3A_716 : vector<16xf32>
        %bitcast_convert_type3A_721 = tpu.bitcast %add3A_720 : vector<16xf32> -> vector<16xi32>
        %or3A_722 = arith.ori %bitcast_convert_type3A_721, %and3A_647 : vector<16xi32>
        %bitcast_convert_type3A_723 = tpu.bitcast %or3A_722 : vector<16xi32> -> vector<16xf32>
        %select_n3A_724 = arith.select %gt3A_143, %bitcast_convert_type3A_723, %get3A_643 : vector<16xi1>, vector<16xf32>
        %add3A_725 = arith.constant 1.000000e-35 : f32
        %add3A_726 = vector.broadcast %add3A_725 : f32 to vector<16xf32>
        %add3A_727 = arith.addf %bitcast_convert_type3A_651, %add3A_726 : vector<16xf32>
        %bitcast_convert_type3A_728 = tpu.bitcast %add3A_727 : vector<16xf32> -> vector<16xi32>
        %shift_right_logical3A_729 = arith.constant 1 : i32
        %shift_right_logical3A_730 = vector.broadcast %shift_right_logical3A_729 : i32 to vector<16xi32>
        %shift_right_logical3A_731 = arith.shrui %bitcast_convert_type3A_728, %shift_right_logical3A_730 : vector<16xi32>
        %sub3A_732 = arith.constant 1597463007 : i32
        %sub3A_733 = vector.broadcast %sub3A_732 : i32 to vector<16xi32>
        %sub3A_734 = arith.subi %sub3A_733, %shift_right_logical3A_731 : vector<16xi32>
        %bitcast_convert_type3A_735 = tpu.bitcast %sub3A_734 : vector<16xi32> -> vector<16xf32>
        %mul3A_736 = arith.constant 5.000000e-01 : f32
        %mul3A_737 = vector.broadcast %mul3A_736 : f32 to vector<16xf32>
        %mul3A_738 = arith.mulf %mul3A_737, %add3A_727 : vector<16xf32>
        %mul3A_739 = arith.mulf %mul3A_738, %bitcast_convert_type3A_735 : vector<16xf32>
        %mul3A_740 = arith.mulf %mul3A_739, %bitcast_convert_type3A_735 : vector<16xf32>
        %sub3A_741 = arith.constant 1.500000e+00 : f32
        %sub3A_742 = vector.broadcast %sub3A_741 : f32 to vector<16xf32>
        %sub3A_743 = arith.subf %sub3A_742, %mul3A_740 : vector<16xf32>
        %mul3A_744 = arith.mulf %bitcast_convert_type3A_735, %sub3A_743 : vector<16xf32>
        %mul3A_745 = arith.constant 5.000000e-01 : f32
        %mul3A_746 = vector.broadcast %mul3A_745 : f32 to vector<16xf32>
        %mul3A_747 = arith.mulf %mul3A_746, %add3A_727 : vector<16xf32>
        %mul3A_748 = arith.mulf %mul3A_747, %mul3A_744 : vector<16xf32>
        %mul3A_749 = arith.mulf %mul3A_748, %mul3A_744 : vector<16xf32>
        %sub3A_750 = arith.constant 1.500000e+00 : f32
        %sub3A_751 = vector.broadcast %sub3A_750 : f32 to vector<16xf32>
        %sub3A_752 = arith.subf %sub3A_751, %mul3A_749 : vector<16xf32>
        %mul3A_753 = arith.mulf %mul3A_744, %sub3A_752 : vector<16xf32>
        %mul3A_754 = arith.mulf %add3A_727, %mul3A_753 : vector<16xf32>
        %bitcast_convert_type3A_755 = tpu.bitcast %mul3A_754 : vector<16xf32> -> vector<16xi32>
        %or3A_756 = arith.ori %bitcast_convert_type3A_755, %and3A_647 : vector<16xi32>
        %bitcast_convert_type3A_757 = tpu.bitcast %or3A_756 : vector<16xi32> -> vector<16xf32>
        %select_n3A_758 = arith.select %gt3A_151, %bitcast_convert_type3A_757, %select_n3A_724 : vector<16xi1>, vector<16xf32>
        %mul3A_759 = arith.mulf %get3A_643, %get3A_643 : vector<16xf32>
        %select_n3A_760 = arith.select %gt3A_159, %mul3A_759, %select_n3A_758 : vector<16xi1>, vector<16xf32>
        %swap3A_761 = arith.index_cast %scan3A_639 : i32 to index
        %swap3A_762 = arith.constant 64 : index
        %swap3A_763 = tpu.vector_load %arg7[%swap3A_761, %swap3A_762] {strides = array<i32>} : memref<128x128xf32, #tpu.memory_space<vmem>>, vector<1x16xf32>,
        %swap3A_764 = vector.shape_cast %swap3A_763 : vector<1x16xf32> to vector<16xf32>
        %swap3A_765 = vector.shape_cast %select_n3A_760 : vector<16xf32> to vector<1x16xf32>
        tpu.vector_store %arg7[%swap3A_761, %swap3A_762], %swap3A_765 {strides = array<i32>} : memref<128x128xf32, #tpu.memory_space<vmem>>, vector<1x16xf32>,
        %scan3A_766 = arith.constant 0 : i32
        scf.yield %scan3A_766 : i32
      }
      %scan3A_166 = arith.constant 128 : i32
      %get3A_167 = arith.constant 1 : i32
      %get3A_168 = arith.index_cast %get3A_167 : i32 to index
      %get3A_169 = arith.constant 80 : index
      %get3A_170 = tpu.vector_load %arg5[%get3A_168, %get3A_169] {strides = array<i32>} : memref<8x128xf32, #tpu.memory_space<vmem>>, vector<1x16xf32>,
      %get3A_171 = vector.shape_cast %get3A_170 : vector<1x16xf32> to vector<16xf32>
      %gt3A_172 = arith.constant 5.000000e-01 : f32
      %gt3A_173 = vector.broadcast %gt3A_172 : f32 to vector<16xf32>
      %gt3A_174 = arith.cmpf ogt, %get3A_171, %gt3A_173 : vector<16xf32>
      %get3A_175 = arith.constant 2 : i32
      %get3A_176 = arith.index_cast %get3A_175 : i32 to index
      %get3A_177 = arith.constant 80 : index
      %get3A_178 = tpu.vector_load %arg5[%get3A_176, %get3A_177] {strides = array<i32>} : memref<8x128xf32, #tpu.memory_space<vmem>>, vector<1x16xf32>,
      %get3A_179 = vector.shape_cast %get3A_178 : vector<1x16xf32> to vector<16xf32>
      %gt3A_180 = arith.constant 5.000000e-01 : f32
      %gt3A_181 = vector.broadcast %gt3A_180 : f32 to vector<16xf32>
      %gt3A_182 = arith.cmpf ogt, %get3A_179, %gt3A_181 : vector<16xf32>
      %get3A_183 = arith.constant 3 : i32
      %get3A_184 = arith.index_cast %get3A_183 : i32 to index
      %get3A_185 = arith.constant 80 : index
      %get3A_186 = tpu.vector_load %arg5[%get3A_184, %get3A_185] {strides = array<i32>} : memref<8x128xf32, #tpu.memory_space<vmem>>, vector<1x16xf32>,
      %get3A_187 = vector.shape_cast %get3A_186 : vector<1x16xf32> to vector<16xf32>
      %gt3A_188 = arith.constant 5.000000e-01 : f32
      %gt3A_189 = vector.broadcast %gt3A_188 : f32 to vector<16xf32>
      %gt3A_190 = arith.cmpf ogt, %get3A_187, %gt3A_189 : vector<16xf32>
      %scan3A_191 = arith.constant 0 : i32
      %scan3A_192 = arith.constant 0 : i32
      %scan3A_193 = arith.constant 128 : i32
      %scan3A_194 = arith.addi %scan3A_192, %scan3A_193 : i32
      %scan3A_195 = arith.constant 4 : i32
      %scan3A_196 = scf.for %scan3A_261 = %scan3A_192 to %scan3A_194 step %scan3A_195 iter_args(%scan3A_262 = %scan3A_191) -> (i32)  : i32 {
        %get3A_263 = arith.index_cast %scan3A_261 : i32 to index
        %get3A_264 = arith.constant 80 : index
        %get3A_265 = tpu.vector_load %arg6[%get3A_263, %get3A_264] {strides = array<i32>} : memref<128x128xf32, #tpu.memory_space<vmem>>, vector<1x16xf32>,
        %get3A_266 = vector.shape_cast %get3A_265 : vector<1x16xf32> to vector<16xf32>
        %bitcast_convert_type3A = tpu.bitcast %get3A_266 : vector<16xf32> -> vector<16xi32>
        %and3A = arith.constant -2147483648 : i32
        %and3A_267 = vector.broadcast %and3A : i32 to vector<16xi32>
        %and3A_268 = arith.andi %bitcast_convert_type3A, %and3A_267 : vector<16xi32>
        %and3A_269 = arith.constant 2147483647 : i32
        %and3A_270 = vector.broadcast %and3A_269 : i32 to vector<16xi32>
        %and3A_271 = arith.andi %bitcast_convert_type3A, %and3A_270 : vector<16xi32>
        %bitcast_convert_type3A_272 = tpu.bitcast %and3A_271 : vector<16xi32> -> vector<16xf32>
        %add3A_273 = arith.constant 1.000000e+00 : f32
        %add3A_274 = vector.broadcast %add3A_273 : f32 to vector<16xf32>
        %add3A_275 = arith.addf %bitcast_convert_type3A_272, %add3A_274 : vector<16xf32>
        %bitcast_convert_type3A_276 = tpu.bitcast %add3A_275 : vector<16xf32> -> vector<16xi32>
        %shift_right_logical3A = arith.constant 23 : i32
        %shift_right_logical3A_277 = vector.broadcast %shift_right_logical3A : i32 to vector<16xi32>
        %shift_right_logical3A_278 = arith.shrui %bitcast_convert_type3A_276, %shift_right_logical3A_277 : vector<16xi32>
        %sub3A = arith.constant 127 : i32
        %sub3A_279 = vector.broadcast %sub3A : i32 to vector<16xi32>
        %sub3A_280 = arith.subi %shift_right_logical3A_278, %sub3A_279 : vector<16xi32>
        %and3A_281 = arith.constant 8388607 : i32
        %and3A_282 = vector.broadcast %and3A_281 : i32 to vector<16xi32>
        %and3A_283 = arith.andi %bitcast_convert_type3A_276, %and3A_282 : vector<16xi32>
        %or3A = arith.constant 1065353216 : i32
        %or3A_284 = vector.broadcast %or3A : i32 to vector<16xi32>
        %or3A_285 = arith.ori %and3A_283, %or3A_284 : vector<16xi32>
        %bitcast_convert_type3A_286 = tpu.bitcast %or3A_285 : vector<16xi32> -> vector<16xf32>
        %gt3A_287 = arith.constant 1.41421354 : f32
        %gt3A_288 = vector.broadcast %gt3A_287 : f32 to vector<16xf32>
        %gt3A_289 = arith.cmpf ogt, %bitcast_convert_type3A_286, %gt3A_288 : vector<16xf32>
        %mul3A_290 = arith.constant 5.000000e-01 : f32
        %mul3A_291 = vector.broadcast %mul3A_290 : f32 to vector<16xf32>
        %mul3A_292 = arith.mulf %bitcast_convert_type3A_286, %mul3A_291 : vector<16xf32>
        %select_n3A = arith.select %gt3A_289, %mul3A_292, %bitcast_convert_type3A_286 : vector<16xi1>, vector<16xf32>
        %jit3A = arith.constant 1 : i32
        %jit3A_293 = arith.constant 0 : i32
        %broadcast_in_dim3A = vector.broadcast %jit3A : i32 to vector<16xi32>
        %broadcast_in_dim3A_294 = vector.broadcast %jit3A_293 : i32 to vector<16xi32>
        %select_n3A_295 = arith.select %gt3A_289, %broadcast_in_dim3A, %broadcast_in_dim3A_294 : vector<16xi1>, vector<16xi32>
        %add3A_296 = arith.addi %sub3A_280, %select_n3A_295 : vector<16xi32>
        %convert_element_type3A = arith.sitofp %add3A_296 : vector<16xi32> to vector<16xf32>
        %sub3A_297 = arith.constant 1.000000e+00 : f32
        %sub3A_298 = vector.broadcast %sub3A_297 : f32 to vector<16xf32>
        %sub3A_299 = arith.subf %select_n3A, %sub3A_298 : vector<16xf32>
        %mul3A_300 = arith.constant -1.250000e-01 : f32
        %mul3A_301 = vector.broadcast %mul3A_300 : f32 to vector<16xf32>
        %mul3A_302 = arith.mulf %mul3A_301, %sub3A_299 : vector<16xf32>
        %add3A_303 = arith.constant 0.142857149 : f32
        %add3A_304 = vector.broadcast %add3A_303 : f32 to vector<16xf32>
        %add3A_305 = arith.addf %mul3A_302, %add3A_304 : vector<16xf32>
        %mul3A_306 = arith.mulf %add3A_305, %sub3A_299 : vector<16xf32>
        %sub3A_307 = arith.constant 0.166666672 : f32
        %sub3A_308 = vector.broadcast %sub3A_307 : f32 to vector<16xf32>
        %sub3A_309 = arith.subf %mul3A_306, %sub3A_308 : vector<16xf32>
        %mul3A_310 = arith.mulf %sub3A_309, %sub3A_299 : vector<16xf32>
        %add3A_311 = arith.constant 2.000000e-01 : f32
        %add3A_312 = vector.broadcast %add3A_311 : f32 to vector<16xf32>
        %add3A_313 = arith.addf %mul3A_310, %add3A_312 : vector<16xf32>
        %mul3A_314 = arith.mulf %add3A_313, %sub3A_299 : vector<16xf32>
        %sub3A_315 = arith.constant 2.500000e-01 : f32
        %sub3A_316 = vector.broadcast %sub3A_315 : f32 to vector<16xf32>
        %sub3A_317 = arith.subf %mul3A_314, %sub3A_316 : vector<16xf32>
        %mul3A_318 = arith.mulf %sub3A_317, %sub3A_299 : vector<16xf32>
        %add3A_319 = arith.constant 0.333333343 : f32
        %add3A_320 = vector.broadcast %add3A_319 : f32 to vector<16xf32>
        %add3A_321 = arith.addf %mul3A_318, %add3A_320 : vector<16xf32>
        %mul3A_322 = arith.mulf %add3A_321, %sub3A_299 : vector<16xf32>
        %sub3A_323 = arith.constant 5.000000e-01 : f32
        %sub3A_324 = vector.broadcast %sub3A_323 : f32 to vector<16xf32>
        %sub3A_325 = arith.subf %mul3A_322, %sub3A_324 : vector<16xf32>
        %mul3A_326 = arith.mulf %sub3A_325, %sub3A_299 : vector<16xf32>
        %add3A_327 = arith.constant 1.000000e+00 : f32
        %add3A_328 = vector.broadcast %add3A_327 : f32 to vector<16xf32>
        %add3A_329 = arith.addf %mul3A_326, %add3A_328 : vector<16xf32>
        %mul3A_330 = arith.mulf %sub3A_299, %add3A_329 : vector<16xf32>
        %mul3A_331 = arith.constant 0.693147182 : f32
        %mul3A_332 = vector.broadcast %mul3A_331 : f32 to vector<16xf32>
        %mul3A_333 = arith.mulf %convert_element_type3A, %mul3A_332 : vector<16xf32>
        %add3A_334 = arith.addf %mul3A_333, %mul3A_330 : vector<16xf32>
        %bitcast_convert_type3A_335 = tpu.bitcast %add3A_334 : vector<16xf32> -> vector<16xi32>
        %or3A_336 = arith.ori %bitcast_convert_type3A_335, %and3A_268 : vector<16xi32>
        %bitcast_convert_type3A_337 = tpu.bitcast %or3A_336 : vector<16xi32> -> vector<16xf32>
        %select_n3A_338 = arith.select %gt3A_174, %bitcast_convert_type3A_337, %get3A_266 : vector<16xi1>, vector<16xf32>
        %add3A_339 = arith.constant 1.000000e-35 : f32
        %add3A_340 = vector.broadcast %add3A_339 : f32 to vector<16xf32>
        %add3A_341 = arith.addf %bitcast_convert_type3A_272, %add3A_340 : vector<16xf32>
        %bitcast_convert_type3A_342 = tpu.bitcast %add3A_341 : vector<16xf32> -> vector<16xi32>
        %shift_right_logical3A_343 = arith.constant 1 : i32
        %shift_right_logical3A_344 = vector.broadcast %shift_right_logical3A_343 : i32 to vector<16xi32>
        %shift_right_logical3A_345 = arith.shrui %bitcast_convert_type3A_342, %shift_right_logical3A_344 : vector<16xi32>
        %sub3A_346 = arith.constant 1597463007 : i32
        %sub3A_347 = vector.broadcast %sub3A_346 : i32 to vector<16xi32>
        %sub3A_348 = arith.subi %sub3A_347, %shift_right_logical3A_345 : vector<16xi32>
        %bitcast_convert_type3A_349 = tpu.bitcast %sub3A_348 : vector<16xi32> -> vector<16xf32>
        %mul3A_350 = arith.constant 5.000000e-01 : f32
        %mul3A_351 = vector.broadcast %mul3A_350 : f32 to vector<16xf32>
        %mul3A_352 = arith.mulf %mul3A_351, %add3A_341 : vector<16xf32>
        %mul3A_353 = arith.mulf %mul3A_352, %bitcast_convert_type3A_349 : vector<16xf32>
        %mul3A_354 = arith.mulf %mul3A_353, %bitcast_convert_type3A_349 : vector<16xf32>
        %sub3A_355 = arith.constant 1.500000e+00 : f32
        %sub3A_356 = vector.broadcast %sub3A_355 : f32 to vector<16xf32>
        %sub3A_357 = arith.subf %sub3A_356, %mul3A_354 : vector<16xf32>
        %mul3A_358 = arith.mulf %bitcast_convert_type3A_349, %sub3A_357 : vector<16xf32>
        %mul3A_359 = arith.constant 5.000000e-01 : f32
        %mul3A_360 = vector.broadcast %mul3A_359 : f32 to vector<16xf32>
        %mul3A_361 = arith.mulf %mul3A_360, %add3A_341 : vector<16xf32>
        %mul3A_362 = arith.mulf %mul3A_361, %mul3A_358 : vector<16xf32>
        %mul3A_363 = arith.mulf %mul3A_362, %mul3A_358 : vector<16xf32>
        %sub3A_364 = arith.constant 1.500000e+00 : f32
        %sub3A_365 = vector.broadcast %sub3A_364 : f32 to vector<16xf32>
        %sub3A_366 = arith.subf %sub3A_365, %mul3A_363 : vector<16xf32>
        %mul3A_367 = arith.mulf %mul3A_358, %sub3A_366 : vector<16xf32>
        %mul3A_368 = arith.mulf %add3A_341, %mul3A_367 : vector<16xf32>
        %bitcast_convert_type3A_369 = tpu.bitcast %mul3A_368 : vector<16xf32> -> vector<16xi32>
        %or3A_370 = arith.ori %bitcast_convert_type3A_369, %and3A_268 : vector<16xi32>
        %bitcast_convert_type3A_371 = tpu.bitcast %or3A_370 : vector<16xi32> -> vector<16xf32>
        %select_n3A_372 = arith.select %gt3A_182, %bitcast_convert_type3A_371, %select_n3A_338 : vector<16xi1>, vector<16xf32>
        %mul3A_373 = arith.mulf %get3A_266, %get3A_266 : vector<16xf32>
        %select_n3A_374 = arith.select %gt3A_190, %mul3A_373, %select_n3A_372 : vector<16xi1>, vector<16xf32>
        %swap3A = arith.index_cast %scan3A_261 : i32 to index
        %swap3A_375 = arith.constant 80 : index
        %swap3A_376 = tpu.vector_load %arg7[%swap3A, %swap3A_375] {strides = array<i32>} : memref<128x128xf32, #tpu.memory_space<vmem>>, vector<1x16xf32>,
        %swap3A_377 = vector.shape_cast %swap3A_376 : vector<1x16xf32> to vector<16xf32>
        %swap3A_378 = vector.shape_cast %select_n3A_374 : vector<16xf32> to vector<1x16xf32>
        tpu.vector_store %arg7[%swap3A, %swap3A_375], %swap3A_378 {strides = array<i32>} : memref<128x128xf32, #tpu.memory_space<vmem>>, vector<1x16xf32>,
        %scan3A_379 = arith.constant 0 : i32
        %scan3A_380 = arith.constant 1 : i32
        %scan3A_381 = arith.addi %scan3A_261, %scan3A_380 : i32
        %get3A_382 = arith.index_cast %scan3A_381 : i32 to index
        %get3A_383 = arith.constant 80 : index
        %get3A_384 = tpu.vector_load %arg6[%get3A_382, %get3A_383] {strides = array<i32>} : memref<128x128xf32, #tpu.memory_space<vmem>>, vector<1x16xf32>,
        %get3A_385 = vector.shape_cast %get3A_384 : vector<1x16xf32> to vector<16xf32>
        %bitcast_convert_type3A_386 = tpu.bitcast %get3A_385 : vector<16xf32> -> vector<16xi32>
        %and3A_387 = arith.constant -2147483648 : i32
        %and3A_388 = vector.broadcast %and3A_387 : i32 to vector<16xi32>
        %and3A_389 = arith.andi %bitcast_convert_type3A_386, %and3A_388 : vector<16xi32>
        %and3A_390 = arith.constant 2147483647 : i32
        %and3A_391 = vector.broadcast %and3A_390 : i32 to vector<16xi32>
        %and3A_392 = arith.andi %bitcast_convert_type3A_386, %and3A_391 : vector<16xi32>
        %bitcast_convert_type3A_393 = tpu.bitcast %and3A_392 : vector<16xi32> -> vector<16xf32>
        %add3A_394 = arith.constant 1.000000e+00 : f32
        %add3A_395 = vector.broadcast %add3A_394 : f32 to vector<16xf32>
        %add3A_396 = arith.addf %bitcast_convert_type3A_393, %add3A_395 : vector<16xf32>
        %bitcast_convert_type3A_397 = tpu.bitcast %add3A_396 : vector<16xf32> -> vector<16xi32>
        %shift_right_logical3A_398 = arith.constant 23 : i32
        %shift_right_logical3A_399 = vector.broadcast %shift_right_logical3A_398 : i32 to vector<16xi32>
        %shift_right_logical3A_400 = arith.shrui %bitcast_convert_type3A_397, %shift_right_logical3A_399 : vector<16xi32>
        %sub3A_401 = arith.constant 127 : i32
        %sub3A_402 = vector.broadcast %sub3A_401 : i32 to vector<16xi32>
        %sub3A_403 = arith.subi %shift_right_logical3A_400, %sub3A_402 : vector<16xi32>
        %and3A_404 = arith.constant 8388607 : i32
        %and3A_405 = vector.broadcast %and3A_404 : i32 to vector<16xi32>
        %and3A_406 = arith.andi %bitcast_convert_type3A_397, %and3A_405 : vector<16xi32>
        %or3A_407 = arith.constant 1065353216 : i32
        %or3A_408 = vector.broadcast %or3A_407 : i32 to vector<16xi32>
        %or3A_409 = arith.ori %and3A_406, %or3A_408 : vector<16xi32>
        %bitcast_convert_type3A_410 = tpu.bitcast %or3A_409 : vector<16xi32> -> vector<16xf32>
        %gt3A_411 = arith.constant 1.41421354 : f32
        %gt3A_412 = vector.broadcast %gt3A_411 : f32 to vector<16xf32>
        %gt3A_413 = arith.cmpf ogt, %bitcast_convert_type3A_410, %gt3A_412 : vector<16xf32>
        %mul3A_414 = arith.constant 5.000000e-01 : f32
        %mul3A_415 = vector.broadcast %mul3A_414 : f32 to vector<16xf32>
        %mul3A_416 = arith.mulf %bitcast_convert_type3A_410, %mul3A_415 : vector<16xf32>
        %select_n3A_417 = arith.select %gt3A_413, %mul3A_416, %bitcast_convert_type3A_410 : vector<16xi1>, vector<16xf32>
        %jit3A_418 = arith.constant 1 : i32
        %jit3A_419 = arith.constant 0 : i32
        %broadcast_in_dim3A_420 = vector.broadcast %jit3A_418 : i32 to vector<16xi32>
        %broadcast_in_dim3A_421 = vector.broadcast %jit3A_419 : i32 to vector<16xi32>
        %select_n3A_422 = arith.select %gt3A_413, %broadcast_in_dim3A_420, %broadcast_in_dim3A_421 : vector<16xi1>, vector<16xi32>
        %add3A_423 = arith.addi %sub3A_403, %select_n3A_422 : vector<16xi32>
        %convert_element_type3A_424 = arith.sitofp %add3A_423 : vector<16xi32> to vector<16xf32>
        %sub3A_425 = arith.constant 1.000000e+00 : f32
        %sub3A_426 = vector.broadcast %sub3A_425 : f32 to vector<16xf32>
        %sub3A_427 = arith.subf %select_n3A_417, %sub3A_426 : vector<16xf32>
        %mul3A_428 = arith.constant -1.250000e-01 : f32
        %mul3A_429 = vector.broadcast %mul3A_428 : f32 to vector<16xf32>
        %mul3A_430 = arith.mulf %mul3A_429, %sub3A_427 : vector<16xf32>
        %add3A_431 = arith.constant 0.142857149 : f32
        %add3A_432 = vector.broadcast %add3A_431 : f32 to vector<16xf32>
        %add3A_433 = arith.addf %mul3A_430, %add3A_432 : vector<16xf32>
        %mul3A_434 = arith.mulf %add3A_433, %sub3A_427 : vector<16xf32>
        %sub3A_435 = arith.constant 0.166666672 : f32
        %sub3A_436 = vector.broadcast %sub3A_435 : f32 to vector<16xf32>
        %sub3A_437 = arith.subf %mul3A_434, %sub3A_436 : vector<16xf32>
        %mul3A_438 = arith.mulf %sub3A_437, %sub3A_427 : vector<16xf32>
        %add3A_439 = arith.constant 2.000000e-01 : f32
        %add3A_440 = vector.broadcast %add3A_439 : f32 to vector<16xf32>
        %add3A_441 = arith.addf %mul3A_438, %add3A_440 : vector<16xf32>
        %mul3A_442 = arith.mulf %add3A_441, %sub3A_427 : vector<16xf32>
        %sub3A_443 = arith.constant 2.500000e-01 : f32
        %sub3A_444 = vector.broadcast %sub3A_443 : f32 to vector<16xf32>
        %sub3A_445 = arith.subf %mul3A_442, %sub3A_444 : vector<16xf32>
        %mul3A_446 = arith.mulf %sub3A_445, %sub3A_427 : vector<16xf32>
        %add3A_447 = arith.constant 0.333333343 : f32
        %add3A_448 = vector.broadcast %add3A_447 : f32 to vector<16xf32>
        %add3A_449 = arith.addf %mul3A_446, %add3A_448 : vector<16xf32>
        %mul3A_450 = arith.mulf %add3A_449, %sub3A_427 : vector<16xf32>
        %sub3A_451 = arith.constant 5.000000e-01 : f32
        %sub3A_452 = vector.broadcast %sub3A_451 : f32 to vector<16xf32>
        %sub3A_453 = arith.subf %mul3A_450, %sub3A_452 : vector<16xf32>
        %mul3A_454 = arith.mulf %sub3A_453, %sub3A_427 : vector<16xf32>
        %add3A_455 = arith.constant 1.000000e+00 : f32
        %add3A_456 = vector.broadcast %add3A_455 : f32 to vector<16xf32>
        %add3A_457 = arith.addf %mul3A_454, %add3A_456 : vector<16xf32>
        %mul3A_458 = arith.mulf %sub3A_427, %add3A_457 : vector<16xf32>
        %mul3A_459 = arith.constant 0.693147182 : f32
        %mul3A_460 = vector.broadcast %mul3A_459 : f32 to vector<16xf32>
        %mul3A_461 = arith.mulf %convert_element_type3A_424, %mul3A_460 : vector<16xf32>
        %add3A_462 = arith.addf %mul3A_461, %mul3A_458 : vector<16xf32>
        %bitcast_convert_type3A_463 = tpu.bitcast %add3A_462 : vector<16xf32> -> vector<16xi32>
        %or3A_464 = arith.ori %bitcast_convert_type3A_463, %and3A_389 : vector<16xi32>
        %bitcast_convert_type3A_465 = tpu.bitcast %or3A_464 : vector<16xi32> -> vector<16xf32>
        %select_n3A_466 = arith.select %gt3A_174, %bitcast_convert_type3A_465, %get3A_385 : vector<16xi1>, vector<16xf32>
        %add3A_467 = arith.constant 1.000000e-35 : f32
        %add3A_468 = vector.broadcast %add3A_467 : f32 to vector<16xf32>
        %add3A_469 = arith.addf %bitcast_convert_type3A_393, %add3A_468 : vector<16xf32>
        %bitcast_convert_type3A_470 = tpu.bitcast %add3A_469 : vector<16xf32> -> vector<16xi32>
        %shift_right_logical3A_471 = arith.constant 1 : i32
        %shift_right_logical3A_472 = vector.broadcast %shift_right_logical3A_471 : i32 to vector<16xi32>
        %shift_right_logical3A_473 = arith.shrui %bitcast_convert_type3A_470, %shift_right_logical3A_472 : vector<16xi32>
        %sub3A_474 = arith.constant 1597463007 : i32
        %sub3A_475 = vector.broadcast %sub3A_474 : i32 to vector<16xi32>
        %sub3A_476 = arith.subi %sub3A_475, %shift_right_logical3A_473 : vector<16xi32>
        %bitcast_convert_type3A_477 = tpu.bitcast %sub3A_476 : vector<16xi32> -> vector<16xf32>
        %mul3A_478 = arith.constant 5.000000e-01 : f32
        %mul3A_479 = vector.broadcast %mul3A_478 : f32 to vector<16xf32>
        %mul3A_480 = arith.mulf %mul3A_479, %add3A_469 : vector<16xf32>
        %mul3A_481 = arith.mulf %mul3A_480, %bitcast_convert_type3A_477 : vector<16xf32>
        %mul3A_482 = arith.mulf %mul3A_481, %bitcast_convert_type3A_477 : vector<16xf32>
        %sub3A_483 = arith.constant 1.500000e+00 : f32
        %sub3A_484 = vector.broadcast %sub3A_483 : f32 to vector<16xf32>
        %sub3A_485 = arith.subf %sub3A_484, %mul3A_482 : vector<16xf32>
        %mul3A_486 = arith.mulf %bitcast_convert_type3A_477, %sub3A_485 : vector<16xf32>
        %mul3A_487 = arith.constant 5.000000e-01 : f32
        %mul3A_488 = vector.broadcast %mul3A_487 : f32 to vector<16xf32>
        %mul3A_489 = arith.mulf %mul3A_488, %add3A_469 : vector<16xf32>
        %mul3A_490 = arith.mulf %mul3A_489, %mul3A_486 : vector<16xf32>
        %mul3A_491 = arith.mulf %mul3A_490, %mul3A_486 : vector<16xf32>
        %sub3A_492 = arith.constant 1.500000e+00 : f32
        %sub3A_493 = vector.broadcast %sub3A_492 : f32 to vector<16xf32>
        %sub3A_494 = arith.subf %sub3A_493, %mul3A_491 : vector<16xf32>
        %mul3A_495 = arith.mulf %mul3A_486, %sub3A_494 : vector<16xf32>
        %mul3A_496 = arith.mulf %add3A_469, %mul3A_495 : vector<16xf32>
        %bitcast_convert_type3A_497 = tpu.bitcast %mul3A_496 : vector<16xf32> -> vector<16xi32>
        %or3A_498 = arith.ori %bitcast_convert_type3A_497, %and3A_389 : vector<16xi32>
        %bitcast_convert_type3A_499 = tpu.bitcast %or3A_498 : vector<16xi32> -> vector<16xf32>
        %select_n3A_500 = arith.select %gt3A_182, %bitcast_convert_type3A_499, %select_n3A_466 : vector<16xi1>, vector<16xf32>
        %mul3A_501 = arith.mulf %get3A_385, %get3A_385 : vector<16xf32>
        %select_n3A_502 = arith.select %gt3A_190, %mul3A_501, %select_n3A_500 : vector<16xi1>, vector<16xf32>
        %swap3A_503 = arith.index_cast %scan3A_381 : i32 to index
        %swap3A_504 = arith.constant 80 : index
        %swap3A_505 = tpu.vector_load %arg7[%swap3A_503, %swap3A_504] {strides = array<i32>} : memref<128x128xf32, #tpu.memory_space<vmem>>, vector<1x16xf32>,
        %swap3A_506 = vector.shape_cast %swap3A_505 : vector<1x16xf32> to vector<16xf32>
        %swap3A_507 = vector.shape_cast %select_n3A_502 : vector<16xf32> to vector<1x16xf32>
        tpu.vector_store %arg7[%swap3A_503, %swap3A_504], %swap3A_507 {strides = array<i32>} : memref<128x128xf32, #tpu.memory_space<vmem>>, vector<1x16xf32>,
        %scan3A_508 = arith.constant 0 : i32
        %scan3A_509 = arith.constant 2 : i32
        %scan3A_510 = arith.addi %scan3A_261, %scan3A_509 : i32
        %get3A_511 = arith.index_cast %scan3A_510 : i32 to index
        %get3A_512 = arith.constant 80 : index
        %get3A_513 = tpu.vector_load %arg6[%get3A_511, %get3A_512] {strides = array<i32>} : memref<128x128xf32, #tpu.memory_space<vmem>>, vector<1x16xf32>,
        %get3A_514 = vector.shape_cast %get3A_513 : vector<1x16xf32> to vector<16xf32>
        %bitcast_convert_type3A_515 = tpu.bitcast %get3A_514 : vector<16xf32> -> vector<16xi32>
        %and3A_516 = arith.constant -2147483648 : i32
        %and3A_517 = vector.broadcast %and3A_516 : i32 to vector<16xi32>
        %and3A_518 = arith.andi %bitcast_convert_type3A_515, %and3A_517 : vector<16xi32>
        %and3A_519 = arith.constant 2147483647 : i32
        %and3A_520 = vector.broadcast %and3A_519 : i32 to vector<16xi32>
        %and3A_521 = arith.andi %bitcast_convert_type3A_515, %and3A_520 : vector<16xi32>
        %bitcast_convert_type3A_522 = tpu.bitcast %and3A_521 : vector<16xi32> -> vector<16xf32>
        %add3A_523 = arith.constant 1.000000e+00 : f32
        %add3A_524 = vector.broadcast %add3A_523 : f32 to vector<16xf32>
        %add3A_525 = arith.addf %bitcast_convert_type3A_522, %add3A_524 : vector<16xf32>
        %bitcast_convert_type3A_526 = tpu.bitcast %add3A_525 : vector<16xf32> -> vector<16xi32>
        %shift_right_logical3A_527 = arith.constant 23 : i32
        %shift_right_logical3A_528 = vector.broadcast %shift_right_logical3A_527 : i32 to vector<16xi32>
        %shift_right_logical3A_529 = arith.shrui %bitcast_convert_type3A_526, %shift_right_logical3A_528 : vector<16xi32>
        %sub3A_530 = arith.constant 127 : i32
        %sub3A_531 = vector.broadcast %sub3A_530 : i32 to vector<16xi32>
        %sub3A_532 = arith.subi %shift_right_logical3A_529, %sub3A_531 : vector<16xi32>
        %and3A_533 = arith.constant 8388607 : i32
        %and3A_534 = vector.broadcast %and3A_533 : i32 to vector<16xi32>
        %and3A_535 = arith.andi %bitcast_convert_type3A_526, %and3A_534 : vector<16xi32>
        %or3A_536 = arith.constant 1065353216 : i32
        %or3A_537 = vector.broadcast %or3A_536 : i32 to vector<16xi32>
        %or3A_538 = arith.ori %and3A_535, %or3A_537 : vector<16xi32>
        %bitcast_convert_type3A_539 = tpu.bitcast %or3A_538 : vector<16xi32> -> vector<16xf32>
        %gt3A_540 = arith.constant 1.41421354 : f32
        %gt3A_541 = vector.broadcast %gt3A_540 : f32 to vector<16xf32>
        %gt3A_542 = arith.cmpf ogt, %bitcast_convert_type3A_539, %gt3A_541 : vector<16xf32>
        %mul3A_543 = arith.constant 5.000000e-01 : f32
        %mul3A_544 = vector.broadcast %mul3A_543 : f32 to vector<16xf32>
        %mul3A_545 = arith.mulf %bitcast_convert_type3A_539, %mul3A_544 : vector<16xf32>
        %select_n3A_546 = arith.select %gt3A_542, %mul3A_545, %bitcast_convert_type3A_539 : vector<16xi1>, vector<16xf32>
        %jit3A_547 = arith.constant 1 : i32
        %jit3A_548 = arith.constant 0 : i32
        %broadcast_in_dim3A_549 = vector.broadcast %jit3A_547 : i32 to vector<16xi32>
        %broadcast_in_dim3A_550 = vector.broadcast %jit3A_548 : i32 to vector<16xi32>
        %select_n3A_551 = arith.select %gt3A_542, %broadcast_in_dim3A_549, %broadcast_in_dim3A_550 : vector<16xi1>, vector<16xi32>
        %add3A_552 = arith.addi %sub3A_532, %select_n3A_551 : vector<16xi32>
        %convert_element_type3A_553 = arith.sitofp %add3A_552 : vector<16xi32> to vector<16xf32>
        %sub3A_554 = arith.constant 1.000000e+00 : f32
        %sub3A_555 = vector.broadcast %sub3A_554 : f32 to vector<16xf32>
        %sub3A_556 = arith.subf %select_n3A_546, %sub3A_555 : vector<16xf32>
        %mul3A_557 = arith.constant -1.250000e-01 : f32
        %mul3A_558 = vector.broadcast %mul3A_557 : f32 to vector<16xf32>
        %mul3A_559 = arith.mulf %mul3A_558, %sub3A_556 : vector<16xf32>
        %add3A_560 = arith.constant 0.142857149 : f32
        %add3A_561 = vector.broadcast %add3A_560 : f32 to vector<16xf32>
        %add3A_562 = arith.addf %mul3A_559, %add3A_561 : vector<16xf32>
        %mul3A_563 = arith.mulf %add3A_562, %sub3A_556 : vector<16xf32>
        %sub3A_564 = arith.constant 0.166666672 : f32
        %sub3A_565 = vector.broadcast %sub3A_564 : f32 to vector<16xf32>
        %sub3A_566 = arith.subf %mul3A_563, %sub3A_565 : vector<16xf32>
        %mul3A_567 = arith.mulf %sub3A_566, %sub3A_556 : vector<16xf32>
        %add3A_568 = arith.constant 2.000000e-01 : f32
        %add3A_569 = vector.broadcast %add3A_568 : f32 to vector<16xf32>
        %add3A_570 = arith.addf %mul3A_567, %add3A_569 : vector<16xf32>
        %mul3A_571 = arith.mulf %add3A_570, %sub3A_556 : vector<16xf32>
        %sub3A_572 = arith.constant 2.500000e-01 : f32
        %sub3A_573 = vector.broadcast %sub3A_572 : f32 to vector<16xf32>
        %sub3A_574 = arith.subf %mul3A_571, %sub3A_573 : vector<16xf32>
        %mul3A_575 = arith.mulf %sub3A_574, %sub3A_556 : vector<16xf32>
        %add3A_576 = arith.constant 0.333333343 : f32
        %add3A_577 = vector.broadcast %add3A_576 : f32 to vector<16xf32>
        %add3A_578 = arith.addf %mul3A_575, %add3A_577 : vector<16xf32>
        %mul3A_579 = arith.mulf %add3A_578, %sub3A_556 : vector<16xf32>
        %sub3A_580 = arith.constant 5.000000e-01 : f32
        %sub3A_581 = vector.broadcast %sub3A_580 : f32 to vector<16xf32>
        %sub3A_582 = arith.subf %mul3A_579, %sub3A_581 : vector<16xf32>
        %mul3A_583 = arith.mulf %sub3A_582, %sub3A_556 : vector<16xf32>
        %add3A_584 = arith.constant 1.000000e+00 : f32
        %add3A_585 = vector.broadcast %add3A_584 : f32 to vector<16xf32>
        %add3A_586 = arith.addf %mul3A_583, %add3A_585 : vector<16xf32>
        %mul3A_587 = arith.mulf %sub3A_556, %add3A_586 : vector<16xf32>
        %mul3A_588 = arith.constant 0.693147182 : f32
        %mul3A_589 = vector.broadcast %mul3A_588 : f32 to vector<16xf32>
        %mul3A_590 = arith.mulf %convert_element_type3A_553, %mul3A_589 : vector<16xf32>
        %add3A_591 = arith.addf %mul3A_590, %mul3A_587 : vector<16xf32>
        %bitcast_convert_type3A_592 = tpu.bitcast %add3A_591 : vector<16xf32> -> vector<16xi32>
        %or3A_593 = arith.ori %bitcast_convert_type3A_592, %and3A_518 : vector<16xi32>
        %bitcast_convert_type3A_594 = tpu.bitcast %or3A_593 : vector<16xi32> -> vector<16xf32>
        %select_n3A_595 = arith.select %gt3A_174, %bitcast_convert_type3A_594, %get3A_514 : vector<16xi1>, vector<16xf32>
        %add3A_596 = arith.constant 1.000000e-35 : f32
        %add3A_597 = vector.broadcast %add3A_596 : f32 to vector<16xf32>
        %add3A_598 = arith.addf %bitcast_convert_type3A_522, %add3A_597 : vector<16xf32>
        %bitcast_convert_type3A_599 = tpu.bitcast %add3A_598 : vector<16xf32> -> vector<16xi32>
        %shift_right_logical3A_600 = arith.constant 1 : i32
        %shift_right_logical3A_601 = vector.broadcast %shift_right_logical3A_600 : i32 to vector<16xi32>
        %shift_right_logical3A_602 = arith.shrui %bitcast_convert_type3A_599, %shift_right_logical3A_601 : vector<16xi32>
        %sub3A_603 = arith.constant 1597463007 : i32
        %sub3A_604 = vector.broadcast %sub3A_603 : i32 to vector<16xi32>
        %sub3A_605 = arith.subi %sub3A_604, %shift_right_logical3A_602 : vector<16xi32>
        %bitcast_convert_type3A_606 = tpu.bitcast %sub3A_605 : vector<16xi32> -> vector<16xf32>
        %mul3A_607 = arith.constant 5.000000e-01 : f32
        %mul3A_608 = vector.broadcast %mul3A_607 : f32 to vector<16xf32>
        %mul3A_609 = arith.mulf %mul3A_608, %add3A_598 : vector<16xf32>
        %mul3A_610 = arith.mulf %mul3A_609, %bitcast_convert_type3A_606 : vector<16xf32>
        %mul3A_611 = arith.mulf %mul3A_610, %bitcast_convert_type3A_606 : vector<16xf32>
        %sub3A_612 = arith.constant 1.500000e+00 : f32
        %sub3A_613 = vector.broadcast %sub3A_612 : f32 to vector<16xf32>
        %sub3A_614 = arith.subf %sub3A_613, %mul3A_611 : vector<16xf32>
        %mul3A_615 = arith.mulf %bitcast_convert_type3A_606, %sub3A_614 : vector<16xf32>
        %mul3A_616 = arith.constant 5.000000e-01 : f32
        %mul3A_617 = vector.broadcast %mul3A_616 : f32 to vector<16xf32>
        %mul3A_618 = arith.mulf %mul3A_617, %add3A_598 : vector<16xf32>
        %mul3A_619 = arith.mulf %mul3A_618, %mul3A_615 : vector<16xf32>
        %mul3A_620 = arith.mulf %mul3A_619, %mul3A_615 : vector<16xf32>
        %sub3A_621 = arith.constant 1.500000e+00 : f32
        %sub3A_622 = vector.broadcast %sub3A_621 : f32 to vector<16xf32>
        %sub3A_623 = arith.subf %sub3A_622, %mul3A_620 : vector<16xf32>
        %mul3A_624 = arith.mulf %mul3A_615, %sub3A_623 : vector<16xf32>
        %mul3A_625 = arith.mulf %add3A_598, %mul3A_624 : vector<16xf32>
        %bitcast_convert_type3A_626 = tpu.bitcast %mul3A_625 : vector<16xf32> -> vector<16xi32>
        %or3A_627 = arith.ori %bitcast_convert_type3A_626, %and3A_518 : vector<16xi32>
        %bitcast_convert_type3A_628 = tpu.bitcast %or3A_627 : vector<16xi32> -> vector<16xf32>
        %select_n3A_629 = arith.select %gt3A_182, %bitcast_convert_type3A_628, %select_n3A_595 : vector<16xi1>, vector<16xf32>
        %mul3A_630 = arith.mulf %get3A_514, %get3A_514 : vector<16xf32>
        %select_n3A_631 = arith.select %gt3A_190, %mul3A_630, %select_n3A_629 : vector<16xi1>, vector<16xf32>
        %swap3A_632 = arith.index_cast %scan3A_510 : i32 to index
        %swap3A_633 = arith.constant 80 : index
        %swap3A_634 = tpu.vector_load %arg7[%swap3A_632, %swap3A_633] {strides = array<i32>} : memref<128x128xf32, #tpu.memory_space<vmem>>, vector<1x16xf32>,
        %swap3A_635 = vector.shape_cast %swap3A_634 : vector<1x16xf32> to vector<16xf32>
        %swap3A_636 = vector.shape_cast %select_n3A_631 : vector<16xf32> to vector<1x16xf32>
        tpu.vector_store %arg7[%swap3A_632, %swap3A_633], %swap3A_636 {strides = array<i32>} : memref<128x128xf32, #tpu.memory_space<vmem>>, vector<1x16xf32>,
        %scan3A_637 = arith.constant 0 : i32
        %scan3A_638 = arith.constant 3 : i32
        %scan3A_639 = arith.addi %scan3A_261, %scan3A_638 : i32
        %get3A_640 = arith.index_cast %scan3A_639 : i32 to index
        %get3A_641 = arith.constant 80 : index
        %get3A_642 = tpu.vector_load %arg6[%get3A_640, %get3A_641] {strides = array<i32>} : memref<128x128xf32, #tpu.memory_space<vmem>>, vector<1x16xf32>,
        %get3A_643 = vector.shape_cast %get3A_642 : vector<1x16xf32> to vector<16xf32>
        %bitcast_convert_type3A_644 = tpu.bitcast %get3A_643 : vector<16xf32> -> vector<16xi32>
        %and3A_645 = arith.constant -2147483648 : i32
        %and3A_646 = vector.broadcast %and3A_645 : i32 to vector<16xi32>
        %and3A_647 = arith.andi %bitcast_convert_type3A_644, %and3A_646 : vector<16xi32>
        %and3A_648 = arith.constant 2147483647 : i32
        %and3A_649 = vector.broadcast %and3A_648 : i32 to vector<16xi32>
        %and3A_650 = arith.andi %bitcast_convert_type3A_644, %and3A_649 : vector<16xi32>
        %bitcast_convert_type3A_651 = tpu.bitcast %and3A_650 : vector<16xi32> -> vector<16xf32>
        %add3A_652 = arith.constant 1.000000e+00 : f32
        %add3A_653 = vector.broadcast %add3A_652 : f32 to vector<16xf32>
        %add3A_654 = arith.addf %bitcast_convert_type3A_651, %add3A_653 : vector<16xf32>
        %bitcast_convert_type3A_655 = tpu.bitcast %add3A_654 : vector<16xf32> -> vector<16xi32>
        %shift_right_logical3A_656 = arith.constant 23 : i32
        %shift_right_logical3A_657 = vector.broadcast %shift_right_logical3A_656 : i32 to vector<16xi32>
        %shift_right_logical3A_658 = arith.shrui %bitcast_convert_type3A_655, %shift_right_logical3A_657 : vector<16xi32>
        %sub3A_659 = arith.constant 127 : i32
        %sub3A_660 = vector.broadcast %sub3A_659 : i32 to vector<16xi32>
        %sub3A_661 = arith.subi %shift_right_logical3A_658, %sub3A_660 : vector<16xi32>
        %and3A_662 = arith.constant 8388607 : i32
        %and3A_663 = vector.broadcast %and3A_662 : i32 to vector<16xi32>
        %and3A_664 = arith.andi %bitcast_convert_type3A_655, %and3A_663 : vector<16xi32>
        %or3A_665 = arith.constant 1065353216 : i32
        %or3A_666 = vector.broadcast %or3A_665 : i32 to vector<16xi32>
        %or3A_667 = arith.ori %and3A_664, %or3A_666 : vector<16xi32>
        %bitcast_convert_type3A_668 = tpu.bitcast %or3A_667 : vector<16xi32> -> vector<16xf32>
        %gt3A_669 = arith.constant 1.41421354 : f32
        %gt3A_670 = vector.broadcast %gt3A_669 : f32 to vector<16xf32>
        %gt3A_671 = arith.cmpf ogt, %bitcast_convert_type3A_668, %gt3A_670 : vector<16xf32>
        %mul3A_672 = arith.constant 5.000000e-01 : f32
        %mul3A_673 = vector.broadcast %mul3A_672 : f32 to vector<16xf32>
        %mul3A_674 = arith.mulf %bitcast_convert_type3A_668, %mul3A_673 : vector<16xf32>
        %select_n3A_675 = arith.select %gt3A_671, %mul3A_674, %bitcast_convert_type3A_668 : vector<16xi1>, vector<16xf32>
        %jit3A_676 = arith.constant 1 : i32
        %jit3A_677 = arith.constant 0 : i32
        %broadcast_in_dim3A_678 = vector.broadcast %jit3A_676 : i32 to vector<16xi32>
        %broadcast_in_dim3A_679 = vector.broadcast %jit3A_677 : i32 to vector<16xi32>
        %select_n3A_680 = arith.select %gt3A_671, %broadcast_in_dim3A_678, %broadcast_in_dim3A_679 : vector<16xi1>, vector<16xi32>
        %add3A_681 = arith.addi %sub3A_661, %select_n3A_680 : vector<16xi32>
        %convert_element_type3A_682 = arith.sitofp %add3A_681 : vector<16xi32> to vector<16xf32>
        %sub3A_683 = arith.constant 1.000000e+00 : f32
        %sub3A_684 = vector.broadcast %sub3A_683 : f32 to vector<16xf32>
        %sub3A_685 = arith.subf %select_n3A_675, %sub3A_684 : vector<16xf32>
        %mul3A_686 = arith.constant -1.250000e-01 : f32
        %mul3A_687 = vector.broadcast %mul3A_686 : f32 to vector<16xf32>
        %mul3A_688 = arith.mulf %mul3A_687, %sub3A_685 : vector<16xf32>
        %add3A_689 = arith.constant 0.142857149 : f32
        %add3A_690 = vector.broadcast %add3A_689 : f32 to vector<16xf32>
        %add3A_691 = arith.addf %mul3A_688, %add3A_690 : vector<16xf32>
        %mul3A_692 = arith.mulf %add3A_691, %sub3A_685 : vector<16xf32>
        %sub3A_693 = arith.constant 0.166666672 : f32
        %sub3A_694 = vector.broadcast %sub3A_693 : f32 to vector<16xf32>
        %sub3A_695 = arith.subf %mul3A_692, %sub3A_694 : vector<16xf32>
        %mul3A_696 = arith.mulf %sub3A_695, %sub3A_685 : vector<16xf32>
        %add3A_697 = arith.constant 2.000000e-01 : f32
        %add3A_698 = vector.broadcast %add3A_697 : f32 to vector<16xf32>
        %add3A_699 = arith.addf %mul3A_696, %add3A_698 : vector<16xf32>
        %mul3A_700 = arith.mulf %add3A_699, %sub3A_685 : vector<16xf32>
        %sub3A_701 = arith.constant 2.500000e-01 : f32
        %sub3A_702 = vector.broadcast %sub3A_701 : f32 to vector<16xf32>
        %sub3A_703 = arith.subf %mul3A_700, %sub3A_702 : vector<16xf32>
        %mul3A_704 = arith.mulf %sub3A_703, %sub3A_685 : vector<16xf32>
        %add3A_705 = arith.constant 0.333333343 : f32
        %add3A_706 = vector.broadcast %add3A_705 : f32 to vector<16xf32>
        %add3A_707 = arith.addf %mul3A_704, %add3A_706 : vector<16xf32>
        %mul3A_708 = arith.mulf %add3A_707, %sub3A_685 : vector<16xf32>
        %sub3A_709 = arith.constant 5.000000e-01 : f32
        %sub3A_710 = vector.broadcast %sub3A_709 : f32 to vector<16xf32>
        %sub3A_711 = arith.subf %mul3A_708, %sub3A_710 : vector<16xf32>
        %mul3A_712 = arith.mulf %sub3A_711, %sub3A_685 : vector<16xf32>
        %add3A_713 = arith.constant 1.000000e+00 : f32
        %add3A_714 = vector.broadcast %add3A_713 : f32 to vector<16xf32>
        %add3A_715 = arith.addf %mul3A_712, %add3A_714 : vector<16xf32>
        %mul3A_716 = arith.mulf %sub3A_685, %add3A_715 : vector<16xf32>
        %mul3A_717 = arith.constant 0.693147182 : f32
        %mul3A_718 = vector.broadcast %mul3A_717 : f32 to vector<16xf32>
        %mul3A_719 = arith.mulf %convert_element_type3A_682, %mul3A_718 : vector<16xf32>
        %add3A_720 = arith.addf %mul3A_719, %mul3A_716 : vector<16xf32>
        %bitcast_convert_type3A_721 = tpu.bitcast %add3A_720 : vector<16xf32> -> vector<16xi32>
        %or3A_722 = arith.ori %bitcast_convert_type3A_721, %and3A_647 : vector<16xi32>
        %bitcast_convert_type3A_723 = tpu.bitcast %or3A_722 : vector<16xi32> -> vector<16xf32>
        %select_n3A_724 = arith.select %gt3A_174, %bitcast_convert_type3A_723, %get3A_643 : vector<16xi1>, vector<16xf32>
        %add3A_725 = arith.constant 1.000000e-35 : f32
        %add3A_726 = vector.broadcast %add3A_725 : f32 to vector<16xf32>
        %add3A_727 = arith.addf %bitcast_convert_type3A_651, %add3A_726 : vector<16xf32>
        %bitcast_convert_type3A_728 = tpu.bitcast %add3A_727 : vector<16xf32> -> vector<16xi32>
        %shift_right_logical3A_729 = arith.constant 1 : i32
        %shift_right_logical3A_730 = vector.broadcast %shift_right_logical3A_729 : i32 to vector<16xi32>
        %shift_right_logical3A_731 = arith.shrui %bitcast_convert_type3A_728, %shift_right_logical3A_730 : vector<16xi32>
        %sub3A_732 = arith.constant 1597463007 : i32
        %sub3A_733 = vector.broadcast %sub3A_732 : i32 to vector<16xi32>
        %sub3A_734 = arith.subi %sub3A_733, %shift_right_logical3A_731 : vector<16xi32>
        %bitcast_convert_type3A_735 = tpu.bitcast %sub3A_734 : vector<16xi32> -> vector<16xf32>
        %mul3A_736 = arith.constant 5.000000e-01 : f32
        %mul3A_737 = vector.broadcast %mul3A_736 : f32 to vector<16xf32>
        %mul3A_738 = arith.mulf %mul3A_737, %add3A_727 : vector<16xf32>
        %mul3A_739 = arith.mulf %mul3A_738, %bitcast_convert_type3A_735 : vector<16xf32>
        %mul3A_740 = arith.mulf %mul3A_739, %bitcast_convert_type3A_735 : vector<16xf32>
        %sub3A_741 = arith.constant 1.500000e+00 : f32
        %sub3A_742 = vector.broadcast %sub3A_741 : f32 to vector<16xf32>
        %sub3A_743 = arith.subf %sub3A_742, %mul3A_740 : vector<16xf32>
        %mul3A_744 = arith.mulf %bitcast_convert_type3A_735, %sub3A_743 : vector<16xf32>
        %mul3A_745 = arith.constant 5.000000e-01 : f32
        %mul3A_746 = vector.broadcast %mul3A_745 : f32 to vector<16xf32>
        %mul3A_747 = arith.mulf %mul3A_746, %add3A_727 : vector<16xf32>
        %mul3A_748 = arith.mulf %mul3A_747, %mul3A_744 : vector<16xf32>
        %mul3A_749 = arith.mulf %mul3A_748, %mul3A_744 : vector<16xf32>
        %sub3A_750 = arith.constant 1.500000e+00 : f32
        %sub3A_751 = vector.broadcast %sub3A_750 : f32 to vector<16xf32>
        %sub3A_752 = arith.subf %sub3A_751, %mul3A_749 : vector<16xf32>
        %mul3A_753 = arith.mulf %mul3A_744, %sub3A_752 : vector<16xf32>
        %mul3A_754 = arith.mulf %add3A_727, %mul3A_753 : vector<16xf32>
        %bitcast_convert_type3A_755 = tpu.bitcast %mul3A_754 : vector<16xf32> -> vector<16xi32>
        %or3A_756 = arith.ori %bitcast_convert_type3A_755, %and3A_647 : vector<16xi32>
        %bitcast_convert_type3A_757 = tpu.bitcast %or3A_756 : vector<16xi32> -> vector<16xf32>
        %select_n3A_758 = arith.select %gt3A_182, %bitcast_convert_type3A_757, %select_n3A_724 : vector<16xi1>, vector<16xf32>
        %mul3A_759 = arith.mulf %get3A_643, %get3A_643 : vector<16xf32>
        %select_n3A_760 = arith.select %gt3A_190, %mul3A_759, %select_n3A_758 : vector<16xi1>, vector<16xf32>
        %swap3A_761 = arith.index_cast %scan3A_639 : i32 to index
        %swap3A_762 = arith.constant 80 : index
        %swap3A_763 = tpu.vector_load %arg7[%swap3A_761, %swap3A_762] {strides = array<i32>} : memref<128x128xf32, #tpu.memory_space<vmem>>, vector<1x16xf32>,
        %swap3A_764 = vector.shape_cast %swap3A_763 : vector<1x16xf32> to vector<16xf32>
        %swap3A_765 = vector.shape_cast %select_n3A_760 : vector<16xf32> to vector<1x16xf32>
        tpu.vector_store %arg7[%swap3A_761, %swap3A_762], %swap3A_765 {strides = array<i32>} : memref<128x128xf32, #tpu.memory_space<vmem>>, vector<1x16xf32>,
        %scan3A_766 = arith.constant 0 : i32
        scf.yield %scan3A_766 : i32
      }
      %scan3A_197 = arith.constant 128 : i32
      %get3A_198 = arith.constant 1 : i32
      %get3A_199 = arith.index_cast %get3A_198 : i32 to index
      %get3A_200 = arith.constant 96 : index
      %get3A_201 = tpu.vector_load %arg5[%get3A_199, %get3A_200] {strides = array<i32>} : memref<8x128xf32, #tpu.memory_space<vmem>>, vector<1x16xf32>,
      %get3A_202 = vector.shape_cast %get3A_201 : vector<1x16xf32> to vector<16xf32>
      %gt3A_203 = arith.constant 5.000000e-01 : f32
      %gt3A_204 = vector.broadcast %gt3A_203 : f32 to vector<16xf32>
      %gt3A_205 = arith.cmpf ogt, %get3A_202, %gt3A_204 : vector<16xf32>
      %get3A_206 = arith.constant 2 : i32
      %get3A_207 = arith.index_cast %get3A_206 : i32 to index
      %get3A_208 = arith.constant 96 : index
      %get3A_209 = tpu.vector_load %arg5[%get3A_207, %get3A_208] {strides = array<i32>} : memref<8x128xf32, #tpu.memory_space<vmem>>, vector<1x16xf32>,
      %get3A_210 = vector.shape_cast %get3A_209 : vector<1x16xf32> to vector<16xf32>
      %gt3A_211 = arith.constant 5.000000e-01 : f32
      %gt3A_212 = vector.broadcast %gt3A_211 : f32 to vector<16xf32>
      %gt3A_213 = arith.cmpf ogt, %get3A_210, %gt3A_212 : vector<16xf32>
      %get3A_214 = arith.constant 3 : i32
      %get3A_215 = arith.index_cast %get3A_214 : i32 to index
      %get3A_216 = arith.constant 96 : index
      %get3A_217 = tpu.vector_load %arg5[%get3A_215, %get3A_216] {strides = array<i32>} : memref<8x128xf32, #tpu.memory_space<vmem>>, vector<1x16xf32>,
      %get3A_218 = vector.shape_cast %get3A_217 : vector<1x16xf32> to vector<16xf32>
      %gt3A_219 = arith.constant 5.000000e-01 : f32
      %gt3A_220 = vector.broadcast %gt3A_219 : f32 to vector<16xf32>
      %gt3A_221 = arith.cmpf ogt, %get3A_218, %gt3A_220 : vector<16xf32>
      %scan3A_222 = arith.constant 0 : i32
      %scan3A_223 = arith.constant 0 : i32
      %scan3A_224 = arith.constant 128 : i32
      %scan3A_225 = arith.addi %scan3A_223, %scan3A_224 : i32
      %scan3A_226 = arith.constant 4 : i32
      %scan3A_227 = scf.for %scan3A_261 = %scan3A_223 to %scan3A_225 step %scan3A_226 iter_args(%scan3A_262 = %scan3A_222) -> (i32)  : i32 {
        %get3A_263 = arith.index_cast %scan3A_261 : i32 to index
        %get3A_264 = arith.constant 96 : index
        %get3A_265 = tpu.vector_load %arg6[%get3A_263, %get3A_264] {strides = array<i32>} : memref<128x128xf32, #tpu.memory_space<vmem>>, vector<1x16xf32>,
        %get3A_266 = vector.shape_cast %get3A_265 : vector<1x16xf32> to vector<16xf32>
        %bitcast_convert_type3A = tpu.bitcast %get3A_266 : vector<16xf32> -> vector<16xi32>
        %and3A = arith.constant -2147483648 : i32
        %and3A_267 = vector.broadcast %and3A : i32 to vector<16xi32>
        %and3A_268 = arith.andi %bitcast_convert_type3A, %and3A_267 : vector<16xi32>
        %and3A_269 = arith.constant 2147483647 : i32
        %and3A_270 = vector.broadcast %and3A_269 : i32 to vector<16xi32>
        %and3A_271 = arith.andi %bitcast_convert_type3A, %and3A_270 : vector<16xi32>
        %bitcast_convert_type3A_272 = tpu.bitcast %and3A_271 : vector<16xi32> -> vector<16xf32>
        %add3A_273 = arith.constant 1.000000e+00 : f32
        %add3A_274 = vector.broadcast %add3A_273 : f32 to vector<16xf32>
        %add3A_275 = arith.addf %bitcast_convert_type3A_272, %add3A_274 : vector<16xf32>
        %bitcast_convert_type3A_276 = tpu.bitcast %add3A_275 : vector<16xf32> -> vector<16xi32>
        %shift_right_logical3A = arith.constant 23 : i32
        %shift_right_logical3A_277 = vector.broadcast %shift_right_logical3A : i32 to vector<16xi32>
        %shift_right_logical3A_278 = arith.shrui %bitcast_convert_type3A_276, %shift_right_logical3A_277 : vector<16xi32>
        %sub3A = arith.constant 127 : i32
        %sub3A_279 = vector.broadcast %sub3A : i32 to vector<16xi32>
        %sub3A_280 = arith.subi %shift_right_logical3A_278, %sub3A_279 : vector<16xi32>
        %and3A_281 = arith.constant 8388607 : i32
        %and3A_282 = vector.broadcast %and3A_281 : i32 to vector<16xi32>
        %and3A_283 = arith.andi %bitcast_convert_type3A_276, %and3A_282 : vector<16xi32>
        %or3A = arith.constant 1065353216 : i32
        %or3A_284 = vector.broadcast %or3A : i32 to vector<16xi32>
        %or3A_285 = arith.ori %and3A_283, %or3A_284 : vector<16xi32>
        %bitcast_convert_type3A_286 = tpu.bitcast %or3A_285 : vector<16xi32> -> vector<16xf32>
        %gt3A_287 = arith.constant 1.41421354 : f32
        %gt3A_288 = vector.broadcast %gt3A_287 : f32 to vector<16xf32>
        %gt3A_289 = arith.cmpf ogt, %bitcast_convert_type3A_286, %gt3A_288 : vector<16xf32>
        %mul3A_290 = arith.constant 5.000000e-01 : f32
        %mul3A_291 = vector.broadcast %mul3A_290 : f32 to vector<16xf32>
        %mul3A_292 = arith.mulf %bitcast_convert_type3A_286, %mul3A_291 : vector<16xf32>
        %select_n3A = arith.select %gt3A_289, %mul3A_292, %bitcast_convert_type3A_286 : vector<16xi1>, vector<16xf32>
        %jit3A = arith.constant 1 : i32
        %jit3A_293 = arith.constant 0 : i32
        %broadcast_in_dim3A = vector.broadcast %jit3A : i32 to vector<16xi32>
        %broadcast_in_dim3A_294 = vector.broadcast %jit3A_293 : i32 to vector<16xi32>
        %select_n3A_295 = arith.select %gt3A_289, %broadcast_in_dim3A, %broadcast_in_dim3A_294 : vector<16xi1>, vector<16xi32>
        %add3A_296 = arith.addi %sub3A_280, %select_n3A_295 : vector<16xi32>
        %convert_element_type3A = arith.sitofp %add3A_296 : vector<16xi32> to vector<16xf32>
        %sub3A_297 = arith.constant 1.000000e+00 : f32
        %sub3A_298 = vector.broadcast %sub3A_297 : f32 to vector<16xf32>
        %sub3A_299 = arith.subf %select_n3A, %sub3A_298 : vector<16xf32>
        %mul3A_300 = arith.constant -1.250000e-01 : f32
        %mul3A_301 = vector.broadcast %mul3A_300 : f32 to vector<16xf32>
        %mul3A_302 = arith.mulf %mul3A_301, %sub3A_299 : vector<16xf32>
        %add3A_303 = arith.constant 0.142857149 : f32
        %add3A_304 = vector.broadcast %add3A_303 : f32 to vector<16xf32>
        %add3A_305 = arith.addf %mul3A_302, %add3A_304 : vector<16xf32>
        %mul3A_306 = arith.mulf %add3A_305, %sub3A_299 : vector<16xf32>
        %sub3A_307 = arith.constant 0.166666672 : f32
        %sub3A_308 = vector.broadcast %sub3A_307 : f32 to vector<16xf32>
        %sub3A_309 = arith.subf %mul3A_306, %sub3A_308 : vector<16xf32>
        %mul3A_310 = arith.mulf %sub3A_309, %sub3A_299 : vector<16xf32>
        %add3A_311 = arith.constant 2.000000e-01 : f32
        %add3A_312 = vector.broadcast %add3A_311 : f32 to vector<16xf32>
        %add3A_313 = arith.addf %mul3A_310, %add3A_312 : vector<16xf32>
        %mul3A_314 = arith.mulf %add3A_313, %sub3A_299 : vector<16xf32>
        %sub3A_315 = arith.constant 2.500000e-01 : f32
        %sub3A_316 = vector.broadcast %sub3A_315 : f32 to vector<16xf32>
        %sub3A_317 = arith.subf %mul3A_314, %sub3A_316 : vector<16xf32>
        %mul3A_318 = arith.mulf %sub3A_317, %sub3A_299 : vector<16xf32>
        %add3A_319 = arith.constant 0.333333343 : f32
        %add3A_320 = vector.broadcast %add3A_319 : f32 to vector<16xf32>
        %add3A_321 = arith.addf %mul3A_318, %add3A_320 : vector<16xf32>
        %mul3A_322 = arith.mulf %add3A_321, %sub3A_299 : vector<16xf32>
        %sub3A_323 = arith.constant 5.000000e-01 : f32
        %sub3A_324 = vector.broadcast %sub3A_323 : f32 to vector<16xf32>
        %sub3A_325 = arith.subf %mul3A_322, %sub3A_324 : vector<16xf32>
        %mul3A_326 = arith.mulf %sub3A_325, %sub3A_299 : vector<16xf32>
        %add3A_327 = arith.constant 1.000000e+00 : f32
        %add3A_328 = vector.broadcast %add3A_327 : f32 to vector<16xf32>
        %add3A_329 = arith.addf %mul3A_326, %add3A_328 : vector<16xf32>
        %mul3A_330 = arith.mulf %sub3A_299, %add3A_329 : vector<16xf32>
        %mul3A_331 = arith.constant 0.693147182 : f32
        %mul3A_332 = vector.broadcast %mul3A_331 : f32 to vector<16xf32>
        %mul3A_333 = arith.mulf %convert_element_type3A, %mul3A_332 : vector<16xf32>
        %add3A_334 = arith.addf %mul3A_333, %mul3A_330 : vector<16xf32>
        %bitcast_convert_type3A_335 = tpu.bitcast %add3A_334 : vector<16xf32> -> vector<16xi32>
        %or3A_336 = arith.ori %bitcast_convert_type3A_335, %and3A_268 : vector<16xi32>
        %bitcast_convert_type3A_337 = tpu.bitcast %or3A_336 : vector<16xi32> -> vector<16xf32>
        %select_n3A_338 = arith.select %gt3A_205, %bitcast_convert_type3A_337, %get3A_266 : vector<16xi1>, vector<16xf32>
        %add3A_339 = arith.constant 1.000000e-35 : f32
        %add3A_340 = vector.broadcast %add3A_339 : f32 to vector<16xf32>
        %add3A_341 = arith.addf %bitcast_convert_type3A_272, %add3A_340 : vector<16xf32>
        %bitcast_convert_type3A_342 = tpu.bitcast %add3A_341 : vector<16xf32> -> vector<16xi32>
        %shift_right_logical3A_343 = arith.constant 1 : i32
        %shift_right_logical3A_344 = vector.broadcast %shift_right_logical3A_343 : i32 to vector<16xi32>
        %shift_right_logical3A_345 = arith.shrui %bitcast_convert_type3A_342, %shift_right_logical3A_344 : vector<16xi32>
        %sub3A_346 = arith.constant 1597463007 : i32
        %sub3A_347 = vector.broadcast %sub3A_346 : i32 to vector<16xi32>
        %sub3A_348 = arith.subi %sub3A_347, %shift_right_logical3A_345 : vector<16xi32>
        %bitcast_convert_type3A_349 = tpu.bitcast %sub3A_348 : vector<16xi32> -> vector<16xf32>
        %mul3A_350 = arith.constant 5.000000e-01 : f32
        %mul3A_351 = vector.broadcast %mul3A_350 : f32 to vector<16xf32>
        %mul3A_352 = arith.mulf %mul3A_351, %add3A_341 : vector<16xf32>
        %mul3A_353 = arith.mulf %mul3A_352, %bitcast_convert_type3A_349 : vector<16xf32>
        %mul3A_354 = arith.mulf %mul3A_353, %bitcast_convert_type3A_349 : vector<16xf32>
        %sub3A_355 = arith.constant 1.500000e+00 : f32
        %sub3A_356 = vector.broadcast %sub3A_355 : f32 to vector<16xf32>
        %sub3A_357 = arith.subf %sub3A_356, %mul3A_354 : vector<16xf32>
        %mul3A_358 = arith.mulf %bitcast_convert_type3A_349, %sub3A_357 : vector<16xf32>
        %mul3A_359 = arith.constant 5.000000e-01 : f32
        %mul3A_360 = vector.broadcast %mul3A_359 : f32 to vector<16xf32>
        %mul3A_361 = arith.mulf %mul3A_360, %add3A_341 : vector<16xf32>
        %mul3A_362 = arith.mulf %mul3A_361, %mul3A_358 : vector<16xf32>
        %mul3A_363 = arith.mulf %mul3A_362, %mul3A_358 : vector<16xf32>
        %sub3A_364 = arith.constant 1.500000e+00 : f32
        %sub3A_365 = vector.broadcast %sub3A_364 : f32 to vector<16xf32>
        %sub3A_366 = arith.subf %sub3A_365, %mul3A_363 : vector<16xf32>
        %mul3A_367 = arith.mulf %mul3A_358, %sub3A_366 : vector<16xf32>
        %mul3A_368 = arith.mulf %add3A_341, %mul3A_367 : vector<16xf32>
        %bitcast_convert_type3A_369 = tpu.bitcast %mul3A_368 : vector<16xf32> -> vector<16xi32>
        %or3A_370 = arith.ori %bitcast_convert_type3A_369, %and3A_268 : vector<16xi32>
        %bitcast_convert_type3A_371 = tpu.bitcast %or3A_370 : vector<16xi32> -> vector<16xf32>
        %select_n3A_372 = arith.select %gt3A_213, %bitcast_convert_type3A_371, %select_n3A_338 : vector<16xi1>, vector<16xf32>
        %mul3A_373 = arith.mulf %get3A_266, %get3A_266 : vector<16xf32>
        %select_n3A_374 = arith.select %gt3A_221, %mul3A_373, %select_n3A_372 : vector<16xi1>, vector<16xf32>
        %swap3A = arith.index_cast %scan3A_261 : i32 to index
        %swap3A_375 = arith.constant 96 : index
        %swap3A_376 = tpu.vector_load %arg7[%swap3A, %swap3A_375] {strides = array<i32>} : memref<128x128xf32, #tpu.memory_space<vmem>>, vector<1x16xf32>,
        %swap3A_377 = vector.shape_cast %swap3A_376 : vector<1x16xf32> to vector<16xf32>
        %swap3A_378 = vector.shape_cast %select_n3A_374 : vector<16xf32> to vector<1x16xf32>
        tpu.vector_store %arg7[%swap3A, %swap3A_375], %swap3A_378 {strides = array<i32>} : memref<128x128xf32, #tpu.memory_space<vmem>>, vector<1x16xf32>,
        %scan3A_379 = arith.constant 0 : i32
        %scan3A_380 = arith.constant 1 : i32
        %scan3A_381 = arith.addi %scan3A_261, %scan3A_380 : i32
        %get3A_382 = arith.index_cast %scan3A_381 : i32 to index
        %get3A_383 = arith.constant 96 : index
        %get3A_384 = tpu.vector_load %arg6[%get3A_382, %get3A_383] {strides = array<i32>} : memref<128x128xf32, #tpu.memory_space<vmem>>, vector<1x16xf32>,
        %get3A_385 = vector.shape_cast %get3A_384 : vector<1x16xf32> to vector<16xf32>
        %bitcast_convert_type3A_386 = tpu.bitcast %get3A_385 : vector<16xf32> -> vector<16xi32>
        %and3A_387 = arith.constant -2147483648 : i32
        %and3A_388 = vector.broadcast %and3A_387 : i32 to vector<16xi32>
        %and3A_389 = arith.andi %bitcast_convert_type3A_386, %and3A_388 : vector<16xi32>
        %and3A_390 = arith.constant 2147483647 : i32
        %and3A_391 = vector.broadcast %and3A_390 : i32 to vector<16xi32>
        %and3A_392 = arith.andi %bitcast_convert_type3A_386, %and3A_391 : vector<16xi32>
        %bitcast_convert_type3A_393 = tpu.bitcast %and3A_392 : vector<16xi32> -> vector<16xf32>
        %add3A_394 = arith.constant 1.000000e+00 : f32
        %add3A_395 = vector.broadcast %add3A_394 : f32 to vector<16xf32>
        %add3A_396 = arith.addf %bitcast_convert_type3A_393, %add3A_395 : vector<16xf32>
        %bitcast_convert_type3A_397 = tpu.bitcast %add3A_396 : vector<16xf32> -> vector<16xi32>
        %shift_right_logical3A_398 = arith.constant 23 : i32
        %shift_right_logical3A_399 = vector.broadcast %shift_right_logical3A_398 : i32 to vector<16xi32>
        %shift_right_logical3A_400 = arith.shrui %bitcast_convert_type3A_397, %shift_right_logical3A_399 : vector<16xi32>
        %sub3A_401 = arith.constant 127 : i32
        %sub3A_402 = vector.broadcast %sub3A_401 : i32 to vector<16xi32>
        %sub3A_403 = arith.subi %shift_right_logical3A_400, %sub3A_402 : vector<16xi32>
        %and3A_404 = arith.constant 8388607 : i32
        %and3A_405 = vector.broadcast %and3A_404 : i32 to vector<16xi32>
        %and3A_406 = arith.andi %bitcast_convert_type3A_397, %and3A_405 : vector<16xi32>
        %or3A_407 = arith.constant 1065353216 : i32
        %or3A_408 = vector.broadcast %or3A_407 : i32 to vector<16xi32>
        %or3A_409 = arith.ori %and3A_406, %or3A_408 : vector<16xi32>
        %bitcast_convert_type3A_410 = tpu.bitcast %or3A_409 : vector<16xi32> -> vector<16xf32>
        %gt3A_411 = arith.constant 1.41421354 : f32
        %gt3A_412 = vector.broadcast %gt3A_411 : f32 to vector<16xf32>
        %gt3A_413 = arith.cmpf ogt, %bitcast_convert_type3A_410, %gt3A_412 : vector<16xf32>
        %mul3A_414 = arith.constant 5.000000e-01 : f32
        %mul3A_415 = vector.broadcast %mul3A_414 : f32 to vector<16xf32>
        %mul3A_416 = arith.mulf %bitcast_convert_type3A_410, %mul3A_415 : vector<16xf32>
        %select_n3A_417 = arith.select %gt3A_413, %mul3A_416, %bitcast_convert_type3A_410 : vector<16xi1>, vector<16xf32>
        %jit3A_418 = arith.constant 1 : i32
        %jit3A_419 = arith.constant 0 : i32
        %broadcast_in_dim3A_420 = vector.broadcast %jit3A_418 : i32 to vector<16xi32>
        %broadcast_in_dim3A_421 = vector.broadcast %jit3A_419 : i32 to vector<16xi32>
        %select_n3A_422 = arith.select %gt3A_413, %broadcast_in_dim3A_420, %broadcast_in_dim3A_421 : vector<16xi1>, vector<16xi32>
        %add3A_423 = arith.addi %sub3A_403, %select_n3A_422 : vector<16xi32>
        %convert_element_type3A_424 = arith.sitofp %add3A_423 : vector<16xi32> to vector<16xf32>
        %sub3A_425 = arith.constant 1.000000e+00 : f32
        %sub3A_426 = vector.broadcast %sub3A_425 : f32 to vector<16xf32>
        %sub3A_427 = arith.subf %select_n3A_417, %sub3A_426 : vector<16xf32>
        %mul3A_428 = arith.constant -1.250000e-01 : f32
        %mul3A_429 = vector.broadcast %mul3A_428 : f32 to vector<16xf32>
        %mul3A_430 = arith.mulf %mul3A_429, %sub3A_427 : vector<16xf32>
        %add3A_431 = arith.constant 0.142857149 : f32
        %add3A_432 = vector.broadcast %add3A_431 : f32 to vector<16xf32>
        %add3A_433 = arith.addf %mul3A_430, %add3A_432 : vector<16xf32>
        %mul3A_434 = arith.mulf %add3A_433, %sub3A_427 : vector<16xf32>
        %sub3A_435 = arith.constant 0.166666672 : f32
        %sub3A_436 = vector.broadcast %sub3A_435 : f32 to vector<16xf32>
        %sub3A_437 = arith.subf %mul3A_434, %sub3A_436 : vector<16xf32>
        %mul3A_438 = arith.mulf %sub3A_437, %sub3A_427 : vector<16xf32>
        %add3A_439 = arith.constant 2.000000e-01 : f32
        %add3A_440 = vector.broadcast %add3A_439 : f32 to vector<16xf32>
        %add3A_441 = arith.addf %mul3A_438, %add3A_440 : vector<16xf32>
        %mul3A_442 = arith.mulf %add3A_441, %sub3A_427 : vector<16xf32>
        %sub3A_443 = arith.constant 2.500000e-01 : f32
        %sub3A_444 = vector.broadcast %sub3A_443 : f32 to vector<16xf32>
        %sub3A_445 = arith.subf %mul3A_442, %sub3A_444 : vector<16xf32>
        %mul3A_446 = arith.mulf %sub3A_445, %sub3A_427 : vector<16xf32>
        %add3A_447 = arith.constant 0.333333343 : f32
        %add3A_448 = vector.broadcast %add3A_447 : f32 to vector<16xf32>
        %add3A_449 = arith.addf %mul3A_446, %add3A_448 : vector<16xf32>
        %mul3A_450 = arith.mulf %add3A_449, %sub3A_427 : vector<16xf32>
        %sub3A_451 = arith.constant 5.000000e-01 : f32
        %sub3A_452 = vector.broadcast %sub3A_451 : f32 to vector<16xf32>
        %sub3A_453 = arith.subf %mul3A_450, %sub3A_452 : vector<16xf32>
        %mul3A_454 = arith.mulf %sub3A_453, %sub3A_427 : vector<16xf32>
        %add3A_455 = arith.constant 1.000000e+00 : f32
        %add3A_456 = vector.broadcast %add3A_455 : f32 to vector<16xf32>
        %add3A_457 = arith.addf %mul3A_454, %add3A_456 : vector<16xf32>
        %mul3A_458 = arith.mulf %sub3A_427, %add3A_457 : vector<16xf32>
        %mul3A_459 = arith.constant 0.693147182 : f32
        %mul3A_460 = vector.broadcast %mul3A_459 : f32 to vector<16xf32>
        %mul3A_461 = arith.mulf %convert_element_type3A_424, %mul3A_460 : vector<16xf32>
        %add3A_462 = arith.addf %mul3A_461, %mul3A_458 : vector<16xf32>
        %bitcast_convert_type3A_463 = tpu.bitcast %add3A_462 : vector<16xf32> -> vector<16xi32>
        %or3A_464 = arith.ori %bitcast_convert_type3A_463, %and3A_389 : vector<16xi32>
        %bitcast_convert_type3A_465 = tpu.bitcast %or3A_464 : vector<16xi32> -> vector<16xf32>
        %select_n3A_466 = arith.select %gt3A_205, %bitcast_convert_type3A_465, %get3A_385 : vector<16xi1>, vector<16xf32>
        %add3A_467 = arith.constant 1.000000e-35 : f32
        %add3A_468 = vector.broadcast %add3A_467 : f32 to vector<16xf32>
        %add3A_469 = arith.addf %bitcast_convert_type3A_393, %add3A_468 : vector<16xf32>
        %bitcast_convert_type3A_470 = tpu.bitcast %add3A_469 : vector<16xf32> -> vector<16xi32>
        %shift_right_logical3A_471 = arith.constant 1 : i32
        %shift_right_logical3A_472 = vector.broadcast %shift_right_logical3A_471 : i32 to vector<16xi32>
        %shift_right_logical3A_473 = arith.shrui %bitcast_convert_type3A_470, %shift_right_logical3A_472 : vector<16xi32>
        %sub3A_474 = arith.constant 1597463007 : i32
        %sub3A_475 = vector.broadcast %sub3A_474 : i32 to vector<16xi32>
        %sub3A_476 = arith.subi %sub3A_475, %shift_right_logical3A_473 : vector<16xi32>
        %bitcast_convert_type3A_477 = tpu.bitcast %sub3A_476 : vector<16xi32> -> vector<16xf32>
        %mul3A_478 = arith.constant 5.000000e-01 : f32
        %mul3A_479 = vector.broadcast %mul3A_478 : f32 to vector<16xf32>
        %mul3A_480 = arith.mulf %mul3A_479, %add3A_469 : vector<16xf32>
        %mul3A_481 = arith.mulf %mul3A_480, %bitcast_convert_type3A_477 : vector<16xf32>
        %mul3A_482 = arith.mulf %mul3A_481, %bitcast_convert_type3A_477 : vector<16xf32>
        %sub3A_483 = arith.constant 1.500000e+00 : f32
        %sub3A_484 = vector.broadcast %sub3A_483 : f32 to vector<16xf32>
        %sub3A_485 = arith.subf %sub3A_484, %mul3A_482 : vector<16xf32>
        %mul3A_486 = arith.mulf %bitcast_convert_type3A_477, %sub3A_485 : vector<16xf32>
        %mul3A_487 = arith.constant 5.000000e-01 : f32
        %mul3A_488 = vector.broadcast %mul3A_487 : f32 to vector<16xf32>
        %mul3A_489 = arith.mulf %mul3A_488, %add3A_469 : vector<16xf32>
        %mul3A_490 = arith.mulf %mul3A_489, %mul3A_486 : vector<16xf32>
        %mul3A_491 = arith.mulf %mul3A_490, %mul3A_486 : vector<16xf32>
        %sub3A_492 = arith.constant 1.500000e+00 : f32
        %sub3A_493 = vector.broadcast %sub3A_492 : f32 to vector<16xf32>
        %sub3A_494 = arith.subf %sub3A_493, %mul3A_491 : vector<16xf32>
        %mul3A_495 = arith.mulf %mul3A_486, %sub3A_494 : vector<16xf32>
        %mul3A_496 = arith.mulf %add3A_469, %mul3A_495 : vector<16xf32>
        %bitcast_convert_type3A_497 = tpu.bitcast %mul3A_496 : vector<16xf32> -> vector<16xi32>
        %or3A_498 = arith.ori %bitcast_convert_type3A_497, %and3A_389 : vector<16xi32>
        %bitcast_convert_type3A_499 = tpu.bitcast %or3A_498 : vector<16xi32> -> vector<16xf32>
        %select_n3A_500 = arith.select %gt3A_213, %bitcast_convert_type3A_499, %select_n3A_466 : vector<16xi1>, vector<16xf32>
        %mul3A_501 = arith.mulf %get3A_385, %get3A_385 : vector<16xf32>
        %select_n3A_502 = arith.select %gt3A_221, %mul3A_501, %select_n3A_500 : vector<16xi1>, vector<16xf32>
        %swap3A_503 = arith.index_cast %scan3A_381 : i32 to index
        %swap3A_504 = arith.constant 96 : index
        %swap3A_505 = tpu.vector_load %arg7[%swap3A_503, %swap3A_504] {strides = array<i32>} : memref<128x128xf32, #tpu.memory_space<vmem>>, vector<1x16xf32>,
        %swap3A_506 = vector.shape_cast %swap3A_505 : vector<1x16xf32> to vector<16xf32>
        %swap3A_507 = vector.shape_cast %select_n3A_502 : vector<16xf32> to vector<1x16xf32>
        tpu.vector_store %arg7[%swap3A_503, %swap3A_504], %swap3A_507 {strides = array<i32>} : memref<128x128xf32, #tpu.memory_space<vmem>>, vector<1x16xf32>,
        %scan3A_508 = arith.constant 0 : i32
        %scan3A_509 = arith.constant 2 : i32
        %scan3A_510 = arith.addi %scan3A_261, %scan3A_509 : i32
        %get3A_511 = arith.index_cast %scan3A_510 : i32 to index
        %get3A_512 = arith.constant 96 : index
        %get3A_513 = tpu.vector_load %arg6[%get3A_511, %get3A_512] {strides = array<i32>} : memref<128x128xf32, #tpu.memory_space<vmem>>, vector<1x16xf32>,
        %get3A_514 = vector.shape_cast %get3A_513 : vector<1x16xf32> to vector<16xf32>
        %bitcast_convert_type3A_515 = tpu.bitcast %get3A_514 : vector<16xf32> -> vector<16xi32>
        %and3A_516 = arith.constant -2147483648 : i32
        %and3A_517 = vector.broadcast %and3A_516 : i32 to vector<16xi32>
        %and3A_518 = arith.andi %bitcast_convert_type3A_515, %and3A_517 : vector<16xi32>
        %and3A_519 = arith.constant 2147483647 : i32
        %and3A_520 = vector.broadcast %and3A_519 : i32 to vector<16xi32>
        %and3A_521 = arith.andi %bitcast_convert_type3A_515, %and3A_520 : vector<16xi32>
        %bitcast_convert_type3A_522 = tpu.bitcast %and3A_521 : vector<16xi32> -> vector<16xf32>
        %add3A_523 = arith.constant 1.000000e+00 : f32
        %add3A_524 = vector.broadcast %add3A_523 : f32 to vector<16xf32>
        %add3A_525 = arith.addf %bitcast_convert_type3A_522, %add3A_524 : vector<16xf32>
        %bitcast_convert_type3A_526 = tpu.bitcast %add3A_525 : vector<16xf32> -> vector<16xi32>
        %shift_right_logical3A_527 = arith.constant 23 : i32
        %shift_right_logical3A_528 = vector.broadcast %shift_right_logical3A_527 : i32 to vector<16xi32>
        %shift_right_logical3A_529 = arith.shrui %bitcast_convert_type3A_526, %shift_right_logical3A_528 : vector<16xi32>
        %sub3A_530 = arith.constant 127 : i32
        %sub3A_531 = vector.broadcast %sub3A_530 : i32 to vector<16xi32>
        %sub3A_532 = arith.subi %shift_right_logical3A_529, %sub3A_531 : vector<16xi32>
        %and3A_533 = arith.constant 8388607 : i32
        %and3A_534 = vector.broadcast %and3A_533 : i32 to vector<16xi32>
        %and3A_535 = arith.andi %bitcast_convert_type3A_526, %and3A_534 : vector<16xi32>
        %or3A_536 = arith.constant 1065353216 : i32
        %or3A_537 = vector.broadcast %or3A_536 : i32 to vector<16xi32>
        %or3A_538 = arith.ori %and3A_535, %or3A_537 : vector<16xi32>
        %bitcast_convert_type3A_539 = tpu.bitcast %or3A_538 : vector<16xi32> -> vector<16xf32>
        %gt3A_540 = arith.constant 1.41421354 : f32
        %gt3A_541 = vector.broadcast %gt3A_540 : f32 to vector<16xf32>
        %gt3A_542 = arith.cmpf ogt, %bitcast_convert_type3A_539, %gt3A_541 : vector<16xf32>
        %mul3A_543 = arith.constant 5.000000e-01 : f32
        %mul3A_544 = vector.broadcast %mul3A_543 : f32 to vector<16xf32>
        %mul3A_545 = arith.mulf %bitcast_convert_type3A_539, %mul3A_544 : vector<16xf32>
        %select_n3A_546 = arith.select %gt3A_542, %mul3A_545, %bitcast_convert_type3A_539 : vector<16xi1>, vector<16xf32>
        %jit3A_547 = arith.constant 1 : i32
        %jit3A_548 = arith.constant 0 : i32
        %broadcast_in_dim3A_549 = vector.broadcast %jit3A_547 : i32 to vector<16xi32>
        %broadcast_in_dim3A_550 = vector.broadcast %jit3A_548 : i32 to vector<16xi32>
        %select_n3A_551 = arith.select %gt3A_542, %broadcast_in_dim3A_549, %broadcast_in_dim3A_550 : vector<16xi1>, vector<16xi32>
        %add3A_552 = arith.addi %sub3A_532, %select_n3A_551 : vector<16xi32>
        %convert_element_type3A_553 = arith.sitofp %add3A_552 : vector<16xi32> to vector<16xf32>
        %sub3A_554 = arith.constant 1.000000e+00 : f32
        %sub3A_555 = vector.broadcast %sub3A_554 : f32 to vector<16xf32>
        %sub3A_556 = arith.subf %select_n3A_546, %sub3A_555 : vector<16xf32>
        %mul3A_557 = arith.constant -1.250000e-01 : f32
        %mul3A_558 = vector.broadcast %mul3A_557 : f32 to vector<16xf32>
        %mul3A_559 = arith.mulf %mul3A_558, %sub3A_556 : vector<16xf32>
        %add3A_560 = arith.constant 0.142857149 : f32
        %add3A_561 = vector.broadcast %add3A_560 : f32 to vector<16xf32>
        %add3A_562 = arith.addf %mul3A_559, %add3A_561 : vector<16xf32>
        %mul3A_563 = arith.mulf %add3A_562, %sub3A_556 : vector<16xf32>
        %sub3A_564 = arith.constant 0.166666672 : f32
        %sub3A_565 = vector.broadcast %sub3A_564 : f32 to vector<16xf32>
        %sub3A_566 = arith.subf %mul3A_563, %sub3A_565 : vector<16xf32>
        %mul3A_567 = arith.mulf %sub3A_566, %sub3A_556 : vector<16xf32>
        %add3A_568 = arith.constant 2.000000e-01 : f32
        %add3A_569 = vector.broadcast %add3A_568 : f32 to vector<16xf32>
        %add3A_570 = arith.addf %mul3A_567, %add3A_569 : vector<16xf32>
        %mul3A_571 = arith.mulf %add3A_570, %sub3A_556 : vector<16xf32>
        %sub3A_572 = arith.constant 2.500000e-01 : f32
        %sub3A_573 = vector.broadcast %sub3A_572 : f32 to vector<16xf32>
        %sub3A_574 = arith.subf %mul3A_571, %sub3A_573 : vector<16xf32>
        %mul3A_575 = arith.mulf %sub3A_574, %sub3A_556 : vector<16xf32>
        %add3A_576 = arith.constant 0.333333343 : f32
        %add3A_577 = vector.broadcast %add3A_576 : f32 to vector<16xf32>
        %add3A_578 = arith.addf %mul3A_575, %add3A_577 : vector<16xf32>
        %mul3A_579 = arith.mulf %add3A_578, %sub3A_556 : vector<16xf32>
        %sub3A_580 = arith.constant 5.000000e-01 : f32
        %sub3A_581 = vector.broadcast %sub3A_580 : f32 to vector<16xf32>
        %sub3A_582 = arith.subf %mul3A_579, %sub3A_581 : vector<16xf32>
        %mul3A_583 = arith.mulf %sub3A_582, %sub3A_556 : vector<16xf32>
        %add3A_584 = arith.constant 1.000000e+00 : f32
        %add3A_585 = vector.broadcast %add3A_584 : f32 to vector<16xf32>
        %add3A_586 = arith.addf %mul3A_583, %add3A_585 : vector<16xf32>
        %mul3A_587 = arith.mulf %sub3A_556, %add3A_586 : vector<16xf32>
        %mul3A_588 = arith.constant 0.693147182 : f32
        %mul3A_589 = vector.broadcast %mul3A_588 : f32 to vector<16xf32>
        %mul3A_590 = arith.mulf %convert_element_type3A_553, %mul3A_589 : vector<16xf32>
        %add3A_591 = arith.addf %mul3A_590, %mul3A_587 : vector<16xf32>
        %bitcast_convert_type3A_592 = tpu.bitcast %add3A_591 : vector<16xf32> -> vector<16xi32>
        %or3A_593 = arith.ori %bitcast_convert_type3A_592, %and3A_518 : vector<16xi32>
        %bitcast_convert_type3A_594 = tpu.bitcast %or3A_593 : vector<16xi32> -> vector<16xf32>
        %select_n3A_595 = arith.select %gt3A_205, %bitcast_convert_type3A_594, %get3A_514 : vector<16xi1>, vector<16xf32>
        %add3A_596 = arith.constant 1.000000e-35 : f32
        %add3A_597 = vector.broadcast %add3A_596 : f32 to vector<16xf32>
        %add3A_598 = arith.addf %bitcast_convert_type3A_522, %add3A_597 : vector<16xf32>
        %bitcast_convert_type3A_599 = tpu.bitcast %add3A_598 : vector<16xf32> -> vector<16xi32>
        %shift_right_logical3A_600 = arith.constant 1 : i32
        %shift_right_logical3A_601 = vector.broadcast %shift_right_logical3A_600 : i32 to vector<16xi32>
        %shift_right_logical3A_602 = arith.shrui %bitcast_convert_type3A_599, %shift_right_logical3A_601 : vector<16xi32>
        %sub3A_603 = arith.constant 1597463007 : i32
        %sub3A_604 = vector.broadcast %sub3A_603 : i32 to vector<16xi32>
        %sub3A_605 = arith.subi %sub3A_604, %shift_right_logical3A_602 : vector<16xi32>
        %bitcast_convert_type3A_606 = tpu.bitcast %sub3A_605 : vector<16xi32> -> vector<16xf32>
        %mul3A_607 = arith.constant 5.000000e-01 : f32
        %mul3A_608 = vector.broadcast %mul3A_607 : f32 to vector<16xf32>
        %mul3A_609 = arith.mulf %mul3A_608, %add3A_598 : vector<16xf32>
        %mul3A_610 = arith.mulf %mul3A_609, %bitcast_convert_type3A_606 : vector<16xf32>
        %mul3A_611 = arith.mulf %mul3A_610, %bitcast_convert_type3A_606 : vector<16xf32>
        %sub3A_612 = arith.constant 1.500000e+00 : f32
        %sub3A_613 = vector.broadcast %sub3A_612 : f32 to vector<16xf32>
        %sub3A_614 = arith.subf %sub3A_613, %mul3A_611 : vector<16xf32>
        %mul3A_615 = arith.mulf %bitcast_convert_type3A_606, %sub3A_614 : vector<16xf32>
        %mul3A_616 = arith.constant 5.000000e-01 : f32
        %mul3A_617 = vector.broadcast %mul3A_616 : f32 to vector<16xf32>
        %mul3A_618 = arith.mulf %mul3A_617, %add3A_598 : vector<16xf32>
        %mul3A_619 = arith.mulf %mul3A_618, %mul3A_615 : vector<16xf32>
        %mul3A_620 = arith.mulf %mul3A_619, %mul3A_615 : vector<16xf32>
        %sub3A_621 = arith.constant 1.500000e+00 : f32
        %sub3A_622 = vector.broadcast %sub3A_621 : f32 to vector<16xf32>
        %sub3A_623 = arith.subf %sub3A_622, %mul3A_620 : vector<16xf32>
        %mul3A_624 = arith.mulf %mul3A_615, %sub3A_623 : vector<16xf32>
        %mul3A_625 = arith.mulf %add3A_598, %mul3A_624 : vector<16xf32>
        %bitcast_convert_type3A_626 = tpu.bitcast %mul3A_625 : vector<16xf32> -> vector<16xi32>
        %or3A_627 = arith.ori %bitcast_convert_type3A_626, %and3A_518 : vector<16xi32>
        %bitcast_convert_type3A_628 = tpu.bitcast %or3A_627 : vector<16xi32> -> vector<16xf32>
        %select_n3A_629 = arith.select %gt3A_213, %bitcast_convert_type3A_628, %select_n3A_595 : vector<16xi1>, vector<16xf32>
        %mul3A_630 = arith.mulf %get3A_514, %get3A_514 : vector<16xf32>
        %select_n3A_631 = arith.select %gt3A_221, %mul3A_630, %select_n3A_629 : vector<16xi1>, vector<16xf32>
        %swap3A_632 = arith.index_cast %scan3A_510 : i32 to index
        %swap3A_633 = arith.constant 96 : index
        %swap3A_634 = tpu.vector_load %arg7[%swap3A_632, %swap3A_633] {strides = array<i32>} : memref<128x128xf32, #tpu.memory_space<vmem>>, vector<1x16xf32>,
        %swap3A_635 = vector.shape_cast %swap3A_634 : vector<1x16xf32> to vector<16xf32>
        %swap3A_636 = vector.shape_cast %select_n3A_631 : vector<16xf32> to vector<1x16xf32>
        tpu.vector_store %arg7[%swap3A_632, %swap3A_633], %swap3A_636 {strides = array<i32>} : memref<128x128xf32, #tpu.memory_space<vmem>>, vector<1x16xf32>,
        %scan3A_637 = arith.constant 0 : i32
        %scan3A_638 = arith.constant 3 : i32
        %scan3A_639 = arith.addi %scan3A_261, %scan3A_638 : i32
        %get3A_640 = arith.index_cast %scan3A_639 : i32 to index
        %get3A_641 = arith.constant 96 : index
        %get3A_642 = tpu.vector_load %arg6[%get3A_640, %get3A_641] {strides = array<i32>} : memref<128x128xf32, #tpu.memory_space<vmem>>, vector<1x16xf32>,
        %get3A_643 = vector.shape_cast %get3A_642 : vector<1x16xf32> to vector<16xf32>
        %bitcast_convert_type3A_644 = tpu.bitcast %get3A_643 : vector<16xf32> -> vector<16xi32>
        %and3A_645 = arith.constant -2147483648 : i32
        %and3A_646 = vector.broadcast %and3A_645 : i32 to vector<16xi32>
        %and3A_647 = arith.andi %bitcast_convert_type3A_644, %and3A_646 : vector<16xi32>
        %and3A_648 = arith.constant 2147483647 : i32
        %and3A_649 = vector.broadcast %and3A_648 : i32 to vector<16xi32>
        %and3A_650 = arith.andi %bitcast_convert_type3A_644, %and3A_649 : vector<16xi32>
        %bitcast_convert_type3A_651 = tpu.bitcast %and3A_650 : vector<16xi32> -> vector<16xf32>
        %add3A_652 = arith.constant 1.000000e+00 : f32
        %add3A_653 = vector.broadcast %add3A_652 : f32 to vector<16xf32>
        %add3A_654 = arith.addf %bitcast_convert_type3A_651, %add3A_653 : vector<16xf32>
        %bitcast_convert_type3A_655 = tpu.bitcast %add3A_654 : vector<16xf32> -> vector<16xi32>
        %shift_right_logical3A_656 = arith.constant 23 : i32
        %shift_right_logical3A_657 = vector.broadcast %shift_right_logical3A_656 : i32 to vector<16xi32>
        %shift_right_logical3A_658 = arith.shrui %bitcast_convert_type3A_655, %shift_right_logical3A_657 : vector<16xi32>
        %sub3A_659 = arith.constant 127 : i32
        %sub3A_660 = vector.broadcast %sub3A_659 : i32 to vector<16xi32>
        %sub3A_661 = arith.subi %shift_right_logical3A_658, %sub3A_660 : vector<16xi32>
        %and3A_662 = arith.constant 8388607 : i32
        %and3A_663 = vector.broadcast %and3A_662 : i32 to vector<16xi32>
        %and3A_664 = arith.andi %bitcast_convert_type3A_655, %and3A_663 : vector<16xi32>
        %or3A_665 = arith.constant 1065353216 : i32
        %or3A_666 = vector.broadcast %or3A_665 : i32 to vector<16xi32>
        %or3A_667 = arith.ori %and3A_664, %or3A_666 : vector<16xi32>
        %bitcast_convert_type3A_668 = tpu.bitcast %or3A_667 : vector<16xi32> -> vector<16xf32>
        %gt3A_669 = arith.constant 1.41421354 : f32
        %gt3A_670 = vector.broadcast %gt3A_669 : f32 to vector<16xf32>
        %gt3A_671 = arith.cmpf ogt, %bitcast_convert_type3A_668, %gt3A_670 : vector<16xf32>
        %mul3A_672 = arith.constant 5.000000e-01 : f32
        %mul3A_673 = vector.broadcast %mul3A_672 : f32 to vector<16xf32>
        %mul3A_674 = arith.mulf %bitcast_convert_type3A_668, %mul3A_673 : vector<16xf32>
        %select_n3A_675 = arith.select %gt3A_671, %mul3A_674, %bitcast_convert_type3A_668 : vector<16xi1>, vector<16xf32>
        %jit3A_676 = arith.constant 1 : i32
        %jit3A_677 = arith.constant 0 : i32
        %broadcast_in_dim3A_678 = vector.broadcast %jit3A_676 : i32 to vector<16xi32>
        %broadcast_in_dim3A_679 = vector.broadcast %jit3A_677 : i32 to vector<16xi32>
        %select_n3A_680 = arith.select %gt3A_671, %broadcast_in_dim3A_678, %broadcast_in_dim3A_679 : vector<16xi1>, vector<16xi32>
        %add3A_681 = arith.addi %sub3A_661, %select_n3A_680 : vector<16xi32>
        %convert_element_type3A_682 = arith.sitofp %add3A_681 : vector<16xi32> to vector<16xf32>
        %sub3A_683 = arith.constant 1.000000e+00 : f32
        %sub3A_684 = vector.broadcast %sub3A_683 : f32 to vector<16xf32>
        %sub3A_685 = arith.subf %select_n3A_675, %sub3A_684 : vector<16xf32>
        %mul3A_686 = arith.constant -1.250000e-01 : f32
        %mul3A_687 = vector.broadcast %mul3A_686 : f32 to vector<16xf32>
        %mul3A_688 = arith.mulf %mul3A_687, %sub3A_685 : vector<16xf32>
        %add3A_689 = arith.constant 0.142857149 : f32
        %add3A_690 = vector.broadcast %add3A_689 : f32 to vector<16xf32>
        %add3A_691 = arith.addf %mul3A_688, %add3A_690 : vector<16xf32>
        %mul3A_692 = arith.mulf %add3A_691, %sub3A_685 : vector<16xf32>
        %sub3A_693 = arith.constant 0.166666672 : f32
        %sub3A_694 = vector.broadcast %sub3A_693 : f32 to vector<16xf32>
        %sub3A_695 = arith.subf %mul3A_692, %sub3A_694 : vector<16xf32>
        %mul3A_696 = arith.mulf %sub3A_695, %sub3A_685 : vector<16xf32>
        %add3A_697 = arith.constant 2.000000e-01 : f32
        %add3A_698 = vector.broadcast %add3A_697 : f32 to vector<16xf32>
        %add3A_699 = arith.addf %mul3A_696, %add3A_698 : vector<16xf32>
        %mul3A_700 = arith.mulf %add3A_699, %sub3A_685 : vector<16xf32>
        %sub3A_701 = arith.constant 2.500000e-01 : f32
        %sub3A_702 = vector.broadcast %sub3A_701 : f32 to vector<16xf32>
        %sub3A_703 = arith.subf %mul3A_700, %sub3A_702 : vector<16xf32>
        %mul3A_704 = arith.mulf %sub3A_703, %sub3A_685 : vector<16xf32>
        %add3A_705 = arith.constant 0.333333343 : f32
        %add3A_706 = vector.broadcast %add3A_705 : f32 to vector<16xf32>
        %add3A_707 = arith.addf %mul3A_704, %add3A_706 : vector<16xf32>
        %mul3A_708 = arith.mulf %add3A_707, %sub3A_685 : vector<16xf32>
        %sub3A_709 = arith.constant 5.000000e-01 : f32
        %sub3A_710 = vector.broadcast %sub3A_709 : f32 to vector<16xf32>
        %sub3A_711 = arith.subf %mul3A_708, %sub3A_710 : vector<16xf32>
        %mul3A_712 = arith.mulf %sub3A_711, %sub3A_685 : vector<16xf32>
        %add3A_713 = arith.constant 1.000000e+00 : f32
        %add3A_714 = vector.broadcast %add3A_713 : f32 to vector<16xf32>
        %add3A_715 = arith.addf %mul3A_712, %add3A_714 : vector<16xf32>
        %mul3A_716 = arith.mulf %sub3A_685, %add3A_715 : vector<16xf32>
        %mul3A_717 = arith.constant 0.693147182 : f32
        %mul3A_718 = vector.broadcast %mul3A_717 : f32 to vector<16xf32>
        %mul3A_719 = arith.mulf %convert_element_type3A_682, %mul3A_718 : vector<16xf32>
        %add3A_720 = arith.addf %mul3A_719, %mul3A_716 : vector<16xf32>
        %bitcast_convert_type3A_721 = tpu.bitcast %add3A_720 : vector<16xf32> -> vector<16xi32>
        %or3A_722 = arith.ori %bitcast_convert_type3A_721, %and3A_647 : vector<16xi32>
        %bitcast_convert_type3A_723 = tpu.bitcast %or3A_722 : vector<16xi32> -> vector<16xf32>
        %select_n3A_724 = arith.select %gt3A_205, %bitcast_convert_type3A_723, %get3A_643 : vector<16xi1>, vector<16xf32>
        %add3A_725 = arith.constant 1.000000e-35 : f32
        %add3A_726 = vector.broadcast %add3A_725 : f32 to vector<16xf32>
        %add3A_727 = arith.addf %bitcast_convert_type3A_651, %add3A_726 : vector<16xf32>
        %bitcast_convert_type3A_728 = tpu.bitcast %add3A_727 : vector<16xf32> -> vector<16xi32>
        %shift_right_logical3A_729 = arith.constant 1 : i32
        %shift_right_logical3A_730 = vector.broadcast %shift_right_logical3A_729 : i32 to vector<16xi32>
        %shift_right_logical3A_731 = arith.shrui %bitcast_convert_type3A_728, %shift_right_logical3A_730 : vector<16xi32>
        %sub3A_732 = arith.constant 1597463007 : i32
        %sub3A_733 = vector.broadcast %sub3A_732 : i32 to vector<16xi32>
        %sub3A_734 = arith.subi %sub3A_733, %shift_right_logical3A_731 : vector<16xi32>
        %bitcast_convert_type3A_735 = tpu.bitcast %sub3A_734 : vector<16xi32> -> vector<16xf32>
        %mul3A_736 = arith.constant 5.000000e-01 : f32
        %mul3A_737 = vector.broadcast %mul3A_736 : f32 to vector<16xf32>
        %mul3A_738 = arith.mulf %mul3A_737, %add3A_727 : vector<16xf32>
        %mul3A_739 = arith.mulf %mul3A_738, %bitcast_convert_type3A_735 : vector<16xf32>
        %mul3A_740 = arith.mulf %mul3A_739, %bitcast_convert_type3A_735 : vector<16xf32>
        %sub3A_741 = arith.constant 1.500000e+00 : f32
        %sub3A_742 = vector.broadcast %sub3A_741 : f32 to vector<16xf32>
        %sub3A_743 = arith.subf %sub3A_742, %mul3A_740 : vector<16xf32>
        %mul3A_744 = arith.mulf %bitcast_convert_type3A_735, %sub3A_743 : vector<16xf32>
        %mul3A_745 = arith.constant 5.000000e-01 : f32
        %mul3A_746 = vector.broadcast %mul3A_745 : f32 to vector<16xf32>
        %mul3A_747 = arith.mulf %mul3A_746, %add3A_727 : vector<16xf32>
        %mul3A_748 = arith.mulf %mul3A_747, %mul3A_744 : vector<16xf32>
        %mul3A_749 = arith.mulf %mul3A_748, %mul3A_744 : vector<16xf32>
        %sub3A_750 = arith.constant 1.500000e+00 : f32
        %sub3A_751 = vector.broadcast %sub3A_750 : f32 to vector<16xf32>
        %sub3A_752 = arith.subf %sub3A_751, %mul3A_749 : vector<16xf32>
        %mul3A_753 = arith.mulf %mul3A_744, %sub3A_752 : vector<16xf32>
        %mul3A_754 = arith.mulf %add3A_727, %mul3A_753 : vector<16xf32>
        %bitcast_convert_type3A_755 = tpu.bitcast %mul3A_754 : vector<16xf32> -> vector<16xi32>
        %or3A_756 = arith.ori %bitcast_convert_type3A_755, %and3A_647 : vector<16xi32>
        %bitcast_convert_type3A_757 = tpu.bitcast %or3A_756 : vector<16xi32> -> vector<16xf32>
        %select_n3A_758 = arith.select %gt3A_213, %bitcast_convert_type3A_757, %select_n3A_724 : vector<16xi1>, vector<16xf32>
        %mul3A_759 = arith.mulf %get3A_643, %get3A_643 : vector<16xf32>
        %select_n3A_760 = arith.select %gt3A_221, %mul3A_759, %select_n3A_758 : vector<16xi1>, vector<16xf32>
        %swap3A_761 = arith.index_cast %scan3A_639 : i32 to index
        %swap3A_762 = arith.constant 96 : index
        %swap3A_763 = tpu.vector_load %arg7[%swap3A_761, %swap3A_762] {strides = array<i32>} : memref<128x128xf32, #tpu.memory_space<vmem>>, vector<1x16xf32>,
        %swap3A_764 = vector.shape_cast %swap3A_763 : vector<1x16xf32> to vector<16xf32>
        %swap3A_765 = vector.shape_cast %select_n3A_760 : vector<16xf32> to vector<1x16xf32>
        tpu.vector_store %arg7[%swap3A_761, %swap3A_762], %swap3A_765 {strides = array<i32>} : memref<128x128xf32, #tpu.memory_space<vmem>>, vector<1x16xf32>,
        %scan3A_766 = arith.constant 0 : i32
        scf.yield %scan3A_766 : i32
      }
      %scan3A_228 = arith.constant 128 : i32
      %get3A_229 = arith.constant 1 : i32
      %get3A_230 = arith.index_cast %get3A_229 : i32 to index
      %get3A_231 = arith.constant 112 : index
      %get3A_232 = tpu.vector_load %arg5[%get3A_230, %get3A_231] {strides = array<i32>} : memref<8x128xf32, #tpu.memory_space<vmem>>, vector<1x16xf32>,
      %get3A_233 = vector.shape_cast %get3A_232 : vector<1x16xf32> to vector<16xf32>
      %gt3A_234 = arith.constant 5.000000e-01 : f32
      %gt3A_235 = vector.broadcast %gt3A_234 : f32 to vector<16xf32>
      %gt3A_236 = arith.cmpf ogt, %get3A_233, %gt3A_235 : vector<16xf32>
      %get3A_237 = arith.constant 2 : i32
      %get3A_238 = arith.index_cast %get3A_237 : i32 to index
      %get3A_239 = arith.constant 112 : index
      %get3A_240 = tpu.vector_load %arg5[%get3A_238, %get3A_239] {strides = array<i32>} : memref<8x128xf32, #tpu.memory_space<vmem>>, vector<1x16xf32>,
      %get3A_241 = vector.shape_cast %get3A_240 : vector<1x16xf32> to vector<16xf32>
      %gt3A_242 = arith.constant 5.000000e-01 : f32
      %gt3A_243 = vector.broadcast %gt3A_242 : f32 to vector<16xf32>
      %gt3A_244 = arith.cmpf ogt, %get3A_241, %gt3A_243 : vector<16xf32>
      %get3A_245 = arith.constant 3 : i32
      %get3A_246 = arith.index_cast %get3A_245 : i32 to index
      %get3A_247 = arith.constant 112 : index
      %get3A_248 = tpu.vector_load %arg5[%get3A_246, %get3A_247] {strides = array<i32>} : memref<8x128xf32, #tpu.memory_space<vmem>>, vector<1x16xf32>,
      %get3A_249 = vector.shape_cast %get3A_248 : vector<1x16xf32> to vector<16xf32>
      %gt3A_250 = arith.constant 5.000000e-01 : f32
      %gt3A_251 = vector.broadcast %gt3A_250 : f32 to vector<16xf32>
      %gt3A_252 = arith.cmpf ogt, %get3A_249, %gt3A_251 : vector<16xf32>
      %scan3A_253 = arith.constant 0 : i32
      %scan3A_254 = arith.constant 0 : i32
      %scan3A_255 = arith.constant 128 : i32
      %scan3A_256 = arith.addi %scan3A_254, %scan3A_255 : i32
      %scan3A_257 = arith.constant 4 : i32
      %scan3A_258 = scf.for %scan3A_261 = %scan3A_254 to %scan3A_256 step %scan3A_257 iter_args(%scan3A_262 = %scan3A_253) -> (i32)  : i32 {
        %get3A_263 = arith.index_cast %scan3A_261 : i32 to index
        %get3A_264 = arith.constant 112 : index
        %get3A_265 = tpu.vector_load %arg6[%get3A_263, %get3A_264] {strides = array<i32>} : memref<128x128xf32, #tpu.memory_space<vmem>>, vector<1x16xf32>,
        %get3A_266 = vector.shape_cast %get3A_265 : vector<1x16xf32> to vector<16xf32>
        %bitcast_convert_type3A = tpu.bitcast %get3A_266 : vector<16xf32> -> vector<16xi32>
        %and3A = arith.constant -2147483648 : i32
        %and3A_267 = vector.broadcast %and3A : i32 to vector<16xi32>
        %and3A_268 = arith.andi %bitcast_convert_type3A, %and3A_267 : vector<16xi32>
        %and3A_269 = arith.constant 2147483647 : i32
        %and3A_270 = vector.broadcast %and3A_269 : i32 to vector<16xi32>
        %and3A_271 = arith.andi %bitcast_convert_type3A, %and3A_270 : vector<16xi32>
        %bitcast_convert_type3A_272 = tpu.bitcast %and3A_271 : vector<16xi32> -> vector<16xf32>
        %add3A_273 = arith.constant 1.000000e+00 : f32
        %add3A_274 = vector.broadcast %add3A_273 : f32 to vector<16xf32>
        %add3A_275 = arith.addf %bitcast_convert_type3A_272, %add3A_274 : vector<16xf32>
        %bitcast_convert_type3A_276 = tpu.bitcast %add3A_275 : vector<16xf32> -> vector<16xi32>
        %shift_right_logical3A = arith.constant 23 : i32
        %shift_right_logical3A_277 = vector.broadcast %shift_right_logical3A : i32 to vector<16xi32>
        %shift_right_logical3A_278 = arith.shrui %bitcast_convert_type3A_276, %shift_right_logical3A_277 : vector<16xi32>
        %sub3A = arith.constant 127 : i32
        %sub3A_279 = vector.broadcast %sub3A : i32 to vector<16xi32>
        %sub3A_280 = arith.subi %shift_right_logical3A_278, %sub3A_279 : vector<16xi32>
        %and3A_281 = arith.constant 8388607 : i32
        %and3A_282 = vector.broadcast %and3A_281 : i32 to vector<16xi32>
        %and3A_283 = arith.andi %bitcast_convert_type3A_276, %and3A_282 : vector<16xi32>
        %or3A = arith.constant 1065353216 : i32
        %or3A_284 = vector.broadcast %or3A : i32 to vector<16xi32>
        %or3A_285 = arith.ori %and3A_283, %or3A_284 : vector<16xi32>
        %bitcast_convert_type3A_286 = tpu.bitcast %or3A_285 : vector<16xi32> -> vector<16xf32>
        %gt3A_287 = arith.constant 1.41421354 : f32
        %gt3A_288 = vector.broadcast %gt3A_287 : f32 to vector<16xf32>
        %gt3A_289 = arith.cmpf ogt, %bitcast_convert_type3A_286, %gt3A_288 : vector<16xf32>
        %mul3A_290 = arith.constant 5.000000e-01 : f32
        %mul3A_291 = vector.broadcast %mul3A_290 : f32 to vector<16xf32>
        %mul3A_292 = arith.mulf %bitcast_convert_type3A_286, %mul3A_291 : vector<16xf32>
        %select_n3A = arith.select %gt3A_289, %mul3A_292, %bitcast_convert_type3A_286 : vector<16xi1>, vector<16xf32>
        %jit3A = arith.constant 1 : i32
        %jit3A_293 = arith.constant 0 : i32
        %broadcast_in_dim3A = vector.broadcast %jit3A : i32 to vector<16xi32>
        %broadcast_in_dim3A_294 = vector.broadcast %jit3A_293 : i32 to vector<16xi32>
        %select_n3A_295 = arith.select %gt3A_289, %broadcast_in_dim3A, %broadcast_in_dim3A_294 : vector<16xi1>, vector<16xi32>
        %add3A_296 = arith.addi %sub3A_280, %select_n3A_295 : vector<16xi32>
        %convert_element_type3A = arith.sitofp %add3A_296 : vector<16xi32> to vector<16xf32>
        %sub3A_297 = arith.constant 1.000000e+00 : f32
        %sub3A_298 = vector.broadcast %sub3A_297 : f32 to vector<16xf32>
        %sub3A_299 = arith.subf %select_n3A, %sub3A_298 : vector<16xf32>
        %mul3A_300 = arith.constant -1.250000e-01 : f32
        %mul3A_301 = vector.broadcast %mul3A_300 : f32 to vector<16xf32>
        %mul3A_302 = arith.mulf %mul3A_301, %sub3A_299 : vector<16xf32>
        %add3A_303 = arith.constant 0.142857149 : f32
        %add3A_304 = vector.broadcast %add3A_303 : f32 to vector<16xf32>
        %add3A_305 = arith.addf %mul3A_302, %add3A_304 : vector<16xf32>
        %mul3A_306 = arith.mulf %add3A_305, %sub3A_299 : vector<16xf32>
        %sub3A_307 = arith.constant 0.166666672 : f32
        %sub3A_308 = vector.broadcast %sub3A_307 : f32 to vector<16xf32>
        %sub3A_309 = arith.subf %mul3A_306, %sub3A_308 : vector<16xf32>
        %mul3A_310 = arith.mulf %sub3A_309, %sub3A_299 : vector<16xf32>
        %add3A_311 = arith.constant 2.000000e-01 : f32
        %add3A_312 = vector.broadcast %add3A_311 : f32 to vector<16xf32>
        %add3A_313 = arith.addf %mul3A_310, %add3A_312 : vector<16xf32>
        %mul3A_314 = arith.mulf %add3A_313, %sub3A_299 : vector<16xf32>
        %sub3A_315 = arith.constant 2.500000e-01 : f32
        %sub3A_316 = vector.broadcast %sub3A_315 : f32 to vector<16xf32>
        %sub3A_317 = arith.subf %mul3A_314, %sub3A_316 : vector<16xf32>
        %mul3A_318 = arith.mulf %sub3A_317, %sub3A_299 : vector<16xf32>
        %add3A_319 = arith.constant 0.333333343 : f32
        %add3A_320 = vector.broadcast %add3A_319 : f32 to vector<16xf32>
        %add3A_321 = arith.addf %mul3A_318, %add3A_320 : vector<16xf32>
        %mul3A_322 = arith.mulf %add3A_321, %sub3A_299 : vector<16xf32>
        %sub3A_323 = arith.constant 5.000000e-01 : f32
        %sub3A_324 = vector.broadcast %sub3A_323 : f32 to vector<16xf32>
        %sub3A_325 = arith.subf %mul3A_322, %sub3A_324 : vector<16xf32>
        %mul3A_326 = arith.mulf %sub3A_325, %sub3A_299 : vector<16xf32>
        %add3A_327 = arith.constant 1.000000e+00 : f32
        %add3A_328 = vector.broadcast %add3A_327 : f32 to vector<16xf32>
        %add3A_329 = arith.addf %mul3A_326, %add3A_328 : vector<16xf32>
        %mul3A_330 = arith.mulf %sub3A_299, %add3A_329 : vector<16xf32>
        %mul3A_331 = arith.constant 0.693147182 : f32
        %mul3A_332 = vector.broadcast %mul3A_331 : f32 to vector<16xf32>
        %mul3A_333 = arith.mulf %convert_element_type3A, %mul3A_332 : vector<16xf32>
        %add3A_334 = arith.addf %mul3A_333, %mul3A_330 : vector<16xf32>
        %bitcast_convert_type3A_335 = tpu.bitcast %add3A_334 : vector<16xf32> -> vector<16xi32>
        %or3A_336 = arith.ori %bitcast_convert_type3A_335, %and3A_268 : vector<16xi32>
        %bitcast_convert_type3A_337 = tpu.bitcast %or3A_336 : vector<16xi32> -> vector<16xf32>
        %select_n3A_338 = arith.select %gt3A_236, %bitcast_convert_type3A_337, %get3A_266 : vector<16xi1>, vector<16xf32>
        %add3A_339 = arith.constant 1.000000e-35 : f32
        %add3A_340 = vector.broadcast %add3A_339 : f32 to vector<16xf32>
        %add3A_341 = arith.addf %bitcast_convert_type3A_272, %add3A_340 : vector<16xf32>
        %bitcast_convert_type3A_342 = tpu.bitcast %add3A_341 : vector<16xf32> -> vector<16xi32>
        %shift_right_logical3A_343 = arith.constant 1 : i32
        %shift_right_logical3A_344 = vector.broadcast %shift_right_logical3A_343 : i32 to vector<16xi32>
        %shift_right_logical3A_345 = arith.shrui %bitcast_convert_type3A_342, %shift_right_logical3A_344 : vector<16xi32>
        %sub3A_346 = arith.constant 1597463007 : i32
        %sub3A_347 = vector.broadcast %sub3A_346 : i32 to vector<16xi32>
        %sub3A_348 = arith.subi %sub3A_347, %shift_right_logical3A_345 : vector<16xi32>
        %bitcast_convert_type3A_349 = tpu.bitcast %sub3A_348 : vector<16xi32> -> vector<16xf32>
        %mul3A_350 = arith.constant 5.000000e-01 : f32
        %mul3A_351 = vector.broadcast %mul3A_350 : f32 to vector<16xf32>
        %mul3A_352 = arith.mulf %mul3A_351, %add3A_341 : vector<16xf32>
        %mul3A_353 = arith.mulf %mul3A_352, %bitcast_convert_type3A_349 : vector<16xf32>
        %mul3A_354 = arith.mulf %mul3A_353, %bitcast_convert_type3A_349 : vector<16xf32>
        %sub3A_355 = arith.constant 1.500000e+00 : f32
        %sub3A_356 = vector.broadcast %sub3A_355 : f32 to vector<16xf32>
        %sub3A_357 = arith.subf %sub3A_356, %mul3A_354 : vector<16xf32>
        %mul3A_358 = arith.mulf %bitcast_convert_type3A_349, %sub3A_357 : vector<16xf32>
        %mul3A_359 = arith.constant 5.000000e-01 : f32
        %mul3A_360 = vector.broadcast %mul3A_359 : f32 to vector<16xf32>
        %mul3A_361 = arith.mulf %mul3A_360, %add3A_341 : vector<16xf32>
        %mul3A_362 = arith.mulf %mul3A_361, %mul3A_358 : vector<16xf32>
        %mul3A_363 = arith.mulf %mul3A_362, %mul3A_358 : vector<16xf32>
        %sub3A_364 = arith.constant 1.500000e+00 : f32
        %sub3A_365 = vector.broadcast %sub3A_364 : f32 to vector<16xf32>
        %sub3A_366 = arith.subf %sub3A_365, %mul3A_363 : vector<16xf32>
        %mul3A_367 = arith.mulf %mul3A_358, %sub3A_366 : vector<16xf32>
        %mul3A_368 = arith.mulf %add3A_341, %mul3A_367 : vector<16xf32>
        %bitcast_convert_type3A_369 = tpu.bitcast %mul3A_368 : vector<16xf32> -> vector<16xi32>
        %or3A_370 = arith.ori %bitcast_convert_type3A_369, %and3A_268 : vector<16xi32>
        %bitcast_convert_type3A_371 = tpu.bitcast %or3A_370 : vector<16xi32> -> vector<16xf32>
        %select_n3A_372 = arith.select %gt3A_244, %bitcast_convert_type3A_371, %select_n3A_338 : vector<16xi1>, vector<16xf32>
        %mul3A_373 = arith.mulf %get3A_266, %get3A_266 : vector<16xf32>
        %select_n3A_374 = arith.select %gt3A_252, %mul3A_373, %select_n3A_372 : vector<16xi1>, vector<16xf32>
        %swap3A = arith.index_cast %scan3A_261 : i32 to index
        %swap3A_375 = arith.constant 112 : index
        %swap3A_376 = tpu.vector_load %arg7[%swap3A, %swap3A_375] {strides = array<i32>} : memref<128x128xf32, #tpu.memory_space<vmem>>, vector<1x16xf32>,
        %swap3A_377 = vector.shape_cast %swap3A_376 : vector<1x16xf32> to vector<16xf32>
        %swap3A_378 = vector.shape_cast %select_n3A_374 : vector<16xf32> to vector<1x16xf32>
        tpu.vector_store %arg7[%swap3A, %swap3A_375], %swap3A_378 {strides = array<i32>} : memref<128x128xf32, #tpu.memory_space<vmem>>, vector<1x16xf32>,
        %scan3A_379 = arith.constant 0 : i32
        %scan3A_380 = arith.constant 1 : i32
        %scan3A_381 = arith.addi %scan3A_261, %scan3A_380 : i32
        %get3A_382 = arith.index_cast %scan3A_381 : i32 to index
        %get3A_383 = arith.constant 112 : index
        %get3A_384 = tpu.vector_load %arg6[%get3A_382, %get3A_383] {strides = array<i32>} : memref<128x128xf32, #tpu.memory_space<vmem>>, vector<1x16xf32>,
        %get3A_385 = vector.shape_cast %get3A_384 : vector<1x16xf32> to vector<16xf32>
        %bitcast_convert_type3A_386 = tpu.bitcast %get3A_385 : vector<16xf32> -> vector<16xi32>
        %and3A_387 = arith.constant -2147483648 : i32
        %and3A_388 = vector.broadcast %and3A_387 : i32 to vector<16xi32>
        %and3A_389 = arith.andi %bitcast_convert_type3A_386, %and3A_388 : vector<16xi32>
        %and3A_390 = arith.constant 2147483647 : i32
        %and3A_391 = vector.broadcast %and3A_390 : i32 to vector<16xi32>
        %and3A_392 = arith.andi %bitcast_convert_type3A_386, %and3A_391 : vector<16xi32>
        %bitcast_convert_type3A_393 = tpu.bitcast %and3A_392 : vector<16xi32> -> vector<16xf32>
        %add3A_394 = arith.constant 1.000000e+00 : f32
        %add3A_395 = vector.broadcast %add3A_394 : f32 to vector<16xf32>
        %add3A_396 = arith.addf %bitcast_convert_type3A_393, %add3A_395 : vector<16xf32>
        %bitcast_convert_type3A_397 = tpu.bitcast %add3A_396 : vector<16xf32> -> vector<16xi32>
        %shift_right_logical3A_398 = arith.constant 23 : i32
        %shift_right_logical3A_399 = vector.broadcast %shift_right_logical3A_398 : i32 to vector<16xi32>
        %shift_right_logical3A_400 = arith.shrui %bitcast_convert_type3A_397, %shift_right_logical3A_399 : vector<16xi32>
        %sub3A_401 = arith.constant 127 : i32
        %sub3A_402 = vector.broadcast %sub3A_401 : i32 to vector<16xi32>
        %sub3A_403 = arith.subi %shift_right_logical3A_400, %sub3A_402 : vector<16xi32>
        %and3A_404 = arith.constant 8388607 : i32
        %and3A_405 = vector.broadcast %and3A_404 : i32 to vector<16xi32>
        %and3A_406 = arith.andi %bitcast_convert_type3A_397, %and3A_405 : vector<16xi32>
        %or3A_407 = arith.constant 1065353216 : i32
        %or3A_408 = vector.broadcast %or3A_407 : i32 to vector<16xi32>
        %or3A_409 = arith.ori %and3A_406, %or3A_408 : vector<16xi32>
        %bitcast_convert_type3A_410 = tpu.bitcast %or3A_409 : vector<16xi32> -> vector<16xf32>
        %gt3A_411 = arith.constant 1.41421354 : f32
        %gt3A_412 = vector.broadcast %gt3A_411 : f32 to vector<16xf32>
        %gt3A_413 = arith.cmpf ogt, %bitcast_convert_type3A_410, %gt3A_412 : vector<16xf32>
        %mul3A_414 = arith.constant 5.000000e-01 : f32
        %mul3A_415 = vector.broadcast %mul3A_414 : f32 to vector<16xf32>
        %mul3A_416 = arith.mulf %bitcast_convert_type3A_410, %mul3A_415 : vector<16xf32>
        %select_n3A_417 = arith.select %gt3A_413, %mul3A_416, %bitcast_convert_type3A_410 : vector<16xi1>, vector<16xf32>
        %jit3A_418 = arith.constant 1 : i32
        %jit3A_419 = arith.constant 0 : i32
        %broadcast_in_dim3A_420 = vector.broadcast %jit3A_418 : i32 to vector<16xi32>
        %broadcast_in_dim3A_421 = vector.broadcast %jit3A_419 : i32 to vector<16xi32>
        %select_n3A_422 = arith.select %gt3A_413, %broadcast_in_dim3A_420, %broadcast_in_dim3A_421 : vector<16xi1>, vector<16xi32>
        %add3A_423 = arith.addi %sub3A_403, %select_n3A_422 : vector<16xi32>
        %convert_element_type3A_424 = arith.sitofp %add3A_423 : vector<16xi32> to vector<16xf32>
        %sub3A_425 = arith.constant 1.000000e+00 : f32
        %sub3A_426 = vector.broadcast %sub3A_425 : f32 to vector<16xf32>
        %sub3A_427 = arith.subf %select_n3A_417, %sub3A_426 : vector<16xf32>
        %mul3A_428 = arith.constant -1.250000e-01 : f32
        %mul3A_429 = vector.broadcast %mul3A_428 : f32 to vector<16xf32>
        %mul3A_430 = arith.mulf %mul3A_429, %sub3A_427 : vector<16xf32>
        %add3A_431 = arith.constant 0.142857149 : f32
        %add3A_432 = vector.broadcast %add3A_431 : f32 to vector<16xf32>
        %add3A_433 = arith.addf %mul3A_430, %add3A_432 : vector<16xf32>
        %mul3A_434 = arith.mulf %add3A_433, %sub3A_427 : vector<16xf32>
        %sub3A_435 = arith.constant 0.166666672 : f32
        %sub3A_436 = vector.broadcast %sub3A_435 : f32 to vector<16xf32>
        %sub3A_437 = arith.subf %mul3A_434, %sub3A_436 : vector<16xf32>
        %mul3A_438 = arith.mulf %sub3A_437, %sub3A_427 : vector<16xf32>
        %add3A_439 = arith.constant 2.000000e-01 : f32
        %add3A_440 = vector.broadcast %add3A_439 : f32 to vector<16xf32>
        %add3A_441 = arith.addf %mul3A_438, %add3A_440 : vector<16xf32>
        %mul3A_442 = arith.mulf %add3A_441, %sub3A_427 : vector<16xf32>
        %sub3A_443 = arith.constant 2.500000e-01 : f32
        %sub3A_444 = vector.broadcast %sub3A_443 : f32 to vector<16xf32>
        %sub3A_445 = arith.subf %mul3A_442, %sub3A_444 : vector<16xf32>
        %mul3A_446 = arith.mulf %sub3A_445, %sub3A_427 : vector<16xf32>
        %add3A_447 = arith.constant 0.333333343 : f32
        %add3A_448 = vector.broadcast %add3A_447 : f32 to vector<16xf32>
        %add3A_449 = arith.addf %mul3A_446, %add3A_448 : vector<16xf32>
        %mul3A_450 = arith.mulf %add3A_449, %sub3A_427 : vector<16xf32>
        %sub3A_451 = arith.constant 5.000000e-01 : f32
        %sub3A_452 = vector.broadcast %sub3A_451 : f32 to vector<16xf32>
        %sub3A_453 = arith.subf %mul3A_450, %sub3A_452 : vector<16xf32>
        %mul3A_454 = arith.mulf %sub3A_453, %sub3A_427 : vector<16xf32>
        %add3A_455 = arith.constant 1.000000e+00 : f32
        %add3A_456 = vector.broadcast %add3A_455 : f32 to vector<16xf32>
        %add3A_457 = arith.addf %mul3A_454, %add3A_456 : vector<16xf32>
        %mul3A_458 = arith.mulf %sub3A_427, %add3A_457 : vector<16xf32>
        %mul3A_459 = arith.constant 0.693147182 : f32
        %mul3A_460 = vector.broadcast %mul3A_459 : f32 to vector<16xf32>
        %mul3A_461 = arith.mulf %convert_element_type3A_424, %mul3A_460 : vector<16xf32>
        %add3A_462 = arith.addf %mul3A_461, %mul3A_458 : vector<16xf32>
        %bitcast_convert_type3A_463 = tpu.bitcast %add3A_462 : vector<16xf32> -> vector<16xi32>
        %or3A_464 = arith.ori %bitcast_convert_type3A_463, %and3A_389 : vector<16xi32>
        %bitcast_convert_type3A_465 = tpu.bitcast %or3A_464 : vector<16xi32> -> vector<16xf32>
        %select_n3A_466 = arith.select %gt3A_236, %bitcast_convert_type3A_465, %get3A_385 : vector<16xi1>, vector<16xf32>
        %add3A_467 = arith.constant 1.000000e-35 : f32
        %add3A_468 = vector.broadcast %add3A_467 : f32 to vector<16xf32>
        %add3A_469 = arith.addf %bitcast_convert_type3A_393, %add3A_468 : vector<16xf32>
        %bitcast_convert_type3A_470 = tpu.bitcast %add3A_469 : vector<16xf32> -> vector<16xi32>
        %shift_right_logical3A_471 = arith.constant 1 : i32
        %shift_right_logical3A_472 = vector.broadcast %shift_right_logical3A_471 : i32 to vector<16xi32>
        %shift_right_logical3A_473 = arith.shrui %bitcast_convert_type3A_470, %shift_right_logical3A_472 : vector<16xi32>
        %sub3A_474 = arith.constant 1597463007 : i32
        %sub3A_475 = vector.broadcast %sub3A_474 : i32 to vector<16xi32>
        %sub3A_476 = arith.subi %sub3A_475, %shift_right_logical3A_473 : vector<16xi32>
        %bitcast_convert_type3A_477 = tpu.bitcast %sub3A_476 : vector<16xi32> -> vector<16xf32>
        %mul3A_478 = arith.constant 5.000000e-01 : f32
        %mul3A_479 = vector.broadcast %mul3A_478 : f32 to vector<16xf32>
        %mul3A_480 = arith.mulf %mul3A_479, %add3A_469 : vector<16xf32>
        %mul3A_481 = arith.mulf %mul3A_480, %bitcast_convert_type3A_477 : vector<16xf32>
        %mul3A_482 = arith.mulf %mul3A_481, %bitcast_convert_type3A_477 : vector<16xf32>
        %sub3A_483 = arith.constant 1.500000e+00 : f32
        %sub3A_484 = vector.broadcast %sub3A_483 : f32 to vector<16xf32>
        %sub3A_485 = arith.subf %sub3A_484, %mul3A_482 : vector<16xf32>
        %mul3A_486 = arith.mulf %bitcast_convert_type3A_477, %sub3A_485 : vector<16xf32>
        %mul3A_487 = arith.constant 5.000000e-01 : f32
        %mul3A_488 = vector.broadcast %mul3A_487 : f32 to vector<16xf32>
        %mul3A_489 = arith.mulf %mul3A_488, %add3A_469 : vector<16xf32>
        %mul3A_490 = arith.mulf %mul3A_489, %mul3A_486 : vector<16xf32>
        %mul3A_491 = arith.mulf %mul3A_490, %mul3A_486 : vector<16xf32>
        %sub3A_492 = arith.constant 1.500000e+00 : f32
        %sub3A_493 = vector.broadcast %sub3A_492 : f32 to vector<16xf32>
        %sub3A_494 = arith.subf %sub3A_493, %mul3A_491 : vector<16xf32>
        %mul3A_495 = arith.mulf %mul3A_486, %sub3A_494 : vector<16xf32>
        %mul3A_496 = arith.mulf %add3A_469, %mul3A_495 : vector<16xf32>
        %bitcast_convert_type3A_497 = tpu.bitcast %mul3A_496 : vector<16xf32> -> vector<16xi32>
        %or3A_498 = arith.ori %bitcast_convert_type3A_497, %and3A_389 : vector<16xi32>
        %bitcast_convert_type3A_499 = tpu.bitcast %or3A_498 : vector<16xi32> -> vector<16xf32>
        %select_n3A_500 = arith.select %gt3A_244, %bitcast_convert_type3A_499, %select_n3A_466 : vector<16xi1>, vector<16xf32>
        %mul3A_501 = arith.mulf %get3A_385, %get3A_385 : vector<16xf32>
        %select_n3A_502 = arith.select %gt3A_252, %mul3A_501, %select_n3A_500 : vector<16xi1>, vector<16xf32>
        %swap3A_503 = arith.index_cast %scan3A_381 : i32 to index
        %swap3A_504 = arith.constant 112 : index
        %swap3A_505 = tpu.vector_load %arg7[%swap3A_503, %swap3A_504] {strides = array<i32>} : memref<128x128xf32, #tpu.memory_space<vmem>>, vector<1x16xf32>,
        %swap3A_506 = vector.shape_cast %swap3A_505 : vector<1x16xf32> to vector<16xf32>
        %swap3A_507 = vector.shape_cast %select_n3A_502 : vector<16xf32> to vector<1x16xf32>
        tpu.vector_store %arg7[%swap3A_503, %swap3A_504], %swap3A_507 {strides = array<i32>} : memref<128x128xf32, #tpu.memory_space<vmem>>, vector<1x16xf32>,
        %scan3A_508 = arith.constant 0 : i32
        %scan3A_509 = arith.constant 2 : i32
        %scan3A_510 = arith.addi %scan3A_261, %scan3A_509 : i32
        %get3A_511 = arith.index_cast %scan3A_510 : i32 to index
        %get3A_512 = arith.constant 112 : index
        %get3A_513 = tpu.vector_load %arg6[%get3A_511, %get3A_512] {strides = array<i32>} : memref<128x128xf32, #tpu.memory_space<vmem>>, vector<1x16xf32>,
        %get3A_514 = vector.shape_cast %get3A_513 : vector<1x16xf32> to vector<16xf32>
        %bitcast_convert_type3A_515 = tpu.bitcast %get3A_514 : vector<16xf32> -> vector<16xi32>
        %and3A_516 = arith.constant -2147483648 : i32
        %and3A_517 = vector.broadcast %and3A_516 : i32 to vector<16xi32>
        %and3A_518 = arith.andi %bitcast_convert_type3A_515, %and3A_517 : vector<16xi32>
        %and3A_519 = arith.constant 2147483647 : i32
        %and3A_520 = vector.broadcast %and3A_519 : i32 to vector<16xi32>
        %and3A_521 = arith.andi %bitcast_convert_type3A_515, %and3A_520 : vector<16xi32>
        %bitcast_convert_type3A_522 = tpu.bitcast %and3A_521 : vector<16xi32> -> vector<16xf32>
        %add3A_523 = arith.constant 1.000000e+00 : f32
        %add3A_524 = vector.broadcast %add3A_523 : f32 to vector<16xf32>
        %add3A_525 = arith.addf %bitcast_convert_type3A_522, %add3A_524 : vector<16xf32>
        %bitcast_convert_type3A_526 = tpu.bitcast %add3A_525 : vector<16xf32> -> vector<16xi32>
        %shift_right_logical3A_527 = arith.constant 23 : i32
        %shift_right_logical3A_528 = vector.broadcast %shift_right_logical3A_527 : i32 to vector<16xi32>
        %shift_right_logical3A_529 = arith.shrui %bitcast_convert_type3A_526, %shift_right_logical3A_528 : vector<16xi32>
        %sub3A_530 = arith.constant 127 : i32
        %sub3A_531 = vector.broadcast %sub3A_530 : i32 to vector<16xi32>
        %sub3A_532 = arith.subi %shift_right_logical3A_529, %sub3A_531 : vector<16xi32>
        %and3A_533 = arith.constant 8388607 : i32
        %and3A_534 = vector.broadcast %and3A_533 : i32 to vector<16xi32>
        %and3A_535 = arith.andi %bitcast_convert_type3A_526, %and3A_534 : vector<16xi32>
        %or3A_536 = arith.constant 1065353216 : i32
        %or3A_537 = vector.broadcast %or3A_536 : i32 to vector<16xi32>
        %or3A_538 = arith.ori %and3A_535, %or3A_537 : vector<16xi32>
        %bitcast_convert_type3A_539 = tpu.bitcast %or3A_538 : vector<16xi32> -> vector<16xf32>
        %gt3A_540 = arith.constant 1.41421354 : f32
        %gt3A_541 = vector.broadcast %gt3A_540 : f32 to vector<16xf32>
        %gt3A_542 = arith.cmpf ogt, %bitcast_convert_type3A_539, %gt3A_541 : vector<16xf32>
        %mul3A_543 = arith.constant 5.000000e-01 : f32
        %mul3A_544 = vector.broadcast %mul3A_543 : f32 to vector<16xf32>
        %mul3A_545 = arith.mulf %bitcast_convert_type3A_539, %mul3A_544 : vector<16xf32>
        %select_n3A_546 = arith.select %gt3A_542, %mul3A_545, %bitcast_convert_type3A_539 : vector<16xi1>, vector<16xf32>
        %jit3A_547 = arith.constant 1 : i32
        %jit3A_548 = arith.constant 0 : i32
        %broadcast_in_dim3A_549 = vector.broadcast %jit3A_547 : i32 to vector<16xi32>
        %broadcast_in_dim3A_550 = vector.broadcast %jit3A_548 : i32 to vector<16xi32>
        %select_n3A_551 = arith.select %gt3A_542, %broadcast_in_dim3A_549, %broadcast_in_dim3A_550 : vector<16xi1>, vector<16xi32>
        %add3A_552 = arith.addi %sub3A_532, %select_n3A_551 : vector<16xi32>
        %convert_element_type3A_553 = arith.sitofp %add3A_552 : vector<16xi32> to vector<16xf32>
        %sub3A_554 = arith.constant 1.000000e+00 : f32
        %sub3A_555 = vector.broadcast %sub3A_554 : f32 to vector<16xf32>
        %sub3A_556 = arith.subf %select_n3A_546, %sub3A_555 : vector<16xf32>
        %mul3A_557 = arith.constant -1.250000e-01 : f32
        %mul3A_558 = vector.broadcast %mul3A_557 : f32 to vector<16xf32>
        %mul3A_559 = arith.mulf %mul3A_558, %sub3A_556 : vector<16xf32>
        %add3A_560 = arith.constant 0.142857149 : f32
        %add3A_561 = vector.broadcast %add3A_560 : f32 to vector<16xf32>
        %add3A_562 = arith.addf %mul3A_559, %add3A_561 : vector<16xf32>
        %mul3A_563 = arith.mulf %add3A_562, %sub3A_556 : vector<16xf32>
        %sub3A_564 = arith.constant 0.166666672 : f32
        %sub3A_565 = vector.broadcast %sub3A_564 : f32 to vector<16xf32>
        %sub3A_566 = arith.subf %mul3A_563, %sub3A_565 : vector<16xf32>
        %mul3A_567 = arith.mulf %sub3A_566, %sub3A_556 : vector<16xf32>
        %add3A_568 = arith.constant 2.000000e-01 : f32
        %add3A_569 = vector.broadcast %add3A_568 : f32 to vector<16xf32>
        %add3A_570 = arith.addf %mul3A_567, %add3A_569 : vector<16xf32>
        %mul3A_571 = arith.mulf %add3A_570, %sub3A_556 : vector<16xf32>
        %sub3A_572 = arith.constant 2.500000e-01 : f32
        %sub3A_573 = vector.broadcast %sub3A_572 : f32 to vector<16xf32>
        %sub3A_574 = arith.subf %mul3A_571, %sub3A_573 : vector<16xf32>
        %mul3A_575 = arith.mulf %sub3A_574, %sub3A_556 : vector<16xf32>
        %add3A_576 = arith.constant 0.333333343 : f32
        %add3A_577 = vector.broadcast %add3A_576 : f32 to vector<16xf32>
        %add3A_578 = arith.addf %mul3A_575, %add3A_577 : vector<16xf32>
        %mul3A_579 = arith.mulf %add3A_578, %sub3A_556 : vector<16xf32>
        %sub3A_580 = arith.constant 5.000000e-01 : f32
        %sub3A_581 = vector.broadcast %sub3A_580 : f32 to vector<16xf32>
        %sub3A_582 = arith.subf %mul3A_579, %sub3A_581 : vector<16xf32>
        %mul3A_583 = arith.mulf %sub3A_582, %sub3A_556 : vector<16xf32>
        %add3A_584 = arith.constant 1.000000e+00 : f32
        %add3A_585 = vector.broadcast %add3A_584 : f32 to vector<16xf32>
        %add3A_586 = arith.addf %mul3A_583, %add3A_585 : vector<16xf32>
        %mul3A_587 = arith.mulf %sub3A_556, %add3A_586 : vector<16xf32>
        %mul3A_588 = arith.constant 0.693147182 : f32
        %mul3A_589 = vector.broadcast %mul3A_588 : f32 to vector<16xf32>
        %mul3A_590 = arith.mulf %convert_element_type3A_553, %mul3A_589 : vector<16xf32>
        %add3A_591 = arith.addf %mul3A_590, %mul3A_587 : vector<16xf32>
        %bitcast_convert_type3A_592 = tpu.bitcast %add3A_591 : vector<16xf32> -> vector<16xi32>
        %or3A_593 = arith.ori %bitcast_convert_type3A_592, %and3A_518 : vector<16xi32>
        %bitcast_convert_type3A_594 = tpu.bitcast %or3A_593 : vector<16xi32> -> vector<16xf32>
        %select_n3A_595 = arith.select %gt3A_236, %bitcast_convert_type3A_594, %get3A_514 : vector<16xi1>, vector<16xf32>
        %add3A_596 = arith.constant 1.000000e-35 : f32
        %add3A_597 = vector.broadcast %add3A_596 : f32 to vector<16xf32>
        %add3A_598 = arith.addf %bitcast_convert_type3A_522, %add3A_597 : vector<16xf32>
        %bitcast_convert_type3A_599 = tpu.bitcast %add3A_598 : vector<16xf32> -> vector<16xi32>
        %shift_right_logical3A_600 = arith.constant 1 : i32
        %shift_right_logical3A_601 = vector.broadcast %shift_right_logical3A_600 : i32 to vector<16xi32>
        %shift_right_logical3A_602 = arith.shrui %bitcast_convert_type3A_599, %shift_right_logical3A_601 : vector<16xi32>
        %sub3A_603 = arith.constant 1597463007 : i32
        %sub3A_604 = vector.broadcast %sub3A_603 : i32 to vector<16xi32>
        %sub3A_605 = arith.subi %sub3A_604, %shift_right_logical3A_602 : vector<16xi32>
        %bitcast_convert_type3A_606 = tpu.bitcast %sub3A_605 : vector<16xi32> -> vector<16xf32>
        %mul3A_607 = arith.constant 5.000000e-01 : f32
        %mul3A_608 = vector.broadcast %mul3A_607 : f32 to vector<16xf32>
        %mul3A_609 = arith.mulf %mul3A_608, %add3A_598 : vector<16xf32>
        %mul3A_610 = arith.mulf %mul3A_609, %bitcast_convert_type3A_606 : vector<16xf32>
        %mul3A_611 = arith.mulf %mul3A_610, %bitcast_convert_type3A_606 : vector<16xf32>
        %sub3A_612 = arith.constant 1.500000e+00 : f32
        %sub3A_613 = vector.broadcast %sub3A_612 : f32 to vector<16xf32>
        %sub3A_614 = arith.subf %sub3A_613, %mul3A_611 : vector<16xf32>
        %mul3A_615 = arith.mulf %bitcast_convert_type3A_606, %sub3A_614 : vector<16xf32>
        %mul3A_616 = arith.constant 5.000000e-01 : f32
        %mul3A_617 = vector.broadcast %mul3A_616 : f32 to vector<16xf32>
        %mul3A_618 = arith.mulf %mul3A_617, %add3A_598 : vector<16xf32>
        %mul3A_619 = arith.mulf %mul3A_618, %mul3A_615 : vector<16xf32>
        %mul3A_620 = arith.mulf %mul3A_619, %mul3A_615 : vector<16xf32>
        %sub3A_621 = arith.constant 1.500000e+00 : f32
        %sub3A_622 = vector.broadcast %sub3A_621 : f32 to vector<16xf32>
        %sub3A_623 = arith.subf %sub3A_622, %mul3A_620 : vector<16xf32>
        %mul3A_624 = arith.mulf %mul3A_615, %sub3A_623 : vector<16xf32>
        %mul3A_625 = arith.mulf %add3A_598, %mul3A_624 : vector<16xf32>
        %bitcast_convert_type3A_626 = tpu.bitcast %mul3A_625 : vector<16xf32> -> vector<16xi32>
        %or3A_627 = arith.ori %bitcast_convert_type3A_626, %and3A_518 : vector<16xi32>
        %bitcast_convert_type3A_628 = tpu.bitcast %or3A_627 : vector<16xi32> -> vector<16xf32>
        %select_n3A_629 = arith.select %gt3A_244, %bitcast_convert_type3A_628, %select_n3A_595 : vector<16xi1>, vector<16xf32>
        %mul3A_630 = arith.mulf %get3A_514, %get3A_514 : vector<16xf32>
        %select_n3A_631 = arith.select %gt3A_252, %mul3A_630, %select_n3A_629 : vector<16xi1>, vector<16xf32>
        %swap3A_632 = arith.index_cast %scan3A_510 : i32 to index
        %swap3A_633 = arith.constant 112 : index
        %swap3A_634 = tpu.vector_load %arg7[%swap3A_632, %swap3A_633] {strides = array<i32>} : memref<128x128xf32, #tpu.memory_space<vmem>>, vector<1x16xf32>,
        %swap3A_635 = vector.shape_cast %swap3A_634 : vector<1x16xf32> to vector<16xf32>
        %swap3A_636 = vector.shape_cast %select_n3A_631 : vector<16xf32> to vector<1x16xf32>
        tpu.vector_store %arg7[%swap3A_632, %swap3A_633], %swap3A_636 {strides = array<i32>} : memref<128x128xf32, #tpu.memory_space<vmem>>, vector<1x16xf32>,
        %scan3A_637 = arith.constant 0 : i32
        %scan3A_638 = arith.constant 3 : i32
        %scan3A_639 = arith.addi %scan3A_261, %scan3A_638 : i32
        %get3A_640 = arith.index_cast %scan3A_639 : i32 to index
        %get3A_641 = arith.constant 112 : index
        %get3A_642 = tpu.vector_load %arg6[%get3A_640, %get3A_641] {strides = array<i32>} : memref<128x128xf32, #tpu.memory_space<vmem>>, vector<1x16xf32>,
        %get3A_643 = vector.shape_cast %get3A_642 : vector<1x16xf32> to vector<16xf32>
        %bitcast_convert_type3A_644 = tpu.bitcast %get3A_643 : vector<16xf32> -> vector<16xi32>
        %and3A_645 = arith.constant -2147483648 : i32
        %and3A_646 = vector.broadcast %and3A_645 : i32 to vector<16xi32>
        %and3A_647 = arith.andi %bitcast_convert_type3A_644, %and3A_646 : vector<16xi32>
        %and3A_648 = arith.constant 2147483647 : i32
        %and3A_649 = vector.broadcast %and3A_648 : i32 to vector<16xi32>
        %and3A_650 = arith.andi %bitcast_convert_type3A_644, %and3A_649 : vector<16xi32>
        %bitcast_convert_type3A_651 = tpu.bitcast %and3A_650 : vector<16xi32> -> vector<16xf32>
        %add3A_652 = arith.constant 1.000000e+00 : f32
        %add3A_653 = vector.broadcast %add3A_652 : f32 to vector<16xf32>
        %add3A_654 = arith.addf %bitcast_convert_type3A_651, %add3A_653 : vector<16xf32>
        %bitcast_convert_type3A_655 = tpu.bitcast %add3A_654 : vector<16xf32> -> vector<16xi32>
        %shift_right_logical3A_656 = arith.constant 23 : i32
        %shift_right_logical3A_657 = vector.broadcast %shift_right_logical3A_656 : i32 to vector<16xi32>
        %shift_right_logical3A_658 = arith.shrui %bitcast_convert_type3A_655, %shift_right_logical3A_657 : vector<16xi32>
        %sub3A_659 = arith.constant 127 : i32
        %sub3A_660 = vector.broadcast %sub3A_659 : i32 to vector<16xi32>
        %sub3A_661 = arith.subi %shift_right_logical3A_658, %sub3A_660 : vector<16xi32>
        %and3A_662 = arith.constant 8388607 : i32
        %and3A_663 = vector.broadcast %and3A_662 : i32 to vector<16xi32>
        %and3A_664 = arith.andi %bitcast_convert_type3A_655, %and3A_663 : vector<16xi32>
        %or3A_665 = arith.constant 1065353216 : i32
        %or3A_666 = vector.broadcast %or3A_665 : i32 to vector<16xi32>
        %or3A_667 = arith.ori %and3A_664, %or3A_666 : vector<16xi32>
        %bitcast_convert_type3A_668 = tpu.bitcast %or3A_667 : vector<16xi32> -> vector<16xf32>
        %gt3A_669 = arith.constant 1.41421354 : f32
        %gt3A_670 = vector.broadcast %gt3A_669 : f32 to vector<16xf32>
        %gt3A_671 = arith.cmpf ogt, %bitcast_convert_type3A_668, %gt3A_670 : vector<16xf32>
        %mul3A_672 = arith.constant 5.000000e-01 : f32
        %mul3A_673 = vector.broadcast %mul3A_672 : f32 to vector<16xf32>
        %mul3A_674 = arith.mulf %bitcast_convert_type3A_668, %mul3A_673 : vector<16xf32>
        %select_n3A_675 = arith.select %gt3A_671, %mul3A_674, %bitcast_convert_type3A_668 : vector<16xi1>, vector<16xf32>
        %jit3A_676 = arith.constant 1 : i32
        %jit3A_677 = arith.constant 0 : i32
        %broadcast_in_dim3A_678 = vector.broadcast %jit3A_676 : i32 to vector<16xi32>
        %broadcast_in_dim3A_679 = vector.broadcast %jit3A_677 : i32 to vector<16xi32>
        %select_n3A_680 = arith.select %gt3A_671, %broadcast_in_dim3A_678, %broadcast_in_dim3A_679 : vector<16xi1>, vector<16xi32>
        %add3A_681 = arith.addi %sub3A_661, %select_n3A_680 : vector<16xi32>
        %convert_element_type3A_682 = arith.sitofp %add3A_681 : vector<16xi32> to vector<16xf32>
        %sub3A_683 = arith.constant 1.000000e+00 : f32
        %sub3A_684 = vector.broadcast %sub3A_683 : f32 to vector<16xf32>
        %sub3A_685 = arith.subf %select_n3A_675, %sub3A_684 : vector<16xf32>
        %mul3A_686 = arith.constant -1.250000e-01 : f32
        %mul3A_687 = vector.broadcast %mul3A_686 : f32 to vector<16xf32>
        %mul3A_688 = arith.mulf %mul3A_687, %sub3A_685 : vector<16xf32>
        %add3A_689 = arith.constant 0.142857149 : f32
        %add3A_690 = vector.broadcast %add3A_689 : f32 to vector<16xf32>
        %add3A_691 = arith.addf %mul3A_688, %add3A_690 : vector<16xf32>
        %mul3A_692 = arith.mulf %add3A_691, %sub3A_685 : vector<16xf32>
        %sub3A_693 = arith.constant 0.166666672 : f32
        %sub3A_694 = vector.broadcast %sub3A_693 : f32 to vector<16xf32>
        %sub3A_695 = arith.subf %mul3A_692, %sub3A_694 : vector<16xf32>
        %mul3A_696 = arith.mulf %sub3A_695, %sub3A_685 : vector<16xf32>
        %add3A_697 = arith.constant 2.000000e-01 : f32
        %add3A_698 = vector.broadcast %add3A_697 : f32 to vector<16xf32>
        %add3A_699 = arith.addf %mul3A_696, %add3A_698 : vector<16xf32>
        %mul3A_700 = arith.mulf %add3A_699, %sub3A_685 : vector<16xf32>
        %sub3A_701 = arith.constant 2.500000e-01 : f32
        %sub3A_702 = vector.broadcast %sub3A_701 : f32 to vector<16xf32>
        %sub3A_703 = arith.subf %mul3A_700, %sub3A_702 : vector<16xf32>
        %mul3A_704 = arith.mulf %sub3A_703, %sub3A_685 : vector<16xf32>
        %add3A_705 = arith.constant 0.333333343 : f32
        %add3A_706 = vector.broadcast %add3A_705 : f32 to vector<16xf32>
        %add3A_707 = arith.addf %mul3A_704, %add3A_706 : vector<16xf32>
        %mul3A_708 = arith.mulf %add3A_707, %sub3A_685 : vector<16xf32>
        %sub3A_709 = arith.constant 5.000000e-01 : f32
        %sub3A_710 = vector.broadcast %sub3A_709 : f32 to vector<16xf32>
        %sub3A_711 = arith.subf %mul3A_708, %sub3A_710 : vector<16xf32>
        %mul3A_712 = arith.mulf %sub3A_711, %sub3A_685 : vector<16xf32>
        %add3A_713 = arith.constant 1.000000e+00 : f32
        %add3A_714 = vector.broadcast %add3A_713 : f32 to vector<16xf32>
        %add3A_715 = arith.addf %mul3A_712, %add3A_714 : vector<16xf32>
        %mul3A_716 = arith.mulf %sub3A_685, %add3A_715 : vector<16xf32>
        %mul3A_717 = arith.constant 0.693147182 : f32
        %mul3A_718 = vector.broadcast %mul3A_717 : f32 to vector<16xf32>
        %mul3A_719 = arith.mulf %convert_element_type3A_682, %mul3A_718 : vector<16xf32>
        %add3A_720 = arith.addf %mul3A_719, %mul3A_716 : vector<16xf32>
        %bitcast_convert_type3A_721 = tpu.bitcast %add3A_720 : vector<16xf32> -> vector<16xi32>
        %or3A_722 = arith.ori %bitcast_convert_type3A_721, %and3A_647 : vector<16xi32>
        %bitcast_convert_type3A_723 = tpu.bitcast %or3A_722 : vector<16xi32> -> vector<16xf32>
        %select_n3A_724 = arith.select %gt3A_236, %bitcast_convert_type3A_723, %get3A_643 : vector<16xi1>, vector<16xf32>
        %add3A_725 = arith.constant 1.000000e-35 : f32
        %add3A_726 = vector.broadcast %add3A_725 : f32 to vector<16xf32>
        %add3A_727 = arith.addf %bitcast_convert_type3A_651, %add3A_726 : vector<16xf32>
        %bitcast_convert_type3A_728 = tpu.bitcast %add3A_727 : vector<16xf32> -> vector<16xi32>
        %shift_right_logical3A_729 = arith.constant 1 : i32
        %shift_right_logical3A_730 = vector.broadcast %shift_right_logical3A_729 : i32 to vector<16xi32>
        %shift_right_logical3A_731 = arith.shrui %bitcast_convert_type3A_728, %shift_right_logical3A_730 : vector<16xi32>
        %sub3A_732 = arith.constant 1597463007 : i32
        %sub3A_733 = vector.broadcast %sub3A_732 : i32 to vector<16xi32>
        %sub3A_734 = arith.subi %sub3A_733, %shift_right_logical3A_731 : vector<16xi32>
        %bitcast_convert_type3A_735 = tpu.bitcast %sub3A_734 : vector<16xi32> -> vector<16xf32>
        %mul3A_736 = arith.constant 5.000000e-01 : f32
        %mul3A_737 = vector.broadcast %mul3A_736 : f32 to vector<16xf32>
        %mul3A_738 = arith.mulf %mul3A_737, %add3A_727 : vector<16xf32>
        %mul3A_739 = arith.mulf %mul3A_738, %bitcast_convert_type3A_735 : vector<16xf32>
        %mul3A_740 = arith.mulf %mul3A_739, %bitcast_convert_type3A_735 : vector<16xf32>
        %sub3A_741 = arith.constant 1.500000e+00 : f32
        %sub3A_742 = vector.broadcast %sub3A_741 : f32 to vector<16xf32>
        %sub3A_743 = arith.subf %sub3A_742, %mul3A_740 : vector<16xf32>
        %mul3A_744 = arith.mulf %bitcast_convert_type3A_735, %sub3A_743 : vector<16xf32>
        %mul3A_745 = arith.constant 5.000000e-01 : f32
        %mul3A_746 = vector.broadcast %mul3A_745 : f32 to vector<16xf32>
        %mul3A_747 = arith.mulf %mul3A_746, %add3A_727 : vector<16xf32>
        %mul3A_748 = arith.mulf %mul3A_747, %mul3A_744 : vector<16xf32>
        %mul3A_749 = arith.mulf %mul3A_748, %mul3A_744 : vector<16xf32>
        %sub3A_750 = arith.constant 1.500000e+00 : f32
        %sub3A_751 = vector.broadcast %sub3A_750 : f32 to vector<16xf32>
        %sub3A_752 = arith.subf %sub3A_751, %mul3A_749 : vector<16xf32>
        %mul3A_753 = arith.mulf %mul3A_744, %sub3A_752 : vector<16xf32>
        %mul3A_754 = arith.mulf %add3A_727, %mul3A_753 : vector<16xf32>
        %bitcast_convert_type3A_755 = tpu.bitcast %mul3A_754 : vector<16xf32> -> vector<16xi32>
        %or3A_756 = arith.ori %bitcast_convert_type3A_755, %and3A_647 : vector<16xi32>
        %bitcast_convert_type3A_757 = tpu.bitcast %or3A_756 : vector<16xi32> -> vector<16xf32>
        %select_n3A_758 = arith.select %gt3A_244, %bitcast_convert_type3A_757, %select_n3A_724 : vector<16xi1>, vector<16xf32>
        %mul3A_759 = arith.mulf %get3A_643, %get3A_643 : vector<16xf32>
        %select_n3A_760 = arith.select %gt3A_252, %mul3A_759, %select_n3A_758 : vector<16xi1>, vector<16xf32>
        %swap3A_761 = arith.index_cast %scan3A_639 : i32 to index
        %swap3A_762 = arith.constant 112 : index
        %swap3A_763 = tpu.vector_load %arg7[%swap3A_761, %swap3A_762] {strides = array<i32>} : memref<128x128xf32, #tpu.memory_space<vmem>>, vector<1x16xf32>,
        %swap3A_764 = vector.shape_cast %swap3A_763 : vector<1x16xf32> to vector<16xf32>
        %swap3A_765 = vector.shape_cast %select_n3A_760 : vector<16xf32> to vector<1x16xf32>
        tpu.vector_store %arg7[%swap3A_761, %swap3A_762], %swap3A_765 {strides = array<i32>} : memref<128x128xf32, #tpu.memory_space<vmem>>, vector<1x16xf32>,
        %scan3A_766 = arith.constant 0 : i32
        scf.yield %scan3A_766 : i32
      }
      %scan3A_259 = arith.constant 128 : i32
      "tpu.region"() ({
        %run_scoped3A = tpu.sem_alloc : memref<!tpu.dma_semaphore, #tpu.memory_space<semaphore_mem>>
        %dma_start3A = arith.constant 0 : i32
        %dma_start3A_261 = tpu.memref_slice %arg4[%add3A_13, %dma_start3A] : memref<16384x128xf32, #tpu.memory_space<hbm>> -> memref<128x128xf32, #tpu.memory_space<hbm>>
        %dma_start3A_262 = arith.constant 0 : i32
        %dma_start3A_263 = tpu.memref_slice %arg4[%add3A_13, %dma_start3A_262] : memref<16384x128xf32, #tpu.memory_space<hbm>> -> memref<128x128xf32, #tpu.memory_space<hbm>>
        tpu.enqueue_dma source(%arg7 : memref<128x128xf32, #tpu.memory_space<vmem>>) target(%dma_start3A_263 : memref<128x128xf32, #tpu.memory_space<hbm>>) target_semaphore(%run_scoped3A : memref<!tpu.dma_semaphore, #tpu.memory_space<semaphore_mem>>)
        %dma_wait3A = arith.constant 0 : i32
        %dma_wait3A_264 = tpu.memref_slice %arg4[%add3A_13, %dma_wait3A] : memref<16384x128xf32, #tpu.memory_space<hbm>> -> memref<128x128xf32, #tpu.memory_space<hbm>>
        %dma_wait3A_265 = arith.constant 0 : i32
        %dma_wait3A_266 = tpu.memref_slice %arg4[%add3A_13, %dma_wait3A_265] : memref<16384x128xf32, #tpu.memory_space<hbm>> -> memref<128x128xf32, #tpu.memory_space<hbm>>
        tpu.wait_dma2 semaphore(%run_scoped3A : memref<!tpu.dma_semaphore, #tpu.memory_space<semaphore_mem>>) src(%arg7 : memref<128x128xf32, #tpu.memory_space<vmem>>) dst(%dma_wait3A_266 : memref<128x128xf32, #tpu.memory_space<hbm>>)
        tpu.yield
      }) : () -> ()
      %scan3A_260 = arith.constant 0 : i32
      scf.yield %scan3A_260 : i32
    }
    %scan3A_8 = arith.constant 4 : i32
    return
  }
}

</mosaic_0001>

<sc_bundles>
// kernel: kernel.3.cloned.1.call-start
scs
__scs_entry_jumppad:
0x0: {  	(pc) =	sbr.rel $0x88, $3  }
0x1: {  	(tag) =	ssettag $0x0;
	lr =	simm.s32 $0x1  }
0x2: {  	[smem:$0x3F9F] =	sst lr;
	_ =	strace $0xD0000000  }
0x3: {  	_ = 	snop  }
0x4: {  	_ = 	snop  }
0x5: {  	_ = 	snop  }
0x6: {  	_ = 	snop  }
0x7: {  	_ = 	snop  }
__scs_overlays_trampoline_lowered:
0x8: {  	[smem:$0x3FAE] =	sst s0  }
0x9: {  	[smem:$0x3FAF] =	sst s1  }
0xa: {  	[smem:$0x3FB0] =	sst s2  }
0xb: {  	[smem:$0x3FB1] =	sst s3  }
0xc: {  	[smem:$0x3FB2] =	sst s4  }
0xd: {  	[smem:$0x3FB3] =	sst s5  }
0xe: {  	[smem:$0x3FB4] =	sst s6  }
0xf: {  	[smem:$0x3FB5] =	sst s7  }
0x10: {  	[smem:$0x3FB6] =	sst s8  }
0x11: {  	[smem:$0x3FB7] =	sst s9;
	s0 =	simm.s32 @!p0 $0x0  }
0x12: {  	s1 =	sld [smem:$0x3F9D];
	s0 =	simm.s32 @p0 $0x1  }
0x13: {  	[smem:$0x3FB8] =	sst s0;
	s0 =	simm.s32 @!p1 $0x0  }
0x14: {  	s2 =	sld [smem:$0x3F9C];
	s0 =	simm.s32 @p1 $0x1  }
0x15: {  	[smem:$0x3FB9] =	sst s0;
	s0 =	simm.s32 @!p2 $0x0  }
0x16: {  	s3 =	sld [smem:$0x3FDB];
	s0 =	simm.s32 @p2 $0x1  }
0x17: {  	s4 =	simm.s32 $0x1BF5;
	[smem:$0x3FBB] =	sst s0  }
0x18: {  	s0 =	sld [smem:$0x3F9E];
	_ =	swait.ge [sflag:s4], $0x0  }
0x19: {  	s7 =	sld [smem:$0x3F9F]  }
0x1a: {  	s8 =	sadd.s32 $0xFFFFE003, lr  }
0x1b: {  	s9 =	sadd.s32 $0xFFFFFEF7, lr;
	s5 =	simm.s32 $0xFFFFFFFF;
	p2 =	slt.u32 s8, $0xFFFFF086  }
0x1c: {  	p1 =	slt.u32 s9, $0xF7A;
	s5 =	simm.s32 @!p2 $0x0  }
0x1d: {  	s5 =	simm.s32 @p1 $0x1;
	p0 =	seq.s32 s7, s2  }
0x1e: {  	s7 =	smul.u32 @!p0 $0xF7A, s2;
	p2 =	seq.s32 @!p0 s5, $0x0  }
0x1f: {  	s9 =	smul.u32 $0xF7A, s1;
	s8 =	simm.s32 @!p0 $0x1BF5;
	p2 =	por !p2, p0  }
0x20: {  	[sflag:s8] =	ssyncset.s32 @!p0 $0xFFFFF086;
	s6 =	sadd.s32 @!p0 s3, s7;
	s7 =	simm.s32 @!p0 $0x108  }
0x21: {  	s3 =	sadd.s32 s3, s9;
	s6 =	sadd.s32 @!p0 $0x88, s6;
	s7 =	simm.s32 @p2 $0x1082  }
0x22: {  	[simem:s7], [sflag:s8] =	dma.local @!p0 [hbm:s6], $0xF7A  }
0x23: {  	s9 =	sor.u32 $0xD0000000, s2;
	s6 =	simm.s32 $0x108;
	_ =	swait.ge @!p0 [sflag:s8], $0x0  }
0x24: {  	s3 =	sadd.s32 $0x88, s3;
	s6 =	simm.s32 @!p1 $0x1082;
	[sflag:s4] =	ssyncset.s32 $0xFFFFF086  }
0x25: {  	[simem:s6], [sflag:s4] =	dma.local [hbm:s3], $0xF7A  }
0x26: {  	[smem:$0x3F9F] =	sst s1;
	(tag) =	ssettag s2;
	_ =	strace s9  }
0x27: {  	s1 =	sld [smem:$0x3FAF]  }
0x28: {  	s2 =	sld [smem:$0x3FB0]  }
0x29: {  	s4 =	sld [smem:$0x3FB2]  }
0x2a: {  	p0 =	seq.s32 s5, $0x0;
	s5 =	sld [smem:$0x3FB3]  }
0x2b: {  	s6 =	sld [smem:$0x3FB4]  }
0x2c: {  	s7 =	sld [smem:$0x3FB5]  }
0x2d: {  	s3 =	simm.s32 $0x108;
	s8 =	sld [smem:$0x3FB6]  }
0x2e: {  	s3 =	simm.s32 @!p0 $0x1082;
	s9 =	sld [smem:$0x3FB7]  }
0x2f: {  	lr =	sadd.s32 s0, s3;
	s0 =	sld [smem:$0x3FAE]  }
0x30: {  	s3 =	sld [smem:$0x3FB1]  }
0x31: {  	[smem:$0x3FBA] =	sst s10  }
0x32: {  	s10 =	sld [smem:$0x3FB8];
	_ =	sdelay $0x3  }
0x33: {  	p0 =	seq.s32 s10, $0x1;
	s10 =	sld [smem:$0x3FBA];
	_ =	sdelay $0x3  }
0x34: {  	[smem:$0x3FBA] =	sst s10  }
0x35: {  	s10 =	sld [smem:$0x3FB9];
	_ =	sdelay $0x3  }
0x36: {  	p1 =	seq.s32 s10, $0x1;
	s10 =	sld [smem:$0x3FBA];
	_ =	sdelay $0x3  }
0x37: {  	[smem:$0x3FBA] =	sst s10  }
0x38: {  	s10 =	sld [smem:$0x3FBB]  }
0x39: {  	_ = 	snop;
	(pc) =	sbr.ind lr, $3  }
0x3a: {  	_ = 	snop  }
0x3b: {  	_ = 	snop  }
0x3c: {  	p2 =	seq.s32 s10, $0x1;
	s10 =	sld [smem:$0x3FBA]  }
0x3d: {  	_ =	shalt  }
0x3e: {  	_ =	shalt  }
0x3f: {  	_ =	shalt  }
0x40: {  	_ =	shalt  }
0x41: {  	_ =	shalt  }
0x42: {  	_ =	shalt  }
0x43: {  	_ =	shalt  }
0x44: {  	_ =	shalt  }
0x45: {  	_ =	shalt  }
0x46: {  	_ =	shalt  }
0x47: {  	_ =	shalt  }
0x48: {  	_ =	shalt  }
0x49: {  	_ =	shalt  }
0x4a: {  	_ =	shalt  }
0x4b: {  	_ =	shalt  }
0x4c: {  	_ =	shalt  }
0x4d: {  	_ =	shalt  }
0x4e: {  	_ =	shalt  }
0x4f: {  	_ =	shalt  }
0x50: {  	_ =	shalt  }
0x51: {  	_ =	shalt  }
0x52: {  	_ =	shalt  }
0x53: {  	_ =	shalt  }
0x54: {  	_ =	shalt  }
0x55: {  	_ =	shalt  }
0x56: {  	_ =	shalt  }
0x57: {  	_ =	shalt  }
0x58: {  	_ =	shalt  }
0x59: {  	_ =	shalt  }
0x5a: {  	_ =	shalt  }
0x5b: {  	_ =	shalt  }
0x5c: {  	_ =	shalt  }
0x5d: {  	_ =	shalt  }
0x5e: {  	_ =	shalt  }
0x5f: {  	_ =	shalt  }
0x60: {  	_ =	shalt  }
0x61: {  	_ =	shalt  }
0x62: {  	_ =	shalt  }
0x63: {  	_ =	shalt  }
0x64: {  	_ =	shalt  }
0x65: {  	_ =	shalt  }
0x66: {  	_ =	shalt  }
0x67: {  	_ =	shalt  }
0x68: {  	_ =	shalt  }
0x69: {  	_ =	shalt  }
0x6a: {  	_ =	shalt  }
0x6b: {  	_ =	shalt  }
0x6c: {  	_ =	shalt  }
0x6d: {  	_ =	shalt  }
0x6e: {  	_ =	shalt  }
0x6f: {  	_ =	shalt  }
0x70: {  	_ =	shalt  }
0x71: {  	_ =	shalt  }
0x72: {  	_ =	shalt  }
0x73: {  	_ =	shalt  }
0x74: {  	_ =	shalt  }
0x75: {  	_ =	shalt  }
0x76: {  	_ =	shalt  }
0x77: {  	_ =	shalt  }
0x78: {  	_ =	shalt  }
0x79: {  	_ =	shalt  }
0x7a: {  	_ =	shalt  }
0x7b: {  	_ =	shalt  }
0x7c: {  	_ =	shalt  }
0x7d: {  	_ =	shalt  }
0x7e: {  	_ =	shalt  }
0x7f: {  	_ =	shalt  }
0x80: {  	_ =	shalt  }
0x81: {  	_ =	shalt  }
0x82: {  	_ =	shalt  }
0x83: {  	_ =	shalt  }
0x84: {  	_ =	shalt  }
0x85: {  	_ =	shalt  }
0x86: {  	_ =	shalt  }
0x87: {  	_ =	shalt  }
.Lfunc_end0:
.L_simem_size_0:
called_computation_lowered:
.L_overlay_start_0:
0x88: {  	s2 =	sld [smem:$0x3FD9]  }
0x89: {  	s3 =	sld [smem:$0x3FFE];
	_ =	sdelay $0x1  }
0x8a: {  	s1 =	srdreg.scid  }
0x8b: {  	s0 =	sand.u32 $0x1, s1  }
0x8c: {  	s17 =	sshll.u32 s0, $0xA;
	s2 =	sadd.s32 s3, s2  }
0x8d: {  	s2 =	sadd.s32 s2, s17  }
0x8e: {  	[smem:$0x3FC6] =	sst s2  }
0x8f: {  	_ = 	snop  }
0x90: {  	s2 =	sld [smem:$0x3FC9]  }
0x91: {  	s18 =	sld [smem:$0x3FD0];
	(tm) =	ssettm $0x1  }
0x92: {  	s4 =	sld [smem:$0x3FFB];
	_ =	sdelay $0x3  }
0x93: {  	_ =	strace s4  }
0x94: {  	s4 =	sld [smem:$0x3FFC];
	_ =	sdelay $0x3  }
0x95: {  	_ =	strace s4  }
0x96: {  	s4 =	sld [smem:$0x3FFD];
	_ =	sdelay $0x3  }
0x97: {  	_ =	strace s4  }
0x98: {  	_ =	strace $0x8FFFFFFF  }
0x99: {  	s19 =	sld [smem:$0x3FDB];
	_ =	sdelay $0x1  }
0x9a: {  	s5 =	simm.s32 $_scs_section_size  }
0x9b: {  	s6 =	simm.s32 $_size__tile_overlayer_lowered;
	s7 =	simm.s32 $_tile_overlayer_lowered  }
0x9c: {  	s22 =	simm.s32 $0x1BFF;
	s21 =	sshll.u32 s7, $0x1;
	s4 =	sadd.s32 s5, s19  }
0x9d: {  	s8 =	simm.s32 $0x0;
	s20 =	sshll.u32 s6, $0x1;
	s6 =	sadd.s32 s21, s4  }
0x9e: {  	[timem:s8], [sflag:s22] =	dma.local [hbm:s6], s20  }
0x9f: {  	_ =	swait.ge [sflag:s22], s20  }
0xa0: {  	s5 =	ssub.s32 $0x0, s20;
	[sflag:s22] =	ssyncset.done $0x0  }
0xa1: {  	[sflag:s22] =	ssyncadd.s32 s5;
	_ =	sdelay $0x1  }
0xa2: {  	s23 =	simm.s32 $0x1B8B  }
0xa3: {  	_ =	swait.ge [sflag:s23], $0x1  }
0xa4: {  	[sflag:s23] =	ssyncset.done $0x0  }
0xa5: {  	s25 =	simm.s32 $0x1B8E;
	s24 =	sld [smem:$0x3FFE];
	[sflag:s23] =	ssyncadd.s32 $0xFFFFFFFF  }
0xa6: {  	s26 =	simm.s32 $execute0_lowered;
	[smem:$0x3FD2] =	sst s25  }
0xa7: {  	s6 =	sshll.u32 s26, $0x1;
	_ =	strace $0x80000046;
	[dreg:$0x1] =	wrdreg $0xFFFFFFFF  }
0xa8: {  	s28 =	simm.s32 $_size_execute0_lowered;
	s4 =	sadd.s32 s4, s6;
	[dreg:$0x0] =	wrdreg $0x0  }
0xa9: {  	s6 =	sshll.u32 s28, $0x1;
	[dreg:$0x2] =	wrdreg s4  }
0xaa: {  	[dreg:$0x3] =	wrdreg s6  }
0xab: {  	[dreg:$0x4] =	wrdreg $0xC0  }
0xac: {  	_ =	task [dreg:s8], $0x5FFFF  }
0xad: {  	[dreg:$0x1] =	wrdreg $0xFFFFFFFF  }
0xae: {  	[dreg:$0x0] =	wrdreg $0x60  }
0xaf: {  	[dreg:$0x2] =	wrdreg s24  }
0xb0: {  	[dreg:$0x3] =	wrdreg s2  }
0xb1: {  	[dreg:$0x4] =	wrdreg s18  }
0xb2: {  	[dreg:$0x5] =	wrdreg $0x9  }
0xb3: {  	_ =	task.clear_ibuf [dreg:s8], $0x6FFFF;
	_ =	strace $0x90000046  }
0xb4: {  	s29 =	simm.s32 $0x9;
	_ =	strace $0x80000048  }
0xb5: {  	_ =	swait.ge [sflag:s29], $0x1  }
0xb6: {  	[sflag:s29] =	ssyncadd.s32 $0xFFFFFFFF  }
0xb7: {  	_ =	strace $0x90000048  }
0xb8: {  	_ =	sfence  }
0xb9: {  	s30 =	sld [smem:$0x0];
	_ =	sdelay $0x2  }
0xba: {  	s31 =	sshll.u32 s1, $0xD;
	s1 =	sshrl.u32 s1, $0x2  }
0xbb: {  	s3 =	sand.u32 $0x4000, s31;
	s1 =	sadd.s32 s1, s30  }
0xbc: {  	s0 =	sor.u32 s3, s0;
	s1 =	sshll.u32 s1, $0x11  }
0xbd: {  	s0 =	sor.u32 s1, s0  }
0xbe: {  	s0 =	sadd.s32 $0x8F2B, s0  }
0xbf: {  	[sflag:s0] =	ssyncadd.remote.s32 $0x1  }
0xc0: {  	_ =	sfence.sel $0xFFFF  }
0xc1: {  	[dreg:$0x0] =	wrdreg $0xFFFFFFFF;
	(pc) =	sbr.abs _section_cstart, $3  }
0xc2: {  	[dreg:$0x1] =	wrdreg $0xFFFFFFFF  }
0xc3: {  	_ =	task.clear_ibuf [dreg:s8], $0x2FFFF;
	_ =	strace $0x9FFFFFFF  }
0xc4: {  	(tm) =	ssettm $0x7FFFFFFF  }
0xc5: {  	_ =	shalt  }
tec
execute0_lowered:
.L_overlay_start_1:
0x0: {  	(tag) =	ssettag $0x1  }
0x1: {  	s4 =	rddreg [dreg:$0x0]  }
0x2: {  	s1 =	rddreg [dreg:$0x1]  }
0x3: {  	s2 =	rddreg [dreg:$0x2]  }
0x4: {  	s0 =	rddreg [dreg:$0x3]  }
0x5: {  	s3 =	simm.s32 $0x0;
	s5 =	srdreg.scid;
	s9 =	simm.s32 $0x400  }
0x6: {  	s10 =	simm.s32 $0x4400;
	s11 =	simm.s32 $0x0;
	s6 =	sand.u32 $0x1, s5  }
0x7: {  	[smem:$0x7FF] =	sst s3;
	s5 =	sadd.s32 $0x400, s4;
	s7 =	ssub.s32 $0x2, s6  }
0x8: {  	s4 =	stileid.u32;
	_ =	strace $0x80000047;
	s8 =	sshrl.u32 s7, $0x1  }
0x9: {  	s31 =	sshll.u32 s4, $0xE;
	s6 =	sshll.u32 s6, $0xD;
	s7 =	ssub.s32 s7, s8  }
0xa: {  	v0 =	vimm.s32 $0x0;
	s6 =	sor.u32 s6, s31;
	s8 =	simm.s32 $0x1;
	s7 =	smax.u32 s7, $0x1  }
.LBB2_1:
0xb: {  	[tilespmem:s3], [sflag:$0x1] =	stream.linear.gather [hbm4b:s5+s3], $0x400, $0x38;
	[tilespmem:$0x8400] =	vst v63  }
0xc: {  	_ =	swait.ge [sflag:s8], $0x400  }
0xd: {  	[sflag:s8] =	ssyncset.done $0x0  }
0xe: {  	s12 =	simm.s32 $0x0;
	[sflag:s8] =	ssyncadd.s32 $0xFFFFFC00  }
.LBB2_2:
0xf: {  	s13 =	sshll.u32 s12, $0xB  }
0x10: {  	s13 =	sadd.s32 s6, s13  }
0x11: {  	s14 =	sadd.s32 s1, s13  }
0x12: {  	[tilespmem:s9], [sflag:$0x1] =	stream.linear.gather [hbm4b:s14+s3], $0x4000, $0x38;
	[tilespmem:$0x8400] =	vst v63  }
0x13: {  	_ =	swait.ge [sflag:s8], $0x4000  }
0x14: {  	[sflag:s8] =	ssyncset.done $0x0  }
0x15: {  	s15 =	simm.s32 $0x500;
	[sflag:s8] =	ssyncadd.s32 $0xFFFFC000  }
0x16: {  	v1 =	vld [tilespmem:s15+$0xFFFFFF00];
	_ =	sdelay $0x4  }
0x17: {  	v2 =	vand.u32 $0x7FFFFFFF, v1  }
0x18: {  	v3 =	vadd.f32 $1.000000000e+00, v2;
	_ =	sdelay $0x1  }
0x19: {  	v4 =	vand.u32 $0x7FFFFF, v3  }
0x1a: {  	v4 =	vor.u32 $0x3F800000, v4  }
0x1b: {  	v5 =	vmul.f32 $5.000000000e-01, v4  }
0x1c: {  	vm0 =	vgt.f32 v4, $1.414213540e+00  }
0x1d: {  	v4 =	vsel vm0, v5, v4  }
0x1e: {  	v4 =	vadd.f32 $-1.000000000e+00, v4;
	_ =	sdelay $0x1  }
0x1f: {  	v31 =	vmul.f32 $1.250000000e-01, v4;
	_ =	sdelay $0x1  }
0x20: {  	v5 =	vsub.f32 $1.428571490e-01, v31;
	_ =	sdelay $0x1  }
0x21: {  	v5 =	vmul.f32 v5, v4;
	_ =	sdelay $0x1  }
0x22: {  	v5 =	vadd.f32 $-1.666666720e-01, v5;
	_ =	sdelay $0x1  }
0x23: {  	v5 =	vmul.f32 v5, v4;
	_ =	sdelay $0x1  }
0x24: {  	v5 =	vadd.f32 $2.000000030e-01, v5  }
0x25: {  	v2 =	vadd.f32 $1.000000020e-35, v2  }
0x26: {  	v5 =	vmul.f32 v5, v4  }
0x27: {  	v6 =	vshrl.u32 v2, $0x1;
	v7 =	vmul.f32 $5.000000000e-01, v2  }
0x28: {  	v6 =	vsub.s32 $0x5F3759DF, v6;
	v5 =	vadd.f32 $-2.500000000e-01, v5  }
0x29: {  	v8 =	vmul.f32 v6, v7  }
0x2a: {  	v5 =	vmul.f32 v5, v4  }
0x2b: {  	v8 =	vmul.f32 v6, v8  }
0x2c: {  	v5 =	vadd.f32 $3.333333430e-01, v5  }
0x2d: {  	v8 =	vsub.f32 $1.500000000e+00, v8  }
0x2e: {  	v5 =	vmul.f32 v5, v4  }
0x2f: {  	v6 =	vmul.f32 v6, v8  }
0x30: {  	v5 =	vadd.f32 $-5.000000000e-01, v5  }
0x31: {  	v3 =	vshrl.u32 v3, $0x17;
	v32 =	vsel vm0, $0x1, v0;
	v7 =	vmul.f32 v6, v7  }
0x32: {  	v3 =	vadd.s32 v32, v3;
	v5 =	vmul.f32 v5, v4  }
0x33: {  	v3 =	vadd.s32 $0xFFFFFF81, v3;
	v7 =	vmul.f32 v7, v6  }
0x34: {  	v33 =	vld [tilespmem:$0x80];
	v3 =	vcvt.s32.f32 v3;
	v5 =	vadd.f32 $1.000000000e+00, v5  }
0x35: {  	v9 =	vld [tilespmem:$0x100];
	v7 =	vsub.f32 $1.500000000e+00, v7  }
0x36: {  	v3 =	vmul.f32 $6.931471820e-01, v3;
	v4 =	vmul.f32 v5, v4  }
0x37: {  	v34 =	vld [tilespmem:$0x180];
	v6 =	vmul.f32 v7, v6  }
0x38: {  	v3 =	vadd.f32 v4, v3  }
0x39: {  	v35 =	vand.u32 $0x80000000, v1;
	v2 =	vmul.f32 v6, v2  }
0x3a: {  	vm1 =	vgt.f32 v33, $5.000000000e-01;
	vm0 =	vgt.f32 v9, $5.000000000e-01;
	v3 =	vor.u32 v3, v35  }
0x3b: {  	v2 =	vor.u32 v2, v35;
	v3 =	vsel vm1, v3, v1;
	v1 =	vmul.f32 v1, v1  }
0x3c: {  	vm2 =	vgt.f32 v34, $5.000000000e-01;
	v2 =	vsel vm0, v2, v3  }
0x3d: {  	s14 =	simm.s32 $0x4500;
	v1 =	vsel vm2, v1, v2  }
0x3e: {  	[tilespmem:s14+$0xFFFFFF00] =	vst v1  }
0x3f: {  	v1 =	vld [tilespmem:s15+$0xFFFFFF80];
	_ =	sdelay $0x4  }
0x40: {  	v2 =	vand.u32 $0x7FFFFFFF, v1  }
0x41: {  	v3 =	vadd.f32 $1.000000000e+00, v2;
	_ =	sdelay $0x1  }
0x42: {  	v36 =	vand.u32 $0x7FFFFF, v3  }
0x43: {  	v4 =	vor.u32 $0x3F800000, v36  }
0x44: {  	v37 =	vmul.f32 $5.000000000e-01, v4  }
0x45: {  	vm3 =	vgt.f32 v4, $1.414213540e+00  }
0x46: {  	v4 =	vsel vm3, v37, v4  }
0x47: {  	v4 =	vadd.f32 $-1.000000000e+00, v4;
	_ =	sdelay $0x1  }
0x48: {  	v38 =	vmul.f32 $1.250000000e-01, v4;
	_ =	sdelay $0x1  }
0x49: {  	v5 =	vsub.f32 $1.428571490e-01, v38;
	_ =	sdelay $0x1  }
0x4a: {  	v5 =	vmul.f32 v5, v4;
	_ =	sdelay $0x1  }
0x4b: {  	v5 =	vadd.f32 $-1.666666720e-01, v5;
	_ =	sdelay $0x1  }
0x4c: {  	v5 =	vmul.f32 v5, v4;
	_ =	sdelay $0x1  }
0x4d: {  	v5 =	vadd.f32 $2.000000030e-01, v5  }
0x4e: {  	v2 =	vadd.f32 $1.000000020e-35, v2  }
0x4f: {  	v5 =	vmul.f32 v5, v4  }
0x50: {  	v39 =	vshrl.u32 v2, $0x1;
	v40 =	vmul.f32 $5.000000000e-01, v2  }
0x51: {  	v6 =	vsub.s32 $0x5F3759DF, v39;
	v5 =	vadd.f32 $-2.500000000e-01, v5  }
0x52: {  	v41 =	vmul.f32 v6, v40  }
0x53: {  	v5 =	vmul.f32 v5, v4  }
0x54: {  	v8 =	vmul.f32 v6, v41  }
0x55: {  	v5 =	vadd.f32 $3.333333430e-01, v5  }
0x56: {  	v8 =	vsub.f32 $1.500000000e+00, v8  }
0x57: {  	v5 =	vmul.f32 v5, v4  }
0x58: {  	v6 =	vmul.f32 v6, v8  }
0x59: {  	v5 =	vadd.f32 $-5.000000000e-01, v5  }
0x5a: {  	v3 =	vshrl.u32 v3, $0x17;
	v42 =	vsel vm3, $0x1, v0;
	v7 =	vmul.f32 v6, v40  }
0x5b: {  	v3 =	vadd.s32 v42, v3;
	v5 =	vmul.f32 v5, v4  }
0x5c: {  	v3 =	vadd.s32 $0xFFFFFF81, v3;
	v7 =	vmul.f32 v7, v6  }
0x5d: {  	v3 =	vcvt.s32.f32 v3;
	v5 =	vadd.f32 $1.000000000e+00, v5  }
0x5e: {  	v7 =	vsub.f32 $1.500000000e+00, v7  }
0x5f: {  	v3 =	vmul.f32 $6.931471820e-01, v3;
	v4 =	vmul.f32 v5, v4  }
0x60: {  	v43 =	vmul.f32 v7, v6  }
0x61: {  	v3 =	vadd.f32 v4, v3  }
0x62: {  	v44 =	vand.u32 $0x80000000, v1;
	v2 =	vmul.f32 v43, v2  }
0x63: {  	v3 =	vor.u32 v3, v44  }
0x64: {  	v2 =	vor.u32 v2, v44;
	v3 =	vsel vm1, v3, v1;
	v1 =	vmul.f32 v1, v1  }
0x65: {  	v2 =	vsel vm0, v2, v3  }
0x66: {  	v1 =	vsel vm2, v1, v2  }
0x67: {  	[tilespmem:s14+$0xFFFFFF80] =	vst v1  }
0x68: {  	v1 =	vld [tilespmem:s15+$0x0];
	_ =	sdelay $0x4  }
0x69: {  	v2 =	vand.u32 $0x7FFFFFFF, v1  }
0x6a: {  	v3 =	vadd.f32 $1.000000000e+00, v2;
	_ =	sdelay $0x1  }
0x6b: {  	v45 =	vand.u32 $0x7FFFFF, v3  }
0x6c: {  	v4 =	vor.u32 $0x3F800000, v45  }
0x6d: {  	v46 =	vmul.f32 $5.000000000e-01, v4  }
0x6e: {  	vm3 =	vgt.f32 v4, $1.414213540e+00  }
0x6f: {  	v4 =	vsel vm3, v46, v4  }
0x70: {  	v4 =	vadd.f32 $-1.000000000e+00, v4;
	_ =	sdelay $0x1  }
0x71: {  	v47 =	vmul.f32 $1.250000000e-01, v4;
	_ =	sdelay $0x1  }
0x72: {  	v5 =	vsub.f32 $1.428571490e-01, v47;
	_ =	sdelay $0x1  }
0x73: {  	v5 =	vmul.f32 v5, v4;
	_ =	sdelay $0x1  }
0x74: {  	v5 =	vadd.f32 $-1.666666720e-01, v5;
	_ =	sdelay $0x1  }
0x75: {  	v5 =	vmul.f32 v5, v4;
	_ =	sdelay $0x1  }
0x76: {  	v5 =	vadd.f32 $2.000000030e-01, v5  }
0x77: {  	v2 =	vadd.f32 $1.000000020e-35, v2  }
0x78: {  	v5 =	vmul.f32 v5, v4  }
0x79: {  	v48 =	vshrl.u32 v2, $0x1;
	v49 =	vmul.f32 $5.000000000e-01, v2  }
0x7a: {  	v6 =	vsub.s32 $0x5F3759DF, v48;
	v5 =	vadd.f32 $-2.500000000e-01, v5  }
0x7b: {  	v50 =	vmul.f32 v6, v49  }
0x7c: {  	v5 =	vmul.f32 v5, v4  }
0x7d: {  	v8 =	vmul.f32 v6, v50  }
0x7e: {  	v5 =	vadd.f32 $3.333333430e-01, v5  }
0x7f: {  	v8 =	vsub.f32 $1.500000000e+00, v8  }
0x80: {  	v5 =	vmul.f32 v5, v4  }
0x81: {  	v6 =	vmul.f32 v6, v8  }
0x82: {  	v5 =	vadd.f32 $-5.000000000e-01, v5  }
0x83: {  	v3 =	vshrl.u32 v3, $0x17;
	v51 =	vsel vm3, $0x1, v0;
	v7 =	vmul.f32 v6, v49  }
0x84: {  	v3 =	vadd.s32 v51, v3;
	v5 =	vmul.f32 v5, v4  }
0x85: {  	v3 =	vadd.s32 $0xFFFFFF81, v3;
	v7 =	vmul.f32 v7, v6  }
0x86: {  	v3 =	vcvt.s32.f32 v3;
	v5 =	vadd.f32 $1.000000000e+00, v5  }
0x87: {  	v7 =	vsub.f32 $1.500000000e+00, v7  }
0x88: {  	v3 =	vmul.f32 $6.931471820e-01, v3;
	v4 =	vmul.f32 v5, v4  }
0x89: {  	v52 =	vmul.f32 v7, v6  }
0x8a: {  	v3 =	vadd.f32 v4, v3  }
0x8b: {  	v53 =	vand.u32 $0x80000000, v1;
	v2 =	vmul.f32 v52, v2  }
0x8c: {  	v3 =	vor.u32 v3, v53  }
0x8d: {  	v2 =	vor.u32 v2, v53;
	v3 =	vsel vm1, v3, v1;
	v1 =	vmul.f32 v1, v1  }
0x8e: {  	v2 =	vsel vm0, v2, v3  }
0x8f: {  	v1 =	vsel vm2, v1, v2  }
0x90: {  	[tilespmem:s14+$0x0] =	vst v1  }
0x91: {  	v1 =	vld [tilespmem:s15+$0x80];
	_ =	sdelay $0x4  }
0x92: {  	v2 =	vand.u32 $0x7FFFFFFF, v1  }
0x93: {  	v3 =	vadd.f32 $1.000000000e+00, v2;
	_ =	sdelay $0x1  }
0x94: {  	v54 =	vand.u32 $0x7FFFFF, v3  }
0x95: {  	v4 =	vor.u32 $0x3F800000, v54  }
0x96: {  	v55 =	vmul.f32 $5.000000000e-01, v4  }
0x97: {  	vm3 =	vgt.f32 v4, $1.414213540e+00  }
0x98: {  	v4 =	vsel vm3, v55, v4  }
0x99: {  	v4 =	vadd.f32 $-1.000000000e+00, v4;
	_ =	sdelay $0x1  }
0x9a: {  	v56 =	vmul.f32 $1.250000000e-01, v4;
	_ =	sdelay $0x1  }
0x9b: {  	v5 =	vsub.f32 $1.428571490e-01, v56;
	_ =	sdelay $0x1  }
0x9c: {  	v5 =	vmul.f32 v5, v4;
	_ =	sdelay $0x1  }
0x9d: {  	v5 =	vadd.f32 $-1.666666720e-01, v5;
	_ =	sdelay $0x1  }
0x9e: {  	v5 =	vmul.f32 v5, v4;
	_ =	sdelay $0x1  }
0x9f: {  	v5 =	vadd.f32 $2.000000030e-01, v5  }
0xa0: {  	v2 =	vadd.f32 $1.000000020e-35, v2  }
0xa1: {  	v5 =	vmul.f32 v5, v4  }
0xa2: {  	v57 =	vshrl.u32 v2, $0x1;
	v58 =	vmul.f32 $5.000000000e-01, v2  }
0xa3: {  	v6 =	vsub.s32 $0x5F3759DF, v57;
	v5 =	vadd.f32 $-2.500000000e-01, v5  }
0xa4: {  	v59 =	vmul.f32 v6, v58  }
0xa5: {  	v5 =	vmul.f32 v5, v4  }
0xa6: {  	v8 =	vmul.f32 v6, v59  }
0xa7: {  	v5 =	vadd.f32 $3.333333430e-01, v5  }
0xa8: {  	v8 =	vsub.f32 $1.500000000e+00, v8  }
0xa9: {  	v5 =	vmul.f32 v5, v4  }
0xaa: {  	v6 =	vmul.f32 v6, v8  }
0xab: {  	v5 =	vadd.f32 $-5.000000000e-01, v5  }
0xac: {  	v3 =	vshrl.u32 v3, $0x17;
	v60 =	vsel vm3, $0x1, v0;
	v7 =	vmul.f32 v6, v58  }
0xad: {  	v3 =	vadd.s32 v60, v3;
	v5 =	vmul.f32 v5, v4  }
0xae: {  	v3 =	vadd.s32 $0xFFFFFF81, v3;
	v7 =	vmul.f32 v7, v6  }
0xaf: {  	v3 =	vcvt.s32.f32 v3;
	v5 =	vadd.f32 $1.000000000e+00, v5  }
0xb0: {  	v7 =	vsub.f32 $1.500000000e+00, v7  }
0xb1: {  	v3 =	vmul.f32 $6.931471820e-01, v3;
	v4 =	vmul.f32 v5, v4  }
0xb2: {  	v61 =	vmul.f32 v7, v6  }
0xb3: {  	v3 =	vadd.f32 v4, v3  }
0xb4: {  	v62 =	vand.u32 $0x80000000, v1;
	v2 =	vmul.f32 v61, v2  }
0xb5: {  	v3 =	vor.u32 v3, v62  }
0xb6: {  	v63 =	vmul.f32 v1, v1;
	v2 =	vor.u32 v2, v62;
	v1 =	vsel vm1, v3, v1  }
0xb7: {  	v1 =	vsel vm0, v2, v1  }
0xb8: {  	v1 =	vsel vm2, v63, v1  }
0xb9: {  	s16 =	simm.s32 $0x700;
	s15 =	simm.s32 $0x0;
	[tilespmem:s14+$0x80] =	vst v1  }
.LBB2_3:
0xba: {  	v1 =	vld [tilespmem:s16+$0xFFFFFF00];
	s15 =	sadd.s32 $0x4, s15  }
0xbb: {  	p0 =	slt.u32 s15, $0x7C;
	_ =	sdelay $0x3  }
0xbc: {  	v2 =	vand.u32 $0x7FFFFFFF, v1  }
0xbd: {  	v3 =	vadd.f32 $1.000000000e+00, v2;
	_ =	sdelay $0x1  }
0xbe: {  	v4 =	vand.u32 $0x7FFFFF, v3  }
0xbf: {  	v4 =	vor.u32 $0x3F800000, v4  }
0xc0: {  	v5 =	vmul.f32 $5.000000000e-01, v4  }
0xc1: {  	vm3 =	vgt.f32 v4, $1.414213540e+00  }
0xc2: {  	v4 =	vsel vm3, v5, v4  }
0xc3: {  	v4 =	vadd.f32 $-1.000000000e+00, v4;
	_ =	sdelay $0x1  }
0xc4: {  	v5 =	vmul.f32 $1.250000000e-01, v4;
	_ =	sdelay $0x1  }
0xc5: {  	v5 =	vsub.f32 $1.428571490e-01, v5;
	_ =	sdelay $0x1  }
0xc6: {  	v5 =	vmul.f32 v5, v4;
	_ =	sdelay $0x1  }
0xc7: {  	v5 =	vadd.f32 $-1.666666720e-01, v5;
	_ =	sdelay $0x1  }
0xc8: {  	v5 =	vmul.f32 v5, v4;
	_ =	sdelay $0x1  }
0xc9: {  	v5 =	vadd.f32 $2.000000030e-01, v5  }
0xca: {  	v2 =	vadd.f32 $1.000000020e-35, v2  }
0xcb: {  	v5 =	vmul.f32 v5, v4  }
0xcc: {  	v6 =	vshrl.u32 v2, $0x1;
	v7 =	vmul.f32 $5.000000000e-01, v2  }
0xcd: {  	v6 =	vsub.s32 $0x5F3759DF, v6;
	v5 =	vadd.f32 $-2.500000000e-01, v5  }
0xce: {  	v8 =	vmul.f32 v6, v7  }
0xcf: {  	v5 =	vmul.f32 v5, v4  }
0xd0: {  	v8 =	vmul.f32 v6, v8  }
0xd1: {  	v5 =	vadd.f32 $3.333333430e-01, v5  }
0xd2: {  	v8 =	vsub.f32 $1.500000000e+00, v8  }
0xd3: {  	v5 =	vmul.f32 v5, v4  }
0xd4: {  	v6 =	vmul.f32 v6, v8  }
0xd5: {  	v5 =	vadd.f32 $-5.000000000e-01, v5  }
0xd6: {  	v3 =	vshrl.u32 v3, $0x17;
	v8 =	vsel vm3, $0x1, v0;
	v7 =	vmul.f32 v6, v7  }
0xd7: {  	v3 =	vadd.s32 v8, v3;
	v5 =	vmul.f32 v5, v4  }
0xd8: {  	v3 =	vadd.s32 $0xFFFFFF81, v3;
	v7 =	vmul.f32 v7, v6  }
0xd9: {  	v3 =	vcvt.s32.f32 v3;
	v5 =	vadd.f32 $1.000000000e+00, v5  }
0xda: {  	v7 =	vsub.f32 $1.500000000e+00, v7  }
0xdb: {  	v3 =	vmul.f32 $6.931471820e-01, v3;
	v4 =	vmul.f32 v5, v4  }
0xdc: {  	v5 =	vmul.f32 v7, v6  }
0xdd: {  	v3 =	vadd.f32 v4, v3  }
0xde: {  	v4 =	vand.u32 $0x80000000, v1;
	v2 =	vmul.f32 v5, v2  }
0xdf: {  	v3 =	vor.u32 v3, v4  }
0xe0: {  	v2 =	vor.u32 v2, v4;
	v3 =	vsel vm1, v3, v1;
	v1 =	vmul.f32 v1, v1  }
0xe1: {  	v2 =	vsel vm0, v2, v3  }
0xe2: {  	s14 =	sadd.s32 $0x200, s14;
	v1 =	vsel vm2, v1, v2  }
0xe3: {  	[tilespmem:s14+$0xFFFFFF00] =	vst v1  }
0xe4: {  	v1 =	vld [tilespmem:s16+$0xFFFFFF80];
	_ =	sdelay $0x4  }
0xe5: {  	v2 =	vand.u32 $0x7FFFFFFF, v1  }
0xe6: {  	v3 =	vadd.f32 $1.000000000e+00, v2;
	_ =	sdelay $0x1  }
0xe7: {  	v4 =	vand.u32 $0x7FFFFF, v3  }
0xe8: {  	v4 =	vor.u32 $0x3F800000, v4  }
0xe9: {  	v5 =	vmul.f32 $5.000000000e-01, v4  }
0xea: {  	vm3 =	vgt.f32 v4, $1.414213540e+00  }
0xeb: {  	v4 =	vsel vm3, v5, v4  }
0xec: {  	v4 =	vadd.f32 $-1.000000000e+00, v4;
	_ =	sdelay $0x1  }
0xed: {  	v5 =	vmul.f32 $1.250000000e-01, v4;
	_ =	sdelay $0x1  }
0xee: {  	v5 =	vsub.f32 $1.428571490e-01, v5;
	_ =	sdelay $0x1  }
0xef: {  	v5 =	vmul.f32 v5, v4;
	_ =	sdelay $0x1  }
0xf0: {  	v5 =	vadd.f32 $-1.666666720e-01, v5;
	_ =	sdelay $0x1  }
0xf1: {  	v5 =	vmul.f32 v5, v4;
	_ =	sdelay $0x1  }
0xf2: {  	v5 =	vadd.f32 $2.000000030e-01, v5  }
0xf3: {  	v2 =	vadd.f32 $1.000000020e-35, v2  }
0xf4: {  	v5 =	vmul.f32 v5, v4  }
0xf5: {  	v6 =	vshrl.u32 v2, $0x1;
	v7 =	vmul.f32 $5.000000000e-01, v2  }
0xf6: {  	v6 =	vsub.s32 $0x5F3759DF, v6;
	v5 =	vadd.f32 $-2.500000000e-01, v5  }
0xf7: {  	v8 =	vmul.f32 v6, v7  }
0xf8: {  	v5 =	vmul.f32 v5, v4  }
0xf9: {  	v8 =	vmul.f32 v6, v8  }
0xfa: {  	v5 =	vadd.f32 $3.333333430e-01, v5  }
0xfb: {  	v8 =	vsub.f32 $1.500000000e+00, v8  }
0xfc: {  	v5 =	vmul.f32 v5, v4  }
0xfd: {  	v6 =	vmul.f32 v6, v8  }
0xfe: {  	v5 =	vadd.f32 $-5.000000000e-01, v5  }
0xff: {  	v3 =	vshrl.u32 v3, $0x17;
	v8 =	vsel vm3, $0x1, v0;
	v7 =	vmul.f32 v6, v7  }
0x100: {  	v3 =	vadd.s32 v8, v3;
	v5 =	vmul.f32 v5, v4  }
0x101: {  	v3 =	vadd.s32 $0xFFFFFF81, v3;
	v7 =	vmul.f32 v7, v6  }
0x102: {  	v3 =	vcvt.s32.f32 v3;
	v5 =	vadd.f32 $1.000000000e+00, v5  }
0x103: {  	v7 =	vsub.f32 $1.500000000e+00, v7  }
0x104: {  	v3 =	vmul.f32 $6.931471820e-01, v3;
	v4 =	vmul.f32 v5, v4  }
0x105: {  	v5 =	vmul.f32 v7, v6  }
0x106: {  	v3 =	vadd.f32 v4, v3  }
0x107: {  	v4 =	vand.u32 $0x80000000, v1;
	v2 =	vmul.f32 v5, v2  }
0x108: {  	v3 =	vor.u32 v3, v4  }
0x109: {  	v2 =	vor.u32 v2, v4;
	v3 =	vsel vm1, v3, v1;
	v1 =	vmul.f32 v1, v1  }
0x10a: {  	v2 =	vsel vm0, v2, v3  }
0x10b: {  	v1 =	vsel vm2, v1, v2  }
0x10c: {  	[tilespmem:s14+$0xFFFFFF80] =	vst v1  }
0x10d: {  	v1 =	vld [tilespmem:s16+$0x0];
	_ =	sdelay $0x4  }
0x10e: {  	v2 =	vand.u32 $0x7FFFFFFF, v1  }
0x10f: {  	v3 =	vadd.f32 $1.000000000e+00, v2;
	_ =	sdelay $0x1  }
0x110: {  	v4 =	vand.u32 $0x7FFFFF, v3  }
0x111: {  	v4 =	vor.u32 $0x3F800000, v4  }
0x112: {  	v5 =	vmul.f32 $5.000000000e-01, v4  }
0x113: {  	vm3 =	vgt.f32 v4, $1.414213540e+00  }
0x114: {  	v4 =	vsel vm3, v5, v4  }
0x115: {  	v4 =	vadd.f32 $-1.000000000e+00, v4;
	_ =	sdelay $0x1  }
0x116: {  	v5 =	vmul.f32 $1.250000000e-01, v4;
	_ =	sdelay $0x1  }
0x117: {  	v5 =	vsub.f32 $1.428571490e-01, v5;
	_ =	sdelay $0x1  }
0x118: {  	v5 =	vmul.f32 v5, v4;
	_ =	sdelay $0x1  }
0x119: {  	v5 =	vadd.f32 $-1.666666720e-01, v5;
	_ =	sdelay $0x1  }
0x11a: {  	v5 =	vmul.f32 v5, v4;
	_ =	sdelay $0x1  }
0x11b: {  	v5 =	vadd.f32 $2.000000030e-01, v5  }
0x11c: {  	v2 =	vadd.f32 $1.000000020e-35, v2  }
0x11d: {  	v5 =	vmul.f32 v5, v4  }
0x11e: {  	v6 =	vshrl.u32 v2, $0x1;
	v7 =	vmul.f32 $5.000000000e-01, v2  }
0x11f: {  	v6 =	vsub.s32 $0x5F3759DF, v6;
	v5 =	vadd.f32 $-2.500000000e-01, v5  }
0x120: {  	v8 =	vmul.f32 v6, v7  }
0x121: {  	v5 =	vmul.f32 v5, v4  }
0x122: {  	v8 =	vmul.f32 v6, v8  }
0x123: {  	v5 =	vadd.f32 $3.333333430e-01, v5  }
0x124: {  	v8 =	vsub.f32 $1.500000000e+00, v8  }
0x125: {  	v5 =	vmul.f32 v5, v4  }
0x126: {  	v6 =	vmul.f32 v6, v8  }
0x127: {  	v5 =	vadd.f32 $-5.000000000e-01, v5  }
0x128: {  	v3 =	vshrl.u32 v3, $0x17;
	v8 =	vsel vm3, $0x1, v0;
	v7 =	vmul.f32 v6, v7  }
0x129: {  	v3 =	vadd.s32 v8, v3;
	v5 =	vmul.f32 v5, v4  }
0x12a: {  	v3 =	vadd.s32 $0xFFFFFF81, v3;
	v7 =	vmul.f32 v7, v6  }
0x12b: {  	v3 =	vcvt.s32.f32 v3;
	v5 =	vadd.f32 $1.000000000e+00, v5  }
0x12c: {  	v7 =	vsub.f32 $1.500000000e+00, v7  }
0x12d: {  	v3 =	vmul.f32 $6.931471820e-01, v3;
	v4 =	vmul.f32 v5, v4  }
0x12e: {  	v5 =	vmul.f32 v7, v6  }
0x12f: {  	v3 =	vadd.f32 v4, v3  }
0x130: {  	v4 =	vand.u32 $0x80000000, v1;
	v2 =	vmul.f32 v5, v2  }
0x131: {  	v3 =	vor.u32 v3, v4  }
0x132: {  	v2 =	vor.u32 v2, v4;
	v3 =	vsel vm1, v3, v1;
	v1 =	vmul.f32 v1, v1  }
0x133: {  	v2 =	vsel vm0, v2, v3  }
0x134: {  	v1 =	vsel vm2, v1, v2  }
0x135: {  	[tilespmem:s14+$0x0] =	vst v1  }
0x136: {  	v1 =	vld [tilespmem:s16+$0x80];
	_ =	sdelay $0x4  }
0x137: {  	v2 =	vand.u32 $0x80000000, v1;
	v3 =	vand.u32 $0x7FFFFFFF, v1;
	v4 =	vmul.f32 v1, v1  }
0x138: {  	v5 =	vadd.f32 $1.000000000e+00, v3;
	v3 =	vadd.f32 $1.000000020e-35, v3;
	_ =	sdelay $0x1  }
0x139: {  	v6 =	vshrl.u32 v5, $0x17;
	v5 =	vand.u32 $0x7FFFFF, v5  }
0x13a: {  	v5 =	vor.u32 $0x3F800000, v5  }
0x13b: {  	vm3 =	vgt.f32 v5, $1.414213540e+00;
	v7 =	vmul.f32 $5.000000000e-01, v5;
	_ =	sdelay $0x1  }
0x13c: {  	v5 =	vsel vm3, v7, v5  }
0x13d: {  	v5 =	vadd.f32 $-1.000000000e+00, v5;
	_ =	sdelay $0x1  }
0x13e: {  	v7 =	vmul.f32 $1.250000000e-01, v5;
	_ =	sdelay $0x1  }
0x13f: {  	v7 =	vsub.f32 $1.428571490e-01, v7;
	_ =	sdelay $0x1  }
0x140: {  	v7 =	vmul.f32 v7, v5;
	_ =	sdelay $0x1  }
0x141: {  	v7 =	vadd.f32 $-1.666666720e-01, v7;
	_ =	sdelay $0x1  }
0x142: {  	v7 =	vmul.f32 v7, v5;
	_ =	sdelay $0x1  }
0x143: {  	v7 =	vadd.f32 $2.000000030e-01, v7;
	_ =	sdelay $0x1  }
0x144: {  	v7 =	vmul.f32 v7, v5  }
0x145: {  	v8 =	vshrl.u32 v3, $0x1;
	v9 =	vmul.f32 $5.000000000e-01, v3  }
0x146: {  	v8 =	vsub.s32 $0x5F3759DF, v8;
	v7 =	vadd.f32 $-2.500000000e-01, v7  }
0x147: {  	v10 =	vmul.f32 v8, v9  }
0x148: {  	v7 =	vmul.f32 v7, v5  }
0x149: {  	v10 =	vmul.f32 v8, v10  }
0x14a: {  	v7 =	vadd.f32 $3.333333430e-01, v7  }
0x14b: {  	v10 =	vsub.f32 $1.500000000e+00, v10  }
0x14c: {  	v7 =	vmul.f32 v7, v5  }
0x14d: {  	v8 =	vmul.f32 v8, v10  }
0x14e: {  	v7 =	vadd.f32 $-5.000000000e-01, v7  }
0x14f: {  	v10 =	vsel vm3, $0x1, v0;
	v9 =	vmul.f32 v8, v9  }
0x150: {  	v6 =	vadd.s32 v10, v6;
	v7 =	vmul.f32 v7, v5  }
0x151: {  	v6 =	vadd.s32 $0xFFFFFF81, v6;
	v9 =	vmul.f32 v9, v8  }
0x152: {  	v6 =	vcvt.s32.f32 v6;
	v7 =	vadd.f32 $1.000000000e+00, v7  }
0x153: {  	v9 =	vsub.f32 $1.500000000e+00, v9  }
0x154: {  	v6 =	vmul.f32 $6.931471820e-01, v6;
	v5 =	vmul.f32 v7, v5  }
0x155: {  	v7 =	vmul.f32 v9, v8  }
0x156: {  	v5 =	vadd.f32 v5, v6  }
0x157: {  	v3 =	vmul.f32 v7, v3  }
.Ltmp0:
0x158: {  	v5 =	vor.u32 v5, v2;
	(pc) =	sbr.rel @p0 .LBB2_3-.Ltmp0, $4  }
0x159: {  	v2 =	vor.u32 v3, v2;
	v1 =	vsel vm1, v5, v1  }
0x15a: {  	v1 =	vsel vm0, v2, v1  }
0x15b: {  	v1 =	vsel vm2, v4, v1  }
0x15c: {  	s16 =	sadd.s32 $0x200, s16;
	[tilespmem:s14+$0x80] =	vst v1  }
0x15d: {  	s15 =	simm.s32 $0x510  }
0x15e: {  	v1 =	vld [tilespmem:s15+$0xFFFFFF00];
	_ =	sdelay $0x4  }
0x15f: {  	v2 =	vand.u32 $0x7FFFFFFF, v1  }
0x160: {  	v3 =	vadd.f32 $1.000000000e+00, v2;
	_ =	sdelay $0x1  }
0x161: {  	v4 =	vand.u32 $0x7FFFFF, v3  }
0x162: {  	v4 =	vor.u32 $0x3F800000, v4  }
0x163: {  	v5 =	vmul.f32 $5.000000000e-01, v4  }
0x164: {  	vm0 =	vgt.f32 v4, $1.414213540e+00  }
0x165: {  	v4 =	vsel vm0, v5, v4  }
0x166: {  	v4 =	vadd.f32 $-1.000000000e+00, v4;
	_ =	sdelay $0x1  }
0x167: {  	v31 =	vmul.f32 $1.250000000e-01, v4;
	_ =	sdelay $0x1  }
0x168: {  	v5 =	vsub.f32 $1.428571490e-01, v31;
	_ =	sdelay $0x1  }
0x169: {  	v5 =	vmul.f32 v5, v4;
	_ =	sdelay $0x1  }
0x16a: {  	v5 =	vadd.f32 $-1.666666720e-01, v5;
	_ =	sdelay $0x1  }
0x16b: {  	v5 =	vmul.f32 v5, v4;
	_ =	sdelay $0x1  }
0x16c: {  	v5 =	vadd.f32 $2.000000030e-01, v5  }
0x16d: {  	v2 =	vadd.f32 $1.000000020e-35, v2  }
0x16e: {  	v5 =	vmul.f32 v5, v4  }
0x16f: {  	v6 =	vshrl.u32 v2, $0x1;
	v7 =	vmul.f32 $5.000000000e-01, v2  }
0x170: {  	v6 =	vsub.s32 $0x5F3759DF, v6;
	v5 =	vadd.f32 $-2.500000000e-01, v5  }
0x171: {  	v8 =	vmul.f32 v6, v7  }
0x172: {  	v5 =	vmul.f32 v5, v4  }
0x173: {  	v8 =	vmul.f32 v6, v8  }
0x174: {  	v5 =	vadd.f32 $3.333333430e-01, v5  }
0x175: {  	v8 =	vsub.f32 $1.500000000e+00, v8  }
0x176: {  	v5 =	vmul.f32 v5, v4  }
0x177: {  	v6 =	vmul.f32 v6, v8  }
0x178: {  	v5 =	vadd.f32 $-5.000000000e-01, v5  }
0x179: {  	v3 =	vshrl.u32 v3, $0x17;
	v32 =	vsel vm0, $0x1, v0;
	v7 =	vmul.f32 v6, v7  }
0x17a: {  	v3 =	vadd.s32 v32, v3;
	v5 =	vmul.f32 v5, v4  }
0x17b: {  	v3 =	vadd.s32 $0xFFFFFF81, v3;
	v7 =	vmul.f32 v7, v6  }
0x17c: {  	v33 =	vld [tilespmem:$0x90];
	v3 =	vcvt.s32.f32 v3;
	v5 =	vadd.f32 $1.000000000e+00, v5  }
0x17d: {  	v9 =	vld [tilespmem:$0x110];
	v7 =	vsub.f32 $1.500000000e+00, v7  }
0x17e: {  	v3 =	vmul.f32 $6.931471820e-01, v3;
	v4 =	vmul.f32 v5, v4  }
0x17f: {  	v34 =	vld [tilespmem:$0x190];
	v6 =	vmul.f32 v7, v6  }
0x180: {  	v3 =	vadd.f32 v4, v3  }
0x181: {  	v35 =	vand.u32 $0x80000000, v1;
	v2 =	vmul.f32 v6, v2  }
0x182: {  	vm1 =	vgt.f32 v33, $5.000000000e-01;
	vm0 =	vgt.f32 v9, $5.000000000e-01;
	v3 =	vor.u32 v3, v35  }
0x183: {  	v2 =	vor.u32 v2, v35;
	v3 =	vsel vm1, v3, v1;
	v1 =	vmul.f32 v1, v1  }
0x184: {  	vm2 =	vgt.f32 v34, $5.000000000e-01;
	v2 =	vsel vm0, v2, v3  }
0x185: {  	s14 =	simm.s32 $0x4510;
	v1 =	vsel vm2, v1, v2  }
0x186: {  	[tilespmem:s14+$0xFFFFFF00] =	vst v1  }
0x187: {  	v1 =	vld [tilespmem:s15+$0xFFFFFF80];
	_ =	sdelay $0x4  }
0x188: {  	v2 =	vand.u32 $0x7FFFFFFF, v1  }
0x189: {  	v3 =	vadd.f32 $1.000000000e+00, v2;
	_ =	sdelay $0x1  }
0x18a: {  	v36 =	vand.u32 $0x7FFFFF, v3  }
0x18b: {  	v4 =	vor.u32 $0x3F800000, v36  }
0x18c: {  	v37 =	vmul.f32 $5.000000000e-01, v4  }
0x18d: {  	vm3 =	vgt.f32 v4, $1.414213540e+00  }
0x18e: {  	v4 =	vsel vm3, v37, v4  }
0x18f: {  	v4 =	vadd.f32 $-1.000000000e+00, v4;
	_ =	sdelay $0x1  }
0x190: {  	v38 =	vmul.f32 $1.250000000e-01, v4;
	_ =	sdelay $0x1  }
0x191: {  	v5 =	vsub.f32 $1.428571490e-01, v38;
	_ =	sdelay $0x1  }
0x192: {  	v5 =	vmul.f32 v5, v4;
	_ =	sdelay $0x1  }
0x193: {  	v5 =	vadd.f32 $-1.666666720e-01, v5;
	_ =	sdelay $0x1  }
0x194: {  	v5 =	vmul.f32 v5, v4;
	_ =	sdelay $0x1  }
0x195: {  	v5 =	vadd.f32 $2.000000030e-01, v5  }
0x196: {  	v2 =	vadd.f32 $1.000000020e-35, v2  }
0x197: {  	v5 =	vmul.f32 v5, v4  }
0x198: {  	v39 =	vshrl.u32 v2, $0x1;
	v40 =	vmul.f32 $5.000000000e-01, v2  }
0x199: {  	v6 =	vsub.s32 $0x5F3759DF, v39;
	v5 =	vadd.f32 $-2.500000000e-01, v5  }
0x19a: {  	v41 =	vmul.f32 v6, v40  }
0x19b: {  	v5 =	vmul.f32 v5, v4  }
0x19c: {  	v8 =	vmul.f32 v6, v41  }
0x19d: {  	v5 =	vadd.f32 $3.333333430e-01, v5  }
0x19e: {  	v8 =	vsub.f32 $1.500000000e+00, v8  }
0x19f: {  	v5 =	vmul.f32 v5, v4  }
0x1a0: {  	v6 =	vmul.f32 v6, v8  }
0x1a1: {  	v5 =	vadd.f32 $-5.000000000e-01, v5  }
0x1a2: {  	v3 =	vshrl.u32 v3, $0x17;
	v42 =	vsel vm3, $0x1, v0;
	v7 =	vmul.f32 v6, v40  }
0x1a3: {  	v3 =	vadd.s32 v42, v3;
	v5 =	vmul.f32 v5, v4  }
0x1a4: {  	v3 =	vadd.s32 $0xFFFFFF81, v3;
	v7 =	vmul.f32 v7, v6  }
0x1a5: {  	v3 =	vcvt.s32.f32 v3;
	v5 =	vadd.f32 $1.000000000e+00, v5  }
0x1a6: {  	v7 =	vsub.f32 $1.500000000e+00, v7  }
0x1a7: {  	v3 =	vmul.f32 $6.931471820e-01, v3;
	v4 =	vmul.f32 v5, v4  }
0x1a8: {  	v43 =	vmul.f32 v7, v6  }
0x1a9: {  	v3 =	vadd.f32 v4, v3  }
0x1aa: {  	v44 =	vand.u32 $0x80000000, v1;
	v2 =	vmul.f32 v43, v2  }
0x1ab: {  	v3 =	vor.u32 v3, v44  }
0x1ac: {  	v2 =	vor.u32 v2, v44;
	v3 =	vsel vm1, v3, v1;
	v1 =	vmul.f32 v1, v1  }
0x1ad: {  	v2 =	vsel vm0, v2, v3  }
0x1ae: {  	v1 =	vsel vm2, v1, v2  }
0x1af: {  	[tilespmem:s14+$0xFFFFFF80] =	vst v1  }
0x1b0: {  	v1 =	vld [tilespmem:s15+$0x0];
	_ =	sdelay $0x4  }
0x1b1: {  	v2 =	vand.u32 $0x7FFFFFFF, v1  }
0x1b2: {  	v3 =	vadd.f32 $1.000000000e+00, v2;
	_ =	sdelay $0x1  }
0x1b3: {  	v45 =	vand.u32 $0x7FFFFF, v3  }
0x1b4: {  	v4 =	vor.u32 $0x3F800000, v45  }
0x1b5: {  	v46 =	vmul.f32 $5.000000000e-01, v4  }
0x1b6: {  	vm3 =	vgt.f32 v4, $1.414213540e+00  }
0x1b7: {  	v4 =	vsel vm3, v46, v4  }
0x1b8: {  	v4 =	vadd.f32 $-1.000000000e+00, v4;
	_ =	sdelay $0x1  }
0x1b9: {  	v47 =	vmul.f32 $1.250000000e-01, v4;
	_ =	sdelay $0x1  }
0x1ba: {  	v5 =	vsub.f32 $1.428571490e-01, v47;
	_ =	sdelay $0x1  }
0x1bb: {  	v5 =	vmul.f32 v5, v4;
	_ =	sdelay $0x1  }
0x1bc: {  	v5 =	vadd.f32 $-1.666666720e-01, v5;
	_ =	sdelay $0x1  }
0x1bd: {  	v5 =	vmul.f32 v5, v4;
	_ =	sdelay $0x1  }
0x1be: {  	v5 =	vadd.f32 $2.000000030e-01, v5  }
0x1bf: {  	v2 =	vadd.f32 $1.000000020e-35, v2  }
0x1c0: {  	v5 =	vmul.f32 v5, v4  }
0x1c1: {  	v48 =	vshrl.u32 v2, $0x1;
	v49 =	vmul.f32 $5.000000000e-01, v2  }
0x1c2: {  	v6 =	vsub.s32 $0x5F3759DF, v48;
	v5 =	vadd.f32 $-2.500000000e-01, v5  }
0x1c3: {  	v50 =	vmul.f32 v6, v49  }
0x1c4: {  	v5 =	vmul.f32 v5, v4  }
0x1c5: {  	v8 =	vmul.f32 v6, v50  }
0x1c6: {  	v5 =	vadd.f32 $3.333333430e-01, v5  }
0x1c7: {  	v8 =	vsub.f32 $1.500000000e+00, v8  }
0x1c8: {  	v5 =	vmul.f32 v5, v4  }
0x1c9: {  	v6 =	vmul.f32 v6, v8  }
0x1ca: {  	v5 =	vadd.f32 $-5.000000000e-01, v5  }
0x1cb: {  	v3 =	vshrl.u32 v3, $0x17;
	v51 =	vsel vm3, $0x1, v0;
	v7 =	vmul.f32 v6, v49  }
0x1cc: {  	v3 =	vadd.s32 v51, v3;
	v5 =	vmul.f32 v5, v4  }
0x1cd: {  	v3 =	vadd.s32 $0xFFFFFF81, v3;
	v7 =	vmul.f32 v7, v6  }
0x1ce: {  	v3 =	vcvt.s32.f32 v3;
	v5 =	vadd.f32 $1.000000000e+00, v5  }
0x1cf: {  	v7 =	vsub.f32 $1.500000000e+00, v7  }
0x1d0: {  	v3 =	vmul.f32 $6.931471820e-01, v3;
	v4 =	vmul.f32 v5, v4  }
0x1d1: {  	v52 =	vmul.f32 v7, v6  }
0x1d2: {  	v3 =	vadd.f32 v4, v3  }
0x1d3: {  	v53 =	vand.u32 $0x80000000, v1;
	v2 =	vmul.f32 v52, v2  }
0x1d4: {  	v3 =	vor.u32 v3, v53  }
0x1d5: {  	v2 =	vor.u32 v2, v53;
	v3 =	vsel vm1, v3, v1;
	v1 =	vmul.f32 v1, v1  }
0x1d6: {  	v2 =	vsel vm0, v2, v3  }
0x1d7: {  	v1 =	vsel vm2, v1, v2  }
0x1d8: {  	[tilespmem:s14+$0x0] =	vst v1  }
0x1d9: {  	v1 =	vld [tilespmem:s15+$0x80];
	_ =	sdelay $0x4  }
0x1da: {  	v2 =	vand.u32 $0x7FFFFFFF, v1  }
0x1db: {  	v3 =	vadd.f32 $1.000000000e+00, v2;
	_ =	sdelay $0x1  }
0x1dc: {  	v54 =	vand.u32 $0x7FFFFF, v3  }
0x1dd: {  	v4 =	vor.u32 $0x3F800000, v54  }
0x1de: {  	v55 =	vmul.f32 $5.000000000e-01, v4  }
0x1df: {  	vm3 =	vgt.f32 v4, $1.414213540e+00  }
0x1e0: {  	v4 =	vsel vm3, v55, v4  }
0x1e1: {  	v4 =	vadd.f32 $-1.000000000e+00, v4;
	_ =	sdelay $0x1  }
0x1e2: {  	v56 =	vmul.f32 $1.250000000e-01, v4;
	_ =	sdelay $0x1  }
0x1e3: {  	v5 =	vsub.f32 $1.428571490e-01, v56;
	_ =	sdelay $0x1  }
0x1e4: {  	v5 =	vmul.f32 v5, v4;
	_ =	sdelay $0x1  }
0x1e5: {  	v5 =	vadd.f32 $-1.666666720e-01, v5;
	_ =	sdelay $0x1  }
0x1e6: {  	v5 =	vmul.f32 v5, v4;
	_ =	sdelay $0x1  }
0x1e7: {  	v5 =	vadd.f32 $2.000000030e-01, v5  }
0x1e8: {  	v2 =	vadd.f32 $1.000000020e-35, v2  }
0x1e9: {  	v5 =	vmul.f32 v5, v4  }
0x1ea: {  	v57 =	vshrl.u32 v2, $0x1;
	v58 =	vmul.f32 $5.000000000e-01, v2  }
0x1eb: {  	v6 =	vsub.s32 $0x5F3759DF, v57;
	v5 =	vadd.f32 $-2.500000000e-01, v5  }
0x1ec: {  	v59 =	vmul.f32 v6, v58  }
0x1ed: {  	v5 =	vmul.f32 v5, v4  }
0x1ee: {  	v8 =	vmul.f32 v6, v59  }
0x1ef: {  	v5 =	vadd.f32 $3.333333430e-01, v5  }
0x1f0: {  	v8 =	vsub.f32 $1.500000000e+00, v8  }
0x1f1: {  	v5 =	vmul.f32 v5, v4  }
0x1f2: {  	v6 =	vmul.f32 v6, v8  }
0x1f3: {  	v5 =	vadd.f32 $-5.000000000e-01, v5  }
0x1f4: {  	v3 =	vshrl.u32 v3, $0x17;
	v60 =	vsel vm3, $0x1, v0;
	v7 =	vmul.f32 v6, v58  }
0x1f5: {  	v3 =	vadd.s32 v60, v3;
	v5 =	vmul.f32 v5, v4  }
0x1f6: {  	v3 =	vadd.s32 $0xFFFFFF81, v3;
	v7 =	vmul.f32 v7, v6  }
0x1f7: {  	v3 =	vcvt.s32.f32 v3;
	v5 =	vadd.f32 $1.000000000e+00, v5  }
0x1f8: {  	v7 =	vsub.f32 $1.500000000e+00, v7  }
0x1f9: {  	v3 =	vmul.f32 $6.931471820e-01, v3;
	v4 =	vmul.f32 v5, v4  }
0x1fa: {  	v61 =	vmul.f32 v7, v6  }
0x1fb: {  	v3 =	vadd.f32 v4, v3  }
0x1fc: {  	v62 =	vand.u32 $0x80000000, v1;
	v2 =	vmul.f32 v61, v2  }
0x1fd: {  	v3 =	vor.u32 v3, v62  }
0x1fe: {  	v63 =	vmul.f32 v1, v1;
	v2 =	vor.u32 v2, v62;
	v1 =	vsel vm1, v3, v1  }
0x1ff: {  	v1 =	vsel vm0, v2, v1  }
0x200: {  	v1 =	vsel vm2, v63, v1  }
0x201: {  	s16 =	simm.s32 $0x710;
	s15 =	simm.s32 $0x0;
	[tilespmem:s14+$0x80] =	vst v1  }
.LBB2_5:
0x202: {  	v1 =	vld [tilespmem:s16+$0xFFFFFF00];
	s15 =	sadd.s32 $0x4, s15  }
0x203: {  	p0 =	slt.u32 s15, $0x7C;
	_ =	sdelay $0x3  }
0x204: {  	v2 =	vand.u32 $0x7FFFFFFF, v1  }
0x205: {  	v3 =	vadd.f32 $1.000000000e+00, v2;
	_ =	sdelay $0x1  }
0x206: {  	v4 =	vand.u32 $0x7FFFFF, v3  }
0x207: {  	v4 =	vor.u32 $0x3F800000, v4  }
0x208: {  	v5 =	vmul.f32 $5.000000000e-01, v4  }
0x209: {  	vm3 =	vgt.f32 v4, $1.414213540e+00  }
0x20a: {  	v4 =	vsel vm3, v5, v4  }
0x20b: {  	v4 =	vadd.f32 $-1.000000000e+00, v4;
	_ =	sdelay $0x1  }
0x20c: {  	v5 =	vmul.f32 $1.250000000e-01, v4;
	_ =	sdelay $0x1  }
0x20d: {  	v5 =	vsub.f32 $1.428571490e-01, v5;
	_ =	sdelay $0x1  }
0x20e: {  	v5 =	vmul.f32 v5, v4;
	_ =	sdelay $0x1  }
0x20f: {  	v5 =	vadd.f32 $-1.666666720e-01, v5;
	_ =	sdelay $0x1  }
0x210: {  	v5 =	vmul.f32 v5, v4;
	_ =	sdelay $0x1  }
0x211: {  	v5 =	vadd.f32 $2.000000030e-01, v5  }
0x212: {  	v2 =	vadd.f32 $1.000000020e-35, v2  }
0x213: {  	v5 =	vmul.f32 v5, v4  }
0x214: {  	v6 =	vshrl.u32 v2, $0x1;
	v7 =	vmul.f32 $5.000000000e-01, v2  }
0x215: {  	v6 =	vsub.s32 $0x5F3759DF, v6;
	v5 =	vadd.f32 $-2.500000000e-01, v5  }
0x216: {  	v8 =	vmul.f32 v6, v7  }
0x217: {  	v5 =	vmul.f32 v5, v4  }
0x218: {  	v8 =	vmul.f32 v6, v8  }
0x219: {  	v5 =	vadd.f32 $3.333333430e-01, v5  }
0x21a: {  	v8 =	vsub.f32 $1.500000000e+00, v8  }
0x21b: {  	v5 =	vmul.f32 v5, v4  }
0x21c: {  	v6 =	vmul.f32 v6, v8  }
0x21d: {  	v5 =	vadd.f32 $-5.000000000e-01, v5  }
0x21e: {  	v3 =	vshrl.u32 v3, $0x17;
	v8 =	vsel vm3, $0x1, v0;
	v7 =	vmul.f32 v6, v7  }
0x21f: {  	v3 =	vadd.s32 v8, v3;
	v5 =	vmul.f32 v5, v4  }
0x220: {  	v3 =	vadd.s32 $0xFFFFFF81, v3;
	v7 =	vmul.f32 v7, v6  }
0x221: {  	v3 =	vcvt.s32.f32 v3;
	v5 =	vadd.f32 $1.000000000e+00, v5  }
0x222: {  	v7 =	vsub.f32 $1.500000000e+00, v7  }
0x223: {  	v3 =	vmul.f32 $6.931471820e-01, v3;
	v4 =	vmul.f32 v5, v4  }
0x224: {  	v5 =	vmul.f32 v7, v6  }
0x225: {  	v3 =	vadd.f32 v4, v3  }
0x226: {  	v4 =	vand.u32 $0x80000000, v1;
	v2 =	vmul.f32 v5, v2  }
0x227: {  	v3 =	vor.u32 v3, v4  }
0x228: {  	v2 =	vor.u32 v2, v4;
	v3 =	vsel vm1, v3, v1;
	v1 =	vmul.f32 v1, v1  }
0x229: {  	v2 =	vsel vm0, v2, v3  }
0x22a: {  	s14 =	sadd.s32 $0x200, s14;
	v1 =	vsel vm2, v1, v2  }
0x22b: {  	[tilespmem:s14+$0xFFFFFF00] =	vst v1  }
0x22c: {  	v1 =	vld [tilespmem:s16+$0xFFFFFF80];
	_ =	sdelay $0x4  }
0x22d: {  	v2 =	vand.u32 $0x7FFFFFFF, v1  }
0x22e: {  	v3 =	vadd.f32 $1.000000000e+00, v2;
	_ =	sdelay $0x1  }
0x22f: {  	v4 =	vand.u32 $0x7FFFFF, v3  }
0x230: {  	v4 =	vor.u32 $0x3F800000, v4  }
0x231: {  	v5 =	vmul.f32 $5.000000000e-01, v4  }
0x232: {  	vm3 =	vgt.f32 v4, $1.414213540e+00  }
0x233: {  	v4 =	vsel vm3, v5, v4  }
0x234: {  	v4 =	vadd.f32 $-1.000000000e+00, v4;
	_ =	sdelay $0x1  }
0x235: {  	v5 =	vmul.f32 $1.250000000e-01, v4;
	_ =	sdelay $0x1  }
0x236: {  	v5 =	vsub.f32 $1.428571490e-01, v5;
	_ =	sdelay $0x1  }
0x237: {  	v5 =	vmul.f32 v5, v4;
	_ =	sdelay $0x1  }
0x238: {  	v5 =	vadd.f32 $-1.666666720e-01, v5;
	_ =	sdelay $0x1  }
0x239: {  	v5 =	vmul.f32 v5, v4;
	_ =	sdelay $0x1  }
0x23a: {  	v5 =	vadd.f32 $2.000000030e-01, v5  }
0x23b: {  	v2 =	vadd.f32 $1.000000020e-35, v2  }
0x23c: {  	v5 =	vmul.f32 v5, v4  }
0x23d: {  	v6 =	vshrl.u32 v2, $0x1;
	v7 =	vmul.f32 $5.000000000e-01, v2  }
0x23e: {  	v6 =	vsub.s32 $0x5F3759DF, v6;
	v5 =	vadd.f32 $-2.500000000e-01, v5  }
0x23f: {  	v8 =	vmul.f32 v6, v7  }
0x240: {  	v5 =	vmul.f32 v5, v4  }
0x241: {  	v8 =	vmul.f32 v6, v8  }
0x242: {  	v5 =	vadd.f32 $3.333333430e-01, v5  }
0x243: {  	v8 =	vsub.f32 $1.500000000e+00, v8  }
0x244: {  	v5 =	vmul.f32 v5, v4  }
0x245: {  	v6 =	vmul.f32 v6, v8  }
0x246: {  	v5 =	vadd.f32 $-5.000000000e-01, v5  }
0x247: {  	v3 =	vshrl.u32 v3, $0x17;
	v8 =	vsel vm3, $0x1, v0;
	v7 =	vmul.f32 v6, v7  }
0x248: {  	v3 =	vadd.s32 v8, v3;
	v5 =	vmul.f32 v5, v4  }
0x249: {  	v3 =	vadd.s32 $0xFFFFFF81, v3;
	v7 =	vmul.f32 v7, v6  }
0x24a: {  	v3 =	vcvt.s32.f32 v3;
	v5 =	vadd.f32 $1.000000000e+00, v5  }
0x24b: {  	v7 =	vsub.f32 $1.500000000e+00, v7  }
0x24c: {  	v3 =	vmul.f32 $6.931471820e-01, v3;
	v4 =	vmul.f32 v5, v4  }
0x24d: {  	v5 =	vmul.f32 v7, v6  }
0x24e: {  	v3 =	vadd.f32 v4, v3  }
0x24f: {  	v4 =	vand.u32 $0x80000000, v1;
	v2 =	vmul.f32 v5, v2  }
0x250: {  	v3 =	vor.u32 v3, v4  }
0x251: {  	v2 =	vor.u32 v2, v4;
	v3 =	vsel vm1, v3, v1;
	v1 =	vmul.f32 v1, v1  }
0x252: {  	v2 =	vsel vm0, v2, v3  }
0x253: {  	v1 =	vsel vm2, v1, v2  }
0x254: {  	[tilespmem:s14+$0xFFFFFF80] =	vst v1  }
0x255: {  	v1 =	vld [tilespmem:s16+$0x0];
	_ =	sdelay $0x4  }
0x256: {  	v2 =	vand.u32 $0x7FFFFFFF, v1  }
0x257: {  	v3 =	vadd.f32 $1.000000000e+00, v2;
	_ =	sdelay $0x1  }
0x258: {  	v4 =	vand.u32 $0x7FFFFF, v3  }
0x259: {  	v4 =	vor.u32 $0x3F800000, v4  }
0x25a: {  	v5 =	vmul.f32 $5.000000000e-01, v4  }
0x25b: {  	vm3 =	vgt.f32 v4, $1.414213540e+00  }
0x25c: {  	v4 =	vsel vm3, v5, v4  }
0x25d: {  	v4 =	vadd.f32 $-1.000000000e+00, v4;
	_ =	sdelay $0x1  }
0x25e: {  	v5 =	vmul.f32 $1.250000000e-01, v4;
	_ =	sdelay $0x1  }
0x25f: {  	v5 =	vsub.f32 $1.428571490e-01, v5;
	_ =	sdelay $0x1  }
0x260: {  	v5 =	vmul.f32 v5, v4;
	_ =	sdelay $0x1  }
0x261: {  	v5 =	vadd.f32 $-1.666666720e-01, v5;
	_ =	sdelay $0x1  }
0x262: {  	v5 =	vmul.f32 v5, v4;
	_ =	sdelay $0x1  }
0x263: {  	v5 =	vadd.f32 $2.000000030e-01, v5  }
0x264: {  	v2 =	vadd.f32 $1.000000020e-35, v2  }
0x265: {  	v5 =	vmul.f32 v5, v4  }
0x266: {  	v6 =	vshrl.u32 v2, $0x1;
	v7 =	vmul.f32 $5.000000000e-01, v2  }
0x267: {  	v6 =	vsub.s32 $0x5F3759DF, v6;
	v5 =	vadd.f32 $-2.500000000e-01, v5  }
0x268: {  	v8 =	vmul.f32 v6, v7  }
0x269: {  	v5 =	vmul.f32 v5, v4  }
0x26a: {  	v8 =	vmul.f32 v6, v8  }
0x26b: {  	v5 =	vadd.f32 $3.333333430e-01, v5  }
0x26c: {  	v8 =	vsub.f32 $1.500000000e+00, v8  }
0x26d: {  	v5 =	vmul.f32 v5, v4  }
0x26e: {  	v6 =	vmul.f32 v6, v8  }
0x26f: {  	v5 =	vadd.f32 $-5.000000000e-01, v5  }
0x270: {  	v3 =	vshrl.u32 v3, $0x17;
	v8 =	vsel vm3, $0x1, v0;
	v7 =	vmul.f32 v6, v7  }
0x271: {  	v3 =	vadd.s32 v8, v3;
	v5 =	vmul.f32 v5, v4  }
0x272: {  	v3 =	vadd.s32 $0xFFFFFF81, v3;
	v7 =	vmul.f32 v7, v6  }
0x273: {  	v3 =	vcvt.s32.f32 v3;
	v5 =	vadd.f32 $1.000000000e+00, v5  }
0x274: {  	v7 =	vsub.f32 $1.500000000e+00, v7  }
0x275: {  	v3 =	vmul.f32 $6.931471820e-01, v3;
	v4 =	vmul.f32 v5, v4  }
0x276: {  	v5 =	vmul.f32 v7, v6  }
0x277: {  	v3 =	vadd.f32 v4, v3  }
0x278: {  	v4 =	vand.u32 $0x80000000, v1;
	v2 =	vmul.f32 v5, v2  }
0x279: {  	v3 =	vor.u32 v3, v4  }
0x27a: {  	v2 =	vor.u32 v2, v4;
	v3 =	vsel vm1, v3, v1;
	v1 =	vmul.f32 v1, v1  }
0x27b: {  	v2 =	vsel vm0, v2, v3  }
0x27c: {  	v1 =	vsel vm2, v1, v2  }
0x27d: {  	[tilespmem:s14+$0x0] =	vst v1  }
0x27e: {  	v1 =	vld [tilespmem:s16+$0x80];
	_ =	sdelay $0x4  }
0x27f: {  	v2 =	vand.u32 $0x80000000, v1;
	v3 =	vand.u32 $0x7FFFFFFF, v1;
	v4 =	vmul.f32 v1, v1  }
0x280: {  	v5 =	vadd.f32 $1.000000000e+00, v3;
	v3 =	vadd.f32 $1.000000020e-35, v3;
	_ =	sdelay $0x1  }
0x281: {  	v6 =	vshrl.u32 v5, $0x17;
	v5 =	vand.u32 $0x7FFFFF, v5  }
0x282: {  	v5 =	vor.u32 $0x3F800000, v5  }
0x283: {  	vm3 =	vgt.f32 v5, $1.414213540e+00;
	v7 =	vmul.f32 $5.000000000e-01, v5;
	_ =	sdelay $0x1  }
0x284: {  	v5 =	vsel vm3, v7, v5  }
0x285: {  	v5 =	vadd.f32 $-1.000000000e+00, v5;
	_ =	sdelay $0x1  }
0x286: {  	v7 =	vmul.f32 $1.250000000e-01, v5;
	_ =	sdelay $0x1  }
0x287: {  	v7 =	vsub.f32 $1.428571490e-01, v7;
	_ =	sdelay $0x1  }
0x288: {  	v7 =	vmul.f32 v7, v5;
	_ =	sdelay $0x1  }
0x289: {  	v7 =	vadd.f32 $-1.666666720e-01, v7;
	_ =	sdelay $0x1  }
0x28a: {  	v7 =	vmul.f32 v7, v5;
	_ =	sdelay $0x1  }
0x28b: {  	v7 =	vadd.f32 $2.000000030e-01, v7;
	_ =	sdelay $0x1  }
0x28c: {  	v7 =	vmul.f32 v7, v5  }
0x28d: {  	v8 =	vshrl.u32 v3, $0x1;
	v9 =	vmul.f32 $5.000000000e-01, v3  }
0x28e: {  	v8 =	vsub.s32 $0x5F3759DF, v8;
	v7 =	vadd.f32 $-2.500000000e-01, v7  }
0x28f: {  	v10 =	vmul.f32 v8, v9  }
0x290: {  	v7 =	vmul.f32 v7, v5  }
0x291: {  	v10 =	vmul.f32 v8, v10  }
0x292: {  	v7 =	vadd.f32 $3.333333430e-01, v7  }
0x293: {  	v10 =	vsub.f32 $1.500000000e+00, v10  }
0x294: {  	v7 =	vmul.f32 v7, v5  }
0x295: {  	v8 =	vmul.f32 v8, v10  }
0x296: {  	v7 =	vadd.f32 $-5.000000000e-01, v7  }
0x297: {  	v10 =	vsel vm3, $0x1, v0;
	v9 =	vmul.f32 v8, v9  }
0x298: {  	v6 =	vadd.s32 v10, v6;
	v7 =	vmul.f32 v7, v5  }
0x299: {  	v6 =	vadd.s32 $0xFFFFFF81, v6;
	v9 =	vmul.f32 v9, v8  }
0x29a: {  	v6 =	vcvt.s32.f32 v6;
	v7 =	vadd.f32 $1.000000000e+00, v7  }
0x29b: {  	v9 =	vsub.f32 $1.500000000e+00, v9  }
0x29c: {  	v6 =	vmul.f32 $6.931471820e-01, v6;
	v5 =	vmul.f32 v7, v5  }
0x29d: {  	v7 =	vmul.f32 v9, v8  }
0x29e: {  	v5 =	vadd.f32 v5, v6  }
0x29f: {  	v3 =	vmul.f32 v7, v3  }
.Ltmp1:
0x2a0: {  	v5 =	vor.u32 v5, v2;
	(pc) =	sbr.rel @p0 .LBB2_5-.Ltmp1, $4  }
0x2a1: {  	v2 =	vor.u32 v3, v2;
	v1 =	vsel vm1, v5, v1  }
0x2a2: {  	v1 =	vsel vm0, v2, v1  }
0x2a3: {  	v1 =	vsel vm2, v4, v1  }
0x2a4: {  	s16 =	sadd.s32 $0x200, s16;
	[tilespmem:s14+$0x80] =	vst v1  }
0x2a5: {  	s15 =	simm.s32 $0x520  }
0x2a6: {  	v1 =	vld [tilespmem:s15+$0xFFFFFF00];
	_ =	sdelay $0x4  }
0x2a7: {  	v2 =	vand.u32 $0x7FFFFFFF, v1  }
0x2a8: {  	v3 =	vadd.f32 $1.000000000e+00, v2;
	_ =	sdelay $0x1  }
0x2a9: {  	v4 =	vand.u32 $0x7FFFFF, v3  }
0x2aa: {  	v4 =	vor.u32 $0x3F800000, v4  }
0x2ab: {  	v5 =	vmul.f32 $5.000000000e-01, v4  }
0x2ac: {  	vm0 =	vgt.f32 v4, $1.414213540e+00  }
0x2ad: {  	v4 =	vsel vm0, v5, v4  }
0x2ae: {  	v4 =	vadd.f32 $-1.000000000e+00, v4;
	_ =	sdelay $0x1  }
0x2af: {  	v31 =	vmul.f32 $1.250000000e-01, v4;
	_ =	sdelay $0x1  }
0x2b0: {  	v5 =	vsub.f32 $1.428571490e-01, v31;
	_ =	sdelay $0x1  }
0x2b1: {  	v5 =	vmul.f32 v5, v4;
	_ =	sdelay $0x1  }
0x2b2: {  	v5 =	vadd.f32 $-1.666666720e-01, v5;
	_ =	sdelay $0x1  }
0x2b3: {  	v5 =	vmul.f32 v5, v4;
	_ =	sdelay $0x1  }
0x2b4: {  	v5 =	vadd.f32 $2.000000030e-01, v5  }
0x2b5: {  	v2 =	vadd.f32 $1.000000020e-35, v2  }
0x2b6: {  	v5 =	vmul.f32 v5, v4  }
0x2b7: {  	v6 =	vshrl.u32 v2, $0x1;
	v7 =	vmul.f32 $5.000000000e-01, v2  }
0x2b8: {  	v6 =	vsub.s32 $0x5F3759DF, v6;
	v5 =	vadd.f32 $-2.500000000e-01, v5  }
0x2b9: {  	v8 =	vmul.f32 v6, v7  }
0x2ba: {  	v5 =	vmul.f32 v5, v4  }
0x2bb: {  	v8 =	vmul.f32 v6, v8  }
0x2bc: {  	v5 =	vadd.f32 $3.333333430e-01, v5  }
0x2bd: {  	v8 =	vsub.f32 $1.500000000e+00, v8  }
0x2be: {  	v5 =	vmul.f32 v5, v4  }
0x2bf: {  	v6 =	vmul.f32 v6, v8  }
0x2c0: {  	v5 =	vadd.f32 $-5.000000000e-01, v5  }
0x2c1: {  	v3 =	vshrl.u32 v3, $0x17;
	v32 =	vsel vm0, $0x1, v0;
	v7 =	vmul.f32 v6, v7  }
0x2c2: {  	v3 =	vadd.s32 v32, v3;
	v5 =	vmul.f32 v5, v4  }
0x2c3: {  	v3 =	vadd.s32 $0xFFFFFF81, v3;
	v7 =	vmul.f32 v7, v6  }
0x2c4: {  	v33 =	vld [tilespmem:$0xA0];
	v3 =	vcvt.s32.f32 v3;
	v5 =	vadd.f32 $1.000000000e+00, v5  }
0x2c5: {  	v9 =	vld [tilespmem:$0x120];
	v7 =	vsub.f32 $1.500000000e+00, v7  }
0x2c6: {  	v3 =	vmul.f32 $6.931471820e-01, v3;
	v4 =	vmul.f32 v5, v4  }
0x2c7: {  	v34 =	vld [tilespmem:$0x1A0];
	v6 =	vmul.f32 v7, v6  }
0x2c8: {  	v3 =	vadd.f32 v4, v3  }
0x2c9: {  	v35 =	vand.u32 $0x80000000, v1;
	v2 =	vmul.f32 v6, v2  }
0x2ca: {  	vm1 =	vgt.f32 v33, $5.000000000e-01;
	vm0 =	vgt.f32 v9, $5.000000000e-01;
	v3 =	vor.u32 v3, v35  }
0x2cb: {  	v2 =	vor.u32 v2, v35;
	v3 =	vsel vm1, v3, v1;
	v1 =	vmul.f32 v1, v1  }
0x2cc: {  	vm2 =	vgt.f32 v34, $5.000000000e-01;
	v2 =	vsel vm0, v2, v3  }
0x2cd: {  	s14 =	simm.s32 $0x4520;
	v1 =	vsel vm2, v1, v2  }
0x2ce: {  	[tilespmem:s14+$0xFFFFFF00] =	vst v1  }
0x2cf: {  	v1 =	vld [tilespmem:s15+$0xFFFFFF80];
	_ =	sdelay $0x4  }
0x2d0: {  	v2 =	vand.u32 $0x7FFFFFFF, v1  }
0x2d1: {  	v3 =	vadd.f32 $1.000000000e+00, v2;
	_ =	sdelay $0x1  }
0x2d2: {  	v36 =	vand.u32 $0x7FFFFF, v3  }
0x2d3: {  	v4 =	vor.u32 $0x3F800000, v36  }
0x2d4: {  	v37 =	vmul.f32 $5.000000000e-01, v4  }
0x2d5: {  	vm3 =	vgt.f32 v4, $1.414213540e+00  }
0x2d6: {  	v4 =	vsel vm3, v37, v4  }
0x2d7: {  	v4 =	vadd.f32 $-1.000000000e+00, v4;
	_ =	sdelay $0x1  }
0x2d8: {  	v38 =	vmul.f32 $1.250000000e-01, v4;
	_ =	sdelay $0x1  }
0x2d9: {  	v5 =	vsub.f32 $1.428571490e-01, v38;
	_ =	sdelay $0x1  }
0x2da: {  	v5 =	vmul.f32 v5, v4;
	_ =	sdelay $0x1  }
0x2db: {  	v5 =	vadd.f32 $-1.666666720e-01, v5;
	_ =	sdelay $0x1  }
0x2dc: {  	v5 =	vmul.f32 v5, v4;
	_ =	sdelay $0x1  }
0x2dd: {  	v5 =	vadd.f32 $2.000000030e-01, v5  }
0x2de: {  	v2 =	vadd.f32 $1.000000020e-35, v2  }
0x2df: {  	v5 =	vmul.f32 v5, v4  }
0x2e0: {  	v39 =	vshrl.u32 v2, $0x1;
	v40 =	vmul.f32 $5.000000000e-01, v2  }
0x2e1: {  	v6 =	vsub.s32 $0x5F3759DF, v39;
	v5 =	vadd.f32 $-2.500000000e-01, v5  }
0x2e2: {  	v41 =	vmul.f32 v6, v40  }
0x2e3: {  	v5 =	vmul.f32 v5, v4  }
0x2e4: {  	v8 =	vmul.f32 v6, v41  }
0x2e5: {  	v5 =	vadd.f32 $3.333333430e-01, v5  }
0x2e6: {  	v8 =	vsub.f32 $1.500000000e+00, v8  }
0x2e7: {  	v5 =	vmul.f32 v5, v4  }
0x2e8: {  	v6 =	vmul.f32 v6, v8  }
0x2e9: {  	v5 =	vadd.f32 $-5.000000000e-01, v5  }
0x2ea: {  	v3 =	vshrl.u32 v3, $0x17;
	v42 =	vsel vm3, $0x1, v0;
	v7 =	vmul.f32 v6, v40  }
0x2eb: {  	v3 =	vadd.s32 v42, v3;
	v5 =	vmul.f32 v5, v4  }
0x2ec: {  	v3 =	vadd.s32 $0xFFFFFF81, v3;
	v7 =	vmul.f32 v7, v6  }
0x2ed: {  	v3 =	vcvt.s32.f32 v3;
	v5 =	vadd.f32 $1.000000000e+00, v5  }
0x2ee: {  	v7 =	vsub.f32 $1.500000000e+00, v7  }
0x2ef: {  	v3 =	vmul.f32 $6.931471820e-01, v3;
	v4 =	vmul.f32 v5, v4  }
0x2f0: {  	v43 =	vmul.f32 v7, v6  }
0x2f1: {  	v3 =	vadd.f32 v4, v3  }
0x2f2: {  	v44 =	vand.u32 $0x80000000, v1;
	v2 =	vmul.f32 v43, v2  }
0x2f3: {  	v3 =	vor.u32 v3, v44  }
0x2f4: {  	v2 =	vor.u32 v2, v44;
	v3 =	vsel vm1, v3, v1;
	v1 =	vmul.f32 v1, v1  }
0x2f5: {  	v2 =	vsel vm0, v2, v3  }
0x2f6: {  	v1 =	vsel vm2, v1, v2  }
0x2f7: {  	[tilespmem:s14+$0xFFFFFF80] =	vst v1  }
0x2f8: {  	v1 =	vld [tilespmem:s15+$0x0];
	_ =	sdelay $0x4  }
0x2f9: {  	v2 =	vand.u32 $0x7FFFFFFF, v1  }
0x2fa: {  	v3 =	vadd.f32 $1.000000000e+00, v2;
	_ =	sdelay $0x1  }
0x2fb: {  	v45 =	vand.u32 $0x7FFFFF, v3  }
0x2fc: {  	v4 =	vor.u32 $0x3F800000, v45  }
0x2fd: {  	v46 =	vmul.f32 $5.000000000e-01, v4  }
0x2fe: {  	vm3 =	vgt.f32 v4, $1.414213540e+00  }
0x2ff: {  	v4 =	vsel vm3, v46, v4  }
0x300: {  	v4 =	vadd.f32 $-1.000000000e+00, v4;
	_ =	sdelay $0x1  }
0x301: {  	v47 =	vmul.f32 $1.250000000e-01, v4;
	_ =	sdelay $0x1  }
0x302: {  	v5 =	vsub.f32 $1.428571490e-01, v47;
	_ =	sdelay $0x1  }
0x303: {  	v5 =	vmul.f32 v5, v4;
	_ =	sdelay $0x1  }
0x304: {  	v5 =	vadd.f32 $-1.666666720e-01, v5;
	_ =	sdelay $0x1  }
0x305: {  	v5 =	vmul.f32 v5, v4;
	_ =	sdelay $0x1  }
0x306: {  	v5 =	vadd.f32 $2.000000030e-01, v5  }
0x307: {  	v2 =	vadd.f32 $1.000000020e-35, v2  }
0x308: {  	v5 =	vmul.f32 v5, v4  }
0x309: {  	v48 =	vshrl.u32 v2, $0x1;
	v49 =	vmul.f32 $5.000000000e-01, v2  }
0x30a: {  	v6 =	vsub.s32 $0x5F3759DF, v48;
	v5 =	vadd.f32 $-2.500000000e-01, v5  }
0x30b: {  	v50 =	vmul.f32 v6, v49  }
0x30c: {  	v5 =	vmul.f32 v5, v4  }
0x30d: {  	v8 =	vmul.f32 v6, v50  }
0x30e: {  	v5 =	vadd.f32 $3.333333430e-01, v5  }
0x30f: {  	v8 =	vsub.f32 $1.500000000e+00, v8  }
0x310: {  	v5 =	vmul.f32 v5, v4  }
0x311: {  	v6 =	vmul.f32 v6, v8  }
0x312: {  	v5 =	vadd.f32 $-5.000000000e-01, v5  }
0x313: {  	v3 =	vshrl.u32 v3, $0x17;
	v51 =	vsel vm3, $0x1, v0;
	v7 =	vmul.f32 v6, v49  }
0x314: {  	v3 =	vadd.s32 v51, v3;
	v5 =	vmul.f32 v5, v4  }
0x315: {  	v3 =	vadd.s32 $0xFFFFFF81, v3;
	v7 =	vmul.f32 v7, v6  }
0x316: {  	v3 =	vcvt.s32.f32 v3;
	v5 =	vadd.f32 $1.000000000e+00, v5  }
0x317: {  	v7 =	vsub.f32 $1.500000000e+00, v7  }
0x318: {  	v3 =	vmul.f32 $6.931471820e-01, v3;
	v4 =	vmul.f32 v5, v4  }
0x319: {  	v52 =	vmul.f32 v7, v6  }
0x31a: {  	v3 =	vadd.f32 v4, v3  }
0x31b: {  	v53 =	vand.u32 $0x80000000, v1;
	v2 =	vmul.f32 v52, v2  }
0x31c: {  	v3 =	vor.u32 v3, v53  }
0x31d: {  	v2 =	vor.u32 v2, v53;
	v3 =	vsel vm1, v3, v1;
	v1 =	vmul.f32 v1, v1  }
0x31e: {  	v2 =	vsel vm0, v2, v3  }
0x31f: {  	v1 =	vsel vm2, v1, v2  }
0x320: {  	[tilespmem:s14+$0x0] =	vst v1  }
0x321: {  	v1 =	vld [tilespmem:s15+$0x80];
	_ =	sdelay $0x4  }
0x322: {  	v2 =	vand.u32 $0x7FFFFFFF, v1  }
0x323: {  	v3 =	vadd.f32 $1.000000000e+00, v2;
	_ =	sdelay $0x1  }
0x324: {  	v54 =	vand.u32 $0x7FFFFF, v3  }
0x325: {  	v4 =	vor.u32 $0x3F800000, v54  }
0x326: {  	v55 =	vmul.f32 $5.000000000e-01, v4  }
0x327: {  	vm3 =	vgt.f32 v4, $1.414213540e+00  }
0x328: {  	v4 =	vsel vm3, v55, v4  }
0x329: {  	v4 =	vadd.f32 $-1.000000000e+00, v4;
	_ =	sdelay $0x1  }
0x32a: {  	v56 =	vmul.f32 $1.250000000e-01, v4;
	_ =	sdelay $0x1  }
0x32b: {  	v5 =	vsub.f32 $1.428571490e-01, v56;
	_ =	sdelay $0x1  }
0x32c: {  	v5 =	vmul.f32 v5, v4;
	_ =	sdelay $0x1  }
0x32d: {  	v5 =	vadd.f32 $-1.666666720e-01, v5;
	_ =	sdelay $0x1  }
0x32e: {  	v5 =	vmul.f32 v5, v4;
	_ =	sdelay $0x1  }
0x32f: {  	v5 =	vadd.f32 $2.000000030e-01, v5  }
0x330: {  	v2 =	vadd.f32 $1.000000020e-35, v2  }
0x331: {  	v5 =	vmul.f32 v5, v4  }
0x332: {  	v57 =	vshrl.u32 v2, $0x1;
	v58 =	vmul.f32 $5.000000000e-01, v2  }
0x333: {  	v6 =	vsub.s32 $0x5F3759DF, v57;
	v5 =	vadd.f32 $-2.500000000e-01, v5  }
0x334: {  	v59 =	vmul.f32 v6, v58  }
0x335: {  	v5 =	vmul.f32 v5, v4  }
0x336: {  	v8 =	vmul.f32 v6, v59  }
0x337: {  	v5 =	vadd.f32 $3.333333430e-01, v5  }
0x338: {  	v8 =	vsub.f32 $1.500000000e+00, v8  }
0x339: {  	v5 =	vmul.f32 v5, v4  }
0x33a: {  	v6 =	vmul.f32 v6, v8  }
0x33b: {  	v5 =	vadd.f32 $-5.000000000e-01, v5  }
0x33c: {  	v3 =	vshrl.u32 v3, $0x17;
	v60 =	vsel vm3, $0x1, v0;
	v7 =	vmul.f32 v6, v58  }
0x33d: {  	v3 =	vadd.s32 v60, v3;
	v5 =	vmul.f32 v5, v4  }
0x33e: {  	v3 =	vadd.s32 $0xFFFFFF81, v3;
	v7 =	vmul.f32 v7, v6  }
0x33f: {  	v3 =	vcvt.s32.f32 v3;
	v5 =	vadd.f32 $1.000000000e+00, v5  }
0x340: {  	v7 =	vsub.f32 $1.500000000e+00, v7  }
0x341: {  	v3 =	vmul.f32 $6.931471820e-01, v3;
	v4 =	vmul.f32 v5, v4  }
0x342: {  	v61 =	vmul.f32 v7, v6  }
0x343: {  	v3 =	vadd.f32 v4, v3  }
0x344: {  	v62 =	vand.u32 $0x80000000, v1;
	v2 =	vmul.f32 v61, v2  }
0x345: {  	v3 =	vor.u32 v3, v62  }
0x346: {  	v63 =	vmul.f32 v1, v1;
	v2 =	vor.u32 v2, v62;
	v1 =	vsel vm1, v3, v1  }
0x347: {  	v1 =	vsel vm0, v2, v1  }
0x348: {  	v1 =	vsel vm2, v63, v1  }
0x349: {  	s16 =	simm.s32 $0x720;
	s15 =	simm.s32 $0x0;
	[tilespmem:s14+$0x80] =	vst v1  }
.LBB2_7:
0x34a: {  	v1 =	vld [tilespmem:s16+$0xFFFFFF00];
	s15 =	sadd.s32 $0x4, s15  }
0x34b: {  	p0 =	slt.u32 s15, $0x7C;
	_ =	sdelay $0x3  }
0x34c: {  	v2 =	vand.u32 $0x7FFFFFFF, v1  }
0x34d: {  	v3 =	vadd.f32 $1.000000000e+00, v2;
	_ =	sdelay $0x1  }
0x34e: {  	v4 =	vand.u32 $0x7FFFFF, v3  }
0x34f: {  	v4 =	vor.u32 $0x3F800000, v4  }
0x350: {  	v5 =	vmul.f32 $5.000000000e-01, v4  }
0x351: {  	vm3 =	vgt.f32 v4, $1.414213540e+00  }
0x352: {  	v4 =	vsel vm3, v5, v4  }
0x353: {  	v4 =	vadd.f32 $-1.000000000e+00, v4;
	_ =	sdelay $0x1  }
0x354: {  	v5 =	vmul.f32 $1.250000000e-01, v4;
	_ =	sdelay $0x1  }
0x355: {  	v5 =	vsub.f32 $1.428571490e-01, v5;
	_ =	sdelay $0x1  }
0x356: {  	v5 =	vmul.f32 v5, v4;
	_ =	sdelay $0x1  }
0x357: {  	v5 =	vadd.f32 $-1.666666720e-01, v5;
	_ =	sdelay $0x1  }
0x358: {  	v5 =	vmul.f32 v5, v4;
	_ =	sdelay $0x1  }
0x359: {  	v5 =	vadd.f32 $2.000000030e-01, v5  }
0x35a: {  	v2 =	vadd.f32 $1.000000020e-35, v2  }
0x35b: {  	v5 =	vmul.f32 v5, v4  }
0x35c: {  	v6 =	vshrl.u32 v2, $0x1;
	v7 =	vmul.f32 $5.000000000e-01, v2  }
0x35d: {  	v6 =	vsub.s32 $0x5F3759DF, v6;
	v5 =	vadd.f32 $-2.500000000e-01, v5  }
0x35e: {  	v8 =	vmul.f32 v6, v7  }
0x35f: {  	v5 =	vmul.f32 v5, v4  }
0x360: {  	v8 =	vmul.f32 v6, v8  }
0x361: {  	v5 =	vadd.f32 $3.333333430e-01, v5  }
0x362: {  	v8 =	vsub.f32 $1.500000000e+00, v8  }
0x363: {  	v5 =	vmul.f32 v5, v4  }
0x364: {  	v6 =	vmul.f32 v6, v8  }
0x365: {  	v5 =	vadd.f32 $-5.000000000e-01, v5  }
0x366: {  	v3 =	vshrl.u32 v3, $0x17;
	v8 =	vsel vm3, $0x1, v0;
	v7 =	vmul.f32 v6, v7  }
0x367: {  	v3 =	vadd.s32 v8, v3;
	v5 =	vmul.f32 v5, v4  }
0x368: {  	v3 =	vadd.s32 $0xFFFFFF81, v3;
	v7 =	vmul.f32 v7, v6  }
0x369: {  	v3 =	vcvt.s32.f32 v3;
	v5 =	vadd.f32 $1.000000000e+00, v5  }
0x36a: {  	v7 =	vsub.f32 $1.500000000e+00, v7  }
0x36b: {  	v3 =	vmul.f32 $6.931471820e-01, v3;
	v4 =	vmul.f32 v5, v4  }
0x36c: {  	v5 =	vmul.f32 v7, v6  }
0x36d: {  	v3 =	vadd.f32 v4, v3  }
0x36e: {  	v4 =	vand.u32 $0x80000000, v1;
	v2 =	vmul.f32 v5, v2  }
0x36f: {  	v3 =	vor.u32 v3, v4  }
0x370: {  	v2 =	vor.u32 v2, v4;
	v3 =	vsel vm1, v3, v1;
	v1 =	vmul.f32 v1, v1  }
0x371: {  	v2 =	vsel vm0, v2, v3  }
0x372: {  	s14 =	sadd.s32 $0x200, s14;
	v1 =	vsel vm2, v1, v2  }
0x373: {  	[tilespmem:s14+$0xFFFFFF00] =	vst v1  }
0x374: {  	v1 =	vld [tilespmem:s16+$0xFFFFFF80];
	_ =	sdelay $0x4  }
0x375: {  	v2 =	vand.u32 $0x7FFFFFFF, v1  }
0x376: {  	v3 =	vadd.f32 $1.000000000e+00, v2;
	_ =	sdelay $0x1  }
0x377: {  	v4 =	vand.u32 $0x7FFFFF, v3  }
0x378: {  	v4 =	vor.u32 $0x3F800000, v4  }
0x379: {  	v5 =	vmul.f32 $5.000000000e-01, v4  }
0x37a: {  	vm3 =	vgt.f32 v4, $1.414213540e+00  }
0x37b: {  	v4 =	vsel vm3, v5, v4  }
0x37c: {  	v4 =	vadd.f32 $-1.000000000e+00, v4;
	_ =	sdelay $0x1  }
0x37d: {  	v5 =	vmul.f32 $1.250000000e-01, v4;
	_ =	sdelay $0x1  }
0x37e: {  	v5 =	vsub.f32 $1.428571490e-01, v5;
	_ =	sdelay $0x1  }
0x37f: {  	v5 =	vmul.f32 v5, v4;
	_ =	sdelay $0x1  }
0x380: {  	v5 =	vadd.f32 $-1.666666720e-01, v5;
	_ =	sdelay $0x1  }
0x381: {  	v5 =	vmul.f32 v5, v4;
	_ =	sdelay $0x1  }
0x382: {  	v5 =	vadd.f32 $2.000000030e-01, v5  }
0x383: {  	v2 =	vadd.f32 $1.000000020e-35, v2  }
0x384: {  	v5 =	vmul.f32 v5, v4  }
0x385: {  	v6 =	vshrl.u32 v2, $0x1;
	v7 =	vmul.f32 $5.000000000e-01, v2  }
0x386: {  	v6 =	vsub.s32 $0x5F3759DF, v6;
	v5 =	vadd.f32 $-2.500000000e-01, v5  }
0x387: {  	v8 =	vmul.f32 v6, v7  }
0x388: {  	v5 =	vmul.f32 v5, v4  }
0x389: {  	v8 =	vmul.f32 v6, v8  }
0x38a: {  	v5 =	vadd.f32 $3.333333430e-01, v5  }
0x38b: {  	v8 =	vsub.f32 $1.500000000e+00, v8  }
0x38c: {  	v5 =	vmul.f32 v5, v4  }
0x38d: {  	v6 =	vmul.f32 v6, v8  }
0x38e: {  	v5 =	vadd.f32 $-5.000000000e-01, v5  }
0x38f: {  	v3 =	vshrl.u32 v3, $0x17;
	v8 =	vsel vm3, $0x1, v0;
	v7 =	vmul.f32 v6, v7  }
0x390: {  	v3 =	vadd.s32 v8, v3;
	v5 =	vmul.f32 v5, v4  }
0x391: {  	v3 =	vadd.s32 $0xFFFFFF81, v3;
	v7 =	vmul.f32 v7, v6  }
0x392: {  	v3 =	vcvt.s32.f32 v3;
	v5 =	vadd.f32 $1.000000000e+00, v5  }
0x393: {  	v7 =	vsub.f32 $1.500000000e+00, v7  }
0x394: {  	v3 =	vmul.f32 $6.931471820e-01, v3;
	v4 =	vmul.f32 v5, v4  }
0x395: {  	v5 =	vmul.f32 v7, v6  }
0x396: {  	v3 =	vadd.f32 v4, v3  }
0x397: {  	v4 =	vand.u32 $0x80000000, v1;
	v2 =	vmul.f32 v5, v2  }
0x398: {  	v3 =	vor.u32 v3, v4  }
0x399: {  	v2 =	vor.u32 v2, v4;
	v3 =	vsel vm1, v3, v1;
	v1 =	vmul.f32 v1, v1  }
0x39a: {  	v2 =	vsel vm0, v2, v3  }
0x39b: {  	v1 =	vsel vm2, v1, v2  }
0x39c: {  	[tilespmem:s14+$0xFFFFFF80] =	vst v1  }
0x39d: {  	v1 =	vld [tilespmem:s16+$0x0];
	_ =	sdelay $0x4  }
0x39e: {  	v2 =	vand.u32 $0x7FFFFFFF, v1  }
0x39f: {  	v3 =	vadd.f32 $1.000000000e+00, v2;
	_ =	sdelay $0x1  }
0x3a0: {  	v4 =	vand.u32 $0x7FFFFF, v3  }
0x3a1: {  	v4 =	vor.u32 $0x3F800000, v4  }
0x3a2: {  	v5 =	vmul.f32 $5.000000000e-01, v4  }
0x3a3: {  	vm3 =	vgt.f32 v4, $1.414213540e+00  }
0x3a4: {  	v4 =	vsel vm3, v5, v4  }
0x3a5: {  	v4 =	vadd.f32 $-1.000000000e+00, v4;
	_ =	sdelay $0x1  }
0x3a6: {  	v5 =	vmul.f32 $1.250000000e-01, v4;
	_ =	sdelay $0x1  }
0x3a7: {  	v5 =	vsub.f32 $1.428571490e-01, v5;
	_ =	sdelay $0x1  }
0x3a8: {  	v5 =	vmul.f32 v5, v4;
	_ =	sdelay $0x1  }
0x3a9: {  	v5 =	vadd.f32 $-1.666666720e-01, v5;
	_ =	sdelay $0x1  }
0x3aa: {  	v5 =	vmul.f32 v5, v4;
	_ =	sdelay $0x1  }
0x3ab: {  	v5 =	vadd.f32 $2.000000030e-01, v5  }
0x3ac: {  	v2 =	vadd.f32 $1.000000020e-35, v2  }
0x3ad: {  	v5 =	vmul.f32 v5, v4  }
0x3ae: {  	v6 =	vshrl.u32 v2, $0x1;
	v7 =	vmul.f32 $5.000000000e-01, v2  }
0x3af: {  	v6 =	vsub.s32 $0x5F3759DF, v6;
	v5 =	vadd.f32 $-2.500000000e-01, v5  }
0x3b0: {  	v8 =	vmul.f32 v6, v7  }
0x3b1: {  	v5 =	vmul.f32 v5, v4  }
0x3b2: {  	v8 =	vmul.f32 v6, v8  }
0x3b3: {  	v5 =	vadd.f32 $3.333333430e-01, v5  }
0x3b4: {  	v8 =	vsub.f32 $1.500000000e+00, v8  }
0x3b5: {  	v5 =	vmul.f32 v5, v4  }
0x3b6: {  	v6 =	vmul.f32 v6, v8  }
0x3b7: {  	v5 =	vadd.f32 $-5.000000000e-01, v5  }
0x3b8: {  	v3 =	vshrl.u32 v3, $0x17;
	v8 =	vsel vm3, $0x1, v0;
	v7 =	vmul.f32 v6, v7  }
0x3b9: {  	v3 =	vadd.s32 v8, v3;
	v5 =	vmul.f32 v5, v4  }
0x3ba: {  	v3 =	vadd.s32 $0xFFFFFF81, v3;
	v7 =	vmul.f32 v7, v6  }
0x3bb: {  	v3 =	vcvt.s32.f32 v3;
	v5 =	vadd.f32 $1.000000000e+00, v5  }
0x3bc: {  	v7 =	vsub.f32 $1.500000000e+00, v7  }
0x3bd: {  	v3 =	vmul.f32 $6.931471820e-01, v3;
	v4 =	vmul.f32 v5, v4  }
0x3be: {  	v5 =	vmul.f32 v7, v6  }
0x3bf: {  	v3 =	vadd.f32 v4, v3  }
0x3c0: {  	v4 =	vand.u32 $0x80000000, v1;
	v2 =	vmul.f32 v5, v2  }
0x3c1: {  	v3 =	vor.u32 v3, v4  }
0x3c2: {  	v2 =	vor.u32 v2, v4;
	v3 =	vsel vm1, v3, v1;
	v1 =	vmul.f32 v1, v1  }
0x3c3: {  	v2 =	vsel vm0, v2, v3  }
0x3c4: {  	v1 =	vsel vm2, v1, v2  }
0x3c5: {  	[tilespmem:s14+$0x0] =	vst v1  }
0x3c6: {  	v1 =	vld [tilespmem:s16+$0x80];
	_ =	sdelay $0x4  }
0x3c7: {  	v2 =	vand.u32 $0x80000000, v1;
	v3 =	vand.u32 $0x7FFFFFFF, v1;
	v4 =	vmul.f32 v1, v1  }
0x3c8: {  	v5 =	vadd.f32 $1.000000000e+00, v3;
	v3 =	vadd.f32 $1.000000020e-35, v3;
	_ =	sdelay $0x1  }
0x3c9: {  	v6 =	vshrl.u32 v5, $0x17;
	v5 =	vand.u32 $0x7FFFFF, v5  }
0x3ca: {  	v5 =	vor.u32 $0x3F800000, v5  }
0x3cb: {  	vm3 =	vgt.f32 v5, $1.414213540e+00;
	v7 =	vmul.f32 $5.000000000e-01, v5;
	_ =	sdelay $0x1  }
0x3cc: {  	v5 =	vsel vm3, v7, v5  }
0x3cd: {  	v5 =	vadd.f32 $-1.000000000e+00, v5;
	_ =	sdelay $0x1  }
0x3ce: {  	v7 =	vmul.f32 $1.250000000e-01, v5;
	_ =	sdelay $0x1  }
0x3cf: {  	v7 =	vsub.f32 $1.428571490e-01, v7;
	_ =	sdelay $0x1  }
0x3d0: {  	v7 =	vmul.f32 v7, v5;
	_ =	sdelay $0x1  }
0x3d1: {  	v7 =	vadd.f32 $-1.666666720e-01, v7;
	_ =	sdelay $0x1  }
0x3d2: {  	v7 =	vmul.f32 v7, v5;
	_ =	sdelay $0x1  }
0x3d3: {  	v7 =	vadd.f32 $2.000000030e-01, v7;
	_ =	sdelay $0x1  }
0x3d4: {  	v7 =	vmul.f32 v7, v5  }
0x3d5: {  	v8 =	vshrl.u32 v3, $0x1;
	v9 =	vmul.f32 $5.000000000e-01, v3  }
0x3d6: {  	v8 =	vsub.s32 $0x5F3759DF, v8;
	v7 =	vadd.f32 $-2.500000000e-01, v7  }
0x3d7: {  	v10 =	vmul.f32 v8, v9  }
0x3d8: {  	v7 =	vmul.f32 v7, v5  }
0x3d9: {  	v10 =	vmul.f32 v8, v10  }
0x3da: {  	v7 =	vadd.f32 $3.333333430e-01, v7  }
0x3db: {  	v10 =	vsub.f32 $1.500000000e+00, v10  }
0x3dc: {  	v7 =	vmul.f32 v7, v5  }
0x3dd: {  	v8 =	vmul.f32 v8, v10  }
0x3de: {  	v7 =	vadd.f32 $-5.000000000e-01, v7  }
0x3df: {  	v10 =	vsel vm3, $0x1, v0;
	v9 =	vmul.f32 v8, v9  }
0x3e0: {  	v6 =	vadd.s32 v10, v6;
	v7 =	vmul.f32 v7, v5  }
0x3e1: {  	v6 =	vadd.s32 $0xFFFFFF81, v6;
	v9 =	vmul.f32 v9, v8  }
0x3e2: {  	v6 =	vcvt.s32.f32 v6;
	v7 =	vadd.f32 $1.000000000e+00, v7  }
0x3e3: {  	v9 =	vsub.f32 $1.500000000e+00, v9  }
0x3e4: {  	v6 =	vmul.f32 $6.931471820e-01, v6;
	v5 =	vmul.f32 v7, v5  }
0x3e5: {  	v7 =	vmul.f32 v9, v8  }
0x3e6: {  	v5 =	vadd.f32 v5, v6  }
0x3e7: {  	v3 =	vmul.f32 v7, v3  }
.Ltmp2:
0x3e8: {  	v5 =	vor.u32 v5, v2;
	(pc) =	sbr.rel @p0 .LBB2_7-.Ltmp2, $4  }
0x3e9: {  	v2 =	vor.u32 v3, v2;
	v1 =	vsel vm1, v5, v1  }
0x3ea: {  	v1 =	vsel vm0, v2, v1  }
0x3eb: {  	v1 =	vsel vm2, v4, v1  }
0x3ec: {  	s16 =	sadd.s32 $0x200, s16;
	[tilespmem:s14+$0x80] =	vst v1  }
0x3ed: {  	s15 =	simm.s32 $0x530  }
0x3ee: {  	v1 =	vld [tilespmem:s15+$0xFFFFFF00];
	_ =	sdelay $0x4  }
0x3ef: {  	v2 =	vand.u32 $0x7FFFFFFF, v1  }
0x3f0: {  	v3 =	vadd.f32 $1.000000000e+00, v2;
	_ =	sdelay $0x1  }
0x3f1: {  	v4 =	vand.u32 $0x7FFFFF, v3  }
0x3f2: {  	v4 =	vor.u32 $0x3F800000, v4  }
0x3f3: {  	v5 =	vmul.f32 $5.000000000e-01, v4  }
0x3f4: {  	vm0 =	vgt.f32 v4, $1.414213540e+00  }
0x3f5: {  	v4 =	vsel vm0, v5, v4  }
0x3f6: {  	v4 =	vadd.f32 $-1.000000000e+00, v4;
	_ =	sdelay $0x1  }
0x3f7: {  	v31 =	vmul.f32 $1.250000000e-01, v4;
	_ =	sdelay $0x1  }
0x3f8: {  	v5 =	vsub.f32 $1.428571490e-01, v31;
	_ =	sdelay $0x1  }
0x3f9: {  	v5 =	vmul.f32 v5, v4;
	_ =	sdelay $0x1  }
0x3fa: {  	v5 =	vadd.f32 $-1.666666720e-01, v5;
	_ =	sdelay $0x1  }
0x3fb: {  	v5 =	vmul.f32 v5, v4;
	_ =	sdelay $0x1  }
0x3fc: {  	v5 =	vadd.f32 $2.000000030e-01, v5  }
0x3fd: {  	v2 =	vadd.f32 $1.000000020e-35, v2  }
0x3fe: {  	v5 =	vmul.f32 v5, v4  }
0x3ff: {  	v6 =	vshrl.u32 v2, $0x1;
	v7 =	vmul.f32 $5.000000000e-01, v2  }
0x400: {  	v6 =	vsub.s32 $0x5F3759DF, v6;
	v5 =	vadd.f32 $-2.500000000e-01, v5  }
0x401: {  	v8 =	vmul.f32 v6, v7  }
0x402: {  	v5 =	vmul.f32 v5, v4  }
0x403: {  	v8 =	vmul.f32 v6, v8  }
0x404: {  	v5 =	vadd.f32 $3.333333430e-01, v5  }
0x405: {  	v8 =	vsub.f32 $1.500000000e+00, v8  }
0x406: {  	v5 =	vmul.f32 v5, v4  }
0x407: {  	v6 =	vmul.f32 v6, v8  }
0x408: {  	v5 =	vadd.f32 $-5.000000000e-01, v5  }
0x409: {  	v3 =	vshrl.u32 v3, $0x17;
	v32 =	vsel vm0, $0x1, v0;
	v7 =	vmul.f32 v6, v7  }
0x40a: {  	v3 =	vadd.s32 v32, v3;
	v5 =	vmul.f32 v5, v4  }
0x40b: {  	v3 =	vadd.s32 $0xFFFFFF81, v3;
	v7 =	vmul.f32 v7, v6  }
0x40c: {  	v33 =	vld [tilespmem:$0xB0];
	v3 =	vcvt.s32.f32 v3;
	v5 =	vadd.f32 $1.000000000e+00, v5  }
0x40d: {  	v9 =	vld [tilespmem:$0x130];
	v7 =	vsub.f32 $1.500000000e+00, v7  }
0x40e: {  	v3 =	vmul.f32 $6.931471820e-01, v3;
	v4 =	vmul.f32 v5, v4  }
0x40f: {  	v34 =	vld [tilespmem:$0x1B0];
	v6 =	vmul.f32 v7, v6  }
0x410: {  	v3 =	vadd.f32 v4, v3  }
0x411: {  	v35 =	vand.u32 $0x80000000, v1;
	v2 =	vmul.f32 v6, v2  }
0x412: {  	vm1 =	vgt.f32 v33, $5.000000000e-01;
	vm0 =	vgt.f32 v9, $5.000000000e-01;
	v3 =	vor.u32 v3, v35  }
0x413: {  	v2 =	vor.u32 v2, v35;
	v3 =	vsel vm1, v3, v1;
	v1 =	vmul.f32 v1, v1  }
0x414: {  	vm2 =	vgt.f32 v34, $5.000000000e-01;
	v2 =	vsel vm0, v2, v3  }
0x415: {  	s14 =	simm.s32 $0x4530;
	v1 =	vsel vm2, v1, v2  }
0x416: {  	[tilespmem:s14+$0xFFFFFF00] =	vst v1  }
0x417: {  	v1 =	vld [tilespmem:s15+$0xFFFFFF80];
	_ =	sdelay $0x4  }
0x418: {  	v2 =	vand.u32 $0x7FFFFFFF, v1  }
0x419: {  	v3 =	vadd.f32 $1.000000000e+00, v2;
	_ =	sdelay $0x1  }
0x41a: {  	v36 =	vand.u32 $0x7FFFFF, v3  }
0x41b: {  	v4 =	vor.u32 $0x3F800000, v36  }
0x41c: {  	v37 =	vmul.f32 $5.000000000e-01, v4  }
0x41d: {  	vm3 =	vgt.f32 v4, $1.414213540e+00  }
0x41e: {  	v4 =	vsel vm3, v37, v4  }
0x41f: {  	v4 =	vadd.f32 $-1.000000000e+00, v4;
	_ =	sdelay $0x1  }
0x420: {  	v38 =	vmul.f32 $1.250000000e-01, v4;
	_ =	sdelay $0x1  }
0x421: {  	v5 =	vsub.f32 $1.428571490e-01, v38;
	_ =	sdelay $0x1  }
0x422: {  	v5 =	vmul.f32 v5, v4;
	_ =	sdelay $0x1  }
0x423: {  	v5 =	vadd.f32 $-1.666666720e-01, v5;
	_ =	sdelay $0x1  }
0x424: {  	v5 =	vmul.f32 v5, v4;
	_ =	sdelay $0x1  }
0x425: {  	v5 =	vadd.f32 $2.000000030e-01, v5  }
0x426: {  	v2 =	vadd.f32 $1.000000020e-35, v2  }
0x427: {  	v5 =	vmul.f32 v5, v4  }
0x428: {  	v39 =	vshrl.u32 v2, $0x1;
	v40 =	vmul.f32 $5.000000000e-01, v2  }
0x429: {  	v6 =	vsub.s32 $0x5F3759DF, v39;
	v5 =	vadd.f32 $-2.500000000e-01, v5  }
0x42a: {  	v41 =	vmul.f32 v6, v40  }
0x42b: {  	v5 =	vmul.f32 v5, v4  }
0x42c: {  	v8 =	vmul.f32 v6, v41  }
0x42d: {  	v5 =	vadd.f32 $3.333333430e-01, v5  }
0x42e: {  	v8 =	vsub.f32 $1.500000000e+00, v8  }
0x42f: {  	v5 =	vmul.f32 v5, v4  }
0x430: {  	v6 =	vmul.f32 v6, v8  }
0x431: {  	v5 =	vadd.f32 $-5.000000000e-01, v5  }
0x432: {  	v3 =	vshrl.u32 v3, $0x17;
	v42 =	vsel vm3, $0x1, v0;
	v7 =	vmul.f32 v6, v40  }
0x433: {  	v3 =	vadd.s32 v42, v3;
	v5 =	vmul.f32 v5, v4  }
0x434: {  	v3 =	vadd.s32 $0xFFFFFF81, v3;
	v7 =	vmul.f32 v7, v6  }
0x435: {  	v3 =	vcvt.s32.f32 v3;
	v5 =	vadd.f32 $1.000000000e+00, v5  }
0x436: {  	v7 =	vsub.f32 $1.500000000e+00, v7  }
0x437: {  	v3 =	vmul.f32 $6.931471820e-01, v3;
	v4 =	vmul.f32 v5, v4  }
0x438: {  	v43 =	vmul.f32 v7, v6  }
0x439: {  	v3 =	vadd.f32 v4, v3  }
0x43a: {  	v44 =	vand.u32 $0x80000000, v1;
	v2 =	vmul.f32 v43, v2  }
0x43b: {  	v3 =	vor.u32 v3, v44  }
0x43c: {  	v2 =	vor.u32 v2, v44;
	v3 =	vsel vm1, v3, v1;
	v1 =	vmul.f32 v1, v1  }
0x43d: {  	v2 =	vsel vm0, v2, v3  }
0x43e: {  	v1 =	vsel vm2, v1, v2  }
0x43f: {  	[tilespmem:s14+$0xFFFFFF80] =	vst v1  }
0x440: {  	v1 =	vld [tilespmem:s15+$0x0];
	_ =	sdelay $0x4  }
0x441: {  	v2 =	vand.u32 $0x7FFFFFFF, v1  }
0x442: {  	v3 =	vadd.f32 $1.000000000e+00, v2;
	_ =	sdelay $0x1  }
0x443: {  	v45 =	vand.u32 $0x7FFFFF, v3  }
0x444: {  	v4 =	vor.u32 $0x3F800000, v45  }
0x445: {  	v46 =	vmul.f32 $5.000000000e-01, v4  }
0x446: {  	vm3 =	vgt.f32 v4, $1.414213540e+00  }
0x447: {  	v4 =	vsel vm3, v46, v4  }
0x448: {  	v4 =	vadd.f32 $-1.000000000e+00, v4;
	_ =	sdelay $0x1  }
0x449: {  	v47 =	vmul.f32 $1.250000000e-01, v4;
	_ =	sdelay $0x1  }
0x44a: {  	v5 =	vsub.f32 $1.428571490e-01, v47;
	_ =	sdelay $0x1  }
0x44b: {  	v5 =	vmul.f32 v5, v4;
	_ =	sdelay $0x1  }
0x44c: {  	v5 =	vadd.f32 $-1.666666720e-01, v5;
	_ =	sdelay $0x1  }
0x44d: {  	v5 =	vmul.f32 v5, v4;
	_ =	sdelay $0x1  }
0x44e: {  	v5 =	vadd.f32 $2.000000030e-01, v5  }
0x44f: {  	v2 =	vadd.f32 $1.000000020e-35, v2  }
0x450: {  	v5 =	vmul.f32 v5, v4  }
0x451: {  	v48 =	vshrl.u32 v2, $0x1;
	v49 =	vmul.f32 $5.000000000e-01, v2  }
0x452: {  	v6 =	vsub.s32 $0x5F3759DF, v48;
	v5 =	vadd.f32 $-2.500000000e-01, v5  }
0x453: {  	v50 =	vmul.f32 v6, v49  }
0x454: {  	v5 =	vmul.f32 v5, v4  }
0x455: {  	v8 =	vmul.f32 v6, v50  }
0x456: {  	v5 =	vadd.f32 $3.333333430e-01, v5  }
0x457: {  	v8 =	vsub.f32 $1.500000000e+00, v8  }
0x458: {  	v5 =	vmul.f32 v5, v4  }
0x459: {  	v6 =	vmul.f32 v6, v8  }
0x45a: {  	v5 =	vadd.f32 $-5.000000000e-01, v5  }
0x45b: {  	v3 =	vshrl.u32 v3, $0x17;
	v51 =	vsel vm3, $0x1, v0;
	v7 =	vmul.f32 v6, v49  }
0x45c: {  	v3 =	vadd.s32 v51, v3;
	v5 =	vmul.f32 v5, v4  }
0x45d: {  	v3 =	vadd.s32 $0xFFFFFF81, v3;
	v7 =	vmul.f32 v7, v6  }
0x45e: {  	v3 =	vcvt.s32.f32 v3;
	v5 =	vadd.f32 $1.000000000e+00, v5  }
0x45f: {  	v7 =	vsub.f32 $1.500000000e+00, v7  }
0x460: {  	v3 =	vmul.f32 $6.931471820e-01, v3;
	v4 =	vmul.f32 v5, v4  }
0x461: {  	v52 =	vmul.f32 v7, v6  }
0x462: {  	v3 =	vadd.f32 v4, v3  }
0x463: {  	v53 =	vand.u32 $0x80000000, v1;
	v2 =	vmul.f32 v52, v2  }
0x464: {  	v3 =	vor.u32 v3, v53  }
0x465: {  	v2 =	vor.u32 v2, v53;
	v3 =	vsel vm1, v3, v1;
	v1 =	vmul.f32 v1, v1  }
0x466: {  	v2 =	vsel vm0, v2, v3  }
0x467: {  	v1 =	vsel vm2, v1, v2  }
0x468: {  	[tilespmem:s14+$0x0] =	vst v1  }
0x469: {  	v1 =	vld [tilespmem:s15+$0x80];
	_ =	sdelay $0x4  }
0x46a: {  	v2 =	vand.u32 $0x7FFFFFFF, v1  }
0x46b: {  	v3 =	vadd.f32 $1.000000000e+00, v2;
	_ =	sdelay $0x1  }
0x46c: {  	v54 =	vand.u32 $0x7FFFFF, v3  }
0x46d: {  	v4 =	vor.u32 $0x3F800000, v54  }
0x46e: {  	v55 =	vmul.f32 $5.000000000e-01, v4  }
0x46f: {  	vm3 =	vgt.f32 v4, $1.414213540e+00  }
0x470: {  	v4 =	vsel vm3, v55, v4  }
0x471: {  	v4 =	vadd.f32 $-1.000000000e+00, v4;
	_ =	sdelay $0x1  }
0x472: {  	v56 =	vmul.f32 $1.250000000e-01, v4;
	_ =	sdelay $0x1  }
0x473: {  	v5 =	vsub.f32 $1.428571490e-01, v56;
	_ =	sdelay $0x1  }
0x474: {  	v5 =	vmul.f32 v5, v4;
	_ =	sdelay $0x1  }
0x475: {  	v5 =	vadd.f32 $-1.666666720e-01, v5;
	_ =	sdelay $0x1  }
0x476: {  	v5 =	vmul.f32 v5, v4;
	_ =	sdelay $0x1  }
0x477: {  	v5 =	vadd.f32 $2.000000030e-01, v5  }
0x478: {  	v2 =	vadd.f32 $1.000000020e-35, v2  }
0x479: {  	v5 =	vmul.f32 v5, v4  }
0x47a: {  	v57 =	vshrl.u32 v2, $0x1;
	v58 =	vmul.f32 $5.000000000e-01, v2  }
0x47b: {  	v6 =	vsub.s32 $0x5F3759DF, v57;
	v5 =	vadd.f32 $-2.500000000e-01, v5  }
0x47c: {  	v59 =	vmul.f32 v6, v58  }
0x47d: {  	v5 =	vmul.f32 v5, v4  }
0x47e: {  	v8 =	vmul.f32 v6, v59  }
0x47f: {  	v5 =	vadd.f32 $3.333333430e-01, v5  }
0x480: {  	v8 =	vsub.f32 $1.500000000e+00, v8  }
0x481: {  	v5 =	vmul.f32 v5, v4  }
0x482: {  	v6 =	vmul.f32 v6, v8  }
0x483: {  	v5 =	vadd.f32 $-5.000000000e-01, v5  }
0x484: {  	v3 =	vshrl.u32 v3, $0x17;
	v60 =	vsel vm3, $0x1, v0;
	v7 =	vmul.f32 v6, v58  }
0x485: {  	v3 =	vadd.s32 v60, v3;
	v5 =	vmul.f32 v5, v4  }
0x486: {  	v3 =	vadd.s32 $0xFFFFFF81, v3;
	v7 =	vmul.f32 v7, v6  }
0x487: {  	v3 =	vcvt.s32.f32 v3;
	v5 =	vadd.f32 $1.000000000e+00, v5  }
0x488: {  	v7 =	vsub.f32 $1.500000000e+00, v7  }
0x489: {  	v3 =	vmul.f32 $6.931471820e-01, v3;
	v4 =	vmul.f32 v5, v4  }
0x48a: {  	v61 =	vmul.f32 v7, v6  }
0x48b: {  	v3 =	vadd.f32 v4, v3  }
0x48c: {  	v62 =	vand.u32 $0x80000000, v1;
	v2 =	vmul.f32 v61, v2  }
0x48d: {  	v3 =	vor.u32 v3, v62  }
0x48e: {  	v63 =	vmul.f32 v1, v1;
	v2 =	vor.u32 v2, v62;
	v1 =	vsel vm1, v3, v1  }
0x48f: {  	v1 =	vsel vm0, v2, v1  }
0x490: {  	v1 =	vsel vm2, v63, v1  }
0x491: {  	s16 =	simm.s32 $0x730;
	s15 =	simm.s32 $0x0;
	[tilespmem:s14+$0x80] =	vst v1  }
.LBB2_9:
0x492: {  	v1 =	vld [tilespmem:s16+$0xFFFFFF00];
	s15 =	sadd.s32 $0x4, s15  }
0x493: {  	p0 =	slt.u32 s15, $0x7C;
	_ =	sdelay $0x3  }
0x494: {  	v2 =	vand.u32 $0x7FFFFFFF, v1  }
0x495: {  	v3 =	vadd.f32 $1.000000000e+00, v2;
	_ =	sdelay $0x1  }
0x496: {  	v4 =	vand.u32 $0x7FFFFF, v3  }
0x497: {  	v4 =	vor.u32 $0x3F800000, v4  }
0x498: {  	v5 =	vmul.f32 $5.000000000e-01, v4  }
0x499: {  	vm3 =	vgt.f32 v4, $1.414213540e+00  }
0x49a: {  	v4 =	vsel vm3, v5, v4  }
0x49b: {  	v4 =	vadd.f32 $-1.000000000e+00, v4;
	_ =	sdelay $0x1  }
0x49c: {  	v5 =	vmul.f32 $1.250000000e-01, v4;
	_ =	sdelay $0x1  }
0x49d: {  	v5 =	vsub.f32 $1.428571490e-01, v5;
	_ =	sdelay $0x1  }
0x49e: {  	v5 =	vmul.f32 v5, v4;
	_ =	sdelay $0x1  }
0x49f: {  	v5 =	vadd.f32 $-1.666666720e-01, v5;
	_ =	sdelay $0x1  }
0x4a0: {  	v5 =	vmul.f32 v5, v4;
	_ =	sdelay $0x1  }
0x4a1: {  	v5 =	vadd.f32 $2.000000030e-01, v5  }
0x4a2: {  	v2 =	vadd.f32 $1.000000020e-35, v2  }
0x4a3: {  	v5 =	vmul.f32 v5, v4  }
0x4a4: {  	v6 =	vshrl.u32 v2, $0x1;
	v7 =	vmul.f32 $5.000000000e-01, v2  }
0x4a5: {  	v6 =	vsub.s32 $0x5F3759DF, v6;
	v5 =	vadd.f32 $-2.500000000e-01, v5  }
0x4a6: {  	v8 =	vmul.f32 v6, v7  }
0x4a7: {  	v5 =	vmul.f32 v5, v4  }
0x4a8: {  	v8 =	vmul.f32 v6, v8  }
0x4a9: {  	v5 =	vadd.f32 $3.333333430e-01, v5  }
0x4aa: {  	v8 =	vsub.f32 $1.500000000e+00, v8  }
0x4ab: {  	v5 =	vmul.f32 v5, v4  }
0x4ac: {  	v6 =	vmul.f32 v6, v8  }
0x4ad: {  	v5 =	vadd.f32 $-5.000000000e-01, v5  }
0x4ae: {  	v3 =	vshrl.u32 v3, $0x17;
	v8 =	vsel vm3, $0x1, v0;
	v7 =	vmul.f32 v6, v7  }
0x4af: {  	v3 =	vadd.s32 v8, v3;
	v5 =	vmul.f32 v5, v4  }
0x4b0: {  	v3 =	vadd.s32 $0xFFFFFF81, v3;
	v7 =	vmul.f32 v7, v6  }
0x4b1: {  	v3 =	vcvt.s32.f32 v3;
	v5 =	vadd.f32 $1.000000000e+00, v5  }
0x4b2: {  	v7 =	vsub.f32 $1.500000000e+00, v7  }
0x4b3: {  	v3 =	vmul.f32 $6.931471820e-01, v3;
	v4 =	vmul.f32 v5, v4  }
0x4b4: {  	v5 =	vmul.f32 v7, v6  }
0x4b5: {  	v3 =	vadd.f32 v4, v3  }
0x4b6: {  	v4 =	vand.u32 $0x80000000, v1;
	v2 =	vmul.f32 v5, v2  }
0x4b7: {  	v3 =	vor.u32 v3, v4  }
0x4b8: {  	v2 =	vor.u32 v2, v4;
	v3 =	vsel vm1, v3, v1;
	v1 =	vmul.f32 v1, v1  }
0x4b9: {  	v2 =	vsel vm0, v2, v3  }
0x4ba: {  	s14 =	sadd.s32 $0x200, s14;
	v1 =	vsel vm2, v1, v2  }
0x4bb: {  	[tilespmem:s14+$0xFFFFFF00] =	vst v1  }
0x4bc: {  	v1 =	vld [tilespmem:s16+$0xFFFFFF80];
	_ =	sdelay $0x4  }
0x4bd: {  	v2 =	vand.u32 $0x7FFFFFFF, v1  }
0x4be: {  	v3 =	vadd.f32 $1.000000000e+00, v2;
	_ =	sdelay $0x1  }
0x4bf: {  	v4 =	vand.u32 $0x7FFFFF, v3  }
0x4c0: {  	v4 =	vor.u32 $0x3F800000, v4  }
0x4c1: {  	v5 =	vmul.f32 $5.000000000e-01, v4  }
0x4c2: {  	vm3 =	vgt.f32 v4, $1.414213540e+00  }
0x4c3: {  	v4 =	vsel vm3, v5, v4  }
0x4c4: {  	v4 =	vadd.f32 $-1.000000000e+00, v4;
	_ =	sdelay $0x1  }
0x4c5: {  	v5 =	vmul.f32 $1.250000000e-01, v4;
	_ =	sdelay $0x1  }
0x4c6: {  	v5 =	vsub.f32 $1.428571490e-01, v5;
	_ =	sdelay $0x1  }
0x4c7: {  	v5 =	vmul.f32 v5, v4;
	_ =	sdelay $0x1  }
0x4c8: {  	v5 =	vadd.f32 $-1.666666720e-01, v5;
	_ =	sdelay $0x1  }
0x4c9: {  	v5 =	vmul.f32 v5, v4;
	_ =	sdelay $0x1  }
0x4ca: {  	v5 =	vadd.f32 $2.000000030e-01, v5  }
0x4cb: {  	v2 =	vadd.f32 $1.000000020e-35, v2  }
0x4cc: {  	v5 =	vmul.f32 v5, v4  }
0x4cd: {  	v6 =	vshrl.u32 v2, $0x1;
	v7 =	vmul.f32 $5.000000000e-01, v2  }
0x4ce: {  	v6 =	vsub.s32 $0x5F3759DF, v6;
	v5 =	vadd.f32 $-2.500000000e-01, v5  }
0x4cf: {  	v8 =	vmul.f32 v6, v7  }
0x4d0: {  	v5 =	vmul.f32 v5, v4  }
0x4d1: {  	v8 =	vmul.f32 v6, v8  }
0x4d2: {  	v5 =	vadd.f32 $3.333333430e-01, v5  }
0x4d3: {  	v8 =	vsub.f32 $1.500000000e+00, v8  }
0x4d4: {  	v5 =	vmul.f32 v5, v4  }
0x4d5: {  	v6 =	vmul.f32 v6, v8  }
0x4d6: {  	v5 =	vadd.f32 $-5.000000000e-01, v5  }
0x4d7: {  	v3 =	vshrl.u32 v3, $0x17;
	v8 =	vsel vm3, $0x1, v0;
	v7 =	vmul.f32 v6, v7  }
0x4d8: {  	v3 =	vadd.s32 v8, v3;
	v5 =	vmul.f32 v5, v4  }
0x4d9: {  	v3 =	vadd.s32 $0xFFFFFF81, v3;
	v7 =	vmul.f32 v7, v6  }
0x4da: {  	v3 =	vcvt.s32.f32 v3;
	v5 =	vadd.f32 $1.000000000e+00, v5  }
0x4db: {  	v7 =	vsub.f32 $1.500000000e+00, v7  }
0x4dc: {  	v3 =	vmul.f32 $6.931471820e-01, v3;
	v4 =	vmul.f32 v5, v4  }
0x4dd: {  	v5 =	vmul.f32 v7, v6  }
0x4de: {  	v3 =	vadd.f32 v4, v3  }
0x4df: {  	v4 =	vand.u32 $0x80000000, v1;
	v2 =	vmul.f32 v5, v2  }
0x4e0: {  	v3 =	vor.u32 v3, v4  }
0x4e1: {  	v2 =	vor.u32 v2, v4;
	v3 =	vsel vm1, v3, v1;
	v1 =	vmul.f32 v1, v1  }
0x4e2: {  	v2 =	vsel vm0, v2, v3  }
0x4e3: {  	v1 =	vsel vm2, v1, v2  }
0x4e4: {  	[tilespmem:s14+$0xFFFFFF80] =	vst v1  }
0x4e5: {  	v1 =	vld [tilespmem:s16+$0x0];
	_ =	sdelay $0x4  }
0x4e6: {  	v2 =	vand.u32 $0x7FFFFFFF, v1  }
0x4e7: {  	v3 =	vadd.f32 $1.000000000e+00, v2;
	_ =	sdelay $0x1  }
0x4e8: {  	v4 =	vand.u32 $0x7FFFFF, v3  }
0x4e9: {  	v4 =	vor.u32 $0x3F800000, v4  }
0x4ea: {  	v5 =	vmul.f32 $5.000000000e-01, v4  }
0x4eb: {  	vm3 =	vgt.f32 v4, $1.414213540e+00  }
0x4ec: {  	v4 =	vsel vm3, v5, v4  }
0x4ed: {  	v4 =	vadd.f32 $-1.000000000e+00, v4;
	_ =	sdelay $0x1  }
0x4ee: {  	v5 =	vmul.f32 $1.250000000e-01, v4;
	_ =	sdelay $0x1  }
0x4ef: {  	v5 =	vsub.f32 $1.428571490e-01, v5;
	_ =	sdelay $0x1  }
0x4f0: {  	v5 =	vmul.f32 v5, v4;
	_ =	sdelay $0x1  }
0x4f1: {  	v5 =	vadd.f32 $-1.666666720e-01, v5;
	_ =	sdelay $0x1  }
0x4f2: {  	v5 =	vmul.f32 v5, v4;
	_ =	sdelay $0x1  }
0x4f3: {  	v5 =	vadd.f32 $2.000000030e-01, v5  }
0x4f4: {  	v2 =	vadd.f32 $1.000000020e-35, v2  }
0x4f5: {  	v5 =	vmul.f32 v5, v4  }
0x4f6: {  	v6 =	vshrl.u32 v2, $0x1;
	v7 =	vmul.f32 $5.000000000e-01, v2  }
0x4f7: {  	v6 =	vsub.s32 $0x5F3759DF, v6;
	v5 =	vadd.f32 $-2.500000000e-01, v5  }
0x4f8: {  	v8 =	vmul.f32 v6, v7  }
0x4f9: {  	v5 =	vmul.f32 v5, v4  }
0x4fa: {  	v8 =	vmul.f32 v6, v8  }
0x4fb: {  	v5 =	vadd.f32 $3.333333430e-01, v5  }
0x4fc: {  	v8 =	vsub.f32 $1.500000000e+00, v8  }
0x4fd: {  	v5 =	vmul.f32 v5, v4  }
0x4fe: {  	v6 =	vmul.f32 v6, v8  }
0x4ff: {  	v5 =	vadd.f32 $-5.000000000e-01, v5  }
0x500: {  	v3 =	vshrl.u32 v3, $0x17;
	v8 =	vsel vm3, $0x1, v0;
	v7 =	vmul.f32 v6, v7  }
0x501: {  	v3 =	vadd.s32 v8, v3;
	v5 =	vmul.f32 v5, v4  }
0x502: {  	v3 =	vadd.s32 $0xFFFFFF81, v3;
	v7 =	vmul.f32 v7, v6  }
0x503: {  	v3 =	vcvt.s32.f32 v3;
	v5 =	vadd.f32 $1.000000000e+00, v5  }
0x504: {  	v7 =	vsub.f32 $1.500000000e+00, v7  }
0x505: {  	v3 =	vmul.f32 $6.931471820e-01, v3;
	v4 =	vmul.f32 v5, v4  }
0x506: {  	v5 =	vmul.f32 v7, v6  }
0x507: {  	v3 =	vadd.f32 v4, v3  }
0x508: {  	v4 =	vand.u32 $0x80000000, v1;
	v2 =	vmul.f32 v5, v2  }
0x509: {  	v3 =	vor.u32 v3, v4  }
0x50a: {  	v2 =	vor.u32 v2, v4;
	v3 =	vsel vm1, v3, v1;
	v1 =	vmul.f32 v1, v1  }
0x50b: {  	v2 =	vsel vm0, v2, v3  }
0x50c: {  	v1 =	vsel vm2, v1, v2  }
0x50d: {  	[tilespmem:s14+$0x0] =	vst v1  }
0x50e: {  	v1 =	vld [tilespmem:s16+$0x80];
	_ =	sdelay $0x4  }
0x50f: {  	v2 =	vand.u32 $0x80000000, v1;
	v3 =	vand.u32 $0x7FFFFFFF, v1;
	v4 =	vmul.f32 v1, v1  }
0x510: {  	v5 =	vadd.f32 $1.000000000e+00, v3;
	v3 =	vadd.f32 $1.000000020e-35, v3;
	_ =	sdelay $0x1  }
0x511: {  	v6 =	vshrl.u32 v5, $0x17;
	v5 =	vand.u32 $0x7FFFFF, v5  }
0x512: {  	v5 =	vor.u32 $0x3F800000, v5  }
0x513: {  	vm3 =	vgt.f32 v5, $1.414213540e+00;
	v7 =	vmul.f32 $5.000000000e-01, v5;
	_ =	sdelay $0x1  }
0x514: {  	v5 =	vsel vm3, v7, v5  }
0x515: {  	v5 =	vadd.f32 $-1.000000000e+00, v5;
	_ =	sdelay $0x1  }
0x516: {  	v7 =	vmul.f32 $1.250000000e-01, v5;
	_ =	sdelay $0x1  }
0x517: {  	v7 =	vsub.f32 $1.428571490e-01, v7;
	_ =	sdelay $0x1  }
0x518: {  	v7 =	vmul.f32 v7, v5;
	_ =	sdelay $0x1  }
0x519: {  	v7 =	vadd.f32 $-1.666666720e-01, v7;
	_ =	sdelay $0x1  }
0x51a: {  	v7 =	vmul.f32 v7, v5;
	_ =	sdelay $0x1  }
0x51b: {  	v7 =	vadd.f32 $2.000000030e-01, v7;
	_ =	sdelay $0x1  }
0x51c: {  	v7 =	vmul.f32 v7, v5  }
0x51d: {  	v8 =	vshrl.u32 v3, $0x1;
	v9 =	vmul.f32 $5.000000000e-01, v3  }
0x51e: {  	v8 =	vsub.s32 $0x5F3759DF, v8;
	v7 =	vadd.f32 $-2.500000000e-01, v7  }
0x51f: {  	v10 =	vmul.f32 v8, v9  }
0x520: {  	v7 =	vmul.f32 v7, v5  }
0x521: {  	v10 =	vmul.f32 v8, v10  }
0x522: {  	v7 =	vadd.f32 $3.333333430e-01, v7  }
0x523: {  	v10 =	vsub.f32 $1.500000000e+00, v10  }
0x524: {  	v7 =	vmul.f32 v7, v5  }
0x525: {  	v8 =	vmul.f32 v8, v10  }
0x526: {  	v7 =	vadd.f32 $-5.000000000e-01, v7  }
0x527: {  	v10 =	vsel vm3, $0x1, v0;
	v9 =	vmul.f32 v8, v9  }
0x528: {  	v6 =	vadd.s32 v10, v6;
	v7 =	vmul.f32 v7, v5  }
0x529: {  	v6 =	vadd.s32 $0xFFFFFF81, v6;
	v9 =	vmul.f32 v9, v8  }
0x52a: {  	v6 =	vcvt.s32.f32 v6;
	v7 =	vadd.f32 $1.000000000e+00, v7  }
0x52b: {  	v9 =	vsub.f32 $1.500000000e+00, v9  }
0x52c: {  	v6 =	vmul.f32 $6.931471820e-01, v6;
	v5 =	vmul.f32 v7, v5  }
0x52d: {  	v7 =	vmul.f32 v9, v8  }
0x52e: {  	v5 =	vadd.f32 v5, v6  }
0x52f: {  	v3 =	vmul.f32 v7, v3  }
.Ltmp3:
0x530: {  	v5 =	vor.u32 v5, v2;
	(pc) =	sbr.rel @p0 .LBB2_9-.Ltmp3, $4  }
0x531: {  	v2 =	vor.u32 v3, v2;
	v1 =	vsel vm1, v5, v1  }
0x532: {  	v1 =	vsel vm0, v2, v1  }
0x533: {  	v1 =	vsel vm2, v4, v1  }
0x534: {  	s16 =	sadd.s32 $0x200, s16;
	[tilespmem:s14+$0x80] =	vst v1  }
0x535: {  	s15 =	simm.s32 $0x540  }
0x536: {  	v1 =	vld [tilespmem:s15+$0xFFFFFF00];
	_ =	sdelay $0x4  }
0x537: {  	v2 =	vand.u32 $0x7FFFFFFF, v1  }
0x538: {  	v3 =	vadd.f32 $1.000000000e+00, v2;
	_ =	sdelay $0x1  }
0x539: {  	v4 =	vand.u32 $0x7FFFFF, v3  }
0x53a: {  	v4 =	vor.u32 $0x3F800000, v4  }
0x53b: {  	v5 =	vmul.f32 $5.000000000e-01, v4  }
0x53c: {  	vm0 =	vgt.f32 v4, $1.414213540e+00  }
0x53d: {  	v4 =	vsel vm0, v5, v4  }
0x53e: {  	v4 =	vadd.f32 $-1.000000000e+00, v4;
	_ =	sdelay $0x1  }
0x53f: {  	v31 =	vmul.f32 $1.250000000e-01, v4;
	_ =	sdelay $0x1  }
0x540: {  	v5 =	vsub.f32 $1.428571490e-01, v31;
	_ =	sdelay $0x1  }
0x541: {  	v5 =	vmul.f32 v5, v4;
	_ =	sdelay $0x1  }
0x542: {  	v5 =	vadd.f32 $-1.666666720e-01, v5;
	_ =	sdelay $0x1  }
0x543: {  	v5 =	vmul.f32 v5, v4;
	_ =	sdelay $0x1  }
0x544: {  	v5 =	vadd.f32 $2.000000030e-01, v5  }
0x545: {  	v2 =	vadd.f32 $1.000000020e-35, v2  }
0x546: {  	v5 =	vmul.f32 v5, v4  }
0x547: {  	v6 =	vshrl.u32 v2, $0x1;
	v7 =	vmul.f32 $5.000000000e-01, v2  }
0x548: {  	v6 =	vsub.s32 $0x5F3759DF, v6;
	v5 =	vadd.f32 $-2.500000000e-01, v5  }
0x549: {  	v8 =	vmul.f32 v6, v7  }
0x54a: {  	v5 =	vmul.f32 v5, v4  }
0x54b: {  	v8 =	vmul.f32 v6, v8  }
0x54c: {  	v5 =	vadd.f32 $3.333333430e-01, v5  }
0x54d: {  	v8 =	vsub.f32 $1.500000000e+00, v8  }
0x54e: {  	v5 =	vmul.f32 v5, v4  }
0x54f: {  	v6 =	vmul.f32 v6, v8  }
0x550: {  	v5 =	vadd.f32 $-5.000000000e-01, v5  }
0x551: {  	v3 =	vshrl.u32 v3, $0x17;
	v32 =	vsel vm0, $0x1, v0;
	v7 =	vmul.f32 v6, v7  }
0x552: {  	v3 =	vadd.s32 v32, v3;
	v5 =	vmul.f32 v5, v4  }
0x553: {  	v3 =	vadd.s32 $0xFFFFFF81, v3;
	v7 =	vmul.f32 v7, v6  }
0x554: {  	v33 =	vld [tilespmem:$0xC0];
	v3 =	vcvt.s32.f32 v3;
	v5 =	vadd.f32 $1.000000000e+00, v5  }
0x555: {  	v9 =	vld [tilespmem:$0x140];
	v7 =	vsub.f32 $1.500000000e+00, v7  }
0x556: {  	v3 =	vmul.f32 $6.931471820e-01, v3;
	v4 =	vmul.f32 v5, v4  }
0x557: {  	v34 =	vld [tilespmem:$0x1C0];
	v6 =	vmul.f32 v7, v6  }
0x558: {  	v3 =	vadd.f32 v4, v3  }
0x559: {  	v35 =	vand.u32 $0x80000000, v1;
	v2 =	vmul.f32 v6, v2  }
0x55a: {  	vm1 =	vgt.f32 v33, $5.000000000e-01;
	vm0 =	vgt.f32 v9, $5.000000000e-01;
	v3 =	vor.u32 v3, v35  }
0x55b: {  	v2 =	vor.u32 v2, v35;
	v3 =	vsel vm1, v3, v1;
	v1 =	vmul.f32 v1, v1  }
0x55c: {  	vm2 =	vgt.f32 v34, $5.000000000e-01;
	v2 =	vsel vm0, v2, v3  }
0x55d: {  	s14 =	simm.s32 $0x4540;
	v1 =	vsel vm2, v1, v2  }
0x55e: {  	[tilespmem:s14+$0xFFFFFF00] =	vst v1  }
0x55f: {  	v1 =	vld [tilespmem:s15+$0xFFFFFF80];
	_ =	sdelay $0x4  }
0x560: {  	v2 =	vand.u32 $0x7FFFFFFF, v1  }
0x561: {  	v3 =	vadd.f32 $1.000000000e+00, v2;
	_ =	sdelay $0x1  }
0x562: {  	v36 =	vand.u32 $0x7FFFFF, v3  }
0x563: {  	v4 =	vor.u32 $0x3F800000, v36  }
0x564: {  	v37 =	vmul.f32 $5.000000000e-01, v4  }
0x565: {  	vm3 =	vgt.f32 v4, $1.414213540e+00  }
0x566: {  	v4 =	vsel vm3, v37, v4  }
0x567: {  	v4 =	vadd.f32 $-1.000000000e+00, v4;
	_ =	sdelay $0x1  }
0x568: {  	v38 =	vmul.f32 $1.250000000e-01, v4;
	_ =	sdelay $0x1  }
0x569: {  	v5 =	vsub.f32 $1.428571490e-01, v38;
	_ =	sdelay $0x1  }
0x56a: {  	v5 =	vmul.f32 v5, v4;
	_ =	sdelay $0x1  }
0x56b: {  	v5 =	vadd.f32 $-1.666666720e-01, v5;
	_ =	sdelay $0x1  }
0x56c: {  	v5 =	vmul.f32 v5, v4;
	_ =	sdelay $0x1  }
0x56d: {  	v5 =	vadd.f32 $2.000000030e-01, v5  }
0x56e: {  	v2 =	vadd.f32 $1.000000020e-35, v2  }
0x56f: {  	v5 =	vmul.f32 v5, v4  }
0x570: {  	v39 =	vshrl.u32 v2, $0x1;
	v40 =	vmul.f32 $5.000000000e-01, v2  }
0x571: {  	v6 =	vsub.s32 $0x5F3759DF, v39;
	v5 =	vadd.f32 $-2.500000000e-01, v5  }
0x572: {  	v41 =	vmul.f32 v6, v40  }
0x573: {  	v5 =	vmul.f32 v5, v4  }
0x574: {  	v8 =	vmul.f32 v6, v41  }
0x575: {  	v5 =	vadd.f32 $3.333333430e-01, v5  }
0x576: {  	v8 =	vsub.f32 $1.500000000e+00, v8  }
0x577: {  	v5 =	vmul.f32 v5, v4  }
0x578: {  	v6 =	vmul.f32 v6, v8  }
0x579: {  	v5 =	vadd.f32 $-5.000000000e-01, v5  }
0x57a: {  	v3 =	vshrl.u32 v3, $0x17;
	v42 =	vsel vm3, $0x1, v0;
	v7 =	vmul.f32 v6, v40  }
0x57b: {  	v3 =	vadd.s32 v42, v3;
	v5 =	vmul.f32 v5, v4  }
0x57c: {  	v3 =	vadd.s32 $0xFFFFFF81, v3;
	v7 =	vmul.f32 v7, v6  }
0x57d: {  	v3 =	vcvt.s32.f32 v3;
	v5 =	vadd.f32 $1.000000000e+00, v5  }
0x57e: {  	v7 =	vsub.f32 $1.500000000e+00, v7  }
0x57f: {  	v3 =	vmul.f32 $6.931471820e-01, v3;
	v4 =	vmul.f32 v5, v4  }
0x580: {  	v43 =	vmul.f32 v7, v6  }
0x581: {  	v3 =	vadd.f32 v4, v3  }
0x582: {  	v44 =	vand.u32 $0x80000000, v1;
	v2 =	vmul.f32 v43, v2  }
0x583: {  	v3 =	vor.u32 v3, v44  }
0x584: {  	v2 =	vor.u32 v2, v44;
	v3 =	vsel vm1, v3, v1;
	v1 =	vmul.f32 v1, v1  }
0x585: {  	v2 =	vsel vm0, v2, v3  }
0x586: {  	v1 =	vsel vm2, v1, v2  }
0x587: {  	[tilespmem:s14+$0xFFFFFF80] =	vst v1  }
0x588: {  	v1 =	vld [tilespmem:s15+$0x0];
	_ =	sdelay $0x4  }
0x589: {  	v2 =	vand.u32 $0x7FFFFFFF, v1  }
0x58a: {  	v3 =	vadd.f32 $1.000000000e+00, v2;
	_ =	sdelay $0x1  }
0x58b: {  	v45 =	vand.u32 $0x7FFFFF, v3  }
0x58c: {  	v4 =	vor.u32 $0x3F800000, v45  }
0x58d: {  	v46 =	vmul.f32 $5.000000000e-01, v4  }
0x58e: {  	vm3 =	vgt.f32 v4, $1.414213540e+00  }
0x58f: {  	v4 =	vsel vm3, v46, v4  }
0x590: {  	v4 =	vadd.f32 $-1.000000000e+00, v4;
	_ =	sdelay $0x1  }
0x591: {  	v47 =	vmul.f32 $1.250000000e-01, v4;
	_ =	sdelay $0x1  }
0x592: {  	v5 =	vsub.f32 $1.428571490e-01, v47;
	_ =	sdelay $0x1  }
0x593: {  	v5 =	vmul.f32 v5, v4;
	_ =	sdelay $0x1  }
0x594: {  	v5 =	vadd.f32 $-1.666666720e-01, v5;
	_ =	sdelay $0x1  }
0x595: {  	v5 =	vmul.f32 v5, v4;
	_ =	sdelay $0x1  }
0x596: {  	v5 =	vadd.f32 $2.000000030e-01, v5  }
0x597: {  	v2 =	vadd.f32 $1.000000020e-35, v2  }
0x598: {  	v5 =	vmul.f32 v5, v4  }
0x599: {  	v48 =	vshrl.u32 v2, $0x1;
	v49 =	vmul.f32 $5.000000000e-01, v2  }
0x59a: {  	v6 =	vsub.s32 $0x5F3759DF, v48;
	v5 =	vadd.f32 $-2.500000000e-01, v5  }
0x59b: {  	v50 =	vmul.f32 v6, v49  }
0x59c: {  	v5 =	vmul.f32 v5, v4  }
0x59d: {  	v8 =	vmul.f32 v6, v50  }
0x59e: {  	v5 =	vadd.f32 $3.333333430e-01, v5  }
0x59f: {  	v8 =	vsub.f32 $1.500000000e+00, v8  }
0x5a0: {  	v5 =	vmul.f32 v5, v4  }
0x5a1: {  	v6 =	vmul.f32 v6, v8  }
0x5a2: {  	v5 =	vadd.f32 $-5.000000000e-01, v5  }
0x5a3: {  	v3 =	vshrl.u32 v3, $0x17;
	v51 =	vsel vm3, $0x1, v0;
	v7 =	vmul.f32 v6, v49  }
0x5a4: {  	v3 =	vadd.s32 v51, v3;
	v5 =	vmul.f32 v5, v4  }
0x5a5: {  	v3 =	vadd.s32 $0xFFFFFF81, v3;
	v7 =	vmul.f32 v7, v6  }
0x5a6: {  	v3 =	vcvt.s32.f32 v3;
	v5 =	vadd.f32 $1.000000000e+00, v5  }
0x5a7: {  	v7 =	vsub.f32 $1.500000000e+00, v7  }
0x5a8: {  	v3 =	vmul.f32 $6.931471820e-01, v3;
	v4 =	vmul.f32 v5, v4  }
0x5a9: {  	v52 =	vmul.f32 v7, v6  }
0x5aa: {  	v3 =	vadd.f32 v4, v3  }
0x5ab: {  	v53 =	vand.u32 $0x80000000, v1;
	v2 =	vmul.f32 v52, v2  }
0x5ac: {  	v3 =	vor.u32 v3, v53  }
0x5ad: {  	v2 =	vor.u32 v2, v53;
	v3 =	vsel vm1, v3, v1;
	v1 =	vmul.f32 v1, v1  }
0x5ae: {  	v2 =	vsel vm0, v2, v3  }
0x5af: {  	v1 =	vsel vm2, v1, v2  }
0x5b0: {  	[tilespmem:s14+$0x0] =	vst v1  }
0x5b1: {  	v1 =	vld [tilespmem:s15+$0x80];
	_ =	sdelay $0x4  }
0x5b2: {  	v2 =	vand.u32 $0x7FFFFFFF, v1  }
0x5b3: {  	v3 =	vadd.f32 $1.000000000e+00, v2;
	_ =	sdelay $0x1  }
0x5b4: {  	v54 =	vand.u32 $0x7FFFFF, v3  }
0x5b5: {  	v4 =	vor.u32 $0x3F800000, v54  }
0x5b6: {  	v55 =	vmul.f32 $5.000000000e-01, v4  }
0x5b7: {  	vm3 =	vgt.f32 v4, $1.414213540e+00  }
0x5b8: {  	v4 =	vsel vm3, v55, v4  }
0x5b9: {  	v4 =	vadd.f32 $-1.000000000e+00, v4;
	_ =	sdelay $0x1  }
0x5ba: {  	v56 =	vmul.f32 $1.250000000e-01, v4;
	_ =	sdelay $0x1  }
0x5bb: {  	v5 =	vsub.f32 $1.428571490e-01, v56;
	_ =	sdelay $0x1  }
0x5bc: {  	v5 =	vmul.f32 v5, v4;
	_ =	sdelay $0x1  }
0x5bd: {  	v5 =	vadd.f32 $-1.666666720e-01, v5;
	_ =	sdelay $0x1  }
0x5be: {  	v5 =	vmul.f32 v5, v4;
	_ =	sdelay $0x1  }
0x5bf: {  	v5 =	vadd.f32 $2.000000030e-01, v5  }
0x5c0: {  	v2 =	vadd.f32 $1.000000020e-35, v2  }
0x5c1: {  	v5 =	vmul.f32 v5, v4  }
0x5c2: {  	v57 =	vshrl.u32 v2, $0x1;
	v58 =	vmul.f32 $5.000000000e-01, v2  }
0x5c3: {  	v6 =	vsub.s32 $0x5F3759DF, v57;
	v5 =	vadd.f32 $-2.500000000e-01, v5  }
0x5c4: {  	v59 =	vmul.f32 v6, v58  }
0x5c5: {  	v5 =	vmul.f32 v5, v4  }
0x5c6: {  	v8 =	vmul.f32 v6, v59  }
0x5c7: {  	v5 =	vadd.f32 $3.333333430e-01, v5  }
0x5c8: {  	v8 =	vsub.f32 $1.500000000e+00, v8  }
0x5c9: {  	v5 =	vmul.f32 v5, v4  }
0x5ca: {  	v6 =	vmul.f32 v6, v8  }
0x5cb: {  	v5 =	vadd.f32 $-5.000000000e-01, v5  }
0x5cc: {  	v3 =	vshrl.u32 v3, $0x17;
	v60 =	vsel vm3, $0x1, v0;
	v7 =	vmul.f32 v6, v58  }
0x5cd: {  	v3 =	vadd.s32 v60, v3;
	v5 =	vmul.f32 v5, v4  }
0x5ce: {  	v3 =	vadd.s32 $0xFFFFFF81, v3;
	v7 =	vmul.f32 v7, v6  }
0x5cf: {  	v3 =	vcvt.s32.f32 v3;
	v5 =	vadd.f32 $1.000000000e+00, v5  }
0x5d0: {  	v7 =	vsub.f32 $1.500000000e+00, v7  }
0x5d1: {  	v3 =	vmul.f32 $6.931471820e-01, v3;
	v4 =	vmul.f32 v5, v4  }
0x5d2: {  	v61 =	vmul.f32 v7, v6  }
0x5d3: {  	v3 =	vadd.f32 v4, v3  }
0x5d4: {  	v62 =	vand.u32 $0x80000000, v1;
	v2 =	vmul.f32 v61, v2  }
0x5d5: {  	v3 =	vor.u32 v3, v62  }
0x5d6: {  	v63 =	vmul.f32 v1, v1;
	v2 =	vor.u32 v2, v62;
	v1 =	vsel vm1, v3, v1  }
0x5d7: {  	v1 =	vsel vm0, v2, v1  }
0x5d8: {  	v1 =	vsel vm2, v63, v1  }
0x5d9: {  	s16 =	simm.s32 $0x740;
	s15 =	simm.s32 $0x0;
	[tilespmem:s14+$0x80] =	vst v1  }
.LBB2_11:
0x5da: {  	v1 =	vld [tilespmem:s16+$0xFFFFFF00];
	s15 =	sadd.s32 $0x4, s15  }
0x5db: {  	p0 =	slt.u32 s15, $0x7C;
	_ =	sdelay $0x3  }
0x5dc: {  	v2 =	vand.u32 $0x7FFFFFFF, v1  }
0x5dd: {  	v3 =	vadd.f32 $1.000000000e+00, v2;
	_ =	sdelay $0x1  }
0x5de: {  	v4 =	vand.u32 $0x7FFFFF, v3  }
0x5df: {  	v4 =	vor.u32 $0x3F800000, v4  }
0x5e0: {  	v5 =	vmul.f32 $5.000000000e-01, v4  }
0x5e1: {  	vm3 =	vgt.f32 v4, $1.414213540e+00  }
0x5e2: {  	v4 =	vsel vm3, v5, v4  }
0x5e3: {  	v4 =	vadd.f32 $-1.000000000e+00, v4;
	_ =	sdelay $0x1  }
0x5e4: {  	v5 =	vmul.f32 $1.250000000e-01, v4;
	_ =	sdelay $0x1  }
0x5e5: {  	v5 =	vsub.f32 $1.428571490e-01, v5;
	_ =	sdelay $0x1  }
0x5e6: {  	v5 =	vmul.f32 v5, v4;
	_ =	sdelay $0x1  }
0x5e7: {  	v5 =	vadd.f32 $-1.666666720e-01, v5;
	_ =	sdelay $0x1  }
0x5e8: {  	v5 =	vmul.f32 v5, v4;
	_ =	sdelay $0x1  }
0x5e9: {  	v5 =	vadd.f32 $2.000000030e-01, v5  }
0x5ea: {  	v2 =	vadd.f32 $1.000000020e-35, v2  }
0x5eb: {  	v5 =	vmul.f32 v5, v4  }
0x5ec: {  	v6 =	vshrl.u32 v2, $0x1;
	v7 =	vmul.f32 $5.000000000e-01, v2  }
0x5ed: {  	v6 =	vsub.s32 $0x5F3759DF, v6;
	v5 =	vadd.f32 $-2.500000000e-01, v5  }
0x5ee: {  	v8 =	vmul.f32 v6, v7  }
0x5ef: {  	v5 =	vmul.f32 v5, v4  }
0x5f0: {  	v8 =	vmul.f32 v6, v8  }
0x5f1: {  	v5 =	vadd.f32 $3.333333430e-01, v5  }
0x5f2: {  	v8 =	vsub.f32 $1.500000000e+00, v8  }
0x5f3: {  	v5 =	vmul.f32 v5, v4  }
0x5f4: {  	v6 =	vmul.f32 v6, v8  }
0x5f5: {  	v5 =	vadd.f32 $-5.000000000e-01, v5  }
0x5f6: {  	v3 =	vshrl.u32 v3, $0x17;
	v8 =	vsel vm3, $0x1, v0;
	v7 =	vmul.f32 v6, v7  }
0x5f7: {  	v3 =	vadd.s32 v8, v3;
	v5 =	vmul.f32 v5, v4  }
0x5f8: {  	v3 =	vadd.s32 $0xFFFFFF81, v3;
	v7 =	vmul.f32 v7, v6  }
0x5f9: {  	v3 =	vcvt.s32.f32 v3;
	v5 =	vadd.f32 $1.000000000e+00, v5  }
0x5fa: {  	v7 =	vsub.f32 $1.500000000e+00, v7  }
0x5fb: {  	v3 =	vmul.f32 $6.931471820e-01, v3;
	v4 =	vmul.f32 v5, v4  }
0x5fc: {  	v5 =	vmul.f32 v7, v6  }
0x5fd: {  	v3 =	vadd.f32 v4, v3  }
0x5fe: {  	v4 =	vand.u32 $0x80000000, v1;
	v2 =	vmul.f32 v5, v2  }
0x5ff: {  	v3 =	vor.u32 v3, v4  }
0x600: {  	v2 =	vor.u32 v2, v4;
	v3 =	vsel vm1, v3, v1;
	v1 =	vmul.f32 v1, v1  }
0x601: {  	v2 =	vsel vm0, v2, v3  }
0x602: {  	s14 =	sadd.s32 $0x200, s14;
	v1 =	vsel vm2, v1, v2  }
0x603: {  	[tilespmem:s14+$0xFFFFFF00] =	vst v1  }
0x604: {  	v1 =	vld [tilespmem:s16+$0xFFFFFF80];
	_ =	sdelay $0x4  }
0x605: {  	v2 =	vand.u32 $0x7FFFFFFF, v1  }
0x606: {  	v3 =	vadd.f32 $1.000000000e+00, v2;
	_ =	sdelay $0x1  }
0x607: {  	v4 =	vand.u32 $0x7FFFFF, v3  }
0x608: {  	v4 =	vor.u32 $0x3F800000, v4  }
0x609: {  	v5 =	vmul.f32 $5.000000000e-01, v4  }
0x60a: {  	vm3 =	vgt.f32 v4, $1.414213540e+00  }
0x60b: {  	v4 =	vsel vm3, v5, v4  }
0x60c: {  	v4 =	vadd.f32 $-1.000000000e+00, v4;
	_ =	sdelay $0x1  }
0x60d: {  	v5 =	vmul.f32 $1.250000000e-01, v4;
	_ =	sdelay $0x1  }
0x60e: {  	v5 =	vsub.f32 $1.428571490e-01, v5;
	_ =	sdelay $0x1  }
0x60f: {  	v5 =	vmul.f32 v5, v4;
	_ =	sdelay $0x1  }
0x610: {  	v5 =	vadd.f32 $-1.666666720e-01, v5;
	_ =	sdelay $0x1  }
0x611: {  	v5 =	vmul.f32 v5, v4;
	_ =	sdelay $0x1  }
0x612: {  	v5 =	vadd.f32 $2.000000030e-01, v5  }
0x613: {  	v2 =	vadd.f32 $1.000000020e-35, v2  }
0x614: {  	v5 =	vmul.f32 v5, v4  }
0x615: {  	v6 =	vshrl.u32 v2, $0x1;
	v7 =	vmul.f32 $5.000000000e-01, v2  }
0x616: {  	v6 =	vsub.s32 $0x5F3759DF, v6;
	v5 =	vadd.f32 $-2.500000000e-01, v5  }
0x617: {  	v8 =	vmul.f32 v6, v7  }
0x618: {  	v5 =	vmul.f32 v5, v4  }
0x619: {  	v8 =	vmul.f32 v6, v8  }
0x61a: {  	v5 =	vadd.f32 $3.333333430e-01, v5  }
0x61b: {  	v8 =	vsub.f32 $1.500000000e+00, v8  }
0x61c: {  	v5 =	vmul.f32 v5, v4  }
0x61d: {  	v6 =	vmul.f32 v6, v8  }
0x61e: {  	v5 =	vadd.f32 $-5.000000000e-01, v5  }
0x61f: {  	v3 =	vshrl.u32 v3, $0x17;
	v8 =	vsel vm3, $0x1, v0;
	v7 =	vmul.f32 v6, v7  }
0x620: {  	v3 =	vadd.s32 v8, v3;
	v5 =	vmul.f32 v5, v4  }
0x621: {  	v3 =	vadd.s32 $0xFFFFFF81, v3;
	v7 =	vmul.f32 v7, v6  }
0x622: {  	v3 =	vcvt.s32.f32 v3;
	v5 =	vadd.f32 $1.000000000e+00, v5  }
0x623: {  	v7 =	vsub.f32 $1.500000000e+00, v7  }
0x624: {  	v3 =	vmul.f32 $6.931471820e-01, v3;
	v4 =	vmul.f32 v5, v4  }
0x625: {  	v5 =	vmul.f32 v7, v6  }
0x626: {  	v3 =	vadd.f32 v4, v3  }
0x627: {  	v4 =	vand.u32 $0x80000000, v1;
	v2 =	vmul.f32 v5, v2  }
0x628: {  	v3 =	vor.u32 v3, v4  }
0x629: {  	v2 =	vor.u32 v2, v4;
	v3 =	vsel vm1, v3, v1;
	v1 =	vmul.f32 v1, v1  }
0x62a: {  	v2 =	vsel vm0, v2, v3  }
0x62b: {  	v1 =	vsel vm2, v1, v2  }
0x62c: {  	[tilespmem:s14+$0xFFFFFF80] =	vst v1  }
0x62d: {  	v1 =	vld [tilespmem:s16+$0x0];
	_ =	sdelay $0x4  }
0x62e: {  	v2 =	vand.u32 $0x7FFFFFFF, v1  }
0x62f: {  	v3 =	vadd.f32 $1.000000000e+00, v2;
	_ =	sdelay $0x1  }
0x630: {  	v4 =	vand.u32 $0x7FFFFF, v3  }
0x631: {  	v4 =	vor.u32 $0x3F800000, v4  }
0x632: {  	v5 =	vmul.f32 $5.000000000e-01, v4  }
0x633: {  	vm3 =	vgt.f32 v4, $1.414213540e+00  }
0x634: {  	v4 =	vsel vm3, v5, v4  }
0x635: {  	v4 =	vadd.f32 $-1.000000000e+00, v4;
	_ =	sdelay $0x1  }
0x636: {  	v5 =	vmul.f32 $1.250000000e-01, v4;
	_ =	sdelay $0x1  }
0x637: {  	v5 =	vsub.f32 $1.428571490e-01, v5;
	_ =	sdelay $0x1  }
0x638: {  	v5 =	vmul.f32 v5, v4;
	_ =	sdelay $0x1  }
0x639: {  	v5 =	vadd.f32 $-1.666666720e-01, v5;
	_ =	sdelay $0x1  }
0x63a: {  	v5 =	vmul.f32 v5, v4;
	_ =	sdelay $0x1  }
0x63b: {  	v5 =	vadd.f32 $2.000000030e-01, v5  }
0x63c: {  	v2 =	vadd.f32 $1.000000020e-35, v2  }
0x63d: {  	v5 =	vmul.f32 v5, v4  }
0x63e: {  	v6 =	vshrl.u32 v2, $0x1;
	v7 =	vmul.f32 $5.000000000e-01, v2  }
0x63f: {  	v6 =	vsub.s32 $0x5F3759DF, v6;
	v5 =	vadd.f32 $-2.500000000e-01, v5  }
0x640: {  	v8 =	vmul.f32 v6, v7  }
0x641: {  	v5 =	vmul.f32 v5, v4  }
0x642: {  	v8 =	vmul.f32 v6, v8  }
0x643: {  	v5 =	vadd.f32 $3.333333430e-01, v5  }
0x644: {  	v8 =	vsub.f32 $1.500000000e+00, v8  }
0x645: {  	v5 =	vmul.f32 v5, v4  }
0x646: {  	v6 =	vmul.f32 v6, v8  }
0x647: {  	v5 =	vadd.f32 $-5.000000000e-01, v5  }
0x648: {  	v3 =	vshrl.u32 v3, $0x17;
	v8 =	vsel vm3, $0x1, v0;
	v7 =	vmul.f32 v6, v7  }
0x649: {  	v3 =	vadd.s32 v8, v3;
	v5 =	vmul.f32 v5, v4  }
0x64a: {  	v3 =	vadd.s32 $0xFFFFFF81, v3;
	v7 =	vmul.f32 v7, v6  }
0x64b: {  	v3 =	vcvt.s32.f32 v3;
	v5 =	vadd.f32 $1.000000000e+00, v5  }
0x64c: {  	v7 =	vsub.f32 $1.500000000e+00, v7  }
0x64d: {  	v3 =	vmul.f32 $6.931471820e-01, v3;
	v4 =	vmul.f32 v5, v4  }
0x64e: {  	v5 =	vmul.f32 v7, v6  }
0x64f: {  	v3 =	vadd.f32 v4, v3  }
0x650: {  	v4 =	vand.u32 $0x80000000, v1;
	v2 =	vmul.f32 v5, v2  }
0x651: {  	v3 =	vor.u32 v3, v4  }
0x652: {  	v2 =	vor.u32 v2, v4;
	v3 =	vsel vm1, v3, v1;
	v1 =	vmul.f32 v1, v1  }
0x653: {  	v2 =	vsel vm0, v2, v3  }
0x654: {  	v1 =	vsel vm2, v1, v2  }
0x655: {  	[tilespmem:s14+$0x0] =	vst v1  }
0x656: {  	v1 =	vld [tilespmem:s16+$0x80];
	_ =	sdelay $0x4  }
0x657: {  	v2 =	vand.u32 $0x80000000, v1;
	v3 =	vand.u32 $0x7FFFFFFF, v1;
	v4 =	vmul.f32 v1, v1  }
0x658: {  	v5 =	vadd.f32 $1.000000000e+00, v3;
	v3 =	vadd.f32 $1.000000020e-35, v3;
	_ =	sdelay $0x1  }
0x659: {  	v6 =	vshrl.u32 v5, $0x17;
	v5 =	vand.u32 $0x7FFFFF, v5  }
0x65a: {  	v5 =	vor.u32 $0x3F800000, v5  }
0x65b: {  	vm3 =	vgt.f32 v5, $1.414213540e+00;
	v7 =	vmul.f32 $5.000000000e-01, v5;
	_ =	sdelay $0x1  }
0x65c: {  	v5 =	vsel vm3, v7, v5  }
0x65d: {  	v5 =	vadd.f32 $-1.000000000e+00, v5;
	_ =	sdelay $0x1  }
0x65e: {  	v7 =	vmul.f32 $1.250000000e-01, v5;
	_ =	sdelay $0x1  }
0x65f: {  	v7 =	vsub.f32 $1.428571490e-01, v7;
	_ =	sdelay $0x1  }
0x660: {  	v7 =	vmul.f32 v7, v5;
	_ =	sdelay $0x1  }
0x661: {  	v7 =	vadd.f32 $-1.666666720e-01, v7;
	_ =	sdelay $0x1  }
0x662: {  	v7 =	vmul.f32 v7, v5;
	_ =	sdelay $0x1  }
0x663: {  	v7 =	vadd.f32 $2.000000030e-01, v7;
	_ =	sdelay $0x1  }
0x664: {  	v7 =	vmul.f32 v7, v5  }
0x665: {  	v8 =	vshrl.u32 v3, $0x1;
	v9 =	vmul.f32 $5.000000000e-01, v3  }
0x666: {  	v8 =	vsub.s32 $0x5F3759DF, v8;
	v7 =	vadd.f32 $-2.500000000e-01, v7  }
0x667: {  	v10 =	vmul.f32 v8, v9  }
0x668: {  	v7 =	vmul.f32 v7, v5  }
0x669: {  	v10 =	vmul.f32 v8, v10  }
0x66a: {  	v7 =	vadd.f32 $3.333333430e-01, v7  }
0x66b: {  	v10 =	vsub.f32 $1.500000000e+00, v10  }
0x66c: {  	v7 =	vmul.f32 v7, v5  }
0x66d: {  	v8 =	vmul.f32 v8, v10  }
0x66e: {  	v7 =	vadd.f32 $-5.000000000e-01, v7  }
0x66f: {  	v10 =	vsel vm3, $0x1, v0;
	v9 =	vmul.f32 v8, v9  }
0x670: {  	v6 =	vadd.s32 v10, v6;
	v7 =	vmul.f32 v7, v5  }
0x671: {  	v6 =	vadd.s32 $0xFFFFFF81, v6;
	v9 =	vmul.f32 v9, v8  }
0x672: {  	v6 =	vcvt.s32.f32 v6;
	v7 =	vadd.f32 $1.000000000e+00, v7  }
0x673: {  	v9 =	vsub.f32 $1.500000000e+00, v9  }
0x674: {  	v6 =	vmul.f32 $6.931471820e-01, v6;
	v5 =	vmul.f32 v7, v5  }
0x675: {  	v7 =	vmul.f32 v9, v8  }
0x676: {  	v5 =	vadd.f32 v5, v6  }
0x677: {  	v3 =	vmul.f32 v7, v3  }
.Ltmp4:
0x678: {  	v5 =	vor.u32 v5, v2;
	(pc) =	sbr.rel @p0 .LBB2_11-.Ltmp4, $4  }
0x679: {  	v2 =	vor.u32 v3, v2;
	v1 =	vsel vm1, v5, v1  }
0x67a: {  	v1 =	vsel vm0, v2, v1  }
0x67b: {  	v1 =	vsel vm2, v4, v1  }
0x67c: {  	s16 =	sadd.s32 $0x200, s16;
	[tilespmem:s14+$0x80] =	vst v1  }
0x67d: {  	s15 =	simm.s32 $0x550  }
0x67e: {  	v1 =	vld [tilespmem:s15+$0xFFFFFF00];
	_ =	sdelay $0x4  }
0x67f: {  	v2 =	vand.u32 $0x7FFFFFFF, v1  }
0x680: {  	v3 =	vadd.f32 $1.000000000e+00, v2;
	_ =	sdelay $0x1  }
0x681: {  	v4 =	vand.u32 $0x7FFFFF, v3  }
0x682: {  	v4 =	vor.u32 $0x3F800000, v4  }
0x683: {  	v5 =	vmul.f32 $5.000000000e-01, v4  }
0x684: {  	vm0 =	vgt.f32 v4, $1.414213540e+00  }
0x685: {  	v4 =	vsel vm0, v5, v4  }
0x686: {  	v4 =	vadd.f32 $-1.000000000e+00, v4;
	_ =	sdelay $0x1  }
0x687: {  	v31 =	vmul.f32 $1.250000000e-01, v4;
	_ =	sdelay $0x1  }
0x688: {  	v5 =	vsub.f32 $1.428571490e-01, v31;
	_ =	sdelay $0x1  }
0x689: {  	v5 =	vmul.f32 v5, v4;
	_ =	sdelay $0x1  }
0x68a: {  	v5 =	vadd.f32 $-1.666666720e-01, v5;
	_ =	sdelay $0x1  }
0x68b: {  	v5 =	vmul.f32 v5, v4;
	_ =	sdelay $0x1  }
0x68c: {  	v5 =	vadd.f32 $2.000000030e-01, v5  }
0x68d: {  	v2 =	vadd.f32 $1.000000020e-35, v2  }
0x68e: {  	v5 =	vmul.f32 v5, v4  }
0x68f: {  	v6 =	vshrl.u32 v2, $0x1;
	v7 =	vmul.f32 $5.000000000e-01, v2  }
0x690: {  	v6 =	vsub.s32 $0x5F3759DF, v6;
	v5 =	vadd.f32 $-2.500000000e-01, v5  }
0x691: {  	v8 =	vmul.f32 v6, v7  }
0x692: {  	v5 =	vmul.f32 v5, v4  }
0x693: {  	v8 =	vmul.f32 v6, v8  }
0x694: {  	v5 =	vadd.f32 $3.333333430e-01, v5  }
0x695: {  	v8 =	vsub.f32 $1.500000000e+00, v8  }
0x696: {  	v5 =	vmul.f32 v5, v4  }
0x697: {  	v6 =	vmul.f32 v6, v8  }
0x698: {  	v5 =	vadd.f32 $-5.000000000e-01, v5  }
0x699: {  	v3 =	vshrl.u32 v3, $0x17;
	v32 =	vsel vm0, $0x1, v0;
	v7 =	vmul.f32 v6, v7  }
0x69a: {  	v3 =	vadd.s32 v32, v3;
	v5 =	vmul.f32 v5, v4  }
0x69b: {  	v3 =	vadd.s32 $0xFFFFFF81, v3;
	v7 =	vmul.f32 v7, v6  }
0x69c: {  	v33 =	vld [tilespmem:$0xD0];
	v3 =	vcvt.s32.f32 v3;
	v5 =	vadd.f32 $1.000000000e+00, v5  }
0x69d: {  	v9 =	vld [tilespmem:$0x150];
	v7 =	vsub.f32 $1.500000000e+00, v7  }
0x69e: {  	v3 =	vmul.f32 $6.931471820e-01, v3;
	v4 =	vmul.f32 v5, v4  }
0x69f: {  	v34 =	vld [tilespmem:$0x1D0];
	v6 =	vmul.f32 v7, v6  }
0x6a0: {  	v3 =	vadd.f32 v4, v3  }
0x6a1: {  	v35 =	vand.u32 $0x80000000, v1;
	v2 =	vmul.f32 v6, v2  }
0x6a2: {  	vm1 =	vgt.f32 v33, $5.000000000e-01;
	vm0 =	vgt.f32 v9, $5.000000000e-01;
	v3 =	vor.u32 v3, v35  }
0x6a3: {  	v2 =	vor.u32 v2, v35;
	v3 =	vsel vm1, v3, v1;
	v1 =	vmul.f32 v1, v1  }
0x6a4: {  	vm2 =	vgt.f32 v34, $5.000000000e-01;
	v2 =	vsel vm0, v2, v3  }
0x6a5: {  	s14 =	simm.s32 $0x4550;
	v1 =	vsel vm2, v1, v2  }
0x6a6: {  	[tilespmem:s14+$0xFFFFFF00] =	vst v1  }
0x6a7: {  	v1 =	vld [tilespmem:s15+$0xFFFFFF80];
	_ =	sdelay $0x4  }
0x6a8: {  	v2 =	vand.u32 $0x7FFFFFFF, v1  }
0x6a9: {  	v3 =	vadd.f32 $1.000000000e+00, v2;
	_ =	sdelay $0x1  }
0x6aa: {  	v36 =	vand.u32 $0x7FFFFF, v3  }
0x6ab: {  	v4 =	vor.u32 $0x3F800000, v36  }
0x6ac: {  	v37 =	vmul.f32 $5.000000000e-01, v4  }
0x6ad: {  	vm3 =	vgt.f32 v4, $1.414213540e+00  }
0x6ae: {  	v4 =	vsel vm3, v37, v4  }
0x6af: {  	v4 =	vadd.f32 $-1.000000000e+00, v4;
	_ =	sdelay $0x1  }
0x6b0: {  	v38 =	vmul.f32 $1.250000000e-01, v4;
	_ =	sdelay $0x1  }
0x6b1: {  	v5 =	vsub.f32 $1.428571490e-01, v38;
	_ =	sdelay $0x1  }
0x6b2: {  	v5 =	vmul.f32 v5, v4;
	_ =	sdelay $0x1  }
0x6b3: {  	v5 =	vadd.f32 $-1.666666720e-01, v5;
	_ =	sdelay $0x1  }
0x6b4: {  	v5 =	vmul.f32 v5, v4;
	_ =	sdelay $0x1  }
0x6b5: {  	v5 =	vadd.f32 $2.000000030e-01, v5  }
0x6b6: {  	v2 =	vadd.f32 $1.000000020e-35, v2  }
0x6b7: {  	v5 =	vmul.f32 v5, v4  }
0x6b8: {  	v39 =	vshrl.u32 v2, $0x1;
	v40 =	vmul.f32 $5.000000000e-01, v2  }
0x6b9: {  	v6 =	vsub.s32 $0x5F3759DF, v39;
	v5 =	vadd.f32 $-2.500000000e-01, v5  }
0x6ba: {  	v41 =	vmul.f32 v6, v40  }
0x6bb: {  	v5 =	vmul.f32 v5, v4  }
0x6bc: {  	v8 =	vmul.f32 v6, v41  }
0x6bd: {  	v5 =	vadd.f32 $3.333333430e-01, v5  }
0x6be: {  	v8 =	vsub.f32 $1.500000000e+00, v8  }
0x6bf: {  	v5 =	vmul.f32 v5, v4  }
0x6c0: {  	v6 =	vmul.f32 v6, v8  }
0x6c1: {  	v5 =	vadd.f32 $-5.000000000e-01, v5  }
0x6c2: {  	v3 =	vshrl.u32 v3, $0x17;
	v42 =	vsel vm3, $0x1, v0;
	v7 =	vmul.f32 v6, v40  }
0x6c3: {  	v3 =	vadd.s32 v42, v3;
	v5 =	vmul.f32 v5, v4  }
0x6c4: {  	v3 =	vadd.s32 $0xFFFFFF81, v3;
	v7 =	vmul.f32 v7, v6  }
0x6c5: {  	v3 =	vcvt.s32.f32 v3;
	v5 =	vadd.f32 $1.000000000e+00, v5  }
0x6c6: {  	v7 =	vsub.f32 $1.500000000e+00, v7  }
0x6c7: {  	v3 =	vmul.f32 $6.931471820e-01, v3;
	v4 =	vmul.f32 v5, v4  }
0x6c8: {  	v43 =	vmul.f32 v7, v6  }
0x6c9: {  	v3 =	vadd.f32 v4, v3  }
0x6ca: {  	v44 =	vand.u32 $0x80000000, v1;
	v2 =	vmul.f32 v43, v2  }
0x6cb: {  	v3 =	vor.u32 v3, v44  }
0x6cc: {  	v2 =	vor.u32 v2, v44;
	v3 =	vsel vm1, v3, v1;
	v1 =	vmul.f32 v1, v1  }
0x6cd: {  	v2 =	vsel vm0, v2, v3  }
0x6ce: {  	v1 =	vsel vm2, v1, v2  }
0x6cf: {  	[tilespmem:s14+$0xFFFFFF80] =	vst v1  }
0x6d0: {  	v1 =	vld [tilespmem:s15+$0x0];
	_ =	sdelay $0x4  }
0x6d1: {  	v2 =	vand.u32 $0x7FFFFFFF, v1  }
0x6d2: {  	v3 =	vadd.f32 $1.000000000e+00, v2;
	_ =	sdelay $0x1  }
0x6d3: {  	v45 =	vand.u32 $0x7FFFFF, v3  }
0x6d4: {  	v4 =	vor.u32 $0x3F800000, v45  }
0x6d5: {  	v46 =	vmul.f32 $5.000000000e-01, v4  }
0x6d6: {  	vm3 =	vgt.f32 v4, $1.414213540e+00  }
0x6d7: {  	v4 =	vsel vm3, v46, v4  }
0x6d8: {  	v4 =	vadd.f32 $-1.000000000e+00, v4;
	_ =	sdelay $0x1  }
0x6d9: {  	v47 =	vmul.f32 $1.250000000e-01, v4;
	_ =	sdelay $0x1  }
0x6da: {  	v5 =	vsub.f32 $1.428571490e-01, v47;
	_ =	sdelay $0x1  }
0x6db: {  	v5 =	vmul.f32 v5, v4;
	_ =	sdelay $0x1  }
0x6dc: {  	v5 =	vadd.f32 $-1.666666720e-01, v5;
	_ =	sdelay $0x1  }
0x6dd: {  	v5 =	vmul.f32 v5, v4;
	_ =	sdelay $0x1  }
0x6de: {  	v5 =	vadd.f32 $2.000000030e-01, v5  }
0x6df: {  	v2 =	vadd.f32 $1.000000020e-35, v2  }
0x6e0: {  	v5 =	vmul.f32 v5, v4  }
0x6e1: {  	v48 =	vshrl.u32 v2, $0x1;
	v49 =	vmul.f32 $5.000000000e-01, v2  }
0x6e2: {  	v6 =	vsub.s32 $0x5F3759DF, v48;
	v5 =	vadd.f32 $-2.500000000e-01, v5  }
0x6e3: {  	v50 =	vmul.f32 v6, v49  }
0x6e4: {  	v5 =	vmul.f32 v5, v4  }
0x6e5: {  	v8 =	vmul.f32 v6, v50  }
0x6e6: {  	v5 =	vadd.f32 $3.333333430e-01, v5  }
0x6e7: {  	v8 =	vsub.f32 $1.500000000e+00, v8  }
0x6e8: {  	v5 =	vmul.f32 v5, v4  }
0x6e9: {  	v6 =	vmul.f32 v6, v8  }
0x6ea: {  	v5 =	vadd.f32 $-5.000000000e-01, v5  }
0x6eb: {  	v3 =	vshrl.u32 v3, $0x17;
	v51 =	vsel vm3, $0x1, v0;
	v7 =	vmul.f32 v6, v49  }
0x6ec: {  	v3 =	vadd.s32 v51, v3;
	v5 =	vmul.f32 v5, v4  }
0x6ed: {  	v3 =	vadd.s32 $0xFFFFFF81, v3;
	v7 =	vmul.f32 v7, v6  }
0x6ee: {  	v3 =	vcvt.s32.f32 v3;
	v5 =	vadd.f32 $1.000000000e+00, v5  }
0x6ef: {  	v7 =	vsub.f32 $1.500000000e+00, v7  }
0x6f0: {  	v3 =	vmul.f32 $6.931471820e-01, v3;
	v4 =	vmul.f32 v5, v4  }
0x6f1: {  	v52 =	vmul.f32 v7, v6  }
0x6f2: {  	v3 =	vadd.f32 v4, v3  }
0x6f3: {  	v53 =	vand.u32 $0x80000000, v1;
	v2 =	vmul.f32 v52, v2  }
0x6f4: {  	v3 =	vor.u32 v3, v53  }
0x6f5: {  	v2 =	vor.u32 v2, v53;
	v3 =	vsel vm1, v3, v1;
	v1 =	vmul.f32 v1, v1  }
0x6f6: {  	v2 =	vsel vm0, v2, v3  }
0x6f7: {  	v1 =	vsel vm2, v1, v2  }
0x6f8: {  	[tilespmem:s14+$0x0] =	vst v1  }
0x6f9: {  	v1 =	vld [tilespmem:s15+$0x80];
	_ =	sdelay $0x4  }
0x6fa: {  	v2 =	vand.u32 $0x7FFFFFFF, v1  }
0x6fb: {  	v3 =	vadd.f32 $1.000000000e+00, v2;
	_ =	sdelay $0x1  }
0x6fc: {  	v54 =	vand.u32 $0x7FFFFF, v3  }
0x6fd: {  	v4 =	vor.u32 $0x3F800000, v54  }
0x6fe: {  	v55 =	vmul.f32 $5.000000000e-01, v4  }
0x6ff: {  	vm3 =	vgt.f32 v4, $1.414213540e+00  }
0x700: {  	v4 =	vsel vm3, v55, v4  }
0x701: {  	v4 =	vadd.f32 $-1.000000000e+00, v4;
	_ =	sdelay $0x1  }
0x702: {  	v56 =	vmul.f32 $1.250000000e-01, v4;
	_ =	sdelay $0x1  }
0x703: {  	v5 =	vsub.f32 $1.428571490e-01, v56;
	_ =	sdelay $0x1  }
0x704: {  	v5 =	vmul.f32 v5, v4;
	_ =	sdelay $0x1  }
0x705: {  	v5 =	vadd.f32 $-1.666666720e-01, v5;
	_ =	sdelay $0x1  }
0x706: {  	v5 =	vmul.f32 v5, v4;
	_ =	sdelay $0x1  }
0x707: {  	v5 =	vadd.f32 $2.000000030e-01, v5  }
0x708: {  	v2 =	vadd.f32 $1.000000020e-35, v2  }
0x709: {  	v5 =	vmul.f32 v5, v4  }
0x70a: {  	v57 =	vshrl.u32 v2, $0x1;
	v58 =	vmul.f32 $5.000000000e-01, v2  }
0x70b: {  	v6 =	vsub.s32 $0x5F3759DF, v57;
	v5 =	vadd.f32 $-2.500000000e-01, v5  }
0x70c: {  	v59 =	vmul.f32 v6, v58  }
0x70d: {  	v5 =	vmul.f32 v5, v4  }
0x70e: {  	v8 =	vmul.f32 v6, v59  }
0x70f: {  	v5 =	vadd.f32 $3.333333430e-01, v5  }
0x710: {  	v8 =	vsub.f32 $1.500000000e+00, v8  }
0x711: {  	v5 =	vmul.f32 v5, v4  }
0x712: {  	v6 =	vmul.f32 v6, v8  }
0x713: {  	v5 =	vadd.f32 $-5.000000000e-01, v5  }
0x714: {  	v3 =	vshrl.u32 v3, $0x17;
	v60 =	vsel vm3, $0x1, v0;
	v7 =	vmul.f32 v6, v58  }
0x715: {  	v3 =	vadd.s32 v60, v3;
	v5 =	vmul.f32 v5, v4  }
0x716: {  	v3 =	vadd.s32 $0xFFFFFF81, v3;
	v7 =	vmul.f32 v7, v6  }
0x717: {  	v3 =	vcvt.s32.f32 v3;
	v5 =	vadd.f32 $1.000000000e+00, v5  }
0x718: {  	v7 =	vsub.f32 $1.500000000e+00, v7  }
0x719: {  	v3 =	vmul.f32 $6.931471820e-01, v3;
	v4 =	vmul.f32 v5, v4  }
0x71a: {  	v61 =	vmul.f32 v7, v6  }
0x71b: {  	v3 =	vadd.f32 v4, v3  }
0x71c: {  	v62 =	vand.u32 $0x80000000, v1;
	v2 =	vmul.f32 v61, v2  }
0x71d: {  	v3 =	vor.u32 v3, v62  }
0x71e: {  	v63 =	vmul.f32 v1, v1;
	v2 =	vor.u32 v2, v62;
	v1 =	vsel vm1, v3, v1  }
0x71f: {  	v1 =	vsel vm0, v2, v1  }
0x720: {  	v1 =	vsel vm2, v63, v1  }
0x721: {  	s16 =	simm.s32 $0x750;
	s15 =	simm.s32 $0x0;
	[tilespmem:s14+$0x80] =	vst v1  }
.LBB2_13:
0x722: {  	v1 =	vld [tilespmem:s16+$0xFFFFFF00];
	s15 =	sadd.s32 $0x4, s15  }
0x723: {  	p0 =	slt.u32 s15, $0x7C;
	_ =	sdelay $0x3  }
0x724: {  	v2 =	vand.u32 $0x7FFFFFFF, v1  }
0x725: {  	v3 =	vadd.f32 $1.000000000e+00, v2;
	_ =	sdelay $0x1  }
0x726: {  	v4 =	vand.u32 $0x7FFFFF, v3  }
0x727: {  	v4 =	vor.u32 $0x3F800000, v4  }
0x728: {  	v5 =	vmul.f32 $5.000000000e-01, v4  }
0x729: {  	vm3 =	vgt.f32 v4, $1.414213540e+00  }
0x72a: {  	v4 =	vsel vm3, v5, v4  }
0x72b: {  	v4 =	vadd.f32 $-1.000000000e+00, v4;
	_ =	sdelay $0x1  }
0x72c: {  	v5 =	vmul.f32 $1.250000000e-01, v4;
	_ =	sdelay $0x1  }
0x72d: {  	v5 =	vsub.f32 $1.428571490e-01, v5;
	_ =	sdelay $0x1  }
0x72e: {  	v5 =	vmul.f32 v5, v4;
	_ =	sdelay $0x1  }
0x72f: {  	v5 =	vadd.f32 $-1.666666720e-01, v5;
	_ =	sdelay $0x1  }
0x730: {  	v5 =	vmul.f32 v5, v4;
	_ =	sdelay $0x1  }
0x731: {  	v5 =	vadd.f32 $2.000000030e-01, v5  }
0x732: {  	v2 =	vadd.f32 $1.000000020e-35, v2  }
0x733: {  	v5 =	vmul.f32 v5, v4  }
0x734: {  	v6 =	vshrl.u32 v2, $0x1;
	v7 =	vmul.f32 $5.000000000e-01, v2  }
0x735: {  	v6 =	vsub.s32 $0x5F3759DF, v6;
	v5 =	vadd.f32 $-2.500000000e-01, v5  }
0x736: {  	v8 =	vmul.f32 v6, v7  }
0x737: {  	v5 =	vmul.f32 v5, v4  }
0x738: {  	v8 =	vmul.f32 v6, v8  }
0x739: {  	v5 =	vadd.f32 $3.333333430e-01, v5  }
0x73a: {  	v8 =	vsub.f32 $1.500000000e+00, v8  }
0x73b: {  	v5 =	vmul.f32 v5, v4  }
0x73c: {  	v6 =	vmul.f32 v6, v8  }
0x73d: {  	v5 =	vadd.f32 $-5.000000000e-01, v5  }
0x73e: {  	v3 =	vshrl.u32 v3, $0x17;
	v8 =	vsel vm3, $0x1, v0;
	v7 =	vmul.f32 v6, v7  }
0x73f: {  	v3 =	vadd.s32 v8, v3;
	v5 =	vmul.f32 v5, v4  }
0x740: {  	v3 =	vadd.s32 $0xFFFFFF81, v3;
	v7 =	vmul.f32 v7, v6  }
0x741: {  	v3 =	vcvt.s32.f32 v3;
	v5 =	vadd.f32 $1.000000000e+00, v5  }
0x742: {  	v7 =	vsub.f32 $1.500000000e+00, v7  }
0x743: {  	v3 =	vmul.f32 $6.931471820e-01, v3;
	v4 =	vmul.f32 v5, v4  }
0x744: {  	v5 =	vmul.f32 v7, v6  }
0x745: {  	v3 =	vadd.f32 v4, v3  }
0x746: {  	v4 =	vand.u32 $0x80000000, v1;
	v2 =	vmul.f32 v5, v2  }
0x747: {  	v3 =	vor.u32 v3, v4  }
0x748: {  	v2 =	vor.u32 v2, v4;
	v3 =	vsel vm1, v3, v1;
	v1 =	vmul.f32 v1, v1  }
0x749: {  	v2 =	vsel vm0, v2, v3  }
0x74a: {  	s14 =	sadd.s32 $0x200, s14;
	v1 =	vsel vm2, v1, v2  }
0x74b: {  	[tilespmem:s14+$0xFFFFFF00] =	vst v1  }
0x74c: {  	v1 =	vld [tilespmem:s16+$0xFFFFFF80];
	_ =	sdelay $0x4  }
0x74d: {  	v2 =	vand.u32 $0x7FFFFFFF, v1  }
0x74e: {  	v3 =	vadd.f32 $1.000000000e+00, v2;
	_ =	sdelay $0x1  }
0x74f: {  	v4 =	vand.u32 $0x7FFFFF, v3  }
0x750: {  	v4 =	vor.u32 $0x3F800000, v4  }
0x751: {  	v5 =	vmul.f32 $5.000000000e-01, v4  }
0x752: {  	vm3 =	vgt.f32 v4, $1.414213540e+00  }
0x753: {  	v4 =	vsel vm3, v5, v4  }
0x754: {  	v4 =	vadd.f32 $-1.000000000e+00, v4;
	_ =	sdelay $0x1  }
0x755: {  	v5 =	vmul.f32 $1.250000000e-01, v4;
	_ =	sdelay $0x1  }
0x756: {  	v5 =	vsub.f32 $1.428571490e-01, v5;
	_ =	sdelay $0x1  }
0x757: {  	v5 =	vmul.f32 v5, v4;
	_ =	sdelay $0x1  }
0x758: {  	v5 =	vadd.f32 $-1.666666720e-01, v5;
	_ =	sdelay $0x1  }
0x759: {  	v5 =	vmul.f32 v5, v4;
	_ =	sdelay $0x1  }
0x75a: {  	v5 =	vadd.f32 $2.000000030e-01, v5  }
0x75b: {  	v2 =	vadd.f32 $1.000000020e-35, v2  }
0x75c: {  	v5 =	vmul.f32 v5, v4  }
0x75d: {  	v6 =	vshrl.u32 v2, $0x1;
	v7 =	vmul.f32 $5.000000000e-01, v2  }
0x75e: {  	v6 =	vsub.s32 $0x5F3759DF, v6;
	v5 =	vadd.f32 $-2.500000000e-01, v5  }
0x75f: {  	v8 =	vmul.f32 v6, v7  }
0x760: {  	v5 =	vmul.f32 v5, v4  }
0x761: {  	v8 =	vmul.f32 v6, v8  }
0x762: {  	v5 =	vadd.f32 $3.333333430e-01, v5  }
0x763: {  	v8 =	vsub.f32 $1.500000000e+00, v8  }
0x764: {  	v5 =	vmul.f32 v5, v4  }
0x765: {  	v6 =	vmul.f32 v6, v8  }
0x766: {  	v5 =	vadd.f32 $-5.000000000e-01, v5  }
0x767: {  	v3 =	vshrl.u32 v3, $0x17;
	v8 =	vsel vm3, $0x1, v0;
	v7 =	vmul.f32 v6, v7  }
0x768: {  	v3 =	vadd.s32 v8, v3;
	v5 =	vmul.f32 v5, v4  }
0x769: {  	v3 =	vadd.s32 $0xFFFFFF81, v3;
	v7 =	vmul.f32 v7, v6  }
0x76a: {  	v3 =	vcvt.s32.f32 v3;
	v5 =	vadd.f32 $1.000000000e+00, v5  }
0x76b: {  	v7 =	vsub.f32 $1.500000000e+00, v7  }
0x76c: {  	v3 =	vmul.f32 $6.931471820e-01, v3;
	v4 =	vmul.f32 v5, v4  }
0x76d: {  	v5 =	vmul.f32 v7, v6  }
0x76e: {  	v3 =	vadd.f32 v4, v3  }
0x76f: {  	v4 =	vand.u32 $0x80000000, v1;
	v2 =	vmul.f32 v5, v2  }
0x770: {  	v3 =	vor.u32 v3, v4  }
0x771: {  	v2 =	vor.u32 v2, v4;
	v3 =	vsel vm1, v3, v1;
	v1 =	vmul.f32 v1, v1  }
0x772: {  	v2 =	vsel vm0, v2, v3  }
0x773: {  	v1 =	vsel vm2, v1, v2  }
0x774: {  	[tilespmem:s14+$0xFFFFFF80] =	vst v1  }
0x775: {  	v1 =	vld [tilespmem:s16+$0x0];
	_ =	sdelay $0x4  }
0x776: {  	v2 =	vand.u32 $0x7FFFFFFF, v1  }
0x777: {  	v3 =	vadd.f32 $1.000000000e+00, v2;
	_ =	sdelay $0x1  }
0x778: {  	v4 =	vand.u32 $0x7FFFFF, v3  }
0x779: {  	v4 =	vor.u32 $0x3F800000, v4  }
0x77a: {  	v5 =	vmul.f32 $5.000000000e-01, v4  }
0x77b: {  	vm3 =	vgt.f32 v4, $1.414213540e+00  }
0x77c: {  	v4 =	vsel vm3, v5, v4  }
0x77d: {  	v4 =	vadd.f32 $-1.000000000e+00, v4;
	_ =	sdelay $0x1  }
0x77e: {  	v5 =	vmul.f32 $1.250000000e-01, v4;
	_ =	sdelay $0x1  }
0x77f: {  	v5 =	vsub.f32 $1.428571490e-01, v5;
	_ =	sdelay $0x1  }
0x780: {  	v5 =	vmul.f32 v5, v4;
	_ =	sdelay $0x1  }
0x781: {  	v5 =	vadd.f32 $-1.666666720e-01, v5;
	_ =	sdelay $0x1  }
0x782: {  	v5 =	vmul.f32 v5, v4;
	_ =	sdelay $0x1  }
0x783: {  	v5 =	vadd.f32 $2.000000030e-01, v5  }
0x784: {  	v2 =	vadd.f32 $1.000000020e-35, v2  }
0x785: {  	v5 =	vmul.f32 v5, v4  }
0x786: {  	v6 =	vshrl.u32 v2, $0x1;
	v7 =	vmul.f32 $5.000000000e-01, v2  }
0x787: {  	v6 =	vsub.s32 $0x5F3759DF, v6;
	v5 =	vadd.f32 $-2.500000000e-01, v5  }
0x788: {  	v8 =	vmul.f32 v6, v7  }
0x789: {  	v5 =	vmul.f32 v5, v4  }
0x78a: {  	v8 =	vmul.f32 v6, v8  }
0x78b: {  	v5 =	vadd.f32 $3.333333430e-01, v5  }
0x78c: {  	v8 =	vsub.f32 $1.500000000e+00, v8  }
0x78d: {  	v5 =	vmul.f32 v5, v4  }
0x78e: {  	v6 =	vmul.f32 v6, v8  }
0x78f: {  	v5 =	vadd.f32 $-5.000000000e-01, v5  }
0x790: {  	v3 =	vshrl.u32 v3, $0x17;
	v8 =	vsel vm3, $0x1, v0;
	v7 =	vmul.f32 v6, v7  }
0x791: {  	v3 =	vadd.s32 v8, v3;
	v5 =	vmul.f32 v5, v4  }
0x792: {  	v3 =	vadd.s32 $0xFFFFFF81, v3;
	v7 =	vmul.f32 v7, v6  }
0x793: {  	v3 =	vcvt.s32.f32 v3;
	v5 =	vadd.f32 $1.000000000e+00, v5  }
0x794: {  	v7 =	vsub.f32 $1.500000000e+00, v7  }
0x795: {  	v3 =	vmul.f32 $6.931471820e-01, v3;
	v4 =	vmul.f32 v5, v4  }
0x796: {  	v5 =	vmul.f32 v7, v6  }
0x797: {  	v3 =	vadd.f32 v4, v3  }
0x798: {  	v4 =	vand.u32 $0x80000000, v1;
	v2 =	vmul.f32 v5, v2  }
0x799: {  	v3 =	vor.u32 v3, v4  }
0x79a: {  	v2 =	vor.u32 v2, v4;
	v3 =	vsel vm1, v3, v1;
	v1 =	vmul.f32 v1, v1  }
0x79b: {  	v2 =	vsel vm0, v2, v3  }
0x79c: {  	v1 =	vsel vm2, v1, v2  }
0x79d: {  	[tilespmem:s14+$0x0] =	vst v1  }
0x79e: {  	v1 =	vld [tilespmem:s16+$0x80];
	_ =	sdelay $0x4  }
0x79f: {  	v2 =	vand.u32 $0x80000000, v1;
	v3 =	vand.u32 $0x7FFFFFFF, v1;
	v4 =	vmul.f32 v1, v1  }
0x7a0: {  	v5 =	vadd.f32 $1.000000000e+00, v3;
	v3 =	vadd.f32 $1.000000020e-35, v3;
	_ =	sdelay $0x1  }
0x7a1: {  	v6 =	vshrl.u32 v5, $0x17;
	v5 =	vand.u32 $0x7FFFFF, v5  }
0x7a2: {  	v5 =	vor.u32 $0x3F800000, v5  }
0x7a3: {  	vm3 =	vgt.f32 v5, $1.414213540e+00;
	v7 =	vmul.f32 $5.000000000e-01, v5;
	_ =	sdelay $0x1  }
0x7a4: {  	v5 =	vsel vm3, v7, v5  }
0x7a5: {  	v5 =	vadd.f32 $-1.000000000e+00, v5;
	_ =	sdelay $0x1  }
0x7a6: {  	v7 =	vmul.f32 $1.250000000e-01, v5;
	_ =	sdelay $0x1  }
0x7a7: {  	v7 =	vsub.f32 $1.428571490e-01, v7;
	_ =	sdelay $0x1  }
0x7a8: {  	v7 =	vmul.f32 v7, v5;
	_ =	sdelay $0x1  }
0x7a9: {  	v7 =	vadd.f32 $-1.666666720e-01, v7;
	_ =	sdelay $0x1  }
0x7aa: {  	v7 =	vmul.f32 v7, v5;
	_ =	sdelay $0x1  }
0x7ab: {  	v7 =	vadd.f32 $2.000000030e-01, v7;
	_ =	sdelay $0x1  }
0x7ac: {  	v7 =	vmul.f32 v7, v5  }
0x7ad: {  	v8 =	vshrl.u32 v3, $0x1;
	v9 =	vmul.f32 $5.000000000e-01, v3  }
0x7ae: {  	v8 =	vsub.s32 $0x5F3759DF, v8;
	v7 =	vadd.f32 $-2.500000000e-01, v7  }
0x7af: {  	v10 =	vmul.f32 v8, v9  }
0x7b0: {  	v7 =	vmul.f32 v7, v5  }
0x7b1: {  	v10 =	vmul.f32 v8, v10  }
0x7b2: {  	v7 =	vadd.f32 $3.333333430e-01, v7  }
0x7b3: {  	v10 =	vsub.f32 $1.500000000e+00, v10  }
0x7b4: {  	v7 =	vmul.f32 v7, v5  }
0x7b5: {  	v8 =	vmul.f32 v8, v10  }
0x7b6: {  	v7 =	vadd.f32 $-5.000000000e-01, v7  }
0x7b7: {  	v10 =	vsel vm3, $0x1, v0;
	v9 =	vmul.f32 v8, v9  }
0x7b8: {  	v6 =	vadd.s32 v10, v6;
	v7 =	vmul.f32 v7, v5  }
0x7b9: {  	v6 =	vadd.s32 $0xFFFFFF81, v6;
	v9 =	vmul.f32 v9, v8  }
0x7ba: {  	v6 =	vcvt.s32.f32 v6;
	v7 =	vadd.f32 $1.000000000e+00, v7  }
0x7bb: {  	v9 =	vsub.f32 $1.500000000e+00, v9  }
0x7bc: {  	v6 =	vmul.f32 $6.931471820e-01, v6;
	v5 =	vmul.f32 v7, v5  }
0x7bd: {  	v7 =	vmul.f32 v9, v8  }
0x7be: {  	v5 =	vadd.f32 v5, v6  }
0x7bf: {  	v3 =	vmul.f32 v7, v3  }
.Ltmp5:
0x7c0: {  	v5 =	vor.u32 v5, v2;
	(pc) =	sbr.rel @p0 .LBB2_13-.Ltmp5, $4  }
0x7c1: {  	v2 =	vor.u32 v3, v2;
	v1 =	vsel vm1, v5, v1  }
0x7c2: {  	v1 =	vsel vm0, v2, v1  }
0x7c3: {  	v1 =	vsel vm2, v4, v1  }
0x7c4: {  	s16 =	sadd.s32 $0x200, s16;
	[tilespmem:s14+$0x80] =	vst v1  }
0x7c5: {  	s15 =	simm.s32 $0x560  }
0x7c6: {  	v1 =	vld [tilespmem:s15+$0xFFFFFF00];
	_ =	sdelay $0x4  }
0x7c7: {  	v2 =	vand.u32 $0x7FFFFFFF, v1  }
0x7c8: {  	v3 =	vadd.f32 $1.000000000e+00, v2;
	_ =	sdelay $0x1  }
0x7c9: {  	v4 =	vand.u32 $0x7FFFFF, v3  }
0x7ca: {  	v4 =	vor.u32 $0x3F800000, v4  }
0x7cb: {  	v5 =	vmul.f32 $5.000000000e-01, v4  }
0x7cc: {  	vm0 =	vgt.f32 v4, $1.414213540e+00  }
0x7cd: {  	v4 =	vsel vm0, v5, v4  }
0x7ce: {  	v4 =	vadd.f32 $-1.000000000e+00, v4;
	_ =	sdelay $0x1  }
0x7cf: {  	v31 =	vmul.f32 $1.250000000e-01, v4;
	_ =	sdelay $0x1  }
0x7d0: {  	v5 =	vsub.f32 $1.428571490e-01, v31;
	_ =	sdelay $0x1  }
0x7d1: {  	v5 =	vmul.f32 v5, v4;
	_ =	sdelay $0x1  }
0x7d2: {  	v5 =	vadd.f32 $-1.666666720e-01, v5;
	_ =	sdelay $0x1  }
0x7d3: {  	v5 =	vmul.f32 v5, v4;
	_ =	sdelay $0x1  }
0x7d4: {  	v5 =	vadd.f32 $2.000000030e-01, v5  }
0x7d5: {  	v2 =	vadd.f32 $1.000000020e-35, v2  }
0x7d6: {  	v5 =	vmul.f32 v5, v4  }
0x7d7: {  	v6 =	vshrl.u32 v2, $0x1;
	v7 =	vmul.f32 $5.000000000e-01, v2  }
0x7d8: {  	v6 =	vsub.s32 $0x5F3759DF, v6;
	v5 =	vadd.f32 $-2.500000000e-01, v5  }
0x7d9: {  	v8 =	vmul.f32 v6, v7  }
0x7da: {  	v5 =	vmul.f32 v5, v4  }
0x7db: {  	v8 =	vmul.f32 v6, v8  }
0x7dc: {  	v5 =	vadd.f32 $3.333333430e-01, v5  }
0x7dd: {  	v8 =	vsub.f32 $1.500000000e+00, v8  }
0x7de: {  	v5 =	vmul.f32 v5, v4  }
0x7df: {  	v6 =	vmul.f32 v6, v8  }
0x7e0: {  	v5 =	vadd.f32 $-5.000000000e-01, v5  }
0x7e1: {  	v3 =	vshrl.u32 v3, $0x17;
	v32 =	vsel vm0, $0x1, v0;
	v7 =	vmul.f32 v6, v7  }
0x7e2: {  	v3 =	vadd.s32 v32, v3;
	v5 =	vmul.f32 v5, v4  }
0x7e3: {  	v3 =	vadd.s32 $0xFFFFFF81, v3;
	v7 =	vmul.f32 v7, v6  }
0x7e4: {  	v33 =	vld [tilespmem:$0xE0];
	v3 =	vcvt.s32.f32 v3;
	v5 =	vadd.f32 $1.000000000e+00, v5  }
0x7e5: {  	v9 =	vld [tilespmem:$0x160];
	v7 =	vsub.f32 $1.500000000e+00, v7  }
0x7e6: {  	v3 =	vmul.f32 $6.931471820e-01, v3;
	v4 =	vmul.f32 v5, v4  }
0x7e7: {  	v34 =	vld [tilespmem:$0x1E0];
	v6 =	vmul.f32 v7, v6  }
0x7e8: {  	v3 =	vadd.f32 v4, v3  }
0x7e9: {  	v35 =	vand.u32 $0x80000000, v1;
	v2 =	vmul.f32 v6, v2  }
0x7ea: {  	vm1 =	vgt.f32 v33, $5.000000000e-01;
	vm0 =	vgt.f32 v9, $5.000000000e-01;
	v3 =	vor.u32 v3, v35  }
0x7eb: {  	v2 =	vor.u32 v2, v35;
	v3 =	vsel vm1, v3, v1;
	v1 =	vmul.f32 v1, v1  }
0x7ec: {  	vm2 =	vgt.f32 v34, $5.000000000e-01;
	v2 =	vsel vm0, v2, v3  }
0x7ed: {  	s14 =	simm.s32 $0x4560;
	v1 =	vsel vm2, v1, v2  }
0x7ee: {  	[tilespmem:s14+$0xFFFFFF00] =	vst v1  }
0x7ef: {  	v1 =	vld [tilespmem:s15+$0xFFFFFF80];
	_ =	sdelay $0x4  }
0x7f0: {  	v2 =	vand.u32 $0x7FFFFFFF, v1  }
0x7f1: {  	v3 =	vadd.f32 $1.000000000e+00, v2;
	_ =	sdelay $0x1  }
0x7f2: {  	v36 =	vand.u32 $0x7FFFFF, v3  }
0x7f3: {  	v4 =	vor.u32 $0x3F800000, v36  }
0x7f4: {  	v37 =	vmul.f32 $5.000000000e-01, v4  }
0x7f5: {  	vm3 =	vgt.f32 v4, $1.414213540e+00  }
0x7f6: {  	v4 =	vsel vm3, v37, v4  }
0x7f7: {  	v4 =	vadd.f32 $-1.000000000e+00, v4;
	_ =	sdelay $0x1  }
0x7f8: {  	v38 =	vmul.f32 $1.250000000e-01, v4;
	_ =	sdelay $0x1  }
0x7f9: {  	v5 =	vsub.f32 $1.428571490e-01, v38;
	_ =	sdelay $0x1  }
0x7fa: {  	v5 =	vmul.f32 v5, v4;
	_ =	sdelay $0x1  }
0x7fb: {  	v5 =	vadd.f32 $-1.666666720e-01, v5;
	_ =	sdelay $0x1  }
0x7fc: {  	v5 =	vmul.f32 v5, v4;
	_ =	sdelay $0x1  }
0x7fd: {  	v5 =	vadd.f32 $2.000000030e-01, v5  }
0x7fe: {  	v2 =	vadd.f32 $1.000000020e-35, v2  }
0x7ff: {  	v5 =	vmul.f32 v5, v4  }
0x800: {  	v39 =	vshrl.u32 v2, $0x1;
	v40 =	vmul.f32 $5.000000000e-01, v2  }
0x801: {  	v6 =	vsub.s32 $0x5F3759DF, v39;
	v5 =	vadd.f32 $-2.500000000e-01, v5  }
0x802: {  	v41 =	vmul.f32 v6, v40  }
0x803: {  	v5 =	vmul.f32 v5, v4  }
0x804: {  	v8 =	vmul.f32 v6, v41  }
0x805: {  	v5 =	vadd.f32 $3.333333430e-01, v5  }
0x806: {  	v8 =	vsub.f32 $1.500000000e+00, v8  }
0x807: {  	v5 =	vmul.f32 v5, v4  }
0x808: {  	v6 =	vmul.f32 v6, v8  }
0x809: {  	v5 =	vadd.f32 $-5.000000000e-01, v5  }
0x80a: {  	v3 =	vshrl.u32 v3, $0x17;
	v42 =	vsel vm3, $0x1, v0;
	v7 =	vmul.f32 v6, v40  }
0x80b: {  	v3 =	vadd.s32 v42, v3;
	v5 =	vmul.f32 v5, v4  }
0x80c: {  	v3 =	vadd.s32 $0xFFFFFF81, v3;
	v7 =	vmul.f32 v7, v6  }
0x80d: {  	v3 =	vcvt.s32.f32 v3;
	v5 =	vadd.f32 $1.000000000e+00, v5  }
0x80e: {  	v7 =	vsub.f32 $1.500000000e+00, v7  }
0x80f: {  	v3 =	vmul.f32 $6.931471820e-01, v3;
	v4 =	vmul.f32 v5, v4  }
0x810: {  	v43 =	vmul.f32 v7, v6  }
0x811: {  	v3 =	vadd.f32 v4, v3  }
0x812: {  	v44 =	vand.u32 $0x80000000, v1;
	v2 =	vmul.f32 v43, v2  }
0x813: {  	v3 =	vor.u32 v3, v44  }
0x814: {  	v2 =	vor.u32 v2, v44;
	v3 =	vsel vm1, v3, v1;
	v1 =	vmul.f32 v1, v1  }
0x815: {  	v2 =	vsel vm0, v2, v3  }
0x816: {  	v1 =	vsel vm2, v1, v2  }
0x817: {  	[tilespmem:s14+$0xFFFFFF80] =	vst v1  }
0x818: {  	v1 =	vld [tilespmem:s15+$0x0];
	_ =	sdelay $0x4  }
0x819: {  	v2 =	vand.u32 $0x7FFFFFFF, v1  }
0x81a: {  	v3 =	vadd.f32 $1.000000000e+00, v2;
	_ =	sdelay $0x1  }
0x81b: {  	v45 =	vand.u32 $0x7FFFFF, v3  }
0x81c: {  	v4 =	vor.u32 $0x3F800000, v45  }
0x81d: {  	v46 =	vmul.f32 $5.000000000e-01, v4  }
0x81e: {  	vm3 =	vgt.f32 v4, $1.414213540e+00  }
0x81f: {  	v4 =	vsel vm3, v46, v4  }
0x820: {  	v4 =	vadd.f32 $-1.000000000e+00, v4;
	_ =	sdelay $0x1  }
0x821: {  	v47 =	vmul.f32 $1.250000000e-01, v4;
	_ =	sdelay $0x1  }
0x822: {  	v5 =	vsub.f32 $1.428571490e-01, v47;
	_ =	sdelay $0x1  }
0x823: {  	v5 =	vmul.f32 v5, v4;
	_ =	sdelay $0x1  }
0x824: {  	v5 =	vadd.f32 $-1.666666720e-01, v5;
	_ =	sdelay $0x1  }
0x825: {  	v5 =	vmul.f32 v5, v4;
	_ =	sdelay $0x1  }
0x826: {  	v5 =	vadd.f32 $2.000000030e-01, v5  }
0x827: {  	v2 =	vadd.f32 $1.000000020e-35, v2  }
0x828: {  	v5 =	vmul.f32 v5, v4  }
0x829: {  	v48 =	vshrl.u32 v2, $0x1;
	v49 =	vmul.f32 $5.000000000e-01, v2  }
0x82a: {  	v6 =	vsub.s32 $0x5F3759DF, v48;
	v5 =	vadd.f32 $-2.500000000e-01, v5  }
0x82b: {  	v50 =	vmul.f32 v6, v49  }
0x82c: {  	v5 =	vmul.f32 v5, v4  }
0x82d: {  	v8 =	vmul.f32 v6, v50  }
0x82e: {  	v5 =	vadd.f32 $3.333333430e-01, v5  }
0x82f: {  	v8 =	vsub.f32 $1.500000000e+00, v8  }
0x830: {  	v5 =	vmul.f32 v5, v4  }
0x831: {  	v6 =	vmul.f32 v6, v8  }
0x832: {  	v5 =	vadd.f32 $-5.000000000e-01, v5  }
0x833: {  	v3 =	vshrl.u32 v3, $0x17;
	v51 =	vsel vm3, $0x1, v0;
	v7 =	vmul.f32 v6, v49  }
0x834: {  	v3 =	vadd.s32 v51, v3;
	v5 =	vmul.f32 v5, v4  }
0x835: {  	v3 =	vadd.s32 $0xFFFFFF81, v3;
	v7 =	vmul.f32 v7, v6  }
0x836: {  	v3 =	vcvt.s32.f32 v3;
	v5 =	vadd.f32 $1.000000000e+00, v5  }
0x837: {  	v7 =	vsub.f32 $1.500000000e+00, v7  }
0x838: {  	v3 =	vmul.f32 $6.931471820e-01, v3;
	v4 =	vmul.f32 v5, v4  }
0x839: {  	v52 =	vmul.f32 v7, v6  }
0x83a: {  	v3 =	vadd.f32 v4, v3  }
0x83b: {  	v53 =	vand.u32 $0x80000000, v1;
	v2 =	vmul.f32 v52, v2  }
0x83c: {  	v3 =	vor.u32 v3, v53  }
0x83d: {  	v2 =	vor.u32 v2, v53;
	v3 =	vsel vm1, v3, v1;
	v1 =	vmul.f32 v1, v1  }
0x83e: {  	v2 =	vsel vm0, v2, v3  }
0x83f: {  	v1 =	vsel vm2, v1, v2  }
0x840: {  	[tilespmem:s14+$0x0] =	vst v1  }
0x841: {  	v1 =	vld [tilespmem:s15+$0x80];
	_ =	sdelay $0x4  }
0x842: {  	v2 =	vand.u32 $0x7FFFFFFF, v1  }
0x843: {  	v3 =	vadd.f32 $1.000000000e+00, v2;
	_ =	sdelay $0x1  }
0x844: {  	v54 =	vand.u32 $0x7FFFFF, v3  }
0x845: {  	v4 =	vor.u32 $0x3F800000, v54  }
0x846: {  	v55 =	vmul.f32 $5.000000000e-01, v4  }
0x847: {  	vm3 =	vgt.f32 v4, $1.414213540e+00  }
0x848: {  	v4 =	vsel vm3, v55, v4  }
0x849: {  	v4 =	vadd.f32 $-1.000000000e+00, v4;
	_ =	sdelay $0x1  }
0x84a: {  	v56 =	vmul.f32 $1.250000000e-01, v4;
	_ =	sdelay $0x1  }
0x84b: {  	v5 =	vsub.f32 $1.428571490e-01, v56;
	_ =	sdelay $0x1  }
0x84c: {  	v5 =	vmul.f32 v5, v4;
	_ =	sdelay $0x1  }
0x84d: {  	v5 =	vadd.f32 $-1.666666720e-01, v5;
	_ =	sdelay $0x1  }
0x84e: {  	v5 =	vmul.f32 v5, v4;
	_ =	sdelay $0x1  }
0x84f: {  	v5 =	vadd.f32 $2.000000030e-01, v5  }
0x850: {  	v2 =	vadd.f32 $1.000000020e-35, v2  }
0x851: {  	v5 =	vmul.f32 v5, v4  }
0x852: {  	v57 =	vshrl.u32 v2, $0x1;
	v58 =	vmul.f32 $5.000000000e-01, v2  }
0x853: {  	v6 =	vsub.s32 $0x5F3759DF, v57;
	v5 =	vadd.f32 $-2.500000000e-01, v5  }
0x854: {  	v59 =	vmul.f32 v6, v58  }
0x855: {  	v5 =	vmul.f32 v5, v4  }
0x856: {  	v8 =	vmul.f32 v6, v59  }
0x857: {  	v5 =	vadd.f32 $3.333333430e-01, v5  }
0x858: {  	v8 =	vsub.f32 $1.500000000e+00, v8  }
0x859: {  	v5 =	vmul.f32 v5, v4  }
0x85a: {  	v6 =	vmul.f32 v6, v8  }
0x85b: {  	v5 =	vadd.f32 $-5.000000000e-01, v5  }
0x85c: {  	v3 =	vshrl.u32 v3, $0x17;
	v60 =	vsel vm3, $0x1, v0;
	v7 =	vmul.f32 v6, v58  }
0x85d: {  	v3 =	vadd.s32 v60, v3;
	v5 =	vmul.f32 v5, v4  }
0x85e: {  	v3 =	vadd.s32 $0xFFFFFF81, v3;
	v7 =	vmul.f32 v7, v6  }
0x85f: {  	v3 =	vcvt.s32.f32 v3;
	v5 =	vadd.f32 $1.000000000e+00, v5  }
0x860: {  	v7 =	vsub.f32 $1.500000000e+00, v7  }
0x861: {  	v3 =	vmul.f32 $6.931471820e-01, v3;
	v4 =	vmul.f32 v5, v4  }
0x862: {  	v61 =	vmul.f32 v7, v6  }
0x863: {  	v3 =	vadd.f32 v4, v3  }
0x864: {  	v62 =	vand.u32 $0x80000000, v1;
	v2 =	vmul.f32 v61, v2  }
0x865: {  	v3 =	vor.u32 v3, v62  }
0x866: {  	v63 =	vmul.f32 v1, v1;
	v2 =	vor.u32 v2, v62;
	v1 =	vsel vm1, v3, v1  }
0x867: {  	v1 =	vsel vm0, v2, v1  }
0x868: {  	v1 =	vsel vm2, v63, v1  }
0x869: {  	s16 =	simm.s32 $0x760;
	s15 =	simm.s32 $0x0;
	[tilespmem:s14+$0x80] =	vst v1  }
.LBB2_15:
0x86a: {  	v1 =	vld [tilespmem:s16+$0xFFFFFF00];
	s15 =	sadd.s32 $0x4, s15  }
0x86b: {  	p0 =	slt.u32 s15, $0x7C;
	_ =	sdelay $0x3  }
0x86c: {  	v2 =	vand.u32 $0x7FFFFFFF, v1  }
0x86d: {  	v3 =	vadd.f32 $1.000000000e+00, v2;
	_ =	sdelay $0x1  }
0x86e: {  	v4 =	vand.u32 $0x7FFFFF, v3  }
0x86f: {  	v4 =	vor.u32 $0x3F800000, v4  }
0x870: {  	v5 =	vmul.f32 $5.000000000e-01, v4  }
0x871: {  	vm3 =	vgt.f32 v4, $1.414213540e+00  }
0x872: {  	v4 =	vsel vm3, v5, v4  }
0x873: {  	v4 =	vadd.f32 $-1.000000000e+00, v4;
	_ =	sdelay $0x1  }
0x874: {  	v5 =	vmul.f32 $1.250000000e-01, v4;
	_ =	sdelay $0x1  }
0x875: {  	v5 =	vsub.f32 $1.428571490e-01, v5;
	_ =	sdelay $0x1  }
0x876: {  	v5 =	vmul.f32 v5, v4;
	_ =	sdelay $0x1  }
0x877: {  	v5 =	vadd.f32 $-1.666666720e-01, v5;
	_ =	sdelay $0x1  }
0x878: {  	v5 =	vmul.f32 v5, v4;
	_ =	sdelay $0x1  }
0x879: {  	v5 =	vadd.f32 $2.000000030e-01, v5  }
0x87a: {  	v2 =	vadd.f32 $1.000000020e-35, v2  }
0x87b: {  	v5 =	vmul.f32 v5, v4  }
0x87c: {  	v6 =	vshrl.u32 v2, $0x1;
	v7 =	vmul.f32 $5.000000000e-01, v2  }
0x87d: {  	v6 =	vsub.s32 $0x5F3759DF, v6;
	v5 =	vadd.f32 $-2.500000000e-01, v5  }
0x87e: {  	v8 =	vmul.f32 v6, v7  }
0x87f: {  	v5 =	vmul.f32 v5, v4  }
0x880: {  	v8 =	vmul.f32 v6, v8  }
0x881: {  	v5 =	vadd.f32 $3.333333430e-01, v5  }
0x882: {  	v8 =	vsub.f32 $1.500000000e+00, v8  }
0x883: {  	v5 =	vmul.f32 v5, v4  }
0x884: {  	v6 =	vmul.f32 v6, v8  }
0x885: {  	v5 =	vadd.f32 $-5.000000000e-01, v5  }
0x886: {  	v3 =	vshrl.u32 v3, $0x17;
	v8 =	vsel vm3, $0x1, v0;
	v7 =	vmul.f32 v6, v7  }
0x887: {  	v3 =	vadd.s32 v8, v3;
	v5 =	vmul.f32 v5, v4  }
0x888: {  	v3 =	vadd.s32 $0xFFFFFF81, v3;
	v7 =	vmul.f32 v7, v6  }
0x889: {  	v3 =	vcvt.s32.f32 v3;
	v5 =	vadd.f32 $1.000000000e+00, v5  }
0x88a: {  	v7 =	vsub.f32 $1.500000000e+00, v7  }
0x88b: {  	v3 =	vmul.f32 $6.931471820e-01, v3;
	v4 =	vmul.f32 v5, v4  }
0x88c: {  	v5 =	vmul.f32 v7, v6  }
0x88d: {  	v3 =	vadd.f32 v4, v3  }
0x88e: {  	v4 =	vand.u32 $0x80000000, v1;
	v2 =	vmul.f32 v5, v2  }
0x88f: {  	v3 =	vor.u32 v3, v4  }
0x890: {  	v2 =	vor.u32 v2, v4;
	v3 =	vsel vm1, v3, v1;
	v1 =	vmul.f32 v1, v1  }
0x891: {  	v2 =	vsel vm0, v2, v3  }
0x892: {  	s14 =	sadd.s32 $0x200, s14;
	v1 =	vsel vm2, v1, v2  }
0x893: {  	[tilespmem:s14+$0xFFFFFF00] =	vst v1  }
0x894: {  	v1 =	vld [tilespmem:s16+$0xFFFFFF80];
	_ =	sdelay $0x4  }
0x895: {  	v2 =	vand.u32 $0x7FFFFFFF, v1  }
0x896: {  	v3 =	vadd.f32 $1.000000000e+00, v2;
	_ =	sdelay $0x1  }
0x897: {  	v4 =	vand.u32 $0x7FFFFF, v3  }
0x898: {  	v4 =	vor.u32 $0x3F800000, v4  }
0x899: {  	v5 =	vmul.f32 $5.000000000e-01, v4  }
0x89a: {  	vm3 =	vgt.f32 v4, $1.414213540e+00  }
0x89b: {  	v4 =	vsel vm3, v5, v4  }
0x89c: {  	v4 =	vadd.f32 $-1.000000000e+00, v4;
	_ =	sdelay $0x1  }
0x89d: {  	v5 =	vmul.f32 $1.250000000e-01, v4;
	_ =	sdelay $0x1  }
0x89e: {  	v5 =	vsub.f32 $1.428571490e-01, v5;
	_ =	sdelay $0x1  }
0x89f: {  	v5 =	vmul.f32 v5, v4;
	_ =	sdelay $0x1  }
0x8a0: {  	v5 =	vadd.f32 $-1.666666720e-01, v5;
	_ =	sdelay $0x1  }
0x8a1: {  	v5 =	vmul.f32 v5, v4;
	_ =	sdelay $0x1  }
0x8a2: {  	v5 =	vadd.f32 $2.000000030e-01, v5  }
0x8a3: {  	v2 =	vadd.f32 $1.000000020e-35, v2  }
0x8a4: {  	v5 =	vmul.f32 v5, v4  }
0x8a5: {  	v6 =	vshrl.u32 v2, $0x1;
	v7 =	vmul.f32 $5.000000000e-01, v2  }
0x8a6: {  	v6 =	vsub.s32 $0x5F3759DF, v6;
	v5 =	vadd.f32 $-2.500000000e-01, v5  }
0x8a7: {  	v8 =	vmul.f32 v6, v7  }
0x8a8: {  	v5 =	vmul.f32 v5, v4  }
0x8a9: {  	v8 =	vmul.f32 v6, v8  }
0x8aa: {  	v5 =	vadd.f32 $3.333333430e-01, v5  }
0x8ab: {  	v8 =	vsub.f32 $1.500000000e+00, v8  }
0x8ac: {  	v5 =	vmul.f32 v5, v4  }
0x8ad: {  	v6 =	vmul.f32 v6, v8  }
0x8ae: {  	v5 =	vadd.f32 $-5.000000000e-01, v5  }
0x8af: {  	v3 =	vshrl.u32 v3, $0x17;
	v8 =	vsel vm3, $0x1, v0;
	v7 =	vmul.f32 v6, v7  }
0x8b0: {  	v3 =	vadd.s32 v8, v3;
	v5 =	vmul.f32 v5, v4  }
0x8b1: {  	v3 =	vadd.s32 $0xFFFFFF81, v3;
	v7 =	vmul.f32 v7, v6  }
0x8b2: {  	v3 =	vcvt.s32.f32 v3;
	v5 =	vadd.f32 $1.000000000e+00, v5  }
0x8b3: {  	v7 =	vsub.f32 $1.500000000e+00, v7  }
0x8b4: {  	v3 =	vmul.f32 $6.931471820e-01, v3;
	v4 =	vmul.f32 v5, v4  }
0x8b5: {  	v5 =	vmul.f32 v7, v6  }
0x8b6: {  	v3 =	vadd.f32 v4, v3  }
0x8b7: {  	v4 =	vand.u32 $0x80000000, v1;
	v2 =	vmul.f32 v5, v2  }
0x8b8: {  	v3 =	vor.u32 v3, v4  }
0x8b9: {  	v2 =	vor.u32 v2, v4;
	v3 =	vsel vm1, v3, v1;
	v1 =	vmul.f32 v1, v1  }
0x8ba: {  	v2 =	vsel vm0, v2, v3  }
0x8bb: {  	v1 =	vsel vm2, v1, v2  }
0x8bc: {  	[tilespmem:s14+$0xFFFFFF80] =	vst v1  }
0x8bd: {  	v1 =	vld [tilespmem:s16+$0x0];
	_ =	sdelay $0x4  }
0x8be: {  	v2 =	vand.u32 $0x7FFFFFFF, v1  }
0x8bf: {  	v3 =	vadd.f32 $1.000000000e+00, v2;
	_ =	sdelay $0x1  }
0x8c0: {  	v4 =	vand.u32 $0x7FFFFF, v3  }
0x8c1: {  	v4 =	vor.u32 $0x3F800000, v4  }
0x8c2: {  	v5 =	vmul.f32 $5.000000000e-01, v4  }
0x8c3: {  	vm3 =	vgt.f32 v4, $1.414213540e+00  }
0x8c4: {  	v4 =	vsel vm3, v5, v4  }
0x8c5: {  	v4 =	vadd.f32 $-1.000000000e+00, v4;
	_ =	sdelay $0x1  }
0x8c6: {  	v5 =	vmul.f32 $1.250000000e-01, v4;
	_ =	sdelay $0x1  }
0x8c7: {  	v5 =	vsub.f32 $1.428571490e-01, v5;
	_ =	sdelay $0x1  }
0x8c8: {  	v5 =	vmul.f32 v5, v4;
	_ =	sdelay $0x1  }
0x8c9: {  	v5 =	vadd.f32 $-1.666666720e-01, v5;
	_ =	sdelay $0x1  }
0x8ca: {  	v5 =	vmul.f32 v5, v4;
	_ =	sdelay $0x1  }
0x8cb: {  	v5 =	vadd.f32 $2.000000030e-01, v5  }
0x8cc: {  	v2 =	vadd.f32 $1.000000020e-35, v2  }
0x8cd: {  	v5 =	vmul.f32 v5, v4  }
0x8ce: {  	v6 =	vshrl.u32 v2, $0x1;
	v7 =	vmul.f32 $5.000000000e-01, v2  }
0x8cf: {  	v6 =	vsub.s32 $0x5F3759DF, v6;
	v5 =	vadd.f32 $-2.500000000e-01, v5  }
0x8d0: {  	v8 =	vmul.f32 v6, v7  }
0x8d1: {  	v5 =	vmul.f32 v5, v4  }
0x8d2: {  	v8 =	vmul.f32 v6, v8  }
0x8d3: {  	v5 =	vadd.f32 $3.333333430e-01, v5  }
0x8d4: {  	v8 =	vsub.f32 $1.500000000e+00, v8  }
0x8d5: {  	v5 =	vmul.f32 v5, v4  }
0x8d6: {  	v6 =	vmul.f32 v6, v8  }
0x8d7: {  	v5 =	vadd.f32 $-5.000000000e-01, v5  }
0x8d8: {  	v3 =	vshrl.u32 v3, $0x17;
	v8 =	vsel vm3, $0x1, v0;
	v7 =	vmul.f32 v6, v7  }
0x8d9: {  	v3 =	vadd.s32 v8, v3;
	v5 =	vmul.f32 v5, v4  }
0x8da: {  	v3 =	vadd.s32 $0xFFFFFF81, v3;
	v7 =	vmul.f32 v7, v6  }
0x8db: {  	v3 =	vcvt.s32.f32 v3;
	v5 =	vadd.f32 $1.000000000e+00, v5  }
0x8dc: {  	v7 =	vsub.f32 $1.500000000e+00, v7  }
0x8dd: {  	v3 =	vmul.f32 $6.931471820e-01, v3;
	v4 =	vmul.f32 v5, v4  }
0x8de: {  	v5 =	vmul.f32 v7, v6  }
0x8df: {  	v3 =	vadd.f32 v4, v3  }
0x8e0: {  	v4 =	vand.u32 $0x80000000, v1;
	v2 =	vmul.f32 v5, v2  }
0x8e1: {  	v3 =	vor.u32 v3, v4  }
0x8e2: {  	v2 =	vor.u32 v2, v4;
	v3 =	vsel vm1, v3, v1;
	v1 =	vmul.f32 v1, v1  }
0x8e3: {  	v2 =	vsel vm0, v2, v3  }
0x8e4: {  	v1 =	vsel vm2, v1, v2  }
0x8e5: {  	[tilespmem:s14+$0x0] =	vst v1  }
0x8e6: {  	v1 =	vld [tilespmem:s16+$0x80];
	_ =	sdelay $0x4  }
0x8e7: {  	v2 =	vand.u32 $0x80000000, v1;
	v3 =	vand.u32 $0x7FFFFFFF, v1;
	v4 =	vmul.f32 v1, v1  }
0x8e8: {  	v5 =	vadd.f32 $1.000000000e+00, v3;
	v3 =	vadd.f32 $1.000000020e-35, v3;
	_ =	sdelay $0x1  }
0x8e9: {  	v6 =	vshrl.u32 v5, $0x17;
	v5 =	vand.u32 $0x7FFFFF, v5  }
0x8ea: {  	v5 =	vor.u32 $0x3F800000, v5  }
0x8eb: {  	vm3 =	vgt.f32 v5, $1.414213540e+00;
	v7 =	vmul.f32 $5.000000000e-01, v5;
	_ =	sdelay $0x1  }
0x8ec: {  	v5 =	vsel vm3, v7, v5  }
0x8ed: {  	v5 =	vadd.f32 $-1.000000000e+00, v5;
	_ =	sdelay $0x1  }
0x8ee: {  	v7 =	vmul.f32 $1.250000000e-01, v5;
	_ =	sdelay $0x1  }
0x8ef: {  	v7 =	vsub.f32 $1.428571490e-01, v7;
	_ =	sdelay $0x1  }
0x8f0: {  	v7 =	vmul.f32 v7, v5;
	_ =	sdelay $0x1  }
0x8f1: {  	v7 =	vadd.f32 $-1.666666720e-01, v7;
	_ =	sdelay $0x1  }
0x8f2: {  	v7 =	vmul.f32 v7, v5;
	_ =	sdelay $0x1  }
0x8f3: {  	v7 =	vadd.f32 $2.000000030e-01, v7;
	_ =	sdelay $0x1  }
0x8f4: {  	v7 =	vmul.f32 v7, v5  }
0x8f5: {  	v8 =	vshrl.u32 v3, $0x1;
	v9 =	vmul.f32 $5.000000000e-01, v3  }
0x8f6: {  	v8 =	vsub.s32 $0x5F3759DF, v8;
	v7 =	vadd.f32 $-2.500000000e-01, v7  }
0x8f7: {  	v10 =	vmul.f32 v8, v9  }
0x8f8: {  	v7 =	vmul.f32 v7, v5  }
0x8f9: {  	v10 =	vmul.f32 v8, v10  }
0x8fa: {  	v7 =	vadd.f32 $3.333333430e-01, v7  }
0x8fb: {  	v10 =	vsub.f32 $1.500000000e+00, v10  }
0x8fc: {  	v7 =	vmul.f32 v7, v5  }
0x8fd: {  	v8 =	vmul.f32 v8, v10  }
0x8fe: {  	v7 =	vadd.f32 $-5.000000000e-01, v7  }
0x8ff: {  	v10 =	vsel vm3, $0x1, v0;
	v9 =	vmul.f32 v8, v9  }
0x900: {  	v6 =	vadd.s32 v10, v6;
	v7 =	vmul.f32 v7, v5  }
0x901: {  	v6 =	vadd.s32 $0xFFFFFF81, v6;
	v9 =	vmul.f32 v9, v8  }
0x902: {  	v6 =	vcvt.s32.f32 v6;
	v7 =	vadd.f32 $1.000000000e+00, v7  }
0x903: {  	v9 =	vsub.f32 $1.500000000e+00, v9  }
0x904: {  	v6 =	vmul.f32 $6.931471820e-01, v6;
	v5 =	vmul.f32 v7, v5  }
0x905: {  	v7 =	vmul.f32 v9, v8  }
0x906: {  	v5 =	vadd.f32 v5, v6  }
0x907: {  	v3 =	vmul.f32 v7, v3  }
.Ltmp6:
0x908: {  	v5 =	vor.u32 v5, v2;
	(pc) =	sbr.rel @p0 .LBB2_15-.Ltmp6, $4  }
0x909: {  	v2 =	vor.u32 v3, v2;
	v1 =	vsel vm1, v5, v1  }
0x90a: {  	v1 =	vsel vm0, v2, v1  }
0x90b: {  	v1 =	vsel vm2, v4, v1  }
0x90c: {  	s16 =	sadd.s32 $0x200, s16;
	[tilespmem:s14+$0x80] =	vst v1  }
0x90d: {  	s15 =	simm.s32 $0x570  }
0x90e: {  	v1 =	vld [tilespmem:s15+$0xFFFFFF00];
	_ =	sdelay $0x4  }
0x90f: {  	v2 =	vand.u32 $0x7FFFFFFF, v1  }
0x910: {  	v3 =	vadd.f32 $1.000000000e+00, v2;
	_ =	sdelay $0x1  }
0x911: {  	v4 =	vand.u32 $0x7FFFFF, v3  }
0x912: {  	v4 =	vor.u32 $0x3F800000, v4  }
0x913: {  	v5 =	vmul.f32 $5.000000000e-01, v4  }
0x914: {  	vm0 =	vgt.f32 v4, $1.414213540e+00  }
0x915: {  	v4 =	vsel vm0, v5, v4  }
0x916: {  	v4 =	vadd.f32 $-1.000000000e+00, v4;
	_ =	sdelay $0x1  }
0x917: {  	v31 =	vmul.f32 $1.250000000e-01, v4;
	_ =	sdelay $0x1  }
0x918: {  	v5 =	vsub.f32 $1.428571490e-01, v31;
	_ =	sdelay $0x1  }
0x919: {  	v5 =	vmul.f32 v5, v4;
	_ =	sdelay $0x1  }
0x91a: {  	v5 =	vadd.f32 $-1.666666720e-01, v5;
	_ =	sdelay $0x1  }
0x91b: {  	v5 =	vmul.f32 v5, v4;
	_ =	sdelay $0x1  }
0x91c: {  	v5 =	vadd.f32 $2.000000030e-01, v5  }
0x91d: {  	v2 =	vadd.f32 $1.000000020e-35, v2  }
0x91e: {  	v5 =	vmul.f32 v5, v4  }
0x91f: {  	v6 =	vshrl.u32 v2, $0x1;
	v7 =	vmul.f32 $5.000000000e-01, v2  }
0x920: {  	v6 =	vsub.s32 $0x5F3759DF, v6;
	v5 =	vadd.f32 $-2.500000000e-01, v5  }
0x921: {  	v8 =	vmul.f32 v6, v7  }
0x922: {  	v5 =	vmul.f32 v5, v4  }
0x923: {  	v8 =	vmul.f32 v6, v8  }
0x924: {  	v5 =	vadd.f32 $3.333333430e-01, v5  }
0x925: {  	v8 =	vsub.f32 $1.500000000e+00, v8  }
0x926: {  	v5 =	vmul.f32 v5, v4  }
0x927: {  	v6 =	vmul.f32 v6, v8  }
0x928: {  	v5 =	vadd.f32 $-5.000000000e-01, v5  }
0x929: {  	v3 =	vshrl.u32 v3, $0x17;
	v32 =	vsel vm0, $0x1, v0;
	v7 =	vmul.f32 v6, v7  }
0x92a: {  	v3 =	vadd.s32 v32, v3;
	v5 =	vmul.f32 v5, v4  }
0x92b: {  	v3 =	vadd.s32 $0xFFFFFF81, v3;
	v7 =	vmul.f32 v7, v6  }
0x92c: {  	v33 =	vld [tilespmem:$0xF0];
	v3 =	vcvt.s32.f32 v3;
	v5 =	vadd.f32 $1.000000000e+00, v5  }
0x92d: {  	v9 =	vld [tilespmem:$0x170];
	v7 =	vsub.f32 $1.500000000e+00, v7  }
0x92e: {  	v3 =	vmul.f32 $6.931471820e-01, v3;
	v4 =	vmul.f32 v5, v4  }
0x92f: {  	v34 =	vld [tilespmem:$0x1F0];
	v6 =	vmul.f32 v7, v6  }
0x930: {  	v3 =	vadd.f32 v4, v3  }
0x931: {  	v35 =	vand.u32 $0x80000000, v1;
	v2 =	vmul.f32 v6, v2  }
0x932: {  	vm1 =	vgt.f32 v33, $5.000000000e-01;
	vm0 =	vgt.f32 v9, $5.000000000e-01;
	v3 =	vor.u32 v3, v35  }
0x933: {  	v2 =	vor.u32 v2, v35;
	v3 =	vsel vm1, v3, v1;
	v1 =	vmul.f32 v1, v1  }
0x934: {  	vm2 =	vgt.f32 v34, $5.000000000e-01;
	v2 =	vsel vm0, v2, v3  }
0x935: {  	s14 =	simm.s32 $0x4570;
	v1 =	vsel vm2, v1, v2  }
0x936: {  	[tilespmem:s14+$0xFFFFFF00] =	vst v1  }
0x937: {  	v1 =	vld [tilespmem:s15+$0xFFFFFF80];
	_ =	sdelay $0x4  }
0x938: {  	v2 =	vand.u32 $0x7FFFFFFF, v1  }
0x939: {  	v3 =	vadd.f32 $1.000000000e+00, v2;
	_ =	sdelay $0x1  }
0x93a: {  	v36 =	vand.u32 $0x7FFFFF, v3  }
0x93b: {  	v4 =	vor.u32 $0x3F800000, v36  }
0x93c: {  	v37 =	vmul.f32 $5.000000000e-01, v4  }
0x93d: {  	vm3 =	vgt.f32 v4, $1.414213540e+00  }
0x93e: {  	v4 =	vsel vm3, v37, v4  }
0x93f: {  	v4 =	vadd.f32 $-1.000000000e+00, v4;
	_ =	sdelay $0x1  }
0x940: {  	v38 =	vmul.f32 $1.250000000e-01, v4;
	_ =	sdelay $0x1  }
0x941: {  	v5 =	vsub.f32 $1.428571490e-01, v38;
	_ =	sdelay $0x1  }
0x942: {  	v5 =	vmul.f32 v5, v4;
	_ =	sdelay $0x1  }
0x943: {  	v5 =	vadd.f32 $-1.666666720e-01, v5;
	_ =	sdelay $0x1  }
0x944: {  	v5 =	vmul.f32 v5, v4;
	_ =	sdelay $0x1  }
0x945: {  	v5 =	vadd.f32 $2.000000030e-01, v5  }
0x946: {  	v2 =	vadd.f32 $1.000000020e-35, v2  }
0x947: {  	v5 =	vmul.f32 v5, v4  }
0x948: {  	v39 =	vshrl.u32 v2, $0x1;
	v40 =	vmul.f32 $5.000000000e-01, v2  }
0x949: {  	v6 =	vsub.s32 $0x5F3759DF, v39;
	v5 =	vadd.f32 $-2.500000000e-01, v5  }
0x94a: {  	v41 =	vmul.f32 v6, v40  }
0x94b: {  	v5 =	vmul.f32 v5, v4  }
0x94c: {  	v8 =	vmul.f32 v6, v41  }
0x94d: {  	v5 =	vadd.f32 $3.333333430e-01, v5  }
0x94e: {  	v8 =	vsub.f32 $1.500000000e+00, v8  }
0x94f: {  	v5 =	vmul.f32 v5, v4  }
0x950: {  	v6 =	vmul.f32 v6, v8  }
0x951: {  	v5 =	vadd.f32 $-5.000000000e-01, v5  }
0x952: {  	v3 =	vshrl.u32 v3, $0x17;
	v42 =	vsel vm3, $0x1, v0;
	v7 =	vmul.f32 v6, v40  }
0x953: {  	v3 =	vadd.s32 v42, v3;
	v5 =	vmul.f32 v5, v4  }
0x954: {  	v3 =	vadd.s32 $0xFFFFFF81, v3;
	v7 =	vmul.f32 v7, v6  }
0x955: {  	v3 =	vcvt.s32.f32 v3;
	v5 =	vadd.f32 $1.000000000e+00, v5  }
0x956: {  	v7 =	vsub.f32 $1.500000000e+00, v7  }
0x957: {  	v3 =	vmul.f32 $6.931471820e-01, v3;
	v4 =	vmul.f32 v5, v4  }
0x958: {  	v43 =	vmul.f32 v7, v6  }
0x959: {  	v3 =	vadd.f32 v4, v3  }
0x95a: {  	v44 =	vand.u32 $0x80000000, v1;
	v2 =	vmul.f32 v43, v2  }
0x95b: {  	v3 =	vor.u32 v3, v44  }
0x95c: {  	v2 =	vor.u32 v2, v44;
	v3 =	vsel vm1, v3, v1;
	v1 =	vmul.f32 v1, v1  }
0x95d: {  	v2 =	vsel vm0, v2, v3  }
0x95e: {  	v1 =	vsel vm2, v1, v2  }
0x95f: {  	[tilespmem:s14+$0xFFFFFF80] =	vst v1  }
0x960: {  	v1 =	vld [tilespmem:s15+$0x0];
	_ =	sdelay $0x4  }
0x961: {  	v2 =	vand.u32 $0x7FFFFFFF, v1  }
0x962: {  	v3 =	vadd.f32 $1.000000000e+00, v2;
	_ =	sdelay $0x1  }
0x963: {  	v45 =	vand.u32 $0x7FFFFF, v3  }
0x964: {  	v4 =	vor.u32 $0x3F800000, v45  }
0x965: {  	v46 =	vmul.f32 $5.000000000e-01, v4  }
0x966: {  	vm3 =	vgt.f32 v4, $1.414213540e+00  }
0x967: {  	v4 =	vsel vm3, v46, v4  }
0x968: {  	v4 =	vadd.f32 $-1.000000000e+00, v4;
	_ =	sdelay $0x1  }
0x969: {  	v47 =	vmul.f32 $1.250000000e-01, v4;
	_ =	sdelay $0x1  }
0x96a: {  	v5 =	vsub.f32 $1.428571490e-01, v47;
	_ =	sdelay $0x1  }
0x96b: {  	v5 =	vmul.f32 v5, v4;
	_ =	sdelay $0x1  }
0x96c: {  	v5 =	vadd.f32 $-1.666666720e-01, v5;
	_ =	sdelay $0x1  }
0x96d: {  	v5 =	vmul.f32 v5, v4;
	_ =	sdelay $0x1  }
0x96e: {  	v5 =	vadd.f32 $2.000000030e-01, v5  }
0x96f: {  	v2 =	vadd.f32 $1.000000020e-35, v2  }
0x970: {  	v5 =	vmul.f32 v5, v4  }
0x971: {  	v48 =	vshrl.u32 v2, $0x1;
	v49 =	vmul.f32 $5.000000000e-01, v2  }
0x972: {  	v6 =	vsub.s32 $0x5F3759DF, v48;
	v5 =	vadd.f32 $-2.500000000e-01, v5  }
0x973: {  	v50 =	vmul.f32 v6, v49  }
0x974: {  	v5 =	vmul.f32 v5, v4  }
0x975: {  	v8 =	vmul.f32 v6, v50  }
0x976: {  	v5 =	vadd.f32 $3.333333430e-01, v5  }
0x977: {  	v8 =	vsub.f32 $1.500000000e+00, v8  }
0x978: {  	v5 =	vmul.f32 v5, v4  }
0x979: {  	v6 =	vmul.f32 v6, v8  }
0x97a: {  	v5 =	vadd.f32 $-5.000000000e-01, v5  }
0x97b: {  	v3 =	vshrl.u32 v3, $0x17;
	v51 =	vsel vm3, $0x1, v0;
	v7 =	vmul.f32 v6, v49  }
0x97c: {  	v3 =	vadd.s32 v51, v3;
	v5 =	vmul.f32 v5, v4  }
0x97d: {  	v3 =	vadd.s32 $0xFFFFFF81, v3;
	v7 =	vmul.f32 v7, v6  }
0x97e: {  	v3 =	vcvt.s32.f32 v3;
	v5 =	vadd.f32 $1.000000000e+00, v5  }
0x97f: {  	v7 =	vsub.f32 $1.500000000e+00, v7  }
0x980: {  	v3 =	vmul.f32 $6.931471820e-01, v3;
	v4 =	vmul.f32 v5, v4  }
0x981: {  	v52 =	vmul.f32 v7, v6  }
0x982: {  	v3 =	vadd.f32 v4, v3  }
0x983: {  	v53 =	vand.u32 $0x80000000, v1;
	v2 =	vmul.f32 v52, v2  }
0x984: {  	v3 =	vor.u32 v3, v53  }
0x985: {  	v2 =	vor.u32 v2, v53;
	v3 =	vsel vm1, v3, v1;
	v1 =	vmul.f32 v1, v1  }
0x986: {  	v2 =	vsel vm0, v2, v3  }
0x987: {  	v1 =	vsel vm2, v1, v2  }
0x988: {  	[tilespmem:s14+$0x0] =	vst v1  }
0x989: {  	v1 =	vld [tilespmem:s15+$0x80];
	_ =	sdelay $0x4  }
0x98a: {  	v2 =	vand.u32 $0x7FFFFFFF, v1  }
0x98b: {  	v3 =	vadd.f32 $1.000000000e+00, v2;
	_ =	sdelay $0x1  }
0x98c: {  	v54 =	vand.u32 $0x7FFFFF, v3  }
0x98d: {  	v4 =	vor.u32 $0x3F800000, v54  }
0x98e: {  	v55 =	vmul.f32 $5.000000000e-01, v4  }
0x98f: {  	vm3 =	vgt.f32 v4, $1.414213540e+00  }
0x990: {  	v4 =	vsel vm3, v55, v4  }
0x991: {  	v4 =	vadd.f32 $-1.000000000e+00, v4;
	_ =	sdelay $0x1  }
0x992: {  	v56 =	vmul.f32 $1.250000000e-01, v4;
	_ =	sdelay $0x1  }
0x993: {  	v5 =	vsub.f32 $1.428571490e-01, v56;
	_ =	sdelay $0x1  }
0x994: {  	v5 =	vmul.f32 v5, v4;
	_ =	sdelay $0x1  }
0x995: {  	v5 =	vadd.f32 $-1.666666720e-01, v5;
	_ =	sdelay $0x1  }
0x996: {  	v5 =	vmul.f32 v5, v4;
	_ =	sdelay $0x1  }
0x997: {  	v5 =	vadd.f32 $2.000000030e-01, v5  }
0x998: {  	v2 =	vadd.f32 $1.000000020e-35, v2  }
0x999: {  	v5 =	vmul.f32 v5, v4  }
0x99a: {  	v57 =	vshrl.u32 v2, $0x1;
	v58 =	vmul.f32 $5.000000000e-01, v2  }
0x99b: {  	v6 =	vsub.s32 $0x5F3759DF, v57;
	v5 =	vadd.f32 $-2.500000000e-01, v5  }
0x99c: {  	v59 =	vmul.f32 v6, v58  }
0x99d: {  	v5 =	vmul.f32 v5, v4  }
0x99e: {  	v8 =	vmul.f32 v6, v59  }
0x99f: {  	v5 =	vadd.f32 $3.333333430e-01, v5  }
0x9a0: {  	v8 =	vsub.f32 $1.500000000e+00, v8  }
0x9a1: {  	v5 =	vmul.f32 v5, v4  }
0x9a2: {  	v6 =	vmul.f32 v6, v8  }
0x9a3: {  	v5 =	vadd.f32 $-5.000000000e-01, v5  }
0x9a4: {  	v3 =	vshrl.u32 v3, $0x17;
	v60 =	vsel vm3, $0x1, v0;
	v7 =	vmul.f32 v6, v58  }
0x9a5: {  	v3 =	vadd.s32 v60, v3;
	v5 =	vmul.f32 v5, v4  }
0x9a6: {  	v3 =	vadd.s32 $0xFFFFFF81, v3;
	v7 =	vmul.f32 v7, v6  }
0x9a7: {  	v3 =	vcvt.s32.f32 v3;
	v5 =	vadd.f32 $1.000000000e+00, v5  }
0x9a8: {  	v7 =	vsub.f32 $1.500000000e+00, v7  }
0x9a9: {  	v3 =	vmul.f32 $6.931471820e-01, v3;
	v4 =	vmul.f32 v5, v4  }
0x9aa: {  	v61 =	vmul.f32 v7, v6  }
0x9ab: {  	v3 =	vadd.f32 v4, v3  }
0x9ac: {  	v62 =	vand.u32 $0x80000000, v1;
	v2 =	vmul.f32 v61, v2  }
0x9ad: {  	v3 =	vor.u32 v3, v62  }
0x9ae: {  	v63 =	vmul.f32 v1, v1;
	v2 =	vor.u32 v2, v62;
	v1 =	vsel vm1, v3, v1  }
0x9af: {  	v1 =	vsel vm0, v2, v1  }
0x9b0: {  	v1 =	vsel vm2, v63, v1  }
0x9b1: {  	s16 =	simm.s32 $0x770;
	s15 =	simm.s32 $0x0;
	[tilespmem:s14+$0x80] =	vst v1  }
.LBB2_17:
0x9b2: {  	v1 =	vld [tilespmem:s16+$0xFFFFFF00];
	s15 =	sadd.s32 $0x4, s15  }
0x9b3: {  	p0 =	slt.u32 s15, $0x7C;
	_ =	sdelay $0x3  }
0x9b4: {  	v2 =	vand.u32 $0x7FFFFFFF, v1  }
0x9b5: {  	v3 =	vadd.f32 $1.000000000e+00, v2;
	_ =	sdelay $0x1  }
0x9b6: {  	v4 =	vand.u32 $0x7FFFFF, v3  }
0x9b7: {  	v4 =	vor.u32 $0x3F800000, v4  }
0x9b8: {  	v5 =	vmul.f32 $5.000000000e-01, v4  }
0x9b9: {  	vm3 =	vgt.f32 v4, $1.414213540e+00  }
0x9ba: {  	v4 =	vsel vm3, v5, v4  }
0x9bb: {  	v4 =	vadd.f32 $-1.000000000e+00, v4;
	_ =	sdelay $0x1  }
0x9bc: {  	v5 =	vmul.f32 $1.250000000e-01, v4;
	_ =	sdelay $0x1  }
0x9bd: {  	v5 =	vsub.f32 $1.428571490e-01, v5;
	_ =	sdelay $0x1  }
0x9be: {  	v5 =	vmul.f32 v5, v4;
	_ =	sdelay $0x1  }
0x9bf: {  	v5 =	vadd.f32 $-1.666666720e-01, v5;
	_ =	sdelay $0x1  }
0x9c0: {  	v5 =	vmul.f32 v5, v4;
	_ =	sdelay $0x1  }
0x9c1: {  	v5 =	vadd.f32 $2.000000030e-01, v5  }
0x9c2: {  	v2 =	vadd.f32 $1.000000020e-35, v2  }
0x9c3: {  	v5 =	vmul.f32 v5, v4  }
0x9c4: {  	v6 =	vshrl.u32 v2, $0x1;
	v7 =	vmul.f32 $5.000000000e-01, v2  }
0x9c5: {  	v6 =	vsub.s32 $0x5F3759DF, v6;
	v5 =	vadd.f32 $-2.500000000e-01, v5  }
0x9c6: {  	v8 =	vmul.f32 v6, v7  }
0x9c7: {  	v5 =	vmul.f32 v5, v4  }
0x9c8: {  	v8 =	vmul.f32 v6, v8  }
0x9c9: {  	v5 =	vadd.f32 $3.333333430e-01, v5  }
0x9ca: {  	v8 =	vsub.f32 $1.500000000e+00, v8  }
0x9cb: {  	v5 =	vmul.f32 v5, v4  }
0x9cc: {  	v6 =	vmul.f32 v6, v8  }
0x9cd: {  	v5 =	vadd.f32 $-5.000000000e-01, v5  }
0x9ce: {  	v3 =	vshrl.u32 v3, $0x17;
	v8 =	vsel vm3, $0x1, v0;
	v7 =	vmul.f32 v6, v7  }
0x9cf: {  	v3 =	vadd.s32 v8, v3;
	v5 =	vmul.f32 v5, v4  }
0x9d0: {  	v3 =	vadd.s32 $0xFFFFFF81, v3;
	v7 =	vmul.f32 v7, v6  }
0x9d1: {  	v3 =	vcvt.s32.f32 v3;
	v5 =	vadd.f32 $1.000000000e+00, v5  }
0x9d2: {  	v7 =	vsub.f32 $1.500000000e+00, v7  }
0x9d3: {  	v3 =	vmul.f32 $6.931471820e-01, v3;
	v4 =	vmul.f32 v5, v4  }
0x9d4: {  	v5 =	vmul.f32 v7, v6  }
0x9d5: {  	v3 =	vadd.f32 v4, v3  }
0x9d6: {  	v4 =	vand.u32 $0x80000000, v1;
	v2 =	vmul.f32 v5, v2  }
0x9d7: {  	v3 =	vor.u32 v3, v4  }
0x9d8: {  	v2 =	vor.u32 v2, v4;
	v3 =	vsel vm1, v3, v1;
	v1 =	vmul.f32 v1, v1  }
0x9d9: {  	v2 =	vsel vm0, v2, v3  }
0x9da: {  	s14 =	sadd.s32 $0x200, s14;
	v1 =	vsel vm2, v1, v2  }
0x9db: {  	[tilespmem:s14+$0xFFFFFF00] =	vst v1  }
0x9dc: {  	v1 =	vld [tilespmem:s16+$0xFFFFFF80];
	_ =	sdelay $0x4  }
0x9dd: {  	v2 =	vand.u32 $0x7FFFFFFF, v1  }
0x9de: {  	v3 =	vadd.f32 $1.000000000e+00, v2;
	_ =	sdelay $0x1  }
0x9df: {  	v4 =	vand.u32 $0x7FFFFF, v3  }
0x9e0: {  	v4 =	vor.u32 $0x3F800000, v4  }
0x9e1: {  	v5 =	vmul.f32 $5.000000000e-01, v4  }
0x9e2: {  	vm3 =	vgt.f32 v4, $1.414213540e+00  }
0x9e3: {  	v4 =	vsel vm3, v5, v4  }
0x9e4: {  	v4 =	vadd.f32 $-1.000000000e+00, v4;
	_ =	sdelay $0x1  }
0x9e5: {  	v5 =	vmul.f32 $1.250000000e-01, v4;
	_ =	sdelay $0x1  }
0x9e6: {  	v5 =	vsub.f32 $1.428571490e-01, v5;
	_ =	sdelay $0x1  }
0x9e7: {  	v5 =	vmul.f32 v5, v4;
	_ =	sdelay $0x1  }
0x9e8: {  	v5 =	vadd.f32 $-1.666666720e-01, v5;
	_ =	sdelay $0x1  }
0x9e9: {  	v5 =	vmul.f32 v5, v4;
	_ =	sdelay $0x1  }
0x9ea: {  	v5 =	vadd.f32 $2.000000030e-01, v5  }
0x9eb: {  	v2 =	vadd.f32 $1.000000020e-35, v2  }
0x9ec: {  	v5 =	vmul.f32 v5, v4  }
0x9ed: {  	v6 =	vshrl.u32 v2, $0x1;
	v7 =	vmul.f32 $5.000000000e-01, v2  }
0x9ee: {  	v6 =	vsub.s32 $0x5F3759DF, v6;
	v5 =	vadd.f32 $-2.500000000e-01, v5  }
0x9ef: {  	v8 =	vmul.f32 v6, v7  }
0x9f0: {  	v5 =	vmul.f32 v5, v4  }
0x9f1: {  	v8 =	vmul.f32 v6, v8  }
0x9f2: {  	v5 =	vadd.f32 $3.333333430e-01, v5  }
0x9f3: {  	v8 =	vsub.f32 $1.500000000e+00, v8  }
0x9f4: {  	v5 =	vmul.f32 v5, v4  }
0x9f5: {  	v6 =	vmul.f32 v6, v8  }
0x9f6: {  	v5 =	vadd.f32 $-5.000000000e-01, v5  }
0x9f7: {  	v3 =	vshrl.u32 v3, $0x17;
	v8 =	vsel vm3, $0x1, v0;
	v7 =	vmul.f32 v6, v7  }
0x9f8: {  	v3 =	vadd.s32 v8, v3;
	v5 =	vmul.f32 v5, v4  }
0x9f9: {  	v3 =	vadd.s32 $0xFFFFFF81, v3;
	v7 =	vmul.f32 v7, v6  }
0x9fa: {  	v3 =	vcvt.s32.f32 v3;
	v5 =	vadd.f32 $1.000000000e+00, v5  }
0x9fb: {  	v7 =	vsub.f32 $1.500000000e+00, v7  }
0x9fc: {  	v3 =	vmul.f32 $6.931471820e-01, v3;
	v4 =	vmul.f32 v5, v4  }
0x9fd: {  	v5 =	vmul.f32 v7, v6  }
0x9fe: {  	v3 =	vadd.f32 v4, v3  }
0x9ff: {  	v4 =	vand.u32 $0x80000000, v1;
	v2 =	vmul.f32 v5, v2  }
0xa00: {  	v3 =	vor.u32 v3, v4  }
0xa01: {  	v2 =	vor.u32 v2, v4;
	v3 =	vsel vm1, v3, v1;
	v1 =	vmul.f32 v1, v1  }
0xa02: {  	v2 =	vsel vm0, v2, v3  }
0xa03: {  	v1 =	vsel vm2, v1, v2  }
0xa04: {  	[tilespmem:s14+$0xFFFFFF80] =	vst v1  }
0xa05: {  	v1 =	vld [tilespmem:s16+$0x0];
	_ =	sdelay $0x4  }
0xa06: {  	v2 =	vand.u32 $0x7FFFFFFF, v1  }
0xa07: {  	v3 =	vadd.f32 $1.000000000e+00, v2;
	_ =	sdelay $0x1  }
0xa08: {  	v4 =	vand.u32 $0x7FFFFF, v3  }
0xa09: {  	v4 =	vor.u32 $0x3F800000, v4  }
0xa0a: {  	v5 =	vmul.f32 $5.000000000e-01, v4  }
0xa0b: {  	vm3 =	vgt.f32 v4, $1.414213540e+00  }
0xa0c: {  	v4 =	vsel vm3, v5, v4  }
0xa0d: {  	v4 =	vadd.f32 $-1.000000000e+00, v4;
	_ =	sdelay $0x1  }
0xa0e: {  	v5 =	vmul.f32 $1.250000000e-01, v4;
	_ =	sdelay $0x1  }
0xa0f: {  	v5 =	vsub.f32 $1.428571490e-01, v5;
	_ =	sdelay $0x1  }
0xa10: {  	v5 =	vmul.f32 v5, v4;
	_ =	sdelay $0x1  }
0xa11: {  	v5 =	vadd.f32 $-1.666666720e-01, v5;
	_ =	sdelay $0x1  }
0xa12: {  	v5 =	vmul.f32 v5, v4;
	_ =	sdelay $0x1  }
0xa13: {  	v5 =	vadd.f32 $2.000000030e-01, v5  }
0xa14: {  	v2 =	vadd.f32 $1.000000020e-35, v2  }
0xa15: {  	v5 =	vmul.f32 v5, v4  }
0xa16: {  	v6 =	vshrl.u32 v2, $0x1;
	v7 =	vmul.f32 $5.000000000e-01, v2  }
0xa17: {  	v6 =	vsub.s32 $0x5F3759DF, v6;
	v5 =	vadd.f32 $-2.500000000e-01, v5  }
0xa18: {  	v8 =	vmul.f32 v6, v7  }
0xa19: {  	v5 =	vmul.f32 v5, v4  }
0xa1a: {  	v8 =	vmul.f32 v6, v8  }
0xa1b: {  	v5 =	vadd.f32 $3.333333430e-01, v5  }
0xa1c: {  	v8 =	vsub.f32 $1.500000000e+00, v8  }
0xa1d: {  	v5 =	vmul.f32 v5, v4  }
0xa1e: {  	v6 =	vmul.f32 v6, v8  }
0xa1f: {  	v5 =	vadd.f32 $-5.000000000e-01, v5  }
0xa20: {  	v3 =	vshrl.u32 v3, $0x17;
	v8 =	vsel vm3, $0x1, v0;
	v7 =	vmul.f32 v6, v7  }
0xa21: {  	v3 =	vadd.s32 v8, v3;
	v5 =	vmul.f32 v5, v4  }
0xa22: {  	v3 =	vadd.s32 $0xFFFFFF81, v3;
	v7 =	vmul.f32 v7, v6  }
0xa23: {  	v3 =	vcvt.s32.f32 v3;
	v5 =	vadd.f32 $1.000000000e+00, v5  }
0xa24: {  	v7 =	vsub.f32 $1.500000000e+00, v7  }
0xa25: {  	v3 =	vmul.f32 $6.931471820e-01, v3;
	v4 =	vmul.f32 v5, v4  }
0xa26: {  	v5 =	vmul.f32 v7, v6  }
0xa27: {  	v3 =	vadd.f32 v4, v3  }
0xa28: {  	v4 =	vand.u32 $0x80000000, v1;
	v2 =	vmul.f32 v5, v2  }
0xa29: {  	v3 =	vor.u32 v3, v4  }
0xa2a: {  	v2 =	vor.u32 v2, v4;
	v3 =	vsel vm1, v3, v1;
	v1 =	vmul.f32 v1, v1  }
0xa2b: {  	v2 =	vsel vm0, v2, v3  }
0xa2c: {  	v1 =	vsel vm2, v1, v2  }
0xa2d: {  	[tilespmem:s14+$0x0] =	vst v1  }
0xa2e: {  	v1 =	vld [tilespmem:s16+$0x80];
	_ =	sdelay $0x4  }
0xa2f: {  	v2 =	vand.u32 $0x80000000, v1;
	v3 =	vand.u32 $0x7FFFFFFF, v1;
	v4 =	vmul.f32 v1, v1  }
0xa30: {  	v5 =	vadd.f32 $1.000000000e+00, v3;
	v3 =	vadd.f32 $1.000000020e-35, v3;
	_ =	sdelay $0x1  }
0xa31: {  	v6 =	vshrl.u32 v5, $0x17;
	v5 =	vand.u32 $0x7FFFFF, v5  }
0xa32: {  	v5 =	vor.u32 $0x3F800000, v5  }
0xa33: {  	vm3 =	vgt.f32 v5, $1.414213540e+00;
	v7 =	vmul.f32 $5.000000000e-01, v5;
	_ =	sdelay $0x1  }
0xa34: {  	v5 =	vsel vm3, v7, v5  }
0xa35: {  	v5 =	vadd.f32 $-1.000000000e+00, v5;
	_ =	sdelay $0x1  }
0xa36: {  	v7 =	vmul.f32 $1.250000000e-01, v5;
	_ =	sdelay $0x1  }
0xa37: {  	v7 =	vsub.f32 $1.428571490e-01, v7;
	_ =	sdelay $0x1  }
0xa38: {  	v7 =	vmul.f32 v7, v5;
	_ =	sdelay $0x1  }
0xa39: {  	v7 =	vadd.f32 $-1.666666720e-01, v7;
	_ =	sdelay $0x1  }
0xa3a: {  	v7 =	vmul.f32 v7, v5;
	_ =	sdelay $0x1  }
0xa3b: {  	v7 =	vadd.f32 $2.000000030e-01, v7;
	_ =	sdelay $0x1  }
0xa3c: {  	v7 =	vmul.f32 v7, v5  }
0xa3d: {  	v8 =	vshrl.u32 v3, $0x1;
	v9 =	vmul.f32 $5.000000000e-01, v3  }
0xa3e: {  	v8 =	vsub.s32 $0x5F3759DF, v8;
	v7 =	vadd.f32 $-2.500000000e-01, v7  }
0xa3f: {  	v10 =	vmul.f32 v8, v9  }
0xa40: {  	v7 =	vmul.f32 v7, v5  }
0xa41: {  	v10 =	vmul.f32 v8, v10  }
0xa42: {  	v7 =	vadd.f32 $3.333333430e-01, v7  }
0xa43: {  	v10 =	vsub.f32 $1.500000000e+00, v10  }
0xa44: {  	v7 =	vmul.f32 v7, v5  }
0xa45: {  	v8 =	vmul.f32 v8, v10  }
0xa46: {  	v7 =	vadd.f32 $-5.000000000e-01, v7  }
0xa47: {  	v10 =	vsel vm3, $0x1, v0;
	v9 =	vmul.f32 v8, v9  }
0xa48: {  	v6 =	vadd.s32 v10, v6;
	v7 =	vmul.f32 v7, v5  }
0xa49: {  	v6 =	vadd.s32 $0xFFFFFF81, v6;
	v9 =	vmul.f32 v9, v8  }
0xa4a: {  	v6 =	vcvt.s32.f32 v6;
	v7 =	vadd.f32 $1.000000000e+00, v7  }
0xa4b: {  	v9 =	vsub.f32 $1.500000000e+00, v9  }
0xa4c: {  	v6 =	vmul.f32 $6.931471820e-01, v6;
	v5 =	vmul.f32 v7, v5  }
0xa4d: {  	v7 =	vmul.f32 v9, v8  }
0xa4e: {  	v5 =	vadd.f32 v5, v6  }
0xa4f: {  	v3 =	vmul.f32 v7, v3  }
.Ltmp7:
0xa50: {  	v5 =	vor.u32 v5, v2;
	(pc) =	sbr.rel @p0 .LBB2_17-.Ltmp7, $4  }
0xa51: {  	v2 =	vor.u32 v3, v2;
	v1 =	vsel vm1, v5, v1  }
0xa52: {  	v1 =	vsel vm0, v2, v1  }
0xa53: {  	v1 =	vsel vm2, v4, v1  }
0xa54: {  	s16 =	sadd.s32 $0x200, s16;
	[tilespmem:s14+$0x80] =	vst v1  }
0xa55: {  	s12 =	sadd.s32 $0x1, s12  }
0xa56: {  	p0 =	sne.s32 s12, $0x4  }
.Ltmp8:
0xa57: {  	s13 =	sadd.s32 s2, s13;
	(pc) =	sbr.rel @p0 .LBB2_2-.Ltmp8, $4  }
0xa58: {  	[hbm4b:s13+s3] =	stream.linear.scatter [tilespmem:s10], [sflag:$0x1], $0x4000, $0x38;
	[tilespmem:$0x8400] =	vst v63  }
0xa59: {  	_ =	swait.ge [sflag:s8], $0x4000  }
0xa5a: {  	[sflag:s8] =	ssyncset.done $0x0  }
0xa5b: {  	[sflag:s8] =	ssyncadd.s32 $0xFFFFC000  }
0xa5c: {  	s11 =	sadd.s32 $0x1, s11  }
0xa5d: {  	p0 =	sne.s32 s11, s7  }
.Ltmp9:
0xa5e: {  	_ = 	snop;
	(pc) =	sbr.rel @p0 .LBB2_1-.Ltmp9, $1  }
0xa5f: {  	_ =	sdelay $0x3  }
0xa60: {  	_ =	sfence.sel $0x180000  }
0xa61: {  	[bflag:$0x0] =	sbarrier.arrive $0xFFFF  }
0xa62: {  	p0 =	sne.s32 s4, $0x0;
	_ =	strace $0x90000047  }
0xa63: {  	s0 =	sadd.s32 @!p0 $0x100000, s0;
	[bflag:$0x2] =	sbarrier.arrive $0xFFFF  }
0xa64: {  	[sflag:s0] =	ssyncadd.tile.s32 @!p0 $0x1;
	_ =	shalt  }
.Lfunc_end2:
_tile_overlayer_lowered:
.L_overlay_start_2:
0xa65: {  	(tag) =	ssettag $0x2  }
0xa66: {  	s0 =	rddreg [dreg:$0x0];
	s2 =	stileid.u32  }
0xa67: {  	s1 =	rddreg [dreg:$0x1];
	p0 =	sne.s32 s2, $0x0  }
0xa68: {  	s3 =	rddreg [dreg:$0x2];
	[bflag:$0x3] =	sbarrier.arrive $0xFFFF;
	s2 =	simm.s32 @!p0 $0x1C01  }
0xa69: {  	[timem:s3], [sflag:s2] =	dma.local @!p0 [hbm:s0], s1  }
0xa6a: {  	s0 =	simm.s32 @!p0 $0x1  }
0xa6b: {  	_ =	swait.ge @!p0 [sflag:s0], s1  }
0xa6c: {  	s1 =	ssub.s32 @!p0 $0x0, s1;
	[sflag:s0] =	ssyncset.done @!p0 $0x0  }
0xa6d: {  	[sflag:s0] =	ssyncadd.s32 @!p0 s1  }
0xa6e: {  	[bflag:$0x3] =	sbarrier.arrive $0xFFFF  }
0xa6f: {  	_ =	shalt  }

</sc_bundles>
